<compile_context>
chip_gen: v7x
topology: tpu7x:2x2x1
jax: 0.10.2.dev20260603
libtpu: 0.0.44.dev20260713+nightly
codegen_flags: <defaults>
</compile_context>

<pallas_src>
import dataclasses
import functools

import jax
import jax.numpy as jnp
from jax import lax
from jax.experimental import pallas as pl
from jax.experimental.pallas import tpu as pltpu
from jax.experimental.pallas import tpu_sc as plsc

NC = 2
NS = 16
L = 16
NW = NC * NS


def kernel(head, rel, tail, entity_table, relation_table):
    B = head.shape[0]
    TWO_D = entity_table.shape[1]
    D = TWO_D // 2
    assert B % (8 * NW) == 0 and D % L == 0
    b_per_w = B // NW

    mesh = plsc.VectorSubcoreMesh(core_axis_name="c", subcore_axis_name="s")
    cp = pltpu.CompilerParams()
    if "needs_layout_passes" in pltpu.CompilerParams.__dataclass_fields__:
        cp = dataclasses.replace(cp, needs_layout_passes=False)

    @functools.partial(
        pl.kernel,
        mesh=mesh,
        compiler_params=cp,
        out_type=jax.ShapeDtypeStruct((B,), jnp.float32),
        scratch_types=[
            pltpu.VMEM((b_per_w,), jnp.int32),
            pltpu.VMEM((b_per_w,), jnp.int32),
            pltpu.VMEM((b_per_w,), jnp.int32),
            pltpu.VMEM((b_per_w, TWO_D), jnp.float32),
            pltpu.VMEM((b_per_w, TWO_D), jnp.float32),
            pltpu.VMEM((b_per_w, TWO_D), jnp.float32),
            pltpu.VMEM((b_per_w,), jnp.float32),
            pltpu.SemaphoreType.DMA,
        ],
    )
    def score_kernel(head_hbm, rel_hbm, tail_hbm, etab_hbm, rtab_hbm, out_hbm,
                     hidx_v, ridx_v, tidx_v, h_v, r_v, t_v, s_v, sem):
        wid = lax.axis_index("s") * NC + lax.axis_index("c")
        base = wid * b_per_w
        pltpu.sync_copy(head_hbm.at[pl.ds(base, b_per_w)], hidx_v)
        pltpu.sync_copy(rel_hbm.at[pl.ds(base, b_per_w)], ridx_v)
        pltpu.sync_copy(tail_hbm.at[pl.ds(base, b_per_w)], tidx_v)
        gh = pltpu.async_copy(etab_hbm.at[hidx_v], h_v, sem)
        gr = pltpu.async_copy(rtab_hbm.at[ridx_v], r_v, sem)
        gt = pltpu.async_copy(etab_hbm.at[tidx_v], t_v, sem)
        gh.wait()
        gr.wait()
        gt.wait()

        lane_id = lax.iota(jnp.int32, L)

        @pl.loop(0, b_per_w, step=L)
        def _(g):
            scores = jnp.zeros((L,), jnp.float32)
            for j in range(L):
                row = g + j
                acc = jnp.zeros((L,), jnp.float32)
                for c in range(D // L):
                    dr = pl.ds(c * L, L)
                    di = pl.ds(D + c * L, L)
                    hr = h_v[row, dr]
                    hi = h_v[row, di]
                    rr = r_v[row, dr]
                    ri = r_v[row, di]
                    tr = t_v[row, dr]
                    ti = t_v[row, di]
                    acc = acc + hr * (rr * tr + ri * ti) + hi * (rr * ti - ri * tr)
                s = jnp.sum(acc)
                scores = jnp.where(lane_id == j, s, scores)
            s_v[pl.ds(g, L)] = scores

        pltpu.sync_copy(s_v, out_hbm.at[pl.ds(base, b_per_w)])

    return score_kernel(head, rel, tail, entity_table, relation_table)

# --- scband reference (transcript-rebuilt; emitter-appended) ---
"""Pipeline reference for scband-compl-ex-38895223832656 (READ-ONLY COPY).

The authoritative reference and input builder live on the scoring server;
editing this copy changes nothing except your own understanding.
"""

import jax, jax.numpy as jnp
import numpy as np

NUM_ENTITIES = 100000
NUM_RELATIONS = 1000
D = 128  # embedding_dim; tables store 2*D (real | imag)
BATCH = 4096


def setup_inputs(seed: int = 0) -> dict:
    key = jax.random.key(seed)
    k1, k2, k3, k4, k5 = jax.random.split(key, 5)
    entity_table = jax.random.normal(k1, (NUM_ENTITIES, 2 * D), dtype=jnp.float32) * 0.001
    relation_table = jax.random.normal(k2, (NUM_RELATIONS, 2 * D), dtype=jnp.float32) * 0.001
    head = jax.random.randint(k3, (BATCH,), 0, NUM_ENTITIES, dtype=jnp.int64 if jax.config.jax_enable_x64 else jnp.int32)
    rel = jax.random.randint(k4, (BATCH,), 0, NUM_RELATIONS, dtype=jnp.int64 if jax.config.jax_enable_x64 else jnp.int32)
    tail = jax.random.randint(k5, (BATCH,), 0, NUM_ENTITIES, dtype=jnp.int64 if jax.config.jax_enable_x64 else jnp.int32)
    return {
        "head": head,
        "rel": rel,
        "tail": tail,
        "entity_table": entity_table,
        "relation_table": relation_table,
    }


def reference(head, rel, tail, entity_table, relation_table):
    # Embedding gathers (ComplEx: nn.Embedding lookups)
    head_emb = jnp.take(entity_table, head, axis=0)
    rel_emb = jnp.take(relation_table, rel, axis=0)
    tail_emb = jnp.take(entity_table, tail, axis=0)
    # estimate_tail_emb: complex multiplication of head and relation embeddings
    lhs_r, lhs_i = head_emb[:, :D], head_emb[:, D:]
    rr, ri = rel_emb[:, :D], rel_emb[:, D:]
    est_tail = jnp.concatenate([lhs_r * rr - lhs_i * ri, lhs_r * ri + lhs_i * rr], axis=1)
    # entity_pair_scoring: inner product with tail embedding
    scores = jnp.sum(est_tail * tail_emb, axis=-1)
    return scores

if __name__ == "__main__":
    import jax
    _d = setup_inputs()
    print(jax.jit(kernel)(*tuple(_d.values())))

</pallas_src>

<mosaic_0001>
#map = affine_map<(d0, d1) -> (0)>
#map1 = affine_map<(d0, d1) -> (0, 0)>
module attributes {stable_mosaic.version = 14 : i64} {
  func.func @score_kernel(%arg0: i32, %arg1: i32, %arg2: memref<4096xi32, #tpu.memory_space<hbm>>, %arg3: memref<4096xi32, #tpu.memory_space<hbm>>, %arg4: memref<4096xi32, #tpu.memory_space<hbm>>, %arg5: memref<100000x256xf32, #tpu.memory_space<hbm>>, %arg6: memref<1000x256xf32, #tpu.memory_space<hbm>>, %arg7: memref<4096xf32, #tpu.memory_space<hbm>>, %arg8: memref<128xi32, #tpu.memory_space<vmem>>, %arg9: memref<128xi32, #tpu.memory_space<vmem>>, %arg10: memref<128xi32, #tpu.memory_space<vmem>>, %arg11: memref<128x256xf32, #tpu.memory_space<vmem>>, %arg12: memref<128x256xf32, #tpu.memory_space<vmem>>, %arg13: memref<128x256xf32, #tpu.memory_space<vmem>>, %arg14: memref<128xf32, #tpu.memory_space<vmem>>, %arg15: memref<!tpu.dma_semaphore, #tpu.memory_space<semaphore_mem>>) attributes {dimension_semantics = [#tpu.dimension_semantics<core_parallel>, #tpu.dimension_semantics<subcore_parallel>], iteration_bounds = array<i64: 2, 16>, scalar_prefetch = 0 : i64, scratch_operands = 8 : i64, tpu.core_type = #tpu.core_type<sc_vector_subcore>, window_params = [{transform_indices = #map}, {transform_indices = #map}, {transform_indices = #map}, {transform_indices = #map1}, {transform_indices = #map1}, {transform_indices = #map}]} {
    %mul3A = arith.constant 2 : i32
    %mul3A_0 = arith.muli %arg1, %mul3A : i32
    %add3A = arith.addi %mul3A_0, %arg0 : i32
    %mul3A_1 = arith.constant 128 : i32
    %mul3A_2 = arith.muli %add3A, %mul3A_1 : i32
    "tpu.region"() ({
      %run_scoped3A = tpu.sem_alloc : memref<!tpu.dma_semaphore, #tpu.memory_space<semaphore_mem>>
      %dma_start3A_23 = tpu.memref_slice %arg2[%mul3A_2] : memref<4096xi32, #tpu.memory_space<hbm>> -> memref<128xi32, #tpu.memory_space<hbm>>
      %dma_start3A_24 = tpu.memref_slice %arg2[%mul3A_2] : memref<4096xi32, #tpu.memory_space<hbm>> -> memref<128xi32, #tpu.memory_space<hbm>>
      tpu.enqueue_dma source(%dma_start3A_24 : memref<128xi32, #tpu.memory_space<hbm>>) target(%arg8 : memref<128xi32, #tpu.memory_space<vmem>>) target_semaphore(%run_scoped3A : memref<!tpu.dma_semaphore, #tpu.memory_space<semaphore_mem>>)
      %dma_wait3A_25 = tpu.memref_slice %arg2[%mul3A_2] : memref<4096xi32, #tpu.memory_space<hbm>> -> memref<128xi32, #tpu.memory_space<hbm>>
      %dma_wait3A_26 = tpu.memref_slice %arg2[%mul3A_2] : memref<4096xi32, #tpu.memory_space<hbm>> -> memref<128xi32, #tpu.memory_space<hbm>>
      tpu.wait_dma2 semaphore(%run_scoped3A : memref<!tpu.dma_semaphore, #tpu.memory_space<semaphore_mem>>) src(%dma_wait3A_26 : memref<128xi32, #tpu.memory_space<hbm>>) dst(%arg8 : memref<128xi32, #tpu.memory_space<vmem>>)
      tpu.yield
    }) : () -> ()
    "tpu.region"() ({
      %run_scoped3A = tpu.sem_alloc : memref<!tpu.dma_semaphore, #tpu.memory_space<semaphore_mem>>
      %dma_start3A_23 = tpu.memref_slice %arg3[%mul3A_2] : memref<4096xi32, #tpu.memory_space<hbm>> -> memref<128xi32, #tpu.memory_space<hbm>>
      %dma_start3A_24 = tpu.memref_slice %arg3[%mul3A_2] : memref<4096xi32, #tpu.memory_space<hbm>> -> memref<128xi32, #tpu.memory_space<hbm>>
      tpu.enqueue_dma source(%dma_start3A_24 : memref<128xi32, #tpu.memory_space<hbm>>) target(%arg9 : memref<128xi32, #tpu.memory_space<vmem>>) target_semaphore(%run_scoped3A : memref<!tpu.dma_semaphore, #tpu.memory_space<semaphore_mem>>)
      %dma_wait3A_25 = tpu.memref_slice %arg3[%mul3A_2] : memref<4096xi32, #tpu.memory_space<hbm>> -> memref<128xi32, #tpu.memory_space<hbm>>
      %dma_wait3A_26 = tpu.memref_slice %arg3[%mul3A_2] : memref<4096xi32, #tpu.memory_space<hbm>> -> memref<128xi32, #tpu.memory_space<hbm>>
      tpu.wait_dma2 semaphore(%run_scoped3A : memref<!tpu.dma_semaphore, #tpu.memory_space<semaphore_mem>>) src(%dma_wait3A_26 : memref<128xi32, #tpu.memory_space<hbm>>) dst(%arg9 : memref<128xi32, #tpu.memory_space<vmem>>)
      tpu.yield
    }) : () -> ()
    "tpu.region"() ({
      %run_scoped3A = tpu.sem_alloc : memref<!tpu.dma_semaphore, #tpu.memory_space<semaphore_mem>>
      %dma_start3A_23 = tpu.memref_slice %arg4[%mul3A_2] : memref<4096xi32, #tpu.memory_space<hbm>> -> memref<128xi32, #tpu.memory_space<hbm>>
      %dma_start3A_24 = tpu.memref_slice %arg4[%mul3A_2] : memref<4096xi32, #tpu.memory_space<hbm>> -> memref<128xi32, #tpu.memory_space<hbm>>
      tpu.enqueue_dma source(%dma_start3A_24 : memref<128xi32, #tpu.memory_space<hbm>>) target(%arg10 : memref<128xi32, #tpu.memory_space<vmem>>) target_semaphore(%run_scoped3A : memref<!tpu.dma_semaphore, #tpu.memory_space<semaphore_mem>>)
      %dma_wait3A_25 = tpu.memref_slice %arg4[%mul3A_2] : memref<4096xi32, #tpu.memory_space<hbm>> -> memref<128xi32, #tpu.memory_space<hbm>>
      %dma_wait3A_26 = tpu.memref_slice %arg4[%mul3A_2] : memref<4096xi32, #tpu.memory_space<hbm>> -> memref<128xi32, #tpu.memory_space<hbm>>
      tpu.wait_dma2 semaphore(%run_scoped3A : memref<!tpu.dma_semaphore, #tpu.memory_space<semaphore_mem>>) src(%dma_wait3A_26 : memref<128xi32, #tpu.memory_space<hbm>>) dst(%arg10 : memref<128xi32, #tpu.memory_space<vmem>>)
      tpu.yield
    }) : () -> ()
    %dma_start3A = arith.constant 0 : i32
    %dma_start3A_3 = arith.constant 0 : i32
    %dma_start3A_4 = tpu.memref_slice %arg5[%dma_start3A, %dma_start3A_3] : memref<100000x256xf32, #tpu.memory_space<hbm>> -> memref<100000x256xf32, #tpu.memory_space<hbm>>
    tpu.enqueue_indirect_dma source(%dma_start3A_4 : memref<100000x256xf32, #tpu.memory_space<hbm>>) target(%arg11 : memref<128x256xf32, #tpu.memory_space<vmem>>) offsets(%arg8 : memref<128xi32, #tpu.memory_space<vmem>>) semaphore(%arg15 : memref<!tpu.dma_semaphore, #tpu.memory_space<semaphore_mem>>)
    %dma_start3A_5 = arith.constant 0 : i32
    %dma_start3A_6 = arith.constant 0 : i32
    %dma_start3A_7 = tpu.memref_slice %arg6[%dma_start3A_5, %dma_start3A_6] : memref<1000x256xf32, #tpu.memory_space<hbm>> -> memref<1000x256xf32, #tpu.memory_space<hbm>>
    tpu.enqueue_indirect_dma source(%dma_start3A_7 : memref<1000x256xf32, #tpu.memory_space<hbm>>) target(%arg12 : memref<128x256xf32, #tpu.memory_space<vmem>>) offsets(%arg9 : memref<128xi32, #tpu.memory_space<vmem>>) semaphore(%arg15 : memref<!tpu.dma_semaphore, #tpu.memory_space<semaphore_mem>>)
    %dma_start3A_8 = arith.constant 0 : i32
    %dma_start3A_9 = arith.constant 0 : i32
    %dma_start3A_10 = tpu.memref_slice %arg5[%dma_start3A_8, %dma_start3A_9] : memref<100000x256xf32, #tpu.memory_space<hbm>> -> memref<100000x256xf32, #tpu.memory_space<hbm>>
    tpu.enqueue_indirect_dma source(%dma_start3A_10 : memref<100000x256xf32, #tpu.memory_space<hbm>>) target(%arg13 : memref<128x256xf32, #tpu.memory_space<vmem>>) offsets(%arg10 : memref<128xi32, #tpu.memory_space<vmem>>) semaphore(%arg15 : memref<!tpu.dma_semaphore, #tpu.memory_space<semaphore_mem>>)
    %dma_wait3A = arith.constant 0 : i32
    %dma_wait3A_11 = arith.constant 0 : i32
    %dma_wait3A_12 = tpu.memref_slice %arg5[%dma_wait3A, %dma_wait3A_11] : memref<100000x256xf32, #tpu.memory_space<hbm>> -> memref<100000x256xf32, #tpu.memory_space<hbm>>
    tpu.wait_indirect_dma semaphore(%arg15 : memref<!tpu.dma_semaphore, #tpu.memory_space<semaphore_mem>>) src(%dma_wait3A_12 : memref<100000x256xf32, #tpu.memory_space<hbm>>) dst(%arg11 : memref<128x256xf32, #tpu.memory_space<vmem>>)
    %dma_wait3A_13 = arith.constant 0 : i32
    %dma_wait3A_14 = arith.constant 0 : i32
    %dma_wait3A_15 = tpu.memref_slice %arg6[%dma_wait3A_13, %dma_wait3A_14] : memref<1000x256xf32, #tpu.memory_space<hbm>> -> memref<1000x256xf32, #tpu.memory_space<hbm>>
    tpu.wait_indirect_dma semaphore(%arg15 : memref<!tpu.dma_semaphore, #tpu.memory_space<semaphore_mem>>) src(%dma_wait3A_15 : memref<1000x256xf32, #tpu.memory_space<hbm>>) dst(%arg12 : memref<128x256xf32, #tpu.memory_space<vmem>>)
    %dma_wait3A_16 = arith.constant 0 : i32
    %dma_wait3A_17 = arith.constant 0 : i32
    %dma_wait3A_18 = tpu.memref_slice %arg5[%dma_wait3A_16, %dma_wait3A_17] : memref<100000x256xf32, #tpu.memory_space<hbm>> -> memref<100000x256xf32, #tpu.memory_space<hbm>>
    tpu.wait_indirect_dma semaphore(%arg15 : memref<!tpu.dma_semaphore, #tpu.memory_space<semaphore_mem>>) src(%dma_wait3A_18 : memref<100000x256xf32, #tpu.memory_space<hbm>>) dst(%arg13 : memref<128x256xf32, #tpu.memory_space<vmem>>)
    %iota3A = tpu.iota {dimensions = array<i32: 0>} : vector<16xi32>
    %scan3A = arith.constant 0 : i32
    %scan3A_19 = arith.constant 8 : i32
    %scan3A_20 = arith.addi %scan3A, %scan3A_19 : i32
    %scan3A_21 = arith.constant 1 : i32
    scf.for %scan3A_23 = %scan3A to %scan3A_20 step %scan3A_21  : i32 {
      %mul3A_24 = arith.constant 16 : i32
      %mul3A_25 = arith.muli %scan3A_23, %mul3A_24 : i32
      %add3A_26 = arith.constant 0 : i32
      %add3A_27 = arith.addi %add3A_26, %mul3A_25 : i32
      %broadcast_in_dim3A = arith.constant 0.000000e+00 : f32
      %broadcast_in_dim3A_28 = vector.broadcast %broadcast_in_dim3A : f32 to vector<16xf32>
      %add3A_29 = arith.constant 0 : i32
      %add3A_30 = arith.addi %add3A_27, %add3A_29 : i32
      %broadcast_in_dim3A_31 = arith.constant 0.000000e+00 : f32
      %broadcast_in_dim3A_32 = vector.broadcast %broadcast_in_dim3A_31 : f32 to vector<16xf32>
      %get3A = arith.index_cast %add3A_30 : i32 to index
      %get3A_33 = arith.constant 0 : index
      %get3A_34 = tpu.vector_load %arg11[%get3A, %get3A_33] {strides = array<i32>} : memref<128x256xf32, #tpu.memory_space<vmem>>, vector<16xf32>,
      %get3A_35 = arith.index_cast %add3A_30 : i32 to index
      %get3A_36 = arith.constant 128 : index
      %get3A_37 = tpu.vector_load %arg11[%get3A_35, %get3A_36] {strides = array<i32>} : memref<128x256xf32, #tpu.memory_space<vmem>>, vector<16xf32>,
      %get3A_38 = arith.index_cast %add3A_30 : i32 to index
      %get3A_39 = arith.constant 0 : index
      %get3A_40 = tpu.vector_load %arg12[%get3A_38, %get3A_39] {strides = array<i32>} : memref<128x256xf32, #tpu.memory_space<vmem>>, vector<16xf32>,
      %get3A_41 = arith.index_cast %add3A_30 : i32 to index
      %get3A_42 = arith.constant 128 : index
      %get3A_43 = tpu.vector_load %arg12[%get3A_41, %get3A_42] {strides = array<i32>} : memref<128x256xf32, #tpu.memory_space<vmem>>, vector<16xf32>,
      %get3A_44 = arith.index_cast %add3A_30 : i32 to index
      %get3A_45 = arith.constant 0 : index
      %get3A_46 = tpu.vector_load %arg13[%get3A_44, %get3A_45] {strides = array<i32>} : memref<128x256xf32, #tpu.memory_space<vmem>>, vector<16xf32>,
      %get3A_47 = arith.index_cast %add3A_30 : i32 to index
      %get3A_48 = arith.constant 128 : index
      %get3A_49 = tpu.vector_load %arg13[%get3A_47, %get3A_48] {strides = array<i32>} : memref<128x256xf32, #tpu.memory_space<vmem>>, vector<16xf32>,
      %mul3A_50 = arith.mulf %get3A_40, %get3A_46 : vector<16xf32>
      %mul3A_51 = arith.mulf %get3A_43, %get3A_49 : vector<16xf32>
      %add3A_52 = arith.addf %mul3A_50, %mul3A_51 : vector<16xf32>
      %mul3A_53 = arith.mulf %get3A_34, %add3A_52 : vector<16xf32>
      %add3A_54 = arith.addf %broadcast_in_dim3A_32, %mul3A_53 : vector<16xf32>
      %mul3A_55 = arith.mulf %get3A_40, %get3A_49 : vector<16xf32>
      %mul3A_56 = arith.mulf %get3A_43, %get3A_46 : vector<16xf32>
      %sub3A = arith.subf %mul3A_55, %mul3A_56 : vector<16xf32>
      %mul3A_57 = arith.mulf %get3A_37, %sub3A : vector<16xf32>
      %add3A_58 = arith.addf %add3A_54, %mul3A_57 : vector<16xf32>
      %get3A_59 = arith.index_cast %add3A_30 : i32 to index
      %get3A_60 = arith.constant 16 : index
      %get3A_61 = tpu.vector_load %arg11[%get3A_59, %get3A_60] {strides = array<i32>} : memref<128x256xf32, #tpu.memory_space<vmem>>, vector<16xf32>,
      %get3A_62 = arith.index_cast %add3A_30 : i32 to index
      %get3A_63 = arith.constant 144 : index
      %get3A_64 = tpu.vector_load %arg11[%get3A_62, %get3A_63] {strides = array<i32>} : memref<128x256xf32, #tpu.memory_space<vmem>>, vector<16xf32>,
      %get3A_65 = arith.index_cast %add3A_30 : i32 to index
      %get3A_66 = arith.constant 16 : index
      %get3A_67 = tpu.vector_load %arg12[%get3A_65, %get3A_66] {strides = array<i32>} : memref<128x256xf32, #tpu.memory_space<vmem>>, vector<16xf32>,
      %get3A_68 = arith.index_cast %add3A_30 : i32 to index
      %get3A_69 = arith.constant 144 : index
      %get3A_70 = tpu.vector_load %arg12[%get3A_68, %get3A_69] {strides = array<i32>} : memref<128x256xf32, #tpu.memory_space<vmem>>, vector<16xf32>,
      %get3A_71 = arith.index_cast %add3A_30 : i32 to index
      %get3A_72 = arith.constant 16 : index
      %get3A_73 = tpu.vector_load %arg13[%get3A_71, %get3A_72] {strides = array<i32>} : memref<128x256xf32, #tpu.memory_space<vmem>>, vector<16xf32>,
      %get3A_74 = arith.index_cast %add3A_30 : i32 to index
      %get3A_75 = arith.constant 144 : index
      %get3A_76 = tpu.vector_load %arg13[%get3A_74, %get3A_75] {strides = array<i32>} : memref<128x256xf32, #tpu.memory_space<vmem>>, vector<16xf32>,
      %mul3A_77 = arith.mulf %get3A_67, %get3A_73 : vector<16xf32>
      %mul3A_78 = arith.mulf %get3A_70, %get3A_76 : vector<16xf32>
      %add3A_79 = arith.addf %mul3A_77, %mul3A_78 : vector<16xf32>
      %mul3A_80 = arith.mulf %get3A_61, %add3A_79 : vector<16xf32>
      %add3A_81 = arith.addf %add3A_58, %mul3A_80 : vector<16xf32>
      %mul3A_82 = arith.mulf %get3A_67, %get3A_76 : vector<16xf32>
      %mul3A_83 = arith.mulf %get3A_70, %get3A_73 : vector<16xf32>
      %sub3A_84 = arith.subf %mul3A_82, %mul3A_83 : vector<16xf32>
      %mul3A_85 = arith.mulf %get3A_64, %sub3A_84 : vector<16xf32>
      %add3A_86 = arith.addf %add3A_81, %mul3A_85 : vector<16xf32>
      %get3A_87 = arith.index_cast %add3A_30 : i32 to index
      %get3A_88 = arith.constant 32 : index
      %get3A_89 = tpu.vector_load %arg11[%get3A_87, %get3A_88] {strides = array<i32>} : memref<128x256xf32, #tpu.memory_space<vmem>>, vector<16xf32>,
      %get3A_90 = arith.index_cast %add3A_30 : i32 to index
      %get3A_91 = arith.constant 160 : index
      %get3A_92 = tpu.vector_load %arg11[%get3A_90, %get3A_91] {strides = array<i32>} : memref<128x256xf32, #tpu.memory_space<vmem>>, vector<16xf32>,
      %get3A_93 = arith.index_cast %add3A_30 : i32 to index
      %get3A_94 = arith.constant 32 : index
      %get3A_95 = tpu.vector_load %arg12[%get3A_93, %get3A_94] {strides = array<i32>} : memref<128x256xf32, #tpu.memory_space<vmem>>, vector<16xf32>,
      %get3A_96 = arith.index_cast %add3A_30 : i32 to index
      %get3A_97 = arith.constant 160 : index
      %get3A_98 = tpu.vector_load %arg12[%get3A_96, %get3A_97] {strides = array<i32>} : memref<128x256xf32, #tpu.memory_space<vmem>>, vector<16xf32>,
      %get3A_99 = arith.index_cast %add3A_30 : i32 to index
      %get3A_100 = arith.constant 32 : index
      %get3A_101 = tpu.vector_load %arg13[%get3A_99, %get3A_100] {strides = array<i32>} : memref<128x256xf32, #tpu.memory_space<vmem>>, vector<16xf32>,
      %get3A_102 = arith.index_cast %add3A_30 : i32 to index
      %get3A_103 = arith.constant 160 : index
      %get3A_104 = tpu.vector_load %arg13[%get3A_102, %get3A_103] {strides = array<i32>} : memref<128x256xf32, #tpu.memory_space<vmem>>, vector<16xf32>,
      %mul3A_105 = arith.mulf %get3A_95, %get3A_101 : vector<16xf32>
      %mul3A_106 = arith.mulf %get3A_98, %get3A_104 : vector<16xf32>
      %add3A_107 = arith.addf %mul3A_105, %mul3A_106 : vector<16xf32>
      %mul3A_108 = arith.mulf %get3A_89, %add3A_107 : vector<16xf32>
      %add3A_109 = arith.addf %add3A_86, %mul3A_108 : vector<16xf32>
      %mul3A_110 = arith.mulf %get3A_95, %get3A_104 : vector<16xf32>
      %mul3A_111 = arith.mulf %get3A_98, %get3A_101 : vector<16xf32>
      %sub3A_112 = arith.subf %mul3A_110, %mul3A_111 : vector<16xf32>
      %mul3A_113 = arith.mulf %get3A_92, %sub3A_112 : vector<16xf32>
      %add3A_114 = arith.addf %add3A_109, %mul3A_113 : vector<16xf32>
      %get3A_115 = arith.index_cast %add3A_30 : i32 to index
      %get3A_116 = arith.constant 48 : index
      %get3A_117 = tpu.vector_load %arg11[%get3A_115, %get3A_116] {strides = array<i32>} : memref<128x256xf32, #tpu.memory_space<vmem>>, vector<16xf32>,
      %get3A_118 = arith.index_cast %add3A_30 : i32 to index
      %get3A_119 = arith.constant 176 : index
      %get3A_120 = tpu.vector_load %arg11[%get3A_118, %get3A_119] {strides = array<i32>} : memref<128x256xf32, #tpu.memory_space<vmem>>, vector<16xf32>,
      %get3A_121 = arith.index_cast %add3A_30 : i32 to index
      %get3A_122 = arith.constant 48 : index
      %get3A_123 = tpu.vector_load %arg12[%get3A_121, %get3A_122] {strides = array<i32>} : memref<128x256xf32, #tpu.memory_space<vmem>>, vector<16xf32>,
      %get3A_124 = arith.index_cast %add3A_30 : i32 to index
      %get3A_125 = arith.constant 176 : index
      %get3A_126 = tpu.vector_load %arg12[%get3A_124, %get3A_125] {strides = array<i32>} : memref<128x256xf32, #tpu.memory_space<vmem>>, vector<16xf32>,
      %get3A_127 = arith.index_cast %add3A_30 : i32 to index
      %get3A_128 = arith.constant 48 : index
      %get3A_129 = tpu.vector_load %arg13[%get3A_127, %get3A_128] {strides = array<i32>} : memref<128x256xf32, #tpu.memory_space<vmem>>, vector<16xf32>,
      %get3A_130 = arith.index_cast %add3A_30 : i32 to index
      %get3A_131 = arith.constant 176 : index
      %get3A_132 = tpu.vector_load %arg13[%get3A_130, %get3A_131] {strides = array<i32>} : memref<128x256xf32, #tpu.memory_space<vmem>>, vector<16xf32>,
      %mul3A_133 = arith.mulf %get3A_123, %get3A_129 : vector<16xf32>
      %mul3A_134 = arith.mulf %get3A_126, %get3A_132 : vector<16xf32>
      %add3A_135 = arith.addf %mul3A_133, %mul3A_134 : vector<16xf32>
      %mul3A_136 = arith.mulf %get3A_117, %add3A_135 : vector<16xf32>
      %add3A_137 = arith.addf %add3A_114, %mul3A_136 : vector<16xf32>
      %mul3A_138 = arith.mulf %get3A_123, %get3A_132 : vector<16xf32>
      %mul3A_139 = arith.mulf %get3A_126, %get3A_129 : vector<16xf32>
      %sub3A_140 = arith.subf %mul3A_138, %mul3A_139 : vector<16xf32>
      %mul3A_141 = arith.mulf %get3A_120, %sub3A_140 : vector<16xf32>
      %add3A_142 = arith.addf %add3A_137, %mul3A_141 : vector<16xf32>
      %get3A_143 = arith.index_cast %add3A_30 : i32 to index
      %get3A_144 = arith.constant 64 : index
      %get3A_145 = tpu.vector_load %arg11[%get3A_143, %get3A_144] {strides = array<i32>} : memref<128x256xf32, #tpu.memory_space<vmem>>, vector<16xf32>,
      %get3A_146 = arith.index_cast %add3A_30 : i32 to index
      %get3A_147 = arith.constant 192 : index
      %get3A_148 = tpu.vector_load %arg11[%get3A_146, %get3A_147] {strides = array<i32>} : memref<128x256xf32, #tpu.memory_space<vmem>>, vector<16xf32>,
      %get3A_149 = arith.index_cast %add3A_30 : i32 to index
      %get3A_150 = arith.constant 64 : index
      %get3A_151 = tpu.vector_load %arg12[%get3A_149, %get3A_150] {strides = array<i32>} : memref<128x256xf32, #tpu.memory_space<vmem>>, vector<16xf32>,
      %get3A_152 = arith.index_cast %add3A_30 : i32 to index
      %get3A_153 = arith.constant 192 : index
      %get3A_154 = tpu.vector_load %arg12[%get3A_152, %get3A_153] {strides = array<i32>} : memref<128x256xf32, #tpu.memory_space<vmem>>, vector<16xf32>,
      %get3A_155 = arith.index_cast %add3A_30 : i32 to index
      %get3A_156 = arith.constant 64 : index
      %get3A_157 = tpu.vector_load %arg13[%get3A_155, %get3A_156] {strides = array<i32>} : memref<128x256xf32, #tpu.memory_space<vmem>>, vector<16xf32>,
      %get3A_158 = arith.index_cast %add3A_30 : i32 to index
      %get3A_159 = arith.constant 192 : index
      %get3A_160 = tpu.vector_load %arg13[%get3A_158, %get3A_159] {strides = array<i32>} : memref<128x256xf32, #tpu.memory_space<vmem>>, vector<16xf32>,
      %mul3A_161 = arith.mulf %get3A_151, %get3A_157 : vector<16xf32>
      %mul3A_162 = arith.mulf %get3A_154, %get3A_160 : vector<16xf32>
      %add3A_163 = arith.addf %mul3A_161, %mul3A_162 : vector<16xf32>
      %mul3A_164 = arith.mulf %get3A_145, %add3A_163 : vector<16xf32>
      %add3A_165 = arith.addf %add3A_142, %mul3A_164 : vector<16xf32>
      %mul3A_166 = arith.mulf %get3A_151, %get3A_160 : vector<16xf32>
      %mul3A_167 = arith.mulf %get3A_154, %get3A_157 : vector<16xf32>
      %sub3A_168 = arith.subf %mul3A_166, %mul3A_167 : vector<16xf32>
      %mul3A_169 = arith.mulf %get3A_148, %sub3A_168 : vector<16xf32>
      %add3A_170 = arith.addf %add3A_165, %mul3A_169 : vector<16xf32>
      %get3A_171 = arith.index_cast %add3A_30 : i32 to index
      %get3A_172 = arith.constant 80 : index
      %get3A_173 = tpu.vector_load %arg11[%get3A_171, %get3A_172] {strides = array<i32>} : memref<128x256xf32, #tpu.memory_space<vmem>>, vector<16xf32>,
      %get3A_174 = arith.index_cast %add3A_30 : i32 to index
      %get3A_175 = arith.constant 208 : index
      %get3A_176 = tpu.vector_load %arg11[%get3A_174, %get3A_175] {strides = array<i32>} : memref<128x256xf32, #tpu.memory_space<vmem>>, vector<16xf32>,
      %get3A_177 = arith.index_cast %add3A_30 : i32 to index
      %get3A_178 = arith.constant 80 : index
      %get3A_179 = tpu.vector_load %arg12[%get3A_177, %get3A_178] {strides = array<i32>} : memref<128x256xf32, #tpu.memory_space<vmem>>, vector<16xf32>,
      %get3A_180 = arith.index_cast %add3A_30 : i32 to index
      %get3A_181 = arith.constant 208 : index
      %get3A_182 = tpu.vector_load %arg12[%get3A_180, %get3A_181] {strides = array<i32>} : memref<128x256xf32, #tpu.memory_space<vmem>>, vector<16xf32>,
      %get3A_183 = arith.index_cast %add3A_30 : i32 to index
      %get3A_184 = arith.constant 80 : index
      %get3A_185 = tpu.vector_load %arg13[%get3A_183, %get3A_184] {strides = array<i32>} : memref<128x256xf32, #tpu.memory_space<vmem>>, vector<16xf32>,
      %get3A_186 = arith.index_cast %add3A_30 : i32 to index
      %get3A_187 = arith.constant 208 : index
      %get3A_188 = tpu.vector_load %arg13[%get3A_186, %get3A_187] {strides = array<i32>} : memref<128x256xf32, #tpu.memory_space<vmem>>, vector<16xf32>,
      %mul3A_189 = arith.mulf %get3A_179, %get3A_185 : vector<16xf32>
      %mul3A_190 = arith.mulf %get3A_182, %get3A_188 : vector<16xf32>
      %add3A_191 = arith.addf %mul3A_189, %mul3A_190 : vector<16xf32>
      %mul3A_192 = arith.mulf %get3A_173, %add3A_191 : vector<16xf32>
      %add3A_193 = arith.addf %add3A_170, %mul3A_192 : vector<16xf32>
      %mul3A_194 = arith.mulf %get3A_179, %get3A_188 : vector<16xf32>
      %mul3A_195 = arith.mulf %get3A_182, %get3A_185 : vector<16xf32>
      %sub3A_196 = arith.subf %mul3A_194, %mul3A_195 : vector<16xf32>
      %mul3A_197 = arith.mulf %get3A_176, %sub3A_196 : vector<16xf32>
      %add3A_198 = arith.addf %add3A_193, %mul3A_197 : vector<16xf32>
      %get3A_199 = arith.index_cast %add3A_30 : i32 to index
      %get3A_200 = arith.constant 96 : index
      %get3A_201 = tpu.vector_load %arg11[%get3A_199, %get3A_200] {strides = array<i32>} : memref<128x256xf32, #tpu.memory_space<vmem>>, vector<16xf32>,
      %get3A_202 = arith.index_cast %add3A_30 : i32 to index
      %get3A_203 = arith.constant 224 : index
      %get3A_204 = tpu.vector_load %arg11[%get3A_202, %get3A_203] {strides = array<i32>} : memref<128x256xf32, #tpu.memory_space<vmem>>, vector<16xf32>,
      %get3A_205 = arith.index_cast %add3A_30 : i32 to index
      %get3A_206 = arith.constant 96 : index
      %get3A_207 = tpu.vector_load %arg12[%get3A_205, %get3A_206] {strides = array<i32>} : memref<128x256xf32, #tpu.memory_space<vmem>>, vector<16xf32>,
      %get3A_208 = arith.index_cast %add3A_30 : i32 to index
      %get3A_209 = arith.constant 224 : index
      %get3A_210 = tpu.vector_load %arg12[%get3A_208, %get3A_209] {strides = array<i32>} : memref<128x256xf32, #tpu.memory_space<vmem>>, vector<16xf32>,
      %get3A_211 = arith.index_cast %add3A_30 : i32 to index
      %get3A_212 = arith.constant 96 : index
      %get3A_213 = tpu.vector_load %arg13[%get3A_211, %get3A_212] {strides = array<i32>} : memref<128x256xf32, #tpu.memory_space<vmem>>, vector<16xf32>,
      %get3A_214 = arith.index_cast %add3A_30 : i32 to index
      %get3A_215 = arith.constant 224 : index
      %get3A_216 = tpu.vector_load %arg13[%get3A_214, %get3A_215] {strides = array<i32>} : memref<128x256xf32, #tpu.memory_space<vmem>>, vector<16xf32>,
      %mul3A_217 = arith.mulf %get3A_207, %get3A_213 : vector<16xf32>
      %mul3A_218 = arith.mulf %get3A_210, %get3A_216 : vector<16xf32>
      %add3A_219 = arith.addf %mul3A_217, %mul3A_218 : vector<16xf32>
      %mul3A_220 = arith.mulf %get3A_201, %add3A_219 : vector<16xf32>
      %add3A_221 = arith.addf %add3A_198, %mul3A_220 : vector<16xf32>
      %mul3A_222 = arith.mulf %get3A_207, %get3A_216 : vector<16xf32>
      %mul3A_223 = arith.mulf %get3A_210, %get3A_213 : vector<16xf32>
      %sub3A_224 = arith.subf %mul3A_222, %mul3A_223 : vector<16xf32>
      %mul3A_225 = arith.mulf %get3A_204, %sub3A_224 : vector<16xf32>
      %add3A_226 = arith.addf %add3A_221, %mul3A_225 : vector<16xf32>
      %get3A_227 = arith.index_cast %add3A_30 : i32 to index
      %get3A_228 = arith.constant 112 : index
      %get3A_229 = tpu.vector_load %arg11[%get3A_227, %get3A_228] {strides = array<i32>} : memref<128x256xf32, #tpu.memory_space<vmem>>, vector<16xf32>,
      %get3A_230 = arith.index_cast %add3A_30 : i32 to index
      %get3A_231 = arith.constant 240 : index
      %get3A_232 = tpu.vector_load %arg11[%get3A_230, %get3A_231] {strides = array<i32>} : memref<128x256xf32, #tpu.memory_space<vmem>>, vector<16xf32>,
      %get3A_233 = arith.index_cast %add3A_30 : i32 to index
      %get3A_234 = arith.constant 112 : index
      %get3A_235 = tpu.vector_load %arg12[%get3A_233, %get3A_234] {strides = array<i32>} : memref<128x256xf32, #tpu.memory_space<vmem>>, vector<16xf32>,
      %get3A_236 = arith.index_cast %add3A_30 : i32 to index
      %get3A_237 = arith.constant 240 : index
      %get3A_238 = tpu.vector_load %arg12[%get3A_236, %get3A_237] {strides = array<i32>} : memref<128x256xf32, #tpu.memory_space<vmem>>, vector<16xf32>,
      %get3A_239 = arith.index_cast %add3A_30 : i32 to index
      %get3A_240 = arith.constant 112 : index
      %get3A_241 = tpu.vector_load %arg13[%get3A_239, %get3A_240] {strides = array<i32>} : memref<128x256xf32, #tpu.memory_space<vmem>>, vector<16xf32>,
      %get3A_242 = arith.index_cast %add3A_30 : i32 to index
      %get3A_243 = arith.constant 240 : index
      %get3A_244 = tpu.vector_load %arg13[%get3A_242, %get3A_243] {strides = array<i32>} : memref<128x256xf32, #tpu.memory_space<vmem>>, vector<16xf32>,
      %mul3A_245 = arith.mulf %get3A_235, %get3A_241 : vector<16xf32>
      %mul3A_246 = arith.mulf %get3A_238, %get3A_244 : vector<16xf32>
      %add3A_247 = arith.addf %mul3A_245, %mul3A_246 : vector<16xf32>
      %mul3A_248 = arith.mulf %get3A_229, %add3A_247 : vector<16xf32>
      %add3A_249 = arith.addf %add3A_226, %mul3A_248 : vector<16xf32>
      %mul3A_250 = arith.mulf %get3A_235, %get3A_244 : vector<16xf32>
      %mul3A_251 = arith.mulf %get3A_238, %get3A_241 : vector<16xf32>
      %sub3A_252 = arith.subf %mul3A_250, %mul3A_251 : vector<16xf32>
      %mul3A_253 = arith.mulf %get3A_232, %sub3A_252 : vector<16xf32>
      %add3A_254 = arith.addf %add3A_249, %mul3A_253 : vector<16xf32>
      %reduce_sum3A = arith.constant true
      %reduce_sum3A_255 = vector.broadcast %reduce_sum3A : i1 to vector<16xi1>
      %reduce_sum3A_256 = tpu.scan <sum>, %add3A_254 masked %reduce_sum3A_255 : vector<16xf32>, vector<16xi1> -> vector<16xf32>
      %reduce_sum3A_257 = vector.extract %reduce_sum3A_256[15] : f32 from vector<16xf32>
      %eq3A = arith.constant 0 : i32
      %eq3A_258 = vector.broadcast %eq3A : i32 to vector<16xi32>
      %eq3A_259 = arith.cmpi eq, %iota3A, %eq3A_258 : vector<16xi32>
      %broadcast_in_dim3A_260 = vector.broadcast %reduce_sum3A_257 : f32 to vector<16xf32>
      %select_n3A = arith.select %eq3A_259, %broadcast_in_dim3A_260, %broadcast_in_dim3A_28 : vector<16xi1>, vector<16xf32>
      %add3A_261 = arith.constant 1 : i32
      %add3A_262 = arith.addi %add3A_27, %add3A_261 : i32
      %broadcast_in_dim3A_263 = arith.constant 0.000000e+00 : f32
      %broadcast_in_dim3A_264 = vector.broadcast %broadcast_in_dim3A_263 : f32 to vector<16xf32>
      %get3A_265 = arith.index_cast %add3A_262 : i32 to index
      %get3A_266 = arith.constant 0 : index
      %get3A_267 = tpu.vector_load %arg11[%get3A_265, %get3A_266] {strides = array<i32>} : memref<128x256xf32, #tpu.memory_space<vmem>>, vector<16xf32>,
      %get3A_268 = arith.index_cast %add3A_262 : i32 to index
      %get3A_269 = arith.constant 128 : index
      %get3A_270 = tpu.vector_load %arg11[%get3A_268, %get3A_269] {strides = array<i32>} : memref<128x256xf32, #tpu.memory_space<vmem>>, vector<16xf32>,
      %get3A_271 = arith.index_cast %add3A_262 : i32 to index
      %get3A_272 = arith.constant 0 : index
      %get3A_273 = tpu.vector_load %arg12[%get3A_271, %get3A_272] {strides = array<i32>} : memref<128x256xf32, #tpu.memory_space<vmem>>, vector<16xf32>,
      %get3A_274 = arith.index_cast %add3A_262 : i32 to index
      %get3A_275 = arith.constant 128 : index
      %get3A_276 = tpu.vector_load %arg12[%get3A_274, %get3A_275] {strides = array<i32>} : memref<128x256xf32, #tpu.memory_space<vmem>>, vector<16xf32>,
      %get3A_277 = arith.index_cast %add3A_262 : i32 to index
      %get3A_278 = arith.constant 0 : index
      %get3A_279 = tpu.vector_load %arg13[%get3A_277, %get3A_278] {strides = array<i32>} : memref<128x256xf32, #tpu.memory_space<vmem>>, vector<16xf32>,
      %get3A_280 = arith.index_cast %add3A_262 : i32 to index
      %get3A_281 = arith.constant 128 : index
      %get3A_282 = tpu.vector_load %arg13[%get3A_280, %get3A_281] {strides = array<i32>} : memref<128x256xf32, #tpu.memory_space<vmem>>, vector<16xf32>,
      %mul3A_283 = arith.mulf %get3A_273, %get3A_279 : vector<16xf32>
      %mul3A_284 = arith.mulf %get3A_276, %get3A_282 : vector<16xf32>
      %add3A_285 = arith.addf %mul3A_283, %mul3A_284 : vector<16xf32>
      %mul3A_286 = arith.mulf %get3A_267, %add3A_285 : vector<16xf32>
      %add3A_287 = arith.addf %broadcast_in_dim3A_264, %mul3A_286 : vector<16xf32>
      %mul3A_288 = arith.mulf %get3A_273, %get3A_282 : vector<16xf32>
      %mul3A_289 = arith.mulf %get3A_276, %get3A_279 : vector<16xf32>
      %sub3A_290 = arith.subf %mul3A_288, %mul3A_289 : vector<16xf32>
      %mul3A_291 = arith.mulf %get3A_270, %sub3A_290 : vector<16xf32>
      %add3A_292 = arith.addf %add3A_287, %mul3A_291 : vector<16xf32>
      %get3A_293 = arith.index_cast %add3A_262 : i32 to index
      %get3A_294 = arith.constant 16 : index
      %get3A_295 = tpu.vector_load %arg11[%get3A_293, %get3A_294] {strides = array<i32>} : memref<128x256xf32, #tpu.memory_space<vmem>>, vector<16xf32>,
      %get3A_296 = arith.index_cast %add3A_262 : i32 to index
      %get3A_297 = arith.constant 144 : index
      %get3A_298 = tpu.vector_load %arg11[%get3A_296, %get3A_297] {strides = array<i32>} : memref<128x256xf32, #tpu.memory_space<vmem>>, vector<16xf32>,
      %get3A_299 = arith.index_cast %add3A_262 : i32 to index
      %get3A_300 = arith.constant 16 : index
      %get3A_301 = tpu.vector_load %arg12[%get3A_299, %get3A_300] {strides = array<i32>} : memref<128x256xf32, #tpu.memory_space<vmem>>, vector<16xf32>,
      %get3A_302 = arith.index_cast %add3A_262 : i32 to index
      %get3A_303 = arith.constant 144 : index
      %get3A_304 = tpu.vector_load %arg12[%get3A_302, %get3A_303] {strides = array<i32>} : memref<128x256xf32, #tpu.memory_space<vmem>>, vector<16xf32>,
      %get3A_305 = arith.index_cast %add3A_262 : i32 to index
      %get3A_306 = arith.constant 16 : index
      %get3A_307 = tpu.vector_load %arg13[%get3A_305, %get3A_306] {strides = array<i32>} : memref<128x256xf32, #tpu.memory_space<vmem>>, vector<16xf32>,
      %get3A_308 = arith.index_cast %add3A_262 : i32 to index
      %get3A_309 = arith.constant 144 : index
      %get3A_310 = tpu.vector_load %arg13[%get3A_308, %get3A_309] {strides = array<i32>} : memref<128x256xf32, #tpu.memory_space<vmem>>, vector<16xf32>,
      %mul3A_311 = arith.mulf %get3A_301, %get3A_307 : vector<16xf32>
      %mul3A_312 = arith.mulf %get3A_304, %get3A_310 : vector<16xf32>
      %add3A_313 = arith.addf %mul3A_311, %mul3A_312 : vector<16xf32>
      %mul3A_314 = arith.mulf %get3A_295, %add3A_313 : vector<16xf32>
      %add3A_315 = arith.addf %add3A_292, %mul3A_314 : vector<16xf32>
      %mul3A_316 = arith.mulf %get3A_301, %get3A_310 : vector<16xf32>
      %mul3A_317 = arith.mulf %get3A_304, %get3A_307 : vector<16xf32>
      %sub3A_318 = arith.subf %mul3A_316, %mul3A_317 : vector<16xf32>
      %mul3A_319 = arith.mulf %get3A_298, %sub3A_318 : vector<16xf32>
      %add3A_320 = arith.addf %add3A_315, %mul3A_319 : vector<16xf32>
      %get3A_321 = arith.index_cast %add3A_262 : i32 to index
      %get3A_322 = arith.constant 32 : index
      %get3A_323 = tpu.vector_load %arg11[%get3A_321, %get3A_322] {strides = array<i32>} : memref<128x256xf32, #tpu.memory_space<vmem>>, vector<16xf32>,
      %get3A_324 = arith.index_cast %add3A_262 : i32 to index
      %get3A_325 = arith.constant 160 : index
      %get3A_326 = tpu.vector_load %arg11[%get3A_324, %get3A_325] {strides = array<i32>} : memref<128x256xf32, #tpu.memory_space<vmem>>, vector<16xf32>,
      %get3A_327 = arith.index_cast %add3A_262 : i32 to index
      %get3A_328 = arith.constant 32 : index
      %get3A_329 = tpu.vector_load %arg12[%get3A_327, %get3A_328] {strides = array<i32>} : memref<128x256xf32, #tpu.memory_space<vmem>>, vector<16xf32>,
      %get3A_330 = arith.index_cast %add3A_262 : i32 to index
      %get3A_331 = arith.constant 160 : index
      %get3A_332 = tpu.vector_load %arg12[%get3A_330, %get3A_331] {strides = array<i32>} : memref<128x256xf32, #tpu.memory_space<vmem>>, vector<16xf32>,
      %get3A_333 = arith.index_cast %add3A_262 : i32 to index
      %get3A_334 = arith.constant 32 : index
      %get3A_335 = tpu.vector_load %arg13[%get3A_333, %get3A_334] {strides = array<i32>} : memref<128x256xf32, #tpu.memory_space<vmem>>, vector<16xf32>,
      %get3A_336 = arith.index_cast %add3A_262 : i32 to index
      %get3A_337 = arith.constant 160 : index
      %get3A_338 = tpu.vector_load %arg13[%get3A_336, %get3A_337] {strides = array<i32>} : memref<128x256xf32, #tpu.memory_space<vmem>>, vector<16xf32>,
      %mul3A_339 = arith.mulf %get3A_329, %get3A_335 : vector<16xf32>
      %mul3A_340 = arith.mulf %get3A_332, %get3A_338 : vector<16xf32>
      %add3A_341 = arith.addf %mul3A_339, %mul3A_340 : vector<16xf32>
      %mul3A_342 = arith.mulf %get3A_323, %add3A_341 : vector<16xf32>
      %add3A_343 = arith.addf %add3A_320, %mul3A_342 : vector<16xf32>
      %mul3A_344 = arith.mulf %get3A_329, %get3A_338 : vector<16xf32>
      %mul3A_345 = arith.mulf %get3A_332, %get3A_335 : vector<16xf32>
      %sub3A_346 = arith.subf %mul3A_344, %mul3A_345 : vector<16xf32>
      %mul3A_347 = arith.mulf %get3A_326, %sub3A_346 : vector<16xf32>
      %add3A_348 = arith.addf %add3A_343, %mul3A_347 : vector<16xf32>
      %get3A_349 = arith.index_cast %add3A_262 : i32 to index
      %get3A_350 = arith.constant 48 : index
      %get3A_351 = tpu.vector_load %arg11[%get3A_349, %get3A_350] {strides = array<i32>} : memref<128x256xf32, #tpu.memory_space<vmem>>, vector<16xf32>,
      %get3A_352 = arith.index_cast %add3A_262 : i32 to index
      %get3A_353 = arith.constant 176 : index
      %get3A_354 = tpu.vector_load %arg11[%get3A_352, %get3A_353] {strides = array<i32>} : memref<128x256xf32, #tpu.memory_space<vmem>>, vector<16xf32>,
      %get3A_355 = arith.index_cast %add3A_262 : i32 to index
      %get3A_356 = arith.constant 48 : index
      %get3A_357 = tpu.vector_load %arg12[%get3A_355, %get3A_356] {strides = array<i32>} : memref<128x256xf32, #tpu.memory_space<vmem>>, vector<16xf32>,
      %get3A_358 = arith.index_cast %add3A_262 : i32 to index
      %get3A_359 = arith.constant 176 : index
      %get3A_360 = tpu.vector_load %arg12[%get3A_358, %get3A_359] {strides = array<i32>} : memref<128x256xf32, #tpu.memory_space<vmem>>, vector<16xf32>,
      %get3A_361 = arith.index_cast %add3A_262 : i32 to index
      %get3A_362 = arith.constant 48 : index
      %get3A_363 = tpu.vector_load %arg13[%get3A_361, %get3A_362] {strides = array<i32>} : memref<128x256xf32, #tpu.memory_space<vmem>>, vector<16xf32>,
      %get3A_364 = arith.index_cast %add3A_262 : i32 to index
      %get3A_365 = arith.constant 176 : index
      %get3A_366 = tpu.vector_load %arg13[%get3A_364, %get3A_365] {strides = array<i32>} : memref<128x256xf32, #tpu.memory_space<vmem>>, vector<16xf32>,
      %mul3A_367 = arith.mulf %get3A_357, %get3A_363 : vector<16xf32>
      %mul3A_368 = arith.mulf %get3A_360, %get3A_366 : vector<16xf32>
      %add3A_369 = arith.addf %mul3A_367, %mul3A_368 : vector<16xf32>
      %mul3A_370 = arith.mulf %get3A_351, %add3A_369 : vector<16xf32>
      %add3A_371 = arith.addf %add3A_348, %mul3A_370 : vector<16xf32>
      %mul3A_372 = arith.mulf %get3A_357, %get3A_366 : vector<16xf32>
      %mul3A_373 = arith.mulf %get3A_360, %get3A_363 : vector<16xf32>
      %sub3A_374 = arith.subf %mul3A_372, %mul3A_373 : vector<16xf32>
      %mul3A_375 = arith.mulf %get3A_354, %sub3A_374 : vector<16xf32>
      %add3A_376 = arith.addf %add3A_371, %mul3A_375 : vector<16xf32>
      %get3A_377 = arith.index_cast %add3A_262 : i32 to index
      %get3A_378 = arith.constant 64 : index
      %get3A_379 = tpu.vector_load %arg11[%get3A_377, %get3A_378] {strides = array<i32>} : memref<128x256xf32, #tpu.memory_space<vmem>>, vector<16xf32>,
      %get3A_380 = arith.index_cast %add3A_262 : i32 to index
      %get3A_381 = arith.constant 192 : index
      %get3A_382 = tpu.vector_load %arg11[%get3A_380, %get3A_381] {strides = array<i32>} : memref<128x256xf32, #tpu.memory_space<vmem>>, vector<16xf32>,
      %get3A_383 = arith.index_cast %add3A_262 : i32 to index
      %get3A_384 = arith.constant 64 : index
      %get3A_385 = tpu.vector_load %arg12[%get3A_383, %get3A_384] {strides = array<i32>} : memref<128x256xf32, #tpu.memory_space<vmem>>, vector<16xf32>,
      %get3A_386 = arith.index_cast %add3A_262 : i32 to index
      %get3A_387 = arith.constant 192 : index
      %get3A_388 = tpu.vector_load %arg12[%get3A_386, %get3A_387] {strides = array<i32>} : memref<128x256xf32, #tpu.memory_space<vmem>>, vector<16xf32>,
      %get3A_389 = arith.index_cast %add3A_262 : i32 to index
      %get3A_390 = arith.constant 64 : index
      %get3A_391 = tpu.vector_load %arg13[%get3A_389, %get3A_390] {strides = array<i32>} : memref<128x256xf32, #tpu.memory_space<vmem>>, vector<16xf32>,
      %get3A_392 = arith.index_cast %add3A_262 : i32 to index
      %get3A_393 = arith.constant 192 : index
      %get3A_394 = tpu.vector_load %arg13[%get3A_392, %get3A_393] {strides = array<i32>} : memref<128x256xf32, #tpu.memory_space<vmem>>, vector<16xf32>,
      %mul3A_395 = arith.mulf %get3A_385, %get3A_391 : vector<16xf32>
      %mul3A_396 = arith.mulf %get3A_388, %get3A_394 : vector<16xf32>
      %add3A_397 = arith.addf %mul3A_395, %mul3A_396 : vector<16xf32>
      %mul3A_398 = arith.mulf %get3A_379, %add3A_397 : vector<16xf32>
      %add3A_399 = arith.addf %add3A_376, %mul3A_398 : vector<16xf32>
      %mul3A_400 = arith.mulf %get3A_385, %get3A_394 : vector<16xf32>
      %mul3A_401 = arith.mulf %get3A_388, %get3A_391 : vector<16xf32>
      %sub3A_402 = arith.subf %mul3A_400, %mul3A_401 : vector<16xf32>
      %mul3A_403 = arith.mulf %get3A_382, %sub3A_402 : vector<16xf32>
      %add3A_404 = arith.addf %add3A_399, %mul3A_403 : vector<16xf32>
      %get3A_405 = arith.index_cast %add3A_262 : i32 to index
      %get3A_406 = arith.constant 80 : index
      %get3A_407 = tpu.vector_load %arg11[%get3A_405, %get3A_406] {strides = array<i32>} : memref<128x256xf32, #tpu.memory_space<vmem>>, vector<16xf32>,
      %get3A_408 = arith.index_cast %add3A_262 : i32 to index
      %get3A_409 = arith.constant 208 : index
      %get3A_410 = tpu.vector_load %arg11[%get3A_408, %get3A_409] {strides = array<i32>} : memref<128x256xf32, #tpu.memory_space<vmem>>, vector<16xf32>,
      %get3A_411 = arith.index_cast %add3A_262 : i32 to index
      %get3A_412 = arith.constant 80 : index
      %get3A_413 = tpu.vector_load %arg12[%get3A_411, %get3A_412] {strides = array<i32>} : memref<128x256xf32, #tpu.memory_space<vmem>>, vector<16xf32>,
      %get3A_414 = arith.index_cast %add3A_262 : i32 to index
      %get3A_415 = arith.constant 208 : index
      %get3A_416 = tpu.vector_load %arg12[%get3A_414, %get3A_415] {strides = array<i32>} : memref<128x256xf32, #tpu.memory_space<vmem>>, vector<16xf32>,
      %get3A_417 = arith.index_cast %add3A_262 : i32 to index
      %get3A_418 = arith.constant 80 : index
      %get3A_419 = tpu.vector_load %arg13[%get3A_417, %get3A_418] {strides = array<i32>} : memref<128x256xf32, #tpu.memory_space<vmem>>, vector<16xf32>,
      %get3A_420 = arith.index_cast %add3A_262 : i32 to index
      %get3A_421 = arith.constant 208 : index
      %get3A_422 = tpu.vector_load %arg13[%get3A_420, %get3A_421] {strides = array<i32>} : memref<128x256xf32, #tpu.memory_space<vmem>>, vector<16xf32>,
      %mul3A_423 = arith.mulf %get3A_413, %get3A_419 : vector<16xf32>
      %mul3A_424 = arith.mulf %get3A_416, %get3A_422 : vector<16xf32>
      %add3A_425 = arith.addf %mul3A_423, %mul3A_424 : vector<16xf32>
      %mul3A_426 = arith.mulf %get3A_407, %add3A_425 : vector<16xf32>
      %add3A_427 = arith.addf %add3A_404, %mul3A_426 : vector<16xf32>
      %mul3A_428 = arith.mulf %get3A_413, %get3A_422 : vector<16xf32>
      %mul3A_429 = arith.mulf %get3A_416, %get3A_419 : vector<16xf32>
      %sub3A_430 = arith.subf %mul3A_428, %mul3A_429 : vector<16xf32>
      %mul3A_431 = arith.mulf %get3A_410, %sub3A_430 : vector<16xf32>
      %add3A_432 = arith.addf %add3A_427, %mul3A_431 : vector<16xf32>
      %get3A_433 = arith.index_cast %add3A_262 : i32 to index
      %get3A_434 = arith.constant 96 : index
      %get3A_435 = tpu.vector_load %arg11[%get3A_433, %get3A_434] {strides = array<i32>} : memref<128x256xf32, #tpu.memory_space<vmem>>, vector<16xf32>,
      %get3A_436 = arith.index_cast %add3A_262 : i32 to index
      %get3A_437 = arith.constant 224 : index
      %get3A_438 = tpu.vector_load %arg11[%get3A_436, %get3A_437] {strides = array<i32>} : memref<128x256xf32, #tpu.memory_space<vmem>>, vector<16xf32>,
      %get3A_439 = arith.index_cast %add3A_262 : i32 to index
      %get3A_440 = arith.constant 96 : index
      %get3A_441 = tpu.vector_load %arg12[%get3A_439, %get3A_440] {strides = array<i32>} : memref<128x256xf32, #tpu.memory_space<vmem>>, vector<16xf32>,
      %get3A_442 = arith.index_cast %add3A_262 : i32 to index
      %get3A_443 = arith.constant 224 : index
      %get3A_444 = tpu.vector_load %arg12[%get3A_442, %get3A_443] {strides = array<i32>} : memref<128x256xf32, #tpu.memory_space<vmem>>, vector<16xf32>,
      %get3A_445 = arith.index_cast %add3A_262 : i32 to index
      %get3A_446 = arith.constant 96 : index
      %get3A_447 = tpu.vector_load %arg13[%get3A_445, %get3A_446] {strides = array<i32>} : memref<128x256xf32, #tpu.memory_space<vmem>>, vector<16xf32>,
      %get3A_448 = arith.index_cast %add3A_262 : i32 to index
      %get3A_449 = arith.constant 224 : index
      %get3A_450 = tpu.vector_load %arg13[%get3A_448, %get3A_449] {strides = array<i32>} : memref<128x256xf32, #tpu.memory_space<vmem>>, vector<16xf32>,
      %mul3A_451 = arith.mulf %get3A_441, %get3A_447 : vector<16xf32>
      %mul3A_452 = arith.mulf %get3A_444, %get3A_450 : vector<16xf32>
      %add3A_453 = arith.addf %mul3A_451, %mul3A_452 : vector<16xf32>
      %mul3A_454 = arith.mulf %get3A_435, %add3A_453 : vector<16xf32>
      %add3A_455 = arith.addf %add3A_432, %mul3A_454 : vector<16xf32>
      %mul3A_456 = arith.mulf %get3A_441, %get3A_450 : vector<16xf32>
      %mul3A_457 = arith.mulf %get3A_444, %get3A_447 : vector<16xf32>
      %sub3A_458 = arith.subf %mul3A_456, %mul3A_457 : vector<16xf32>
      %mul3A_459 = arith.mulf %get3A_438, %sub3A_458 : vector<16xf32>
      %add3A_460 = arith.addf %add3A_455, %mul3A_459 : vector<16xf32>
      %get3A_461 = arith.index_cast %add3A_262 : i32 to index
      %get3A_462 = arith.constant 112 : index
      %get3A_463 = tpu.vector_load %arg11[%get3A_461, %get3A_462] {strides = array<i32>} : memref<128x256xf32, #tpu.memory_space<vmem>>, vector<16xf32>,
      %get3A_464 = arith.index_cast %add3A_262 : i32 to index
      %get3A_465 = arith.constant 240 : index
      %get3A_466 = tpu.vector_load %arg11[%get3A_464, %get3A_465] {strides = array<i32>} : memref<128x256xf32, #tpu.memory_space<vmem>>, vector<16xf32>,
      %get3A_467 = arith.index_cast %add3A_262 : i32 to index
      %get3A_468 = arith.constant 112 : index
      %get3A_469 = tpu.vector_load %arg12[%get3A_467, %get3A_468] {strides = array<i32>} : memref<128x256xf32, #tpu.memory_space<vmem>>, vector<16xf32>,
      %get3A_470 = arith.index_cast %add3A_262 : i32 to index
      %get3A_471 = arith.constant 240 : index
      %get3A_472 = tpu.vector_load %arg12[%get3A_470, %get3A_471] {strides = array<i32>} : memref<128x256xf32, #tpu.memory_space<vmem>>, vector<16xf32>,
      %get3A_473 = arith.index_cast %add3A_262 : i32 to index
      %get3A_474 = arith.constant 112 : index
      %get3A_475 = tpu.vector_load %arg13[%get3A_473, %get3A_474] {strides = array<i32>} : memref<128x256xf32, #tpu.memory_space<vmem>>, vector<16xf32>,
      %get3A_476 = arith.index_cast %add3A_262 : i32 to index
      %get3A_477 = arith.constant 240 : index
      %get3A_478 = tpu.vector_load %arg13[%get3A_476, %get3A_477] {strides = array<i32>} : memref<128x256xf32, #tpu.memory_space<vmem>>, vector<16xf32>,
      %mul3A_479 = arith.mulf %get3A_469, %get3A_475 : vector<16xf32>
      %mul3A_480 = arith.mulf %get3A_472, %get3A_478 : vector<16xf32>
      %add3A_481 = arith.addf %mul3A_479, %mul3A_480 : vector<16xf32>
      %mul3A_482 = arith.mulf %get3A_463, %add3A_481 : vector<16xf32>
      %add3A_483 = arith.addf %add3A_460, %mul3A_482 : vector<16xf32>
      %mul3A_484 = arith.mulf %get3A_469, %get3A_478 : vector<16xf32>
      %mul3A_485 = arith.mulf %get3A_472, %get3A_475 : vector<16xf32>
      %sub3A_486 = arith.subf %mul3A_484, %mul3A_485 : vector<16xf32>
      %mul3A_487 = arith.mulf %get3A_466, %sub3A_486 : vector<16xf32>
      %add3A_488 = arith.addf %add3A_483, %mul3A_487 : vector<16xf32>
      %reduce_sum3A_489 = arith.constant true
      %reduce_sum3A_490 = vector.broadcast %reduce_sum3A_489 : i1 to vector<16xi1>
      %reduce_sum3A_491 = tpu.scan <sum>, %add3A_488 masked %reduce_sum3A_490 : vector<16xf32>, vector<16xi1> -> vector<16xf32>
      %reduce_sum3A_492 = vector.extract %reduce_sum3A_491[15] : f32 from vector<16xf32>
      %eq3A_493 = arith.constant 1 : i32
      %eq3A_494 = vector.broadcast %eq3A_493 : i32 to vector<16xi32>
      %eq3A_495 = arith.cmpi eq, %iota3A, %eq3A_494 : vector<16xi32>
      %broadcast_in_dim3A_496 = vector.broadcast %reduce_sum3A_492 : f32 to vector<16xf32>
      %select_n3A_497 = arith.select %eq3A_495, %broadcast_in_dim3A_496, %select_n3A : vector<16xi1>, vector<16xf32>
      %add3A_498 = arith.constant 2 : i32
      %add3A_499 = arith.addi %add3A_27, %add3A_498 : i32
      %broadcast_in_dim3A_500 = arith.constant 0.000000e+00 : f32
      %broadcast_in_dim3A_501 = vector.broadcast %broadcast_in_dim3A_500 : f32 to vector<16xf32>
      %get3A_502 = arith.index_cast %add3A_499 : i32 to index
      %get3A_503 = arith.constant 0 : index
      %get3A_504 = tpu.vector_load %arg11[%get3A_502, %get3A_503] {strides = array<i32>} : memref<128x256xf32, #tpu.memory_space<vmem>>, vector<16xf32>,
      %get3A_505 = arith.index_cast %add3A_499 : i32 to index
      %get3A_506 = arith.constant 128 : index
      %get3A_507 = tpu.vector_load %arg11[%get3A_505, %get3A_506] {strides = array<i32>} : memref<128x256xf32, #tpu.memory_space<vmem>>, vector<16xf32>,
      %get3A_508 = arith.index_cast %add3A_499 : i32 to index
      %get3A_509 = arith.constant 0 : index
      %get3A_510 = tpu.vector_load %arg12[%get3A_508, %get3A_509] {strides = array<i32>} : memref<128x256xf32, #tpu.memory_space<vmem>>, vector<16xf32>,
      %get3A_511 = arith.index_cast %add3A_499 : i32 to index
      %get3A_512 = arith.constant 128 : index
      %get3A_513 = tpu.vector_load %arg12[%get3A_511, %get3A_512] {strides = array<i32>} : memref<128x256xf32, #tpu.memory_space<vmem>>, vector<16xf32>,
      %get3A_514 = arith.index_cast %add3A_499 : i32 to index
      %get3A_515 = arith.constant 0 : index
      %get3A_516 = tpu.vector_load %arg13[%get3A_514, %get3A_515] {strides = array<i32>} : memref<128x256xf32, #tpu.memory_space<vmem>>, vector<16xf32>,
      %get3A_517 = arith.index_cast %add3A_499 : i32 to index
      %get3A_518 = arith.constant 128 : index
      %get3A_519 = tpu.vector_load %arg13[%get3A_517, %get3A_518] {strides = array<i32>} : memref<128x256xf32, #tpu.memory_space<vmem>>, vector<16xf32>,
      %mul3A_520 = arith.mulf %get3A_510, %get3A_516 : vector<16xf32>
      %mul3A_521 = arith.mulf %get3A_513, %get3A_519 : vector<16xf32>
      %add3A_522 = arith.addf %mul3A_520, %mul3A_521 : vector<16xf32>
      %mul3A_523 = arith.mulf %get3A_504, %add3A_522 : vector<16xf32>
      %add3A_524 = arith.addf %broadcast_in_dim3A_501, %mul3A_523 : vector<16xf32>
      %mul3A_525 = arith.mulf %get3A_510, %get3A_519 : vector<16xf32>
      %mul3A_526 = arith.mulf %get3A_513, %get3A_516 : vector<16xf32>
      %sub3A_527 = arith.subf %mul3A_525, %mul3A_526 : vector<16xf32>
      %mul3A_528 = arith.mulf %get3A_507, %sub3A_527 : vector<16xf32>
      %add3A_529 = arith.addf %add3A_524, %mul3A_528 : vector<16xf32>
      %get3A_530 = arith.index_cast %add3A_499 : i32 to index
      %get3A_531 = arith.constant 16 : index
      %get3A_532 = tpu.vector_load %arg11[%get3A_530, %get3A_531] {strides = array<i32>} : memref<128x256xf32, #tpu.memory_space<vmem>>, vector<16xf32>,
      %get3A_533 = arith.index_cast %add3A_499 : i32 to index
      %get3A_534 = arith.constant 144 : index
      %get3A_535 = tpu.vector_load %arg11[%get3A_533, %get3A_534] {strides = array<i32>} : memref<128x256xf32, #tpu.memory_space<vmem>>, vector<16xf32>,
      %get3A_536 = arith.index_cast %add3A_499 : i32 to index
      %get3A_537 = arith.constant 16 : index
      %get3A_538 = tpu.vector_load %arg12[%get3A_536, %get3A_537] {strides = array<i32>} : memref<128x256xf32, #tpu.memory_space<vmem>>, vector<16xf32>,
      %get3A_539 = arith.index_cast %add3A_499 : i32 to index
      %get3A_540 = arith.constant 144 : index
      %get3A_541 = tpu.vector_load %arg12[%get3A_539, %get3A_540] {strides = array<i32>} : memref<128x256xf32, #tpu.memory_space<vmem>>, vector<16xf32>,
      %get3A_542 = arith.index_cast %add3A_499 : i32 to index
      %get3A_543 = arith.constant 16 : index
      %get3A_544 = tpu.vector_load %arg13[%get3A_542, %get3A_543] {strides = array<i32>} : memref<128x256xf32, #tpu.memory_space<vmem>>, vector<16xf32>,
      %get3A_545 = arith.index_cast %add3A_499 : i32 to index
      %get3A_546 = arith.constant 144 : index
      %get3A_547 = tpu.vector_load %arg13[%get3A_545, %get3A_546] {strides = array<i32>} : memref<128x256xf32, #tpu.memory_space<vmem>>, vector<16xf32>,
      %mul3A_548 = arith.mulf %get3A_538, %get3A_544 : vector<16xf32>
      %mul3A_549 = arith.mulf %get3A_541, %get3A_547 : vector<16xf32>
      %add3A_550 = arith.addf %mul3A_548, %mul3A_549 : vector<16xf32>
      %mul3A_551 = arith.mulf %get3A_532, %add3A_550 : vector<16xf32>
      %add3A_552 = arith.addf %add3A_529, %mul3A_551 : vector<16xf32>
      %mul3A_553 = arith.mulf %get3A_538, %get3A_547 : vector<16xf32>
      %mul3A_554 = arith.mulf %get3A_541, %get3A_544 : vector<16xf32>
      %sub3A_555 = arith.subf %mul3A_553, %mul3A_554 : vector<16xf32>
      %mul3A_556 = arith.mulf %get3A_535, %sub3A_555 : vector<16xf32>
      %add3A_557 = arith.addf %add3A_552, %mul3A_556 : vector<16xf32>
      %get3A_558 = arith.index_cast %add3A_499 : i32 to index
      %get3A_559 = arith.constant 32 : index
      %get3A_560 = tpu.vector_load %arg11[%get3A_558, %get3A_559] {strides = array<i32>} : memref<128x256xf32, #tpu.memory_space<vmem>>, vector<16xf32>,
      %get3A_561 = arith.index_cast %add3A_499 : i32 to index
      %get3A_562 = arith.constant 160 : index
      %get3A_563 = tpu.vector_load %arg11[%get3A_561, %get3A_562] {strides = array<i32>} : memref<128x256xf32, #tpu.memory_space<vmem>>, vector<16xf32>,
      %get3A_564 = arith.index_cast %add3A_499 : i32 to index
      %get3A_565 = arith.constant 32 : index
      %get3A_566 = tpu.vector_load %arg12[%get3A_564, %get3A_565] {strides = array<i32>} : memref<128x256xf32, #tpu.memory_space<vmem>>, vector<16xf32>,
      %get3A_567 = arith.index_cast %add3A_499 : i32 to index
      %get3A_568 = arith.constant 160 : index
      %get3A_569 = tpu.vector_load %arg12[%get3A_567, %get3A_568] {strides = array<i32>} : memref<128x256xf32, #tpu.memory_space<vmem>>, vector<16xf32>,
      %get3A_570 = arith.index_cast %add3A_499 : i32 to index
      %get3A_571 = arith.constant 32 : index
      %get3A_572 = tpu.vector_load %arg13[%get3A_570, %get3A_571] {strides = array<i32>} : memref<128x256xf32, #tpu.memory_space<vmem>>, vector<16xf32>,
      %get3A_573 = arith.index_cast %add3A_499 : i32 to index
      %get3A_574 = arith.constant 160 : index
      %get3A_575 = tpu.vector_load %arg13[%get3A_573, %get3A_574] {strides = array<i32>} : memref<128x256xf32, #tpu.memory_space<vmem>>, vector<16xf32>,
      %mul3A_576 = arith.mulf %get3A_566, %get3A_572 : vector<16xf32>
      %mul3A_577 = arith.mulf %get3A_569, %get3A_575 : vector<16xf32>
      %add3A_578 = arith.addf %mul3A_576, %mul3A_577 : vector<16xf32>
      %mul3A_579 = arith.mulf %get3A_560, %add3A_578 : vector<16xf32>
      %add3A_580 = arith.addf %add3A_557, %mul3A_579 : vector<16xf32>
      %mul3A_581 = arith.mulf %get3A_566, %get3A_575 : vector<16xf32>
      %mul3A_582 = arith.mulf %get3A_569, %get3A_572 : vector<16xf32>
      %sub3A_583 = arith.subf %mul3A_581, %mul3A_582 : vector<16xf32>
      %mul3A_584 = arith.mulf %get3A_563, %sub3A_583 : vector<16xf32>
      %add3A_585 = arith.addf %add3A_580, %mul3A_584 : vector<16xf32>
      %get3A_586 = arith.index_cast %add3A_499 : i32 to index
      %get3A_587 = arith.constant 48 : index
      %get3A_588 = tpu.vector_load %arg11[%get3A_586, %get3A_587] {strides = array<i32>} : memref<128x256xf32, #tpu.memory_space<vmem>>, vector<16xf32>,
      %get3A_589 = arith.index_cast %add3A_499 : i32 to index
      %get3A_590 = arith.constant 176 : index
      %get3A_591 = tpu.vector_load %arg11[%get3A_589, %get3A_590] {strides = array<i32>} : memref<128x256xf32, #tpu.memory_space<vmem>>, vector<16xf32>,
      %get3A_592 = arith.index_cast %add3A_499 : i32 to index
      %get3A_593 = arith.constant 48 : index
      %get3A_594 = tpu.vector_load %arg12[%get3A_592, %get3A_593] {strides = array<i32>} : memref<128x256xf32, #tpu.memory_space<vmem>>, vector<16xf32>,
      %get3A_595 = arith.index_cast %add3A_499 : i32 to index
      %get3A_596 = arith.constant 176 : index
      %get3A_597 = tpu.vector_load %arg12[%get3A_595, %get3A_596] {strides = array<i32>} : memref<128x256xf32, #tpu.memory_space<vmem>>, vector<16xf32>,
      %get3A_598 = arith.index_cast %add3A_499 : i32 to index
      %get3A_599 = arith.constant 48 : index
      %get3A_600 = tpu.vector_load %arg13[%get3A_598, %get3A_599] {strides = array<i32>} : memref<128x256xf32, #tpu.memory_space<vmem>>, vector<16xf32>,
      %get3A_601 = arith.index_cast %add3A_499 : i32 to index
      %get3A_602 = arith.constant 176 : index
      %get3A_603 = tpu.vector_load %arg13[%get3A_601, %get3A_602] {strides = array<i32>} : memref<128x256xf32, #tpu.memory_space<vmem>>, vector<16xf32>,
      %mul3A_604 = arith.mulf %get3A_594, %get3A_600 : vector<16xf32>
      %mul3A_605 = arith.mulf %get3A_597, %get3A_603 : vector<16xf32>
      %add3A_606 = arith.addf %mul3A_604, %mul3A_605 : vector<16xf32>
      %mul3A_607 = arith.mulf %get3A_588, %add3A_606 : vector<16xf32>
      %add3A_608 = arith.addf %add3A_585, %mul3A_607 : vector<16xf32>
      %mul3A_609 = arith.mulf %get3A_594, %get3A_603 : vector<16xf32>
      %mul3A_610 = arith.mulf %get3A_597, %get3A_600 : vector<16xf32>
      %sub3A_611 = arith.subf %mul3A_609, %mul3A_610 : vector<16xf32>
      %mul3A_612 = arith.mulf %get3A_591, %sub3A_611 : vector<16xf32>
      %add3A_613 = arith.addf %add3A_608, %mul3A_612 : vector<16xf32>
      %get3A_614 = arith.index_cast %add3A_499 : i32 to index
      %get3A_615 = arith.constant 64 : index
      %get3A_616 = tpu.vector_load %arg11[%get3A_614, %get3A_615] {strides = array<i32>} : memref<128x256xf32, #tpu.memory_space<vmem>>, vector<16xf32>,
      %get3A_617 = arith.index_cast %add3A_499 : i32 to index
      %get3A_618 = arith.constant 192 : index
      %get3A_619 = tpu.vector_load %arg11[%get3A_617, %get3A_618] {strides = array<i32>} : memref<128x256xf32, #tpu.memory_space<vmem>>, vector<16xf32>,
      %get3A_620 = arith.index_cast %add3A_499 : i32 to index
      %get3A_621 = arith.constant 64 : index
      %get3A_622 = tpu.vector_load %arg12[%get3A_620, %get3A_621] {strides = array<i32>} : memref<128x256xf32, #tpu.memory_space<vmem>>, vector<16xf32>,
      %get3A_623 = arith.index_cast %add3A_499 : i32 to index
      %get3A_624 = arith.constant 192 : index
      %get3A_625 = tpu.vector_load %arg12[%get3A_623, %get3A_624] {strides = array<i32>} : memref<128x256xf32, #tpu.memory_space<vmem>>, vector<16xf32>,
      %get3A_626 = arith.index_cast %add3A_499 : i32 to index
      %get3A_627 = arith.constant 64 : index
      %get3A_628 = tpu.vector_load %arg13[%get3A_626, %get3A_627] {strides = array<i32>} : memref<128x256xf32, #tpu.memory_space<vmem>>, vector<16xf32>,
      %get3A_629 = arith.index_cast %add3A_499 : i32 to index
      %get3A_630 = arith.constant 192 : index
      %get3A_631 = tpu.vector_load %arg13[%get3A_629, %get3A_630] {strides = array<i32>} : memref<128x256xf32, #tpu.memory_space<vmem>>, vector<16xf32>,
      %mul3A_632 = arith.mulf %get3A_622, %get3A_628 : vector<16xf32>
      %mul3A_633 = arith.mulf %get3A_625, %get3A_631 : vector<16xf32>
      %add3A_634 = arith.addf %mul3A_632, %mul3A_633 : vector<16xf32>
      %mul3A_635 = arith.mulf %get3A_616, %add3A_634 : vector<16xf32>
      %add3A_636 = arith.addf %add3A_613, %mul3A_635 : vector<16xf32>
      %mul3A_637 = arith.mulf %get3A_622, %get3A_631 : vector<16xf32>
      %mul3A_638 = arith.mulf %get3A_625, %get3A_628 : vector<16xf32>
      %sub3A_639 = arith.subf %mul3A_637, %mul3A_638 : vector<16xf32>
      %mul3A_640 = arith.mulf %get3A_619, %sub3A_639 : vector<16xf32>
      %add3A_641 = arith.addf %add3A_636, %mul3A_640 : vector<16xf32>
      %get3A_642 = arith.index_cast %add3A_499 : i32 to index
      %get3A_643 = arith.constant 80 : index
      %get3A_644 = tpu.vector_load %arg11[%get3A_642, %get3A_643] {strides = array<i32>} : memref<128x256xf32, #tpu.memory_space<vmem>>, vector<16xf32>,
      %get3A_645 = arith.index_cast %add3A_499 : i32 to index
      %get3A_646 = arith.constant 208 : index
      %get3A_647 = tpu.vector_load %arg11[%get3A_645, %get3A_646] {strides = array<i32>} : memref<128x256xf32, #tpu.memory_space<vmem>>, vector<16xf32>,
      %get3A_648 = arith.index_cast %add3A_499 : i32 to index
      %get3A_649 = arith.constant 80 : index
      %get3A_650 = tpu.vector_load %arg12[%get3A_648, %get3A_649] {strides = array<i32>} : memref<128x256xf32, #tpu.memory_space<vmem>>, vector<16xf32>,
      %get3A_651 = arith.index_cast %add3A_499 : i32 to index
      %get3A_652 = arith.constant 208 : index
      %get3A_653 = tpu.vector_load %arg12[%get3A_651, %get3A_652] {strides = array<i32>} : memref<128x256xf32, #tpu.memory_space<vmem>>, vector<16xf32>,
      %get3A_654 = arith.index_cast %add3A_499 : i32 to index
      %get3A_655 = arith.constant 80 : index
      %get3A_656 = tpu.vector_load %arg13[%get3A_654, %get3A_655] {strides = array<i32>} : memref<128x256xf32, #tpu.memory_space<vmem>>, vector<16xf32>,
      %get3A_657 = arith.index_cast %add3A_499 : i32 to index
      %get3A_658 = arith.constant 208 : index
      %get3A_659 = tpu.vector_load %arg13[%get3A_657, %get3A_658] {strides = array<i32>} : memref<128x256xf32, #tpu.memory_space<vmem>>, vector<16xf32>,
      %mul3A_660 = arith.mulf %get3A_650, %get3A_656 : vector<16xf32>
      %mul3A_661 = arith.mulf %get3A_653, %get3A_659 : vector<16xf32>
      %add3A_662 = arith.addf %mul3A_660, %mul3A_661 : vector<16xf32>
      %mul3A_663 = arith.mulf %get3A_644, %add3A_662 : vector<16xf32>
      %add3A_664 = arith.addf %add3A_641, %mul3A_663 : vector<16xf32>
      %mul3A_665 = arith.mulf %get3A_650, %get3A_659 : vector<16xf32>
      %mul3A_666 = arith.mulf %get3A_653, %get3A_656 : vector<16xf32>
      %sub3A_667 = arith.subf %mul3A_665, %mul3A_666 : vector<16xf32>
      %mul3A_668 = arith.mulf %get3A_647, %sub3A_667 : vector<16xf32>
      %add3A_669 = arith.addf %add3A_664, %mul3A_668 : vector<16xf32>
      %get3A_670 = arith.index_cast %add3A_499 : i32 to index
      %get3A_671 = arith.constant 96 : index
      %get3A_672 = tpu.vector_load %arg11[%get3A_670, %get3A_671] {strides = array<i32>} : memref<128x256xf32, #tpu.memory_space<vmem>>, vector<16xf32>,
      %get3A_673 = arith.index_cast %add3A_499 : i32 to index
      %get3A_674 = arith.constant 224 : index
      %get3A_675 = tpu.vector_load %arg11[%get3A_673, %get3A_674] {strides = array<i32>} : memref<128x256xf32, #tpu.memory_space<vmem>>, vector<16xf32>,
      %get3A_676 = arith.index_cast %add3A_499 : i32 to index
      %get3A_677 = arith.constant 96 : index
      %get3A_678 = tpu.vector_load %arg12[%get3A_676, %get3A_677] {strides = array<i32>} : memref<128x256xf32, #tpu.memory_space<vmem>>, vector<16xf32>,
      %get3A_679 = arith.index_cast %add3A_499 : i32 to index
      %get3A_680 = arith.constant 224 : index
      %get3A_681 = tpu.vector_load %arg12[%get3A_679, %get3A_680] {strides = array<i32>} : memref<128x256xf32, #tpu.memory_space<vmem>>, vector<16xf32>,
      %get3A_682 = arith.index_cast %add3A_499 : i32 to index
      %get3A_683 = arith.constant 96 : index
      %get3A_684 = tpu.vector_load %arg13[%get3A_682, %get3A_683] {strides = array<i32>} : memref<128x256xf32, #tpu.memory_space<vmem>>, vector<16xf32>,
      %get3A_685 = arith.index_cast %add3A_499 : i32 to index
      %get3A_686 = arith.constant 224 : index
      %get3A_687 = tpu.vector_load %arg13[%get3A_685, %get3A_686] {strides = array<i32>} : memref<128x256xf32, #tpu.memory_space<vmem>>, vector<16xf32>,
      %mul3A_688 = arith.mulf %get3A_678, %get3A_684 : vector<16xf32>
      %mul3A_689 = arith.mulf %get3A_681, %get3A_687 : vector<16xf32>
      %add3A_690 = arith.addf %mul3A_688, %mul3A_689 : vector<16xf32>
      %mul3A_691 = arith.mulf %get3A_672, %add3A_690 : vector<16xf32>
      %add3A_692 = arith.addf %add3A_669, %mul3A_691 : vector<16xf32>
      %mul3A_693 = arith.mulf %get3A_678, %get3A_687 : vector<16xf32>
      %mul3A_694 = arith.mulf %get3A_681, %get3A_684 : vector<16xf32>
      %sub3A_695 = arith.subf %mul3A_693, %mul3A_694 : vector<16xf32>
      %mul3A_696 = arith.mulf %get3A_675, %sub3A_695 : vector<16xf32>
      %add3A_697 = arith.addf %add3A_692, %mul3A_696 : vector<16xf32>
      %get3A_698 = arith.index_cast %add3A_499 : i32 to index
      %get3A_699 = arith.constant 112 : index
      %get3A_700 = tpu.vector_load %arg11[%get3A_698, %get3A_699] {strides = array<i32>} : memref<128x256xf32, #tpu.memory_space<vmem>>, vector<16xf32>,
      %get3A_701 = arith.index_cast %add3A_499 : i32 to index
      %get3A_702 = arith.constant 240 : index
      %get3A_703 = tpu.vector_load %arg11[%get3A_701, %get3A_702] {strides = array<i32>} : memref<128x256xf32, #tpu.memory_space<vmem>>, vector<16xf32>,
      %get3A_704 = arith.index_cast %add3A_499 : i32 to index
      %get3A_705 = arith.constant 112 : index
      %get3A_706 = tpu.vector_load %arg12[%get3A_704, %get3A_705] {strides = array<i32>} : memref<128x256xf32, #tpu.memory_space<vmem>>, vector<16xf32>,
      %get3A_707 = arith.index_cast %add3A_499 : i32 to index
      %get3A_708 = arith.constant 240 : index
      %get3A_709 = tpu.vector_load %arg12[%get3A_707, %get3A_708] {strides = array<i32>} : memref<128x256xf32, #tpu.memory_space<vmem>>, vector<16xf32>,
      %get3A_710 = arith.index_cast %add3A_499 : i32 to index
      %get3A_711 = arith.constant 112 : index
      %get3A_712 = tpu.vector_load %arg13[%get3A_710, %get3A_711] {strides = array<i32>} : memref<128x256xf32, #tpu.memory_space<vmem>>, vector<16xf32>,
      %get3A_713 = arith.index_cast %add3A_499 : i32 to index
      %get3A_714 = arith.constant 240 : index
      %get3A_715 = tpu.vector_load %arg13[%get3A_713, %get3A_714] {strides = array<i32>} : memref<128x256xf32, #tpu.memory_space<vmem>>, vector<16xf32>,
      %mul3A_716 = arith.mulf %get3A_706, %get3A_712 : vector<16xf32>
      %mul3A_717 = arith.mulf %get3A_709, %get3A_715 : vector<16xf32>
      %add3A_718 = arith.addf %mul3A_716, %mul3A_717 : vector<16xf32>
      %mul3A_719 = arith.mulf %get3A_700, %add3A_718 : vector<16xf32>
      %add3A_720 = arith.addf %add3A_697, %mul3A_719 : vector<16xf32>
      %mul3A_721 = arith.mulf %get3A_706, %get3A_715 : vector<16xf32>
      %mul3A_722 = arith.mulf %get3A_709, %get3A_712 : vector<16xf32>
      %sub3A_723 = arith.subf %mul3A_721, %mul3A_722 : vector<16xf32>
      %mul3A_724 = arith.mulf %get3A_703, %sub3A_723 : vector<16xf32>
      %add3A_725 = arith.addf %add3A_720, %mul3A_724 : vector<16xf32>
      %reduce_sum3A_726 = arith.constant true
      %reduce_sum3A_727 = vector.broadcast %reduce_sum3A_726 : i1 to vector<16xi1>
      %reduce_sum3A_728 = tpu.scan <sum>, %add3A_725 masked %reduce_sum3A_727 : vector<16xf32>, vector<16xi1> -> vector<16xf32>
      %reduce_sum3A_729 = vector.extract %reduce_sum3A_728[15] : f32 from vector<16xf32>
      %eq3A_730 = arith.constant 2 : i32
      %eq3A_731 = vector.broadcast %eq3A_730 : i32 to vector<16xi32>
      %eq3A_732 = arith.cmpi eq, %iota3A, %eq3A_731 : vector<16xi32>
      %broadcast_in_dim3A_733 = vector.broadcast %reduce_sum3A_729 : f32 to vector<16xf32>
      %select_n3A_734 = arith.select %eq3A_732, %broadcast_in_dim3A_733, %select_n3A_497 : vector<16xi1>, vector<16xf32>
      %add3A_735 = arith.constant 3 : i32
      %add3A_736 = arith.addi %add3A_27, %add3A_735 : i32
      %broadcast_in_dim3A_737 = arith.constant 0.000000e+00 : f32
      %broadcast_in_dim3A_738 = vector.broadcast %broadcast_in_dim3A_737 : f32 to vector<16xf32>
      %get3A_739 = arith.index_cast %add3A_736 : i32 to index
      %get3A_740 = arith.constant 0 : index
      %get3A_741 = tpu.vector_load %arg11[%get3A_739, %get3A_740] {strides = array<i32>} : memref<128x256xf32, #tpu.memory_space<vmem>>, vector<16xf32>,
      %get3A_742 = arith.index_cast %add3A_736 : i32 to index
      %get3A_743 = arith.constant 128 : index
      %get3A_744 = tpu.vector_load %arg11[%get3A_742, %get3A_743] {strides = array<i32>} : memref<128x256xf32, #tpu.memory_space<vmem>>, vector<16xf32>,
      %get3A_745 = arith.index_cast %add3A_736 : i32 to index
      %get3A_746 = arith.constant 0 : index
      %get3A_747 = tpu.vector_load %arg12[%get3A_745, %get3A_746] {strides = array<i32>} : memref<128x256xf32, #tpu.memory_space<vmem>>, vector<16xf32>,
      %get3A_748 = arith.index_cast %add3A_736 : i32 to index
      %get3A_749 = arith.constant 128 : index
      %get3A_750 = tpu.vector_load %arg12[%get3A_748, %get3A_749] {strides = array<i32>} : memref<128x256xf32, #tpu.memory_space<vmem>>, vector<16xf32>,
      %get3A_751 = arith.index_cast %add3A_736 : i32 to index
      %get3A_752 = arith.constant 0 : index
      %get3A_753 = tpu.vector_load %arg13[%get3A_751, %get3A_752] {strides = array<i32>} : memref<128x256xf32, #tpu.memory_space<vmem>>, vector<16xf32>,
      %get3A_754 = arith.index_cast %add3A_736 : i32 to index
      %get3A_755 = arith.constant 128 : index
      %get3A_756 = tpu.vector_load %arg13[%get3A_754, %get3A_755] {strides = array<i32>} : memref<128x256xf32, #tpu.memory_space<vmem>>, vector<16xf32>,
      %mul3A_757 = arith.mulf %get3A_747, %get3A_753 : vector<16xf32>
      %mul3A_758 = arith.mulf %get3A_750, %get3A_756 : vector<16xf32>
      %add3A_759 = arith.addf %mul3A_757, %mul3A_758 : vector<16xf32>
      %mul3A_760 = arith.mulf %get3A_741, %add3A_759 : vector<16xf32>
      %add3A_761 = arith.addf %broadcast_in_dim3A_738, %mul3A_760 : vector<16xf32>
      %mul3A_762 = arith.mulf %get3A_747, %get3A_756 : vector<16xf32>
      %mul3A_763 = arith.mulf %get3A_750, %get3A_753 : vector<16xf32>
      %sub3A_764 = arith.subf %mul3A_762, %mul3A_763 : vector<16xf32>
      %mul3A_765 = arith.mulf %get3A_744, %sub3A_764 : vector<16xf32>
      %add3A_766 = arith.addf %add3A_761, %mul3A_765 : vector<16xf32>
      %get3A_767 = arith.index_cast %add3A_736 : i32 to index
      %get3A_768 = arith.constant 16 : index
      %get3A_769 = tpu.vector_load %arg11[%get3A_767, %get3A_768] {strides = array<i32>} : memref<128x256xf32, #tpu.memory_space<vmem>>, vector<16xf32>,
      %get3A_770 = arith.index_cast %add3A_736 : i32 to index
      %get3A_771 = arith.constant 144 : index
      %get3A_772 = tpu.vector_load %arg11[%get3A_770, %get3A_771] {strides = array<i32>} : memref<128x256xf32, #tpu.memory_space<vmem>>, vector<16xf32>,
      %get3A_773 = arith.index_cast %add3A_736 : i32 to index
      %get3A_774 = arith.constant 16 : index
      %get3A_775 = tpu.vector_load %arg12[%get3A_773, %get3A_774] {strides = array<i32>} : memref<128x256xf32, #tpu.memory_space<vmem>>, vector<16xf32>,
      %get3A_776 = arith.index_cast %add3A_736 : i32 to index
      %get3A_777 = arith.constant 144 : index
      %get3A_778 = tpu.vector_load %arg12[%get3A_776, %get3A_777] {strides = array<i32>} : memref<128x256xf32, #tpu.memory_space<vmem>>, vector<16xf32>,
      %get3A_779 = arith.index_cast %add3A_736 : i32 to index
      %get3A_780 = arith.constant 16 : index
      %get3A_781 = tpu.vector_load %arg13[%get3A_779, %get3A_780] {strides = array<i32>} : memref<128x256xf32, #tpu.memory_space<vmem>>, vector<16xf32>,
      %get3A_782 = arith.index_cast %add3A_736 : i32 to index
      %get3A_783 = arith.constant 144 : index
      %get3A_784 = tpu.vector_load %arg13[%get3A_782, %get3A_783] {strides = array<i32>} : memref<128x256xf32, #tpu.memory_space<vmem>>, vector<16xf32>,
      %mul3A_785 = arith.mulf %get3A_775, %get3A_781 : vector<16xf32>
      %mul3A_786 = arith.mulf %get3A_778, %get3A_784 : vector<16xf32>
      %add3A_787 = arith.addf %mul3A_785, %mul3A_786 : vector<16xf32>
      %mul3A_788 = arith.mulf %get3A_769, %add3A_787 : vector<16xf32>
      %add3A_789 = arith.addf %add3A_766, %mul3A_788 : vector<16xf32>
      %mul3A_790 = arith.mulf %get3A_775, %get3A_784 : vector<16xf32>
      %mul3A_791 = arith.mulf %get3A_778, %get3A_781 : vector<16xf32>
      %sub3A_792 = arith.subf %mul3A_790, %mul3A_791 : vector<16xf32>
      %mul3A_793 = arith.mulf %get3A_772, %sub3A_792 : vector<16xf32>
      %add3A_794 = arith.addf %add3A_789, %mul3A_793 : vector<16xf32>
      %get3A_795 = arith.index_cast %add3A_736 : i32 to index
      %get3A_796 = arith.constant 32 : index
      %get3A_797 = tpu.vector_load %arg11[%get3A_795, %get3A_796] {strides = array<i32>} : memref<128x256xf32, #tpu.memory_space<vmem>>, vector<16xf32>,
      %get3A_798 = arith.index_cast %add3A_736 : i32 to index
      %get3A_799 = arith.constant 160 : index
      %get3A_800 = tpu.vector_load %arg11[%get3A_798, %get3A_799] {strides = array<i32>} : memref<128x256xf32, #tpu.memory_space<vmem>>, vector<16xf32>,
      %get3A_801 = arith.index_cast %add3A_736 : i32 to index
      %get3A_802 = arith.constant 32 : index
      %get3A_803 = tpu.vector_load %arg12[%get3A_801, %get3A_802] {strides = array<i32>} : memref<128x256xf32, #tpu.memory_space<vmem>>, vector<16xf32>,
      %get3A_804 = arith.index_cast %add3A_736 : i32 to index
      %get3A_805 = arith.constant 160 : index
      %get3A_806 = tpu.vector_load %arg12[%get3A_804, %get3A_805] {strides = array<i32>} : memref<128x256xf32, #tpu.memory_space<vmem>>, vector<16xf32>,
      %get3A_807 = arith.index_cast %add3A_736 : i32 to index
      %get3A_808 = arith.constant 32 : index
      %get3A_809 = tpu.vector_load %arg13[%get3A_807, %get3A_808] {strides = array<i32>} : memref<128x256xf32, #tpu.memory_space<vmem>>, vector<16xf32>,
      %get3A_810 = arith.index_cast %add3A_736 : i32 to index
      %get3A_811 = arith.constant 160 : index
      %get3A_812 = tpu.vector_load %arg13[%get3A_810, %get3A_811] {strides = array<i32>} : memref<128x256xf32, #tpu.memory_space<vmem>>, vector<16xf32>,
      %mul3A_813 = arith.mulf %get3A_803, %get3A_809 : vector<16xf32>
      %mul3A_814 = arith.mulf %get3A_806, %get3A_812 : vector<16xf32>
      %add3A_815 = arith.addf %mul3A_813, %mul3A_814 : vector<16xf32>
      %mul3A_816 = arith.mulf %get3A_797, %add3A_815 : vector<16xf32>
      %add3A_817 = arith.addf %add3A_794, %mul3A_816 : vector<16xf32>
      %mul3A_818 = arith.mulf %get3A_803, %get3A_812 : vector<16xf32>
      %mul3A_819 = arith.mulf %get3A_806, %get3A_809 : vector<16xf32>
      %sub3A_820 = arith.subf %mul3A_818, %mul3A_819 : vector<16xf32>
      %mul3A_821 = arith.mulf %get3A_800, %sub3A_820 : vector<16xf32>
      %add3A_822 = arith.addf %add3A_817, %mul3A_821 : vector<16xf32>
      %get3A_823 = arith.index_cast %add3A_736 : i32 to index
      %get3A_824 = arith.constant 48 : index
      %get3A_825 = tpu.vector_load %arg11[%get3A_823, %get3A_824] {strides = array<i32>} : memref<128x256xf32, #tpu.memory_space<vmem>>, vector<16xf32>,
      %get3A_826 = arith.index_cast %add3A_736 : i32 to index
      %get3A_827 = arith.constant 176 : index
      %get3A_828 = tpu.vector_load %arg11[%get3A_826, %get3A_827] {strides = array<i32>} : memref<128x256xf32, #tpu.memory_space<vmem>>, vector<16xf32>,
      %get3A_829 = arith.index_cast %add3A_736 : i32 to index
      %get3A_830 = arith.constant 48 : index
      %get3A_831 = tpu.vector_load %arg12[%get3A_829, %get3A_830] {strides = array<i32>} : memref<128x256xf32, #tpu.memory_space<vmem>>, vector<16xf32>,
      %get3A_832 = arith.index_cast %add3A_736 : i32 to index
      %get3A_833 = arith.constant 176 : index
      %get3A_834 = tpu.vector_load %arg12[%get3A_832, %get3A_833] {strides = array<i32>} : memref<128x256xf32, #tpu.memory_space<vmem>>, vector<16xf32>,
      %get3A_835 = arith.index_cast %add3A_736 : i32 to index
      %get3A_836 = arith.constant 48 : index
      %get3A_837 = tpu.vector_load %arg13[%get3A_835, %get3A_836] {strides = array<i32>} : memref<128x256xf32, #tpu.memory_space<vmem>>, vector<16xf32>,
      %get3A_838 = arith.index_cast %add3A_736 : i32 to index
      %get3A_839 = arith.constant 176 : index
      %get3A_840 = tpu.vector_load %arg13[%get3A_838, %get3A_839] {strides = array<i32>} : memref<128x256xf32, #tpu.memory_space<vmem>>, vector<16xf32>,
      %mul3A_841 = arith.mulf %get3A_831, %get3A_837 : vector<16xf32>
      %mul3A_842 = arith.mulf %get3A_834, %get3A_840 : vector<16xf32>
      %add3A_843 = arith.addf %mul3A_841, %mul3A_842 : vector<16xf32>
      %mul3A_844 = arith.mulf %get3A_825, %add3A_843 : vector<16xf32>
      %add3A_845 = arith.addf %add3A_822, %mul3A_844 : vector<16xf32>
      %mul3A_846 = arith.mulf %get3A_831, %get3A_840 : vector<16xf32>
      %mul3A_847 = arith.mulf %get3A_834, %get3A_837 : vector<16xf32>
      %sub3A_848 = arith.subf %mul3A_846, %mul3A_847 : vector<16xf32>
      %mul3A_849 = arith.mulf %get3A_828, %sub3A_848 : vector<16xf32>
      %add3A_850 = arith.addf %add3A_845, %mul3A_849 : vector<16xf32>
      %get3A_851 = arith.index_cast %add3A_736 : i32 to index
      %get3A_852 = arith.constant 64 : index
      %get3A_853 = tpu.vector_load %arg11[%get3A_851, %get3A_852] {strides = array<i32>} : memref<128x256xf32, #tpu.memory_space<vmem>>, vector<16xf32>,
      %get3A_854 = arith.index_cast %add3A_736 : i32 to index
      %get3A_855 = arith.constant 192 : index
      %get3A_856 = tpu.vector_load %arg11[%get3A_854, %get3A_855] {strides = array<i32>} : memref<128x256xf32, #tpu.memory_space<vmem>>, vector<16xf32>,
      %get3A_857 = arith.index_cast %add3A_736 : i32 to index
      %get3A_858 = arith.constant 64 : index
      %get3A_859 = tpu.vector_load %arg12[%get3A_857, %get3A_858] {strides = array<i32>} : memref<128x256xf32, #tpu.memory_space<vmem>>, vector<16xf32>,
      %get3A_860 = arith.index_cast %add3A_736 : i32 to index
      %get3A_861 = arith.constant 192 : index
      %get3A_862 = tpu.vector_load %arg12[%get3A_860, %get3A_861] {strides = array<i32>} : memref<128x256xf32, #tpu.memory_space<vmem>>, vector<16xf32>,
      %get3A_863 = arith.index_cast %add3A_736 : i32 to index
      %get3A_864 = arith.constant 64 : index
      %get3A_865 = tpu.vector_load %arg13[%get3A_863, %get3A_864] {strides = array<i32>} : memref<128x256xf32, #tpu.memory_space<vmem>>, vector<16xf32>,
      %get3A_866 = arith.index_cast %add3A_736 : i32 to index
      %get3A_867 = arith.constant 192 : index
      %get3A_868 = tpu.vector_load %arg13[%get3A_866, %get3A_867] {strides = array<i32>} : memref<128x256xf32, #tpu.memory_space<vmem>>, vector<16xf32>,
      %mul3A_869 = arith.mulf %get3A_859, %get3A_865 : vector<16xf32>
      %mul3A_870 = arith.mulf %get3A_862, %get3A_868 : vector<16xf32>
      %add3A_871 = arith.addf %mul3A_869, %mul3A_870 : vector<16xf32>
      %mul3A_872 = arith.mulf %get3A_853, %add3A_871 : vector<16xf32>
      %add3A_873 = arith.addf %add3A_850, %mul3A_872 : vector<16xf32>
      %mul3A_874 = arith.mulf %get3A_859, %get3A_868 : vector<16xf32>
      %mul3A_875 = arith.mulf %get3A_862, %get3A_865 : vector<16xf32>
      %sub3A_876 = arith.subf %mul3A_874, %mul3A_875 : vector<16xf32>
      %mul3A_877 = arith.mulf %get3A_856, %sub3A_876 : vector<16xf32>
      %add3A_878 = arith.addf %add3A_873, %mul3A_877 : vector<16xf32>
      %get3A_879 = arith.index_cast %add3A_736 : i32 to index
      %get3A_880 = arith.constant 80 : index
      %get3A_881 = tpu.vector_load %arg11[%get3A_879, %get3A_880] {strides = array<i32>} : memref<128x256xf32, #tpu.memory_space<vmem>>, vector<16xf32>,
      %get3A_882 = arith.index_cast %add3A_736 : i32 to index
      %get3A_883 = arith.constant 208 : index
      %get3A_884 = tpu.vector_load %arg11[%get3A_882, %get3A_883] {strides = array<i32>} : memref<128x256xf32, #tpu.memory_space<vmem>>, vector<16xf32>,
      %get3A_885 = arith.index_cast %add3A_736 : i32 to index
      %get3A_886 = arith.constant 80 : index
      %get3A_887 = tpu.vector_load %arg12[%get3A_885, %get3A_886] {strides = array<i32>} : memref<128x256xf32, #tpu.memory_space<vmem>>, vector<16xf32>,
      %get3A_888 = arith.index_cast %add3A_736 : i32 to index
      %get3A_889 = arith.constant 208 : index
      %get3A_890 = tpu.vector_load %arg12[%get3A_888, %get3A_889] {strides = array<i32>} : memref<128x256xf32, #tpu.memory_space<vmem>>, vector<16xf32>,
      %get3A_891 = arith.index_cast %add3A_736 : i32 to index
      %get3A_892 = arith.constant 80 : index
      %get3A_893 = tpu.vector_load %arg13[%get3A_891, %get3A_892] {strides = array<i32>} : memref<128x256xf32, #tpu.memory_space<vmem>>, vector<16xf32>,
      %get3A_894 = arith.index_cast %add3A_736 : i32 to index
      %get3A_895 = arith.constant 208 : index
      %get3A_896 = tpu.vector_load %arg13[%get3A_894, %get3A_895] {strides = array<i32>} : memref<128x256xf32, #tpu.memory_space<vmem>>, vector<16xf32>,
      %mul3A_897 = arith.mulf %get3A_887, %get3A_893 : vector<16xf32>
      %mul3A_898 = arith.mulf %get3A_890, %get3A_896 : vector<16xf32>
      %add3A_899 = arith.addf %mul3A_897, %mul3A_898 : vector<16xf32>
      %mul3A_900 = arith.mulf %get3A_881, %add3A_899 : vector<16xf32>
      %add3A_901 = arith.addf %add3A_878, %mul3A_900 : vector<16xf32>
      %mul3A_902 = arith.mulf %get3A_887, %get3A_896 : vector<16xf32>
      %mul3A_903 = arith.mulf %get3A_890, %get3A_893 : vector<16xf32>
      %sub3A_904 = arith.subf %mul3A_902, %mul3A_903 : vector<16xf32>
      %mul3A_905 = arith.mulf %get3A_884, %sub3A_904 : vector<16xf32>
      %add3A_906 = arith.addf %add3A_901, %mul3A_905 : vector<16xf32>
      %get3A_907 = arith.index_cast %add3A_736 : i32 to index
      %get3A_908 = arith.constant 96 : index
      %get3A_909 = tpu.vector_load %arg11[%get3A_907, %get3A_908] {strides = array<i32>} : memref<128x256xf32, #tpu.memory_space<vmem>>, vector<16xf32>,
      %get3A_910 = arith.index_cast %add3A_736 : i32 to index
      %get3A_911 = arith.constant 224 : index
      %get3A_912 = tpu.vector_load %arg11[%get3A_910, %get3A_911] {strides = array<i32>} : memref<128x256xf32, #tpu.memory_space<vmem>>, vector<16xf32>,
      %get3A_913 = arith.index_cast %add3A_736 : i32 to index
      %get3A_914 = arith.constant 96 : index
      %get3A_915 = tpu.vector_load %arg12[%get3A_913, %get3A_914] {strides = array<i32>} : memref<128x256xf32, #tpu.memory_space<vmem>>, vector<16xf32>,
      %get3A_916 = arith.index_cast %add3A_736 : i32 to index
      %get3A_917 = arith.constant 224 : index
      %get3A_918 = tpu.vector_load %arg12[%get3A_916, %get3A_917] {strides = array<i32>} : memref<128x256xf32, #tpu.memory_space<vmem>>, vector<16xf32>,
      %get3A_919 = arith.index_cast %add3A_736 : i32 to index
      %get3A_920 = arith.constant 96 : index
      %get3A_921 = tpu.vector_load %arg13[%get3A_919, %get3A_920] {strides = array<i32>} : memref<128x256xf32, #tpu.memory_space<vmem>>, vector<16xf32>,
      %get3A_922 = arith.index_cast %add3A_736 : i32 to index
      %get3A_923 = arith.constant 224 : index
      %get3A_924 = tpu.vector_load %arg13[%get3A_922, %get3A_923] {strides = array<i32>} : memref<128x256xf32, #tpu.memory_space<vmem>>, vector<16xf32>,
      %mul3A_925 = arith.mulf %get3A_915, %get3A_921 : vector<16xf32>
      %mul3A_926 = arith.mulf %get3A_918, %get3A_924 : vector<16xf32>
      %add3A_927 = arith.addf %mul3A_925, %mul3A_926 : vector<16xf32>
      %mul3A_928 = arith.mulf %get3A_909, %add3A_927 : vector<16xf32>
      %add3A_929 = arith.addf %add3A_906, %mul3A_928 : vector<16xf32>
      %mul3A_930 = arith.mulf %get3A_915, %get3A_924 : vector<16xf32>
      %mul3A_931 = arith.mulf %get3A_918, %get3A_921 : vector<16xf32>
      %sub3A_932 = arith.subf %mul3A_930, %mul3A_931 : vector<16xf32>
      %mul3A_933 = arith.mulf %get3A_912, %sub3A_932 : vector<16xf32>
      %add3A_934 = arith.addf %add3A_929, %mul3A_933 : vector<16xf32>
      %get3A_935 = arith.index_cast %add3A_736 : i32 to index
      %get3A_936 = arith.constant 112 : index
      %get3A_937 = tpu.vector_load %arg11[%get3A_935, %get3A_936] {strides = array<i32>} : memref<128x256xf32, #tpu.memory_space<vmem>>, vector<16xf32>,
      %get3A_938 = arith.index_cast %add3A_736 : i32 to index
      %get3A_939 = arith.constant 240 : index
      %get3A_940 = tpu.vector_load %arg11[%get3A_938, %get3A_939] {strides = array<i32>} : memref<128x256xf32, #tpu.memory_space<vmem>>, vector<16xf32>,
      %get3A_941 = arith.index_cast %add3A_736 : i32 to index
      %get3A_942 = arith.constant 112 : index
      %get3A_943 = tpu.vector_load %arg12[%get3A_941, %get3A_942] {strides = array<i32>} : memref<128x256xf32, #tpu.memory_space<vmem>>, vector<16xf32>,
      %get3A_944 = arith.index_cast %add3A_736 : i32 to index
      %get3A_945 = arith.constant 240 : index
      %get3A_946 = tpu.vector_load %arg12[%get3A_944, %get3A_945] {strides = array<i32>} : memref<128x256xf32, #tpu.memory_space<vmem>>, vector<16xf32>,
      %get3A_947 = arith.index_cast %add3A_736 : i32 to index
      %get3A_948 = arith.constant 112 : index
      %get3A_949 = tpu.vector_load %arg13[%get3A_947, %get3A_948] {strides = array<i32>} : memref<128x256xf32, #tpu.memory_space<vmem>>, vector<16xf32>,
      %get3A_950 = arith.index_cast %add3A_736 : i32 to index
      %get3A_951 = arith.constant 240 : index
      %get3A_952 = tpu.vector_load %arg13[%get3A_950, %get3A_951] {strides = array<i32>} : memref<128x256xf32, #tpu.memory_space<vmem>>, vector<16xf32>,
      %mul3A_953 = arith.mulf %get3A_943, %get3A_949 : vector<16xf32>
      %mul3A_954 = arith.mulf %get3A_946, %get3A_952 : vector<16xf32>
      %add3A_955 = arith.addf %mul3A_953, %mul3A_954 : vector<16xf32>
      %mul3A_956 = arith.mulf %get3A_937, %add3A_955 : vector<16xf32>
      %add3A_957 = arith.addf %add3A_934, %mul3A_956 : vector<16xf32>
      %mul3A_958 = arith.mulf %get3A_943, %get3A_952 : vector<16xf32>
      %mul3A_959 = arith.mulf %get3A_946, %get3A_949 : vector<16xf32>
      %sub3A_960 = arith.subf %mul3A_958, %mul3A_959 : vector<16xf32>
      %mul3A_961 = arith.mulf %get3A_940, %sub3A_960 : vector<16xf32>
      %add3A_962 = arith.addf %add3A_957, %mul3A_961 : vector<16xf32>
      %reduce_sum3A_963 = arith.constant true
      %reduce_sum3A_964 = vector.broadcast %reduce_sum3A_963 : i1 to vector<16xi1>
      %reduce_sum3A_965 = tpu.scan <sum>, %add3A_962 masked %reduce_sum3A_964 : vector<16xf32>, vector<16xi1> -> vector<16xf32>
      %reduce_sum3A_966 = vector.extract %reduce_sum3A_965[15] : f32 from vector<16xf32>
      %eq3A_967 = arith.constant 3 : i32
      %eq3A_968 = vector.broadcast %eq3A_967 : i32 to vector<16xi32>
      %eq3A_969 = arith.cmpi eq, %iota3A, %eq3A_968 : vector<16xi32>
      %broadcast_in_dim3A_970 = vector.broadcast %reduce_sum3A_966 : f32 to vector<16xf32>
      %select_n3A_971 = arith.select %eq3A_969, %broadcast_in_dim3A_970, %select_n3A_734 : vector<16xi1>, vector<16xf32>
      %add3A_972 = arith.constant 4 : i32
      %add3A_973 = arith.addi %add3A_27, %add3A_972 : i32
      %broadcast_in_dim3A_974 = arith.constant 0.000000e+00 : f32
      %broadcast_in_dim3A_975 = vector.broadcast %broadcast_in_dim3A_974 : f32 to vector<16xf32>
      %get3A_976 = arith.index_cast %add3A_973 : i32 to index
      %get3A_977 = arith.constant 0 : index
      %get3A_978 = tpu.vector_load %arg11[%get3A_976, %get3A_977] {strides = array<i32>} : memref<128x256xf32, #tpu.memory_space<vmem>>, vector<16xf32>,
      %get3A_979 = arith.index_cast %add3A_973 : i32 to index
      %get3A_980 = arith.constant 128 : index
      %get3A_981 = tpu.vector_load %arg11[%get3A_979, %get3A_980] {strides = array<i32>} : memref<128x256xf32, #tpu.memory_space<vmem>>, vector<16xf32>,
      %get3A_982 = arith.index_cast %add3A_973 : i32 to index
      %get3A_983 = arith.constant 0 : index
      %get3A_984 = tpu.vector_load %arg12[%get3A_982, %get3A_983] {strides = array<i32>} : memref<128x256xf32, #tpu.memory_space<vmem>>, vector<16xf32>,
      %get3A_985 = arith.index_cast %add3A_973 : i32 to index
      %get3A_986 = arith.constant 128 : index
      %get3A_987 = tpu.vector_load %arg12[%get3A_985, %get3A_986] {strides = array<i32>} : memref<128x256xf32, #tpu.memory_space<vmem>>, vector<16xf32>,
      %get3A_988 = arith.index_cast %add3A_973 : i32 to index
      %get3A_989 = arith.constant 0 : index
      %get3A_990 = tpu.vector_load %arg13[%get3A_988, %get3A_989] {strides = array<i32>} : memref<128x256xf32, #tpu.memory_space<vmem>>, vector<16xf32>,
      %get3A_991 = arith.index_cast %add3A_973 : i32 to index
      %get3A_992 = arith.constant 128 : index
      %get3A_993 = tpu.vector_load %arg13[%get3A_991, %get3A_992] {strides = array<i32>} : memref<128x256xf32, #tpu.memory_space<vmem>>, vector<16xf32>,
      %mul3A_994 = arith.mulf %get3A_984, %get3A_990 : vector<16xf32>
      %mul3A_995 = arith.mulf %get3A_987, %get3A_993 : vector<16xf32>
      %add3A_996 = arith.addf %mul3A_994, %mul3A_995 : vector<16xf32>
      %mul3A_997 = arith.mulf %get3A_978, %add3A_996 : vector<16xf32>
      %add3A_998 = arith.addf %broadcast_in_dim3A_975, %mul3A_997 : vector<16xf32>
      %mul3A_999 = arith.mulf %get3A_984, %get3A_993 : vector<16xf32>
      %mul3A_1000 = arith.mulf %get3A_987, %get3A_990 : vector<16xf32>
      %sub3A_1001 = arith.subf %mul3A_999, %mul3A_1000 : vector<16xf32>
      %mul3A_1002 = arith.mulf %get3A_981, %sub3A_1001 : vector<16xf32>
      %add3A_1003 = arith.addf %add3A_998, %mul3A_1002 : vector<16xf32>
      %get3A_1004 = arith.index_cast %add3A_973 : i32 to index
      %get3A_1005 = arith.constant 16 : index
      %get3A_1006 = tpu.vector_load %arg11[%get3A_1004, %get3A_1005] {strides = array<i32>} : memref<128x256xf32, #tpu.memory_space<vmem>>, vector<16xf32>,
      %get3A_1007 = arith.index_cast %add3A_973 : i32 to index
      %get3A_1008 = arith.constant 144 : index
      %get3A_1009 = tpu.vector_load %arg11[%get3A_1007, %get3A_1008] {strides = array<i32>} : memref<128x256xf32, #tpu.memory_space<vmem>>, vector<16xf32>,
      %get3A_1010 = arith.index_cast %add3A_973 : i32 to index
      %get3A_1011 = arith.constant 16 : index
      %get3A_1012 = tpu.vector_load %arg12[%get3A_1010, %get3A_1011] {strides = array<i32>} : memref<128x256xf32, #tpu.memory_space<vmem>>, vector<16xf32>,
      %get3A_1013 = arith.index_cast %add3A_973 : i32 to index
      %get3A_1014 = arith.constant 144 : index
      %get3A_1015 = tpu.vector_load %arg12[%get3A_1013, %get3A_1014] {strides = array<i32>} : memref<128x256xf32, #tpu.memory_space<vmem>>, vector<16xf32>,
      %get3A_1016 = arith.index_cast %add3A_973 : i32 to index
      %get3A_1017 = arith.constant 16 : index
      %get3A_1018 = tpu.vector_load %arg13[%get3A_1016, %get3A_1017] {strides = array<i32>} : memref<128x256xf32, #tpu.memory_space<vmem>>, vector<16xf32>,
      %get3A_1019 = arith.index_cast %add3A_973 : i32 to index
      %get3A_1020 = arith.constant 144 : index
      %get3A_1021 = tpu.vector_load %arg13[%get3A_1019, %get3A_1020] {strides = array<i32>} : memref<128x256xf32, #tpu.memory_space<vmem>>, vector<16xf32>,
      %mul3A_1022 = arith.mulf %get3A_1012, %get3A_1018 : vector<16xf32>
      %mul3A_1023 = arith.mulf %get3A_1015, %get3A_1021 : vector<16xf32>
      %add3A_1024 = arith.addf %mul3A_1022, %mul3A_1023 : vector<16xf32>
      %mul3A_1025 = arith.mulf %get3A_1006, %add3A_1024 : vector<16xf32>
      %add3A_1026 = arith.addf %add3A_1003, %mul3A_1025 : vector<16xf32>
      %mul3A_1027 = arith.mulf %get3A_1012, %get3A_1021 : vector<16xf32>
      %mul3A_1028 = arith.mulf %get3A_1015, %get3A_1018 : vector<16xf32>
      %sub3A_1029 = arith.subf %mul3A_1027, %mul3A_1028 : vector<16xf32>
      %mul3A_1030 = arith.mulf %get3A_1009, %sub3A_1029 : vector<16xf32>
      %add3A_1031 = arith.addf %add3A_1026, %mul3A_1030 : vector<16xf32>
      %get3A_1032 = arith.index_cast %add3A_973 : i32 to index
      %get3A_1033 = arith.constant 32 : index
      %get3A_1034 = tpu.vector_load %arg11[%get3A_1032, %get3A_1033] {strides = array<i32>} : memref<128x256xf32, #tpu.memory_space<vmem>>, vector<16xf32>,
      %get3A_1035 = arith.index_cast %add3A_973 : i32 to index
      %get3A_1036 = arith.constant 160 : index
      %get3A_1037 = tpu.vector_load %arg11[%get3A_1035, %get3A_1036] {strides = array<i32>} : memref<128x256xf32, #tpu.memory_space<vmem>>, vector<16xf32>,
      %get3A_1038 = arith.index_cast %add3A_973 : i32 to index
      %get3A_1039 = arith.constant 32 : index
      %get3A_1040 = tpu.vector_load %arg12[%get3A_1038, %get3A_1039] {strides = array<i32>} : memref<128x256xf32, #tpu.memory_space<vmem>>, vector<16xf32>,
      %get3A_1041 = arith.index_cast %add3A_973 : i32 to index
      %get3A_1042 = arith.constant 160 : index
      %get3A_1043 = tpu.vector_load %arg12[%get3A_1041, %get3A_1042] {strides = array<i32>} : memref<128x256xf32, #tpu.memory_space<vmem>>, vector<16xf32>,
      %get3A_1044 = arith.index_cast %add3A_973 : i32 to index
      %get3A_1045 = arith.constant 32 : index
      %get3A_1046 = tpu.vector_load %arg13[%get3A_1044, %get3A_1045] {strides = array<i32>} : memref<128x256xf32, #tpu.memory_space<vmem>>, vector<16xf32>,
      %get3A_1047 = arith.index_cast %add3A_973 : i32 to index
      %get3A_1048 = arith.constant 160 : index
      %get3A_1049 = tpu.vector_load %arg13[%get3A_1047, %get3A_1048] {strides = array<i32>} : memref<128x256xf32, #tpu.memory_space<vmem>>, vector<16xf32>,
      %mul3A_1050 = arith.mulf %get3A_1040, %get3A_1046 : vector<16xf32>
      %mul3A_1051 = arith.mulf %get3A_1043, %get3A_1049 : vector<16xf32>
      %add3A_1052 = arith.addf %mul3A_1050, %mul3A_1051 : vector<16xf32>
      %mul3A_1053 = arith.mulf %get3A_1034, %add3A_1052 : vector<16xf32>
      %add3A_1054 = arith.addf %add3A_1031, %mul3A_1053 : vector<16xf32>
      %mul3A_1055 = arith.mulf %get3A_1040, %get3A_1049 : vector<16xf32>
      %mul3A_1056 = arith.mulf %get3A_1043, %get3A_1046 : vector<16xf32>
      %sub3A_1057 = arith.subf %mul3A_1055, %mul3A_1056 : vector<16xf32>
      %mul3A_1058 = arith.mulf %get3A_1037, %sub3A_1057 : vector<16xf32>
      %add3A_1059 = arith.addf %add3A_1054, %mul3A_1058 : vector<16xf32>
      %get3A_1060 = arith.index_cast %add3A_973 : i32 to index
      %get3A_1061 = arith.constant 48 : index
      %get3A_1062 = tpu.vector_load %arg11[%get3A_1060, %get3A_1061] {strides = array<i32>} : memref<128x256xf32, #tpu.memory_space<vmem>>, vector<16xf32>,
      %get3A_1063 = arith.index_cast %add3A_973 : i32 to index
      %get3A_1064 = arith.constant 176 : index
      %get3A_1065 = tpu.vector_load %arg11[%get3A_1063, %get3A_1064] {strides = array<i32>} : memref<128x256xf32, #tpu.memory_space<vmem>>, vector<16xf32>,
      %get3A_1066 = arith.index_cast %add3A_973 : i32 to index
      %get3A_1067 = arith.constant 48 : index
      %get3A_1068 = tpu.vector_load %arg12[%get3A_1066, %get3A_1067] {strides = array<i32>} : memref<128x256xf32, #tpu.memory_space<vmem>>, vector<16xf32>,
      %get3A_1069 = arith.index_cast %add3A_973 : i32 to index
      %get3A_1070 = arith.constant 176 : index
      %get3A_1071 = tpu.vector_load %arg12[%get3A_1069, %get3A_1070] {strides = array<i32>} : memref<128x256xf32, #tpu.memory_space<vmem>>, vector<16xf32>,
      %get3A_1072 = arith.index_cast %add3A_973 : i32 to index
      %get3A_1073 = arith.constant 48 : index
      %get3A_1074 = tpu.vector_load %arg13[%get3A_1072, %get3A_1073] {strides = array<i32>} : memref<128x256xf32, #tpu.memory_space<vmem>>, vector<16xf32>,
      %get3A_1075 = arith.index_cast %add3A_973 : i32 to index
      %get3A_1076 = arith.constant 176 : index
      %get3A_1077 = tpu.vector_load %arg13[%get3A_1075, %get3A_1076] {strides = array<i32>} : memref<128x256xf32, #tpu.memory_space<vmem>>, vector<16xf32>,
      %mul3A_1078 = arith.mulf %get3A_1068, %get3A_1074 : vector<16xf32>
      %mul3A_1079 = arith.mulf %get3A_1071, %get3A_1077 : vector<16xf32>
      %add3A_1080 = arith.addf %mul3A_1078, %mul3A_1079 : vector<16xf32>
      %mul3A_1081 = arith.mulf %get3A_1062, %add3A_1080 : vector<16xf32>
      %add3A_1082 = arith.addf %add3A_1059, %mul3A_1081 : vector<16xf32>
      %mul3A_1083 = arith.mulf %get3A_1068, %get3A_1077 : vector<16xf32>
      %mul3A_1084 = arith.mulf %get3A_1071, %get3A_1074 : vector<16xf32>
      %sub3A_1085 = arith.subf %mul3A_1083, %mul3A_1084 : vector<16xf32>
      %mul3A_1086 = arith.mulf %get3A_1065, %sub3A_1085 : vector<16xf32>
      %add3A_1087 = arith.addf %add3A_1082, %mul3A_1086 : vector<16xf32>
      %get3A_1088 = arith.index_cast %add3A_973 : i32 to index
      %get3A_1089 = arith.constant 64 : index
      %get3A_1090 = tpu.vector_load %arg11[%get3A_1088, %get3A_1089] {strides = array<i32>} : memref<128x256xf32, #tpu.memory_space<vmem>>, vector<16xf32>,
      %get3A_1091 = arith.index_cast %add3A_973 : i32 to index
      %get3A_1092 = arith.constant 192 : index
      %get3A_1093 = tpu.vector_load %arg11[%get3A_1091, %get3A_1092] {strides = array<i32>} : memref<128x256xf32, #tpu.memory_space<vmem>>, vector<16xf32>,
      %get3A_1094 = arith.index_cast %add3A_973 : i32 to index
      %get3A_1095 = arith.constant 64 : index
      %get3A_1096 = tpu.vector_load %arg12[%get3A_1094, %get3A_1095] {strides = array<i32>} : memref<128x256xf32, #tpu.memory_space<vmem>>, vector<16xf32>,
      %get3A_1097 = arith.index_cast %add3A_973 : i32 to index
      %get3A_1098 = arith.constant 192 : index
      %get3A_1099 = tpu.vector_load %arg12[%get3A_1097, %get3A_1098] {strides = array<i32>} : memref<128x256xf32, #tpu.memory_space<vmem>>, vector<16xf32>,
      %get3A_1100 = arith.index_cast %add3A_973 : i32 to index
      %get3A_1101 = arith.constant 64 : index
      %get3A_1102 = tpu.vector_load %arg13[%get3A_1100, %get3A_1101] {strides = array<i32>} : memref<128x256xf32, #tpu.memory_space<vmem>>, vector<16xf32>,
      %get3A_1103 = arith.index_cast %add3A_973 : i32 to index
      %get3A_1104 = arith.constant 192 : index
      %get3A_1105 = tpu.vector_load %arg13[%get3A_1103, %get3A_1104] {strides = array<i32>} : memref<128x256xf32, #tpu.memory_space<vmem>>, vector<16xf32>,
      %mul3A_1106 = arith.mulf %get3A_1096, %get3A_1102 : vector<16xf32>
      %mul3A_1107 = arith.mulf %get3A_1099, %get3A_1105 : vector<16xf32>
      %add3A_1108 = arith.addf %mul3A_1106, %mul3A_1107 : vector<16xf32>
      %mul3A_1109 = arith.mulf %get3A_1090, %add3A_1108 : vector<16xf32>
      %add3A_1110 = arith.addf %add3A_1087, %mul3A_1109 : vector<16xf32>
      %mul3A_1111 = arith.mulf %get3A_1096, %get3A_1105 : vector<16xf32>
      %mul3A_1112 = arith.mulf %get3A_1099, %get3A_1102 : vector<16xf32>
      %sub3A_1113 = arith.subf %mul3A_1111, %mul3A_1112 : vector<16xf32>
      %mul3A_1114 = arith.mulf %get3A_1093, %sub3A_1113 : vector<16xf32>
      %add3A_1115 = arith.addf %add3A_1110, %mul3A_1114 : vector<16xf32>
      %get3A_1116 = arith.index_cast %add3A_973 : i32 to index
      %get3A_1117 = arith.constant 80 : index
      %get3A_1118 = tpu.vector_load %arg11[%get3A_1116, %get3A_1117] {strides = array<i32>} : memref<128x256xf32, #tpu.memory_space<vmem>>, vector<16xf32>,
      %get3A_1119 = arith.index_cast %add3A_973 : i32 to index
      %get3A_1120 = arith.constant 208 : index
      %get3A_1121 = tpu.vector_load %arg11[%get3A_1119, %get3A_1120] {strides = array<i32>} : memref<128x256xf32, #tpu.memory_space<vmem>>, vector<16xf32>,
      %get3A_1122 = arith.index_cast %add3A_973 : i32 to index
      %get3A_1123 = arith.constant 80 : index
      %get3A_1124 = tpu.vector_load %arg12[%get3A_1122, %get3A_1123] {strides = array<i32>} : memref<128x256xf32, #tpu.memory_space<vmem>>, vector<16xf32>,
      %get3A_1125 = arith.index_cast %add3A_973 : i32 to index
      %get3A_1126 = arith.constant 208 : index
      %get3A_1127 = tpu.vector_load %arg12[%get3A_1125, %get3A_1126] {strides = array<i32>} : memref<128x256xf32, #tpu.memory_space<vmem>>, vector<16xf32>,
      %get3A_1128 = arith.index_cast %add3A_973 : i32 to index
      %get3A_1129 = arith.constant 80 : index
      %get3A_1130 = tpu.vector_load %arg13[%get3A_1128, %get3A_1129] {strides = array<i32>} : memref<128x256xf32, #tpu.memory_space<vmem>>, vector<16xf32>,
      %get3A_1131 = arith.index_cast %add3A_973 : i32 to index
      %get3A_1132 = arith.constant 208 : index
      %get3A_1133 = tpu.vector_load %arg13[%get3A_1131, %get3A_1132] {strides = array<i32>} : memref<128x256xf32, #tpu.memory_space<vmem>>, vector<16xf32>,
      %mul3A_1134 = arith.mulf %get3A_1124, %get3A_1130 : vector<16xf32>
      %mul3A_1135 = arith.mulf %get3A_1127, %get3A_1133 : vector<16xf32>
      %add3A_1136 = arith.addf %mul3A_1134, %mul3A_1135 : vector<16xf32>
      %mul3A_1137 = arith.mulf %get3A_1118, %add3A_1136 : vector<16xf32>
      %add3A_1138 = arith.addf %add3A_1115, %mul3A_1137 : vector<16xf32>
      %mul3A_1139 = arith.mulf %get3A_1124, %get3A_1133 : vector<16xf32>
      %mul3A_1140 = arith.mulf %get3A_1127, %get3A_1130 : vector<16xf32>
      %sub3A_1141 = arith.subf %mul3A_1139, %mul3A_1140 : vector<16xf32>
      %mul3A_1142 = arith.mulf %get3A_1121, %sub3A_1141 : vector<16xf32>
      %add3A_1143 = arith.addf %add3A_1138, %mul3A_1142 : vector<16xf32>
      %get3A_1144 = arith.index_cast %add3A_973 : i32 to index
      %get3A_1145 = arith.constant 96 : index
      %get3A_1146 = tpu.vector_load %arg11[%get3A_1144, %get3A_1145] {strides = array<i32>} : memref<128x256xf32, #tpu.memory_space<vmem>>, vector<16xf32>,
      %get3A_1147 = arith.index_cast %add3A_973 : i32 to index
      %get3A_1148 = arith.constant 224 : index
      %get3A_1149 = tpu.vector_load %arg11[%get3A_1147, %get3A_1148] {strides = array<i32>} : memref<128x256xf32, #tpu.memory_space<vmem>>, vector<16xf32>,
      %get3A_1150 = arith.index_cast %add3A_973 : i32 to index
      %get3A_1151 = arith.constant 96 : index
      %get3A_1152 = tpu.vector_load %arg12[%get3A_1150, %get3A_1151] {strides = array<i32>} : memref<128x256xf32, #tpu.memory_space<vmem>>, vector<16xf32>,
      %get3A_1153 = arith.index_cast %add3A_973 : i32 to index
      %get3A_1154 = arith.constant 224 : index
      %get3A_1155 = tpu.vector_load %arg12[%get3A_1153, %get3A_1154] {strides = array<i32>} : memref<128x256xf32, #tpu.memory_space<vmem>>, vector<16xf32>,
      %get3A_1156 = arith.index_cast %add3A_973 : i32 to index
      %get3A_1157 = arith.constant 96 : index
      %get3A_1158 = tpu.vector_load %arg13[%get3A_1156, %get3A_1157] {strides = array<i32>} : memref<128x256xf32, #tpu.memory_space<vmem>>, vector<16xf32>,
      %get3A_1159 = arith.index_cast %add3A_973 : i32 to index
      %get3A_1160 = arith.constant 224 : index
      %get3A_1161 = tpu.vector_load %arg13[%get3A_1159, %get3A_1160] {strides = array<i32>} : memref<128x256xf32, #tpu.memory_space<vmem>>, vector<16xf32>,
      %mul3A_1162 = arith.mulf %get3A_1152, %get3A_1158 : vector<16xf32>
      %mul3A_1163 = arith.mulf %get3A_1155, %get3A_1161 : vector<16xf32>
      %add3A_1164 = arith.addf %mul3A_1162, %mul3A_1163 : vector<16xf32>
      %mul3A_1165 = arith.mulf %get3A_1146, %add3A_1164 : vector<16xf32>
      %add3A_1166 = arith.addf %add3A_1143, %mul3A_1165 : vector<16xf32>
      %mul3A_1167 = arith.mulf %get3A_1152, %get3A_1161 : vector<16xf32>
      %mul3A_1168 = arith.mulf %get3A_1155, %get3A_1158 : vector<16xf32>
      %sub3A_1169 = arith.subf %mul3A_1167, %mul3A_1168 : vector<16xf32>
      %mul3A_1170 = arith.mulf %get3A_1149, %sub3A_1169 : vector<16xf32>
      %add3A_1171 = arith.addf %add3A_1166, %mul3A_1170 : vector<16xf32>
      %get3A_1172 = arith.index_cast %add3A_973 : i32 to index
      %get3A_1173 = arith.constant 112 : index
      %get3A_1174 = tpu.vector_load %arg11[%get3A_1172, %get3A_1173] {strides = array<i32>} : memref<128x256xf32, #tpu.memory_space<vmem>>, vector<16xf32>,
      %get3A_1175 = arith.index_cast %add3A_973 : i32 to index
      %get3A_1176 = arith.constant 240 : index
      %get3A_1177 = tpu.vector_load %arg11[%get3A_1175, %get3A_1176] {strides = array<i32>} : memref<128x256xf32, #tpu.memory_space<vmem>>, vector<16xf32>,
      %get3A_1178 = arith.index_cast %add3A_973 : i32 to index
      %get3A_1179 = arith.constant 112 : index
      %get3A_1180 = tpu.vector_load %arg12[%get3A_1178, %get3A_1179] {strides = array<i32>} : memref<128x256xf32, #tpu.memory_space<vmem>>, vector<16xf32>,
      %get3A_1181 = arith.index_cast %add3A_973 : i32 to index
      %get3A_1182 = arith.constant 240 : index
      %get3A_1183 = tpu.vector_load %arg12[%get3A_1181, %get3A_1182] {strides = array<i32>} : memref<128x256xf32, #tpu.memory_space<vmem>>, vector<16xf32>,
      %get3A_1184 = arith.index_cast %add3A_973 : i32 to index
      %get3A_1185 = arith.constant 112 : index
      %get3A_1186 = tpu.vector_load %arg13[%get3A_1184, %get3A_1185] {strides = array<i32>} : memref<128x256xf32, #tpu.memory_space<vmem>>, vector<16xf32>,
      %get3A_1187 = arith.index_cast %add3A_973 : i32 to index
      %get3A_1188 = arith.constant 240 : index
      %get3A_1189 = tpu.vector_load %arg13[%get3A_1187, %get3A_1188] {strides = array<i32>} : memref<128x256xf32, #tpu.memory_space<vmem>>, vector<16xf32>,
      %mul3A_1190 = arith.mulf %get3A_1180, %get3A_1186 : vector<16xf32>
      %mul3A_1191 = arith.mulf %get3A_1183, %get3A_1189 : vector<16xf32>
      %add3A_1192 = arith.addf %mul3A_1190, %mul3A_1191 : vector<16xf32>
      %mul3A_1193 = arith.mulf %get3A_1174, %add3A_1192 : vector<16xf32>
      %add3A_1194 = arith.addf %add3A_1171, %mul3A_1193 : vector<16xf32>
      %mul3A_1195 = arith.mulf %get3A_1180, %get3A_1189 : vector<16xf32>
      %mul3A_1196 = arith.mulf %get3A_1183, %get3A_1186 : vector<16xf32>
      %sub3A_1197 = arith.subf %mul3A_1195, %mul3A_1196 : vector<16xf32>
      %mul3A_1198 = arith.mulf %get3A_1177, %sub3A_1197 : vector<16xf32>
      %add3A_1199 = arith.addf %add3A_1194, %mul3A_1198 : vector<16xf32>
      %reduce_sum3A_1200 = arith.constant true
      %reduce_sum3A_1201 = vector.broadcast %reduce_sum3A_1200 : i1 to vector<16xi1>
      %reduce_sum3A_1202 = tpu.scan <sum>, %add3A_1199 masked %reduce_sum3A_1201 : vector<16xf32>, vector<16xi1> -> vector<16xf32>
      %reduce_sum3A_1203 = vector.extract %reduce_sum3A_1202[15] : f32 from vector<16xf32>
      %eq3A_1204 = arith.constant 4 : i32
      %eq3A_1205 = vector.broadcast %eq3A_1204 : i32 to vector<16xi32>
      %eq3A_1206 = arith.cmpi eq, %iota3A, %eq3A_1205 : vector<16xi32>
      %broadcast_in_dim3A_1207 = vector.broadcast %reduce_sum3A_1203 : f32 to vector<16xf32>
      %select_n3A_1208 = arith.select %eq3A_1206, %broadcast_in_dim3A_1207, %select_n3A_971 : vector<16xi1>, vector<16xf32>
      %add3A_1209 = arith.constant 5 : i32
      %add3A_1210 = arith.addi %add3A_27, %add3A_1209 : i32
      %broadcast_in_dim3A_1211 = arith.constant 0.000000e+00 : f32
      %broadcast_in_dim3A_1212 = vector.broadcast %broadcast_in_dim3A_1211 : f32 to vector<16xf32>
      %get3A_1213 = arith.index_cast %add3A_1210 : i32 to index
      %get3A_1214 = arith.constant 0 : index
      %get3A_1215 = tpu.vector_load %arg11[%get3A_1213, %get3A_1214] {strides = array<i32>} : memref<128x256xf32, #tpu.memory_space<vmem>>, vector<16xf32>,
      %get3A_1216 = arith.index_cast %add3A_1210 : i32 to index
      %get3A_1217 = arith.constant 128 : index
      %get3A_1218 = tpu.vector_load %arg11[%get3A_1216, %get3A_1217] {strides = array<i32>} : memref<128x256xf32, #tpu.memory_space<vmem>>, vector<16xf32>,
      %get3A_1219 = arith.index_cast %add3A_1210 : i32 to index
      %get3A_1220 = arith.constant 0 : index
      %get3A_1221 = tpu.vector_load %arg12[%get3A_1219, %get3A_1220] {strides = array<i32>} : memref<128x256xf32, #tpu.memory_space<vmem>>, vector<16xf32>,
      %get3A_1222 = arith.index_cast %add3A_1210 : i32 to index
      %get3A_1223 = arith.constant 128 : index
      %get3A_1224 = tpu.vector_load %arg12[%get3A_1222, %get3A_1223] {strides = array<i32>} : memref<128x256xf32, #tpu.memory_space<vmem>>, vector<16xf32>,
      %get3A_1225 = arith.index_cast %add3A_1210 : i32 to index
      %get3A_1226 = arith.constant 0 : index
      %get3A_1227 = tpu.vector_load %arg13[%get3A_1225, %get3A_1226] {strides = array<i32>} : memref<128x256xf32, #tpu.memory_space<vmem>>, vector<16xf32>,
      %get3A_1228 = arith.index_cast %add3A_1210 : i32 to index
      %get3A_1229 = arith.constant 128 : index
      %get3A_1230 = tpu.vector_load %arg13[%get3A_1228, %get3A_1229] {strides = array<i32>} : memref<128x256xf32, #tpu.memory_space<vmem>>, vector<16xf32>,
      %mul3A_1231 = arith.mulf %get3A_1221, %get3A_1227 : vector<16xf32>
      %mul3A_1232 = arith.mulf %get3A_1224, %get3A_1230 : vector<16xf32>
      %add3A_1233 = arith.addf %mul3A_1231, %mul3A_1232 : vector<16xf32>
      %mul3A_1234 = arith.mulf %get3A_1215, %add3A_1233 : vector<16xf32>
      %add3A_1235 = arith.addf %broadcast_in_dim3A_1212, %mul3A_1234 : vector<16xf32>
      %mul3A_1236 = arith.mulf %get3A_1221, %get3A_1230 : vector<16xf32>
      %mul3A_1237 = arith.mulf %get3A_1224, %get3A_1227 : vector<16xf32>
      %sub3A_1238 = arith.subf %mul3A_1236, %mul3A_1237 : vector<16xf32>
      %mul3A_1239 = arith.mulf %get3A_1218, %sub3A_1238 : vector<16xf32>
      %add3A_1240 = arith.addf %add3A_1235, %mul3A_1239 : vector<16xf32>
      %get3A_1241 = arith.index_cast %add3A_1210 : i32 to index
      %get3A_1242 = arith.constant 16 : index
      %get3A_1243 = tpu.vector_load %arg11[%get3A_1241, %get3A_1242] {strides = array<i32>} : memref<128x256xf32, #tpu.memory_space<vmem>>, vector<16xf32>,
      %get3A_1244 = arith.index_cast %add3A_1210 : i32 to index
      %get3A_1245 = arith.constant 144 : index
      %get3A_1246 = tpu.vector_load %arg11[%get3A_1244, %get3A_1245] {strides = array<i32>} : memref<128x256xf32, #tpu.memory_space<vmem>>, vector<16xf32>,
      %get3A_1247 = arith.index_cast %add3A_1210 : i32 to index
      %get3A_1248 = arith.constant 16 : index
      %get3A_1249 = tpu.vector_load %arg12[%get3A_1247, %get3A_1248] {strides = array<i32>} : memref<128x256xf32, #tpu.memory_space<vmem>>, vector<16xf32>,
      %get3A_1250 = arith.index_cast %add3A_1210 : i32 to index
      %get3A_1251 = arith.constant 144 : index
      %get3A_1252 = tpu.vector_load %arg12[%get3A_1250, %get3A_1251] {strides = array<i32>} : memref<128x256xf32, #tpu.memory_space<vmem>>, vector<16xf32>,
      %get3A_1253 = arith.index_cast %add3A_1210 : i32 to index
      %get3A_1254 = arith.constant 16 : index
      %get3A_1255 = tpu.vector_load %arg13[%get3A_1253, %get3A_1254] {strides = array<i32>} : memref<128x256xf32, #tpu.memory_space<vmem>>, vector<16xf32>,
      %get3A_1256 = arith.index_cast %add3A_1210 : i32 to index
      %get3A_1257 = arith.constant 144 : index
      %get3A_1258 = tpu.vector_load %arg13[%get3A_1256, %get3A_1257] {strides = array<i32>} : memref<128x256xf32, #tpu.memory_space<vmem>>, vector<16xf32>,
      %mul3A_1259 = arith.mulf %get3A_1249, %get3A_1255 : vector<16xf32>
      %mul3A_1260 = arith.mulf %get3A_1252, %get3A_1258 : vector<16xf32>
      %add3A_1261 = arith.addf %mul3A_1259, %mul3A_1260 : vector<16xf32>
      %mul3A_1262 = arith.mulf %get3A_1243, %add3A_1261 : vector<16xf32>
      %add3A_1263 = arith.addf %add3A_1240, %mul3A_1262 : vector<16xf32>
      %mul3A_1264 = arith.mulf %get3A_1249, %get3A_1258 : vector<16xf32>
      %mul3A_1265 = arith.mulf %get3A_1252, %get3A_1255 : vector<16xf32>
      %sub3A_1266 = arith.subf %mul3A_1264, %mul3A_1265 : vector<16xf32>
      %mul3A_1267 = arith.mulf %get3A_1246, %sub3A_1266 : vector<16xf32>
      %add3A_1268 = arith.addf %add3A_1263, %mul3A_1267 : vector<16xf32>
      %get3A_1269 = arith.index_cast %add3A_1210 : i32 to index
      %get3A_1270 = arith.constant 32 : index
      %get3A_1271 = tpu.vector_load %arg11[%get3A_1269, %get3A_1270] {strides = array<i32>} : memref<128x256xf32, #tpu.memory_space<vmem>>, vector<16xf32>,
      %get3A_1272 = arith.index_cast %add3A_1210 : i32 to index
      %get3A_1273 = arith.constant 160 : index
      %get3A_1274 = tpu.vector_load %arg11[%get3A_1272, %get3A_1273] {strides = array<i32>} : memref<128x256xf32, #tpu.memory_space<vmem>>, vector<16xf32>,
      %get3A_1275 = arith.index_cast %add3A_1210 : i32 to index
      %get3A_1276 = arith.constant 32 : index
      %get3A_1277 = tpu.vector_load %arg12[%get3A_1275, %get3A_1276] {strides = array<i32>} : memref<128x256xf32, #tpu.memory_space<vmem>>, vector<16xf32>,
      %get3A_1278 = arith.index_cast %add3A_1210 : i32 to index
      %get3A_1279 = arith.constant 160 : index
      %get3A_1280 = tpu.vector_load %arg12[%get3A_1278, %get3A_1279] {strides = array<i32>} : memref<128x256xf32, #tpu.memory_space<vmem>>, vector<16xf32>,
      %get3A_1281 = arith.index_cast %add3A_1210 : i32 to index
      %get3A_1282 = arith.constant 32 : index
      %get3A_1283 = tpu.vector_load %arg13[%get3A_1281, %get3A_1282] {strides = array<i32>} : memref<128x256xf32, #tpu.memory_space<vmem>>, vector<16xf32>,
      %get3A_1284 = arith.index_cast %add3A_1210 : i32 to index
      %get3A_1285 = arith.constant 160 : index
      %get3A_1286 = tpu.vector_load %arg13[%get3A_1284, %get3A_1285] {strides = array<i32>} : memref<128x256xf32, #tpu.memory_space<vmem>>, vector<16xf32>,
      %mul3A_1287 = arith.mulf %get3A_1277, %get3A_1283 : vector<16xf32>
      %mul3A_1288 = arith.mulf %get3A_1280, %get3A_1286 : vector<16xf32>
      %add3A_1289 = arith.addf %mul3A_1287, %mul3A_1288 : vector<16xf32>
      %mul3A_1290 = arith.mulf %get3A_1271, %add3A_1289 : vector<16xf32>
      %add3A_1291 = arith.addf %add3A_1268, %mul3A_1290 : vector<16xf32>
      %mul3A_1292 = arith.mulf %get3A_1277, %get3A_1286 : vector<16xf32>
      %mul3A_1293 = arith.mulf %get3A_1280, %get3A_1283 : vector<16xf32>
      %sub3A_1294 = arith.subf %mul3A_1292, %mul3A_1293 : vector<16xf32>
      %mul3A_1295 = arith.mulf %get3A_1274, %sub3A_1294 : vector<16xf32>
      %add3A_1296 = arith.addf %add3A_1291, %mul3A_1295 : vector<16xf32>
      %get3A_1297 = arith.index_cast %add3A_1210 : i32 to index
      %get3A_1298 = arith.constant 48 : index
      %get3A_1299 = tpu.vector_load %arg11[%get3A_1297, %get3A_1298] {strides = array<i32>} : memref<128x256xf32, #tpu.memory_space<vmem>>, vector<16xf32>,
      %get3A_1300 = arith.index_cast %add3A_1210 : i32 to index
      %get3A_1301 = arith.constant 176 : index
      %get3A_1302 = tpu.vector_load %arg11[%get3A_1300, %get3A_1301] {strides = array<i32>} : memref<128x256xf32, #tpu.memory_space<vmem>>, vector<16xf32>,
      %get3A_1303 = arith.index_cast %add3A_1210 : i32 to index
      %get3A_1304 = arith.constant 48 : index
      %get3A_1305 = tpu.vector_load %arg12[%get3A_1303, %get3A_1304] {strides = array<i32>} : memref<128x256xf32, #tpu.memory_space<vmem>>, vector<16xf32>,
      %get3A_1306 = arith.index_cast %add3A_1210 : i32 to index
      %get3A_1307 = arith.constant 176 : index
      %get3A_1308 = tpu.vector_load %arg12[%get3A_1306, %get3A_1307] {strides = array<i32>} : memref<128x256xf32, #tpu.memory_space<vmem>>, vector<16xf32>,
      %get3A_1309 = arith.index_cast %add3A_1210 : i32 to index
      %get3A_1310 = arith.constant 48 : index
      %get3A_1311 = tpu.vector_load %arg13[%get3A_1309, %get3A_1310] {strides = array<i32>} : memref<128x256xf32, #tpu.memory_space<vmem>>, vector<16xf32>,
      %get3A_1312 = arith.index_cast %add3A_1210 : i32 to index
      %get3A_1313 = arith.constant 176 : index
      %get3A_1314 = tpu.vector_load %arg13[%get3A_1312, %get3A_1313] {strides = array<i32>} : memref<128x256xf32, #tpu.memory_space<vmem>>, vector<16xf32>,
      %mul3A_1315 = arith.mulf %get3A_1305, %get3A_1311 : vector<16xf32>
      %mul3A_1316 = arith.mulf %get3A_1308, %get3A_1314 : vector<16xf32>
      %add3A_1317 = arith.addf %mul3A_1315, %mul3A_1316 : vector<16xf32>
      %mul3A_1318 = arith.mulf %get3A_1299, %add3A_1317 : vector<16xf32>
      %add3A_1319 = arith.addf %add3A_1296, %mul3A_1318 : vector<16xf32>
      %mul3A_1320 = arith.mulf %get3A_1305, %get3A_1314 : vector<16xf32>
      %mul3A_1321 = arith.mulf %get3A_1308, %get3A_1311 : vector<16xf32>
      %sub3A_1322 = arith.subf %mul3A_1320, %mul3A_1321 : vector<16xf32>
      %mul3A_1323 = arith.mulf %get3A_1302, %sub3A_1322 : vector<16xf32>
      %add3A_1324 = arith.addf %add3A_1319, %mul3A_1323 : vector<16xf32>
      %get3A_1325 = arith.index_cast %add3A_1210 : i32 to index
      %get3A_1326 = arith.constant 64 : index
      %get3A_1327 = tpu.vector_load %arg11[%get3A_1325, %get3A_1326] {strides = array<i32>} : memref<128x256xf32, #tpu.memory_space<vmem>>, vector<16xf32>,
      %get3A_1328 = arith.index_cast %add3A_1210 : i32 to index
      %get3A_1329 = arith.constant 192 : index
      %get3A_1330 = tpu.vector_load %arg11[%get3A_1328, %get3A_1329] {strides = array<i32>} : memref<128x256xf32, #tpu.memory_space<vmem>>, vector<16xf32>,
      %get3A_1331 = arith.index_cast %add3A_1210 : i32 to index
      %get3A_1332 = arith.constant 64 : index
      %get3A_1333 = tpu.vector_load %arg12[%get3A_1331, %get3A_1332] {strides = array<i32>} : memref<128x256xf32, #tpu.memory_space<vmem>>, vector<16xf32>,
      %get3A_1334 = arith.index_cast %add3A_1210 : i32 to index
      %get3A_1335 = arith.constant 192 : index
      %get3A_1336 = tpu.vector_load %arg12[%get3A_1334, %get3A_1335] {strides = array<i32>} : memref<128x256xf32, #tpu.memory_space<vmem>>, vector<16xf32>,
      %get3A_1337 = arith.index_cast %add3A_1210 : i32 to index
      %get3A_1338 = arith.constant 64 : index
      %get3A_1339 = tpu.vector_load %arg13[%get3A_1337, %get3A_1338] {strides = array<i32>} : memref<128x256xf32, #tpu.memory_space<vmem>>, vector<16xf32>,
      %get3A_1340 = arith.index_cast %add3A_1210 : i32 to index
      %get3A_1341 = arith.constant 192 : index
      %get3A_1342 = tpu.vector_load %arg13[%get3A_1340, %get3A_1341] {strides = array<i32>} : memref<128x256xf32, #tpu.memory_space<vmem>>, vector<16xf32>,
      %mul3A_1343 = arith.mulf %get3A_1333, %get3A_1339 : vector<16xf32>
      %mul3A_1344 = arith.mulf %get3A_1336, %get3A_1342 : vector<16xf32>
      %add3A_1345 = arith.addf %mul3A_1343, %mul3A_1344 : vector<16xf32>
      %mul3A_1346 = arith.mulf %get3A_1327, %add3A_1345 : vector<16xf32>
      %add3A_1347 = arith.addf %add3A_1324, %mul3A_1346 : vector<16xf32>
      %mul3A_1348 = arith.mulf %get3A_1333, %get3A_1342 : vector<16xf32>
      %mul3A_1349 = arith.mulf %get3A_1336, %get3A_1339 : vector<16xf32>
      %sub3A_1350 = arith.subf %mul3A_1348, %mul3A_1349 : vector<16xf32>
      %mul3A_1351 = arith.mulf %get3A_1330, %sub3A_1350 : vector<16xf32>
      %add3A_1352 = arith.addf %add3A_1347, %mul3A_1351 : vector<16xf32>
      %get3A_1353 = arith.index_cast %add3A_1210 : i32 to index
      %get3A_1354 = arith.constant 80 : index
      %get3A_1355 = tpu.vector_load %arg11[%get3A_1353, %get3A_1354] {strides = array<i32>} : memref<128x256xf32, #tpu.memory_space<vmem>>, vector<16xf32>,
      %get3A_1356 = arith.index_cast %add3A_1210 : i32 to index
      %get3A_1357 = arith.constant 208 : index
      %get3A_1358 = tpu.vector_load %arg11[%get3A_1356, %get3A_1357] {strides = array<i32>} : memref<128x256xf32, #tpu.memory_space<vmem>>, vector<16xf32>,
      %get3A_1359 = arith.index_cast %add3A_1210 : i32 to index
      %get3A_1360 = arith.constant 80 : index
      %get3A_1361 = tpu.vector_load %arg12[%get3A_1359, %get3A_1360] {strides = array<i32>} : memref<128x256xf32, #tpu.memory_space<vmem>>, vector<16xf32>,
      %get3A_1362 = arith.index_cast %add3A_1210 : i32 to index
      %get3A_1363 = arith.constant 208 : index
      %get3A_1364 = tpu.vector_load %arg12[%get3A_1362, %get3A_1363] {strides = array<i32>} : memref<128x256xf32, #tpu.memory_space<vmem>>, vector<16xf32>,
      %get3A_1365 = arith.index_cast %add3A_1210 : i32 to index
      %get3A_1366 = arith.constant 80 : index
      %get3A_1367 = tpu.vector_load %arg13[%get3A_1365, %get3A_1366] {strides = array<i32>} : memref<128x256xf32, #tpu.memory_space<vmem>>, vector<16xf32>,
      %get3A_1368 = arith.index_cast %add3A_1210 : i32 to index
      %get3A_1369 = arith.constant 208 : index
      %get3A_1370 = tpu.vector_load %arg13[%get3A_1368, %get3A_1369] {strides = array<i32>} : memref<128x256xf32, #tpu.memory_space<vmem>>, vector<16xf32>,
      %mul3A_1371 = arith.mulf %get3A_1361, %get3A_1367 : vector<16xf32>
      %mul3A_1372 = arith.mulf %get3A_1364, %get3A_1370 : vector<16xf32>
      %add3A_1373 = arith.addf %mul3A_1371, %mul3A_1372 : vector<16xf32>
      %mul3A_1374 = arith.mulf %get3A_1355, %add3A_1373 : vector<16xf32>
      %add3A_1375 = arith.addf %add3A_1352, %mul3A_1374 : vector<16xf32>
      %mul3A_1376 = arith.mulf %get3A_1361, %get3A_1370 : vector<16xf32>
      %mul3A_1377 = arith.mulf %get3A_1364, %get3A_1367 : vector<16xf32>
      %sub3A_1378 = arith.subf %mul3A_1376, %mul3A_1377 : vector<16xf32>
      %mul3A_1379 = arith.mulf %get3A_1358, %sub3A_1378 : vector<16xf32>
      %add3A_1380 = arith.addf %add3A_1375, %mul3A_1379 : vector<16xf32>
      %get3A_1381 = arith.index_cast %add3A_1210 : i32 to index
      %get3A_1382 = arith.constant 96 : index
      %get3A_1383 = tpu.vector_load %arg11[%get3A_1381, %get3A_1382] {strides = array<i32>} : memref<128x256xf32, #tpu.memory_space<vmem>>, vector<16xf32>,
      %get3A_1384 = arith.index_cast %add3A_1210 : i32 to index
      %get3A_1385 = arith.constant 224 : index
      %get3A_1386 = tpu.vector_load %arg11[%get3A_1384, %get3A_1385] {strides = array<i32>} : memref<128x256xf32, #tpu.memory_space<vmem>>, vector<16xf32>,
      %get3A_1387 = arith.index_cast %add3A_1210 : i32 to index
      %get3A_1388 = arith.constant 96 : index
      %get3A_1389 = tpu.vector_load %arg12[%get3A_1387, %get3A_1388] {strides = array<i32>} : memref<128x256xf32, #tpu.memory_space<vmem>>, vector<16xf32>,
      %get3A_1390 = arith.index_cast %add3A_1210 : i32 to index
      %get3A_1391 = arith.constant 224 : index
      %get3A_1392 = tpu.vector_load %arg12[%get3A_1390, %get3A_1391] {strides = array<i32>} : memref<128x256xf32, #tpu.memory_space<vmem>>, vector<16xf32>,
      %get3A_1393 = arith.index_cast %add3A_1210 : i32 to index
      %get3A_1394 = arith.constant 96 : index
      %get3A_1395 = tpu.vector_load %arg13[%get3A_1393, %get3A_1394] {strides = array<i32>} : memref<128x256xf32, #tpu.memory_space<vmem>>, vector<16xf32>,
      %get3A_1396 = arith.index_cast %add3A_1210 : i32 to index
      %get3A_1397 = arith.constant 224 : index
      %get3A_1398 = tpu.vector_load %arg13[%get3A_1396, %get3A_1397] {strides = array<i32>} : memref<128x256xf32, #tpu.memory_space<vmem>>, vector<16xf32>,
      %mul3A_1399 = arith.mulf %get3A_1389, %get3A_1395 : vector<16xf32>
      %mul3A_1400 = arith.mulf %get3A_1392, %get3A_1398 : vector<16xf32>
      %add3A_1401 = arith.addf %mul3A_1399, %mul3A_1400 : vector<16xf32>
      %mul3A_1402 = arith.mulf %get3A_1383, %add3A_1401 : vector<16xf32>
      %add3A_1403 = arith.addf %add3A_1380, %mul3A_1402 : vector<16xf32>
      %mul3A_1404 = arith.mulf %get3A_1389, %get3A_1398 : vector<16xf32>
      %mul3A_1405 = arith.mulf %get3A_1392, %get3A_1395 : vector<16xf32>
      %sub3A_1406 = arith.subf %mul3A_1404, %mul3A_1405 : vector<16xf32>
      %mul3A_1407 = arith.mulf %get3A_1386, %sub3A_1406 : vector<16xf32>
      %add3A_1408 = arith.addf %add3A_1403, %mul3A_1407 : vector<16xf32>
      %get3A_1409 = arith.index_cast %add3A_1210 : i32 to index
      %get3A_1410 = arith.constant 112 : index
      %get3A_1411 = tpu.vector_load %arg11[%get3A_1409, %get3A_1410] {strides = array<i32>} : memref<128x256xf32, #tpu.memory_space<vmem>>, vector<16xf32>,
      %get3A_1412 = arith.index_cast %add3A_1210 : i32 to index
      %get3A_1413 = arith.constant 240 : index
      %get3A_1414 = tpu.vector_load %arg11[%get3A_1412, %get3A_1413] {strides = array<i32>} : memref<128x256xf32, #tpu.memory_space<vmem>>, vector<16xf32>,
      %get3A_1415 = arith.index_cast %add3A_1210 : i32 to index
      %get3A_1416 = arith.constant 112 : index
      %get3A_1417 = tpu.vector_load %arg12[%get3A_1415, %get3A_1416] {strides = array<i32>} : memref<128x256xf32, #tpu.memory_space<vmem>>, vector<16xf32>,
      %get3A_1418 = arith.index_cast %add3A_1210 : i32 to index
      %get3A_1419 = arith.constant 240 : index
      %get3A_1420 = tpu.vector_load %arg12[%get3A_1418, %get3A_1419] {strides = array<i32>} : memref<128x256xf32, #tpu.memory_space<vmem>>, vector<16xf32>,
      %get3A_1421 = arith.index_cast %add3A_1210 : i32 to index
      %get3A_1422 = arith.constant 112 : index
      %get3A_1423 = tpu.vector_load %arg13[%get3A_1421, %get3A_1422] {strides = array<i32>} : memref<128x256xf32, #tpu.memory_space<vmem>>, vector<16xf32>,
      %get3A_1424 = arith.index_cast %add3A_1210 : i32 to index
      %get3A_1425 = arith.constant 240 : index
      %get3A_1426 = tpu.vector_load %arg13[%get3A_1424, %get3A_1425] {strides = array<i32>} : memref<128x256xf32, #tpu.memory_space<vmem>>, vector<16xf32>,
      %mul3A_1427 = arith.mulf %get3A_1417, %get3A_1423 : vector<16xf32>
      %mul3A_1428 = arith.mulf %get3A_1420, %get3A_1426 : vector<16xf32>
      %add3A_1429 = arith.addf %mul3A_1427, %mul3A_1428 : vector<16xf32>
      %mul3A_1430 = arith.mulf %get3A_1411, %add3A_1429 : vector<16xf32>
      %add3A_1431 = arith.addf %add3A_1408, %mul3A_1430 : vector<16xf32>
      %mul3A_1432 = arith.mulf %get3A_1417, %get3A_1426 : vector<16xf32>
      %mul3A_1433 = arith.mulf %get3A_1420, %get3A_1423 : vector<16xf32>
      %sub3A_1434 = arith.subf %mul3A_1432, %mul3A_1433 : vector<16xf32>
      %mul3A_1435 = arith.mulf %get3A_1414, %sub3A_1434 : vector<16xf32>
      %add3A_1436 = arith.addf %add3A_1431, %mul3A_1435 : vector<16xf32>
      %reduce_sum3A_1437 = arith.constant true
      %reduce_sum3A_1438 = vector.broadcast %reduce_sum3A_1437 : i1 to vector<16xi1>
      %reduce_sum3A_1439 = tpu.scan <sum>, %add3A_1436 masked %reduce_sum3A_1438 : vector<16xf32>, vector<16xi1> -> vector<16xf32>
      %reduce_sum3A_1440 = vector.extract %reduce_sum3A_1439[15] : f32 from vector<16xf32>
      %eq3A_1441 = arith.constant 5 : i32
      %eq3A_1442 = vector.broadcast %eq3A_1441 : i32 to vector<16xi32>
      %eq3A_1443 = arith.cmpi eq, %iota3A, %eq3A_1442 : vector<16xi32>
      %broadcast_in_dim3A_1444 = vector.broadcast %reduce_sum3A_1440 : f32 to vector<16xf32>
      %select_n3A_1445 = arith.select %eq3A_1443, %broadcast_in_dim3A_1444, %select_n3A_1208 : vector<16xi1>, vector<16xf32>
      %add3A_1446 = arith.constant 6 : i32
      %add3A_1447 = arith.addi %add3A_27, %add3A_1446 : i32
      %broadcast_in_dim3A_1448 = arith.constant 0.000000e+00 : f32
      %broadcast_in_dim3A_1449 = vector.broadcast %broadcast_in_dim3A_1448 : f32 to vector<16xf32>
      %get3A_1450 = arith.index_cast %add3A_1447 : i32 to index
      %get3A_1451 = arith.constant 0 : index
      %get3A_1452 = tpu.vector_load %arg11[%get3A_1450, %get3A_1451] {strides = array<i32>} : memref<128x256xf32, #tpu.memory_space<vmem>>, vector<16xf32>,
      %get3A_1453 = arith.index_cast %add3A_1447 : i32 to index
      %get3A_1454 = arith.constant 128 : index
      %get3A_1455 = tpu.vector_load %arg11[%get3A_1453, %get3A_1454] {strides = array<i32>} : memref<128x256xf32, #tpu.memory_space<vmem>>, vector<16xf32>,
      %get3A_1456 = arith.index_cast %add3A_1447 : i32 to index
      %get3A_1457 = arith.constant 0 : index
      %get3A_1458 = tpu.vector_load %arg12[%get3A_1456, %get3A_1457] {strides = array<i32>} : memref<128x256xf32, #tpu.memory_space<vmem>>, vector<16xf32>,
      %get3A_1459 = arith.index_cast %add3A_1447 : i32 to index
      %get3A_1460 = arith.constant 128 : index
      %get3A_1461 = tpu.vector_load %arg12[%get3A_1459, %get3A_1460] {strides = array<i32>} : memref<128x256xf32, #tpu.memory_space<vmem>>, vector<16xf32>,
      %get3A_1462 = arith.index_cast %add3A_1447 : i32 to index
      %get3A_1463 = arith.constant 0 : index
      %get3A_1464 = tpu.vector_load %arg13[%get3A_1462, %get3A_1463] {strides = array<i32>} : memref<128x256xf32, #tpu.memory_space<vmem>>, vector<16xf32>,
      %get3A_1465 = arith.index_cast %add3A_1447 : i32 to index
      %get3A_1466 = arith.constant 128 : index
      %get3A_1467 = tpu.vector_load %arg13[%get3A_1465, %get3A_1466] {strides = array<i32>} : memref<128x256xf32, #tpu.memory_space<vmem>>, vector<16xf32>,
      %mul3A_1468 = arith.mulf %get3A_1458, %get3A_1464 : vector<16xf32>
      %mul3A_1469 = arith.mulf %get3A_1461, %get3A_1467 : vector<16xf32>
      %add3A_1470 = arith.addf %mul3A_1468, %mul3A_1469 : vector<16xf32>
      %mul3A_1471 = arith.mulf %get3A_1452, %add3A_1470 : vector<16xf32>
      %add3A_1472 = arith.addf %broadcast_in_dim3A_1449, %mul3A_1471 : vector<16xf32>
      %mul3A_1473 = arith.mulf %get3A_1458, %get3A_1467 : vector<16xf32>
      %mul3A_1474 = arith.mulf %get3A_1461, %get3A_1464 : vector<16xf32>
      %sub3A_1475 = arith.subf %mul3A_1473, %mul3A_1474 : vector<16xf32>
      %mul3A_1476 = arith.mulf %get3A_1455, %sub3A_1475 : vector<16xf32>
      %add3A_1477 = arith.addf %add3A_1472, %mul3A_1476 : vector<16xf32>
      %get3A_1478 = arith.index_cast %add3A_1447 : i32 to index
      %get3A_1479 = arith.constant 16 : index
      %get3A_1480 = tpu.vector_load %arg11[%get3A_1478, %get3A_1479] {strides = array<i32>} : memref<128x256xf32, #tpu.memory_space<vmem>>, vector<16xf32>,
      %get3A_1481 = arith.index_cast %add3A_1447 : i32 to index
      %get3A_1482 = arith.constant 144 : index
      %get3A_1483 = tpu.vector_load %arg11[%get3A_1481, %get3A_1482] {strides = array<i32>} : memref<128x256xf32, #tpu.memory_space<vmem>>, vector<16xf32>,
      %get3A_1484 = arith.index_cast %add3A_1447 : i32 to index
      %get3A_1485 = arith.constant 16 : index
      %get3A_1486 = tpu.vector_load %arg12[%get3A_1484, %get3A_1485] {strides = array<i32>} : memref<128x256xf32, #tpu.memory_space<vmem>>, vector<16xf32>,
      %get3A_1487 = arith.index_cast %add3A_1447 : i32 to index
      %get3A_1488 = arith.constant 144 : index
      %get3A_1489 = tpu.vector_load %arg12[%get3A_1487, %get3A_1488] {strides = array<i32>} : memref<128x256xf32, #tpu.memory_space<vmem>>, vector<16xf32>,
      %get3A_1490 = arith.index_cast %add3A_1447 : i32 to index
      %get3A_1491 = arith.constant 16 : index
      %get3A_1492 = tpu.vector_load %arg13[%get3A_1490, %get3A_1491] {strides = array<i32>} : memref<128x256xf32, #tpu.memory_space<vmem>>, vector<16xf32>,
      %get3A_1493 = arith.index_cast %add3A_1447 : i32 to index
      %get3A_1494 = arith.constant 144 : index
      %get3A_1495 = tpu.vector_load %arg13[%get3A_1493, %get3A_1494] {strides = array<i32>} : memref<128x256xf32, #tpu.memory_space<vmem>>, vector<16xf32>,
      %mul3A_1496 = arith.mulf %get3A_1486, %get3A_1492 : vector<16xf32>
      %mul3A_1497 = arith.mulf %get3A_1489, %get3A_1495 : vector<16xf32>
      %add3A_1498 = arith.addf %mul3A_1496, %mul3A_1497 : vector<16xf32>
      %mul3A_1499 = arith.mulf %get3A_1480, %add3A_1498 : vector<16xf32>
      %add3A_1500 = arith.addf %add3A_1477, %mul3A_1499 : vector<16xf32>
      %mul3A_1501 = arith.mulf %get3A_1486, %get3A_1495 : vector<16xf32>
      %mul3A_1502 = arith.mulf %get3A_1489, %get3A_1492 : vector<16xf32>
      %sub3A_1503 = arith.subf %mul3A_1501, %mul3A_1502 : vector<16xf32>
      %mul3A_1504 = arith.mulf %get3A_1483, %sub3A_1503 : vector<16xf32>
      %add3A_1505 = arith.addf %add3A_1500, %mul3A_1504 : vector<16xf32>
      %get3A_1506 = arith.index_cast %add3A_1447 : i32 to index
      %get3A_1507 = arith.constant 32 : index
      %get3A_1508 = tpu.vector_load %arg11[%get3A_1506, %get3A_1507] {strides = array<i32>} : memref<128x256xf32, #tpu.memory_space<vmem>>, vector<16xf32>,
      %get3A_1509 = arith.index_cast %add3A_1447 : i32 to index
      %get3A_1510 = arith.constant 160 : index
      %get3A_1511 = tpu.vector_load %arg11[%get3A_1509, %get3A_1510] {strides = array<i32>} : memref<128x256xf32, #tpu.memory_space<vmem>>, vector<16xf32>,
      %get3A_1512 = arith.index_cast %add3A_1447 : i32 to index
      %get3A_1513 = arith.constant 32 : index
      %get3A_1514 = tpu.vector_load %arg12[%get3A_1512, %get3A_1513] {strides = array<i32>} : memref<128x256xf32, #tpu.memory_space<vmem>>, vector<16xf32>,
      %get3A_1515 = arith.index_cast %add3A_1447 : i32 to index
      %get3A_1516 = arith.constant 160 : index
      %get3A_1517 = tpu.vector_load %arg12[%get3A_1515, %get3A_1516] {strides = array<i32>} : memref<128x256xf32, #tpu.memory_space<vmem>>, vector<16xf32>,
      %get3A_1518 = arith.index_cast %add3A_1447 : i32 to index
      %get3A_1519 = arith.constant 32 : index
      %get3A_1520 = tpu.vector_load %arg13[%get3A_1518, %get3A_1519] {strides = array<i32>} : memref<128x256xf32, #tpu.memory_space<vmem>>, vector<16xf32>,
      %get3A_1521 = arith.index_cast %add3A_1447 : i32 to index
      %get3A_1522 = arith.constant 160 : index
      %get3A_1523 = tpu.vector_load %arg13[%get3A_1521, %get3A_1522] {strides = array<i32>} : memref<128x256xf32, #tpu.memory_space<vmem>>, vector<16xf32>,
      %mul3A_1524 = arith.mulf %get3A_1514, %get3A_1520 : vector<16xf32>
      %mul3A_1525 = arith.mulf %get3A_1517, %get3A_1523 : vector<16xf32>
      %add3A_1526 = arith.addf %mul3A_1524, %mul3A_1525 : vector<16xf32>
      %mul3A_1527 = arith.mulf %get3A_1508, %add3A_1526 : vector<16xf32>
      %add3A_1528 = arith.addf %add3A_1505, %mul3A_1527 : vector<16xf32>
      %mul3A_1529 = arith.mulf %get3A_1514, %get3A_1523 : vector<16xf32>
      %mul3A_1530 = arith.mulf %get3A_1517, %get3A_1520 : vector<16xf32>
      %sub3A_1531 = arith.subf %mul3A_1529, %mul3A_1530 : vector<16xf32>
      %mul3A_1532 = arith.mulf %get3A_1511, %sub3A_1531 : vector<16xf32>
      %add3A_1533 = arith.addf %add3A_1528, %mul3A_1532 : vector<16xf32>
      %get3A_1534 = arith.index_cast %add3A_1447 : i32 to index
      %get3A_1535 = arith.constant 48 : index
      %get3A_1536 = tpu.vector_load %arg11[%get3A_1534, %get3A_1535] {strides = array<i32>} : memref<128x256xf32, #tpu.memory_space<vmem>>, vector<16xf32>,
      %get3A_1537 = arith.index_cast %add3A_1447 : i32 to index
      %get3A_1538 = arith.constant 176 : index
      %get3A_1539 = tpu.vector_load %arg11[%get3A_1537, %get3A_1538] {strides = array<i32>} : memref<128x256xf32, #tpu.memory_space<vmem>>, vector<16xf32>,
      %get3A_1540 = arith.index_cast %add3A_1447 : i32 to index
      %get3A_1541 = arith.constant 48 : index
      %get3A_1542 = tpu.vector_load %arg12[%get3A_1540, %get3A_1541] {strides = array<i32>} : memref<128x256xf32, #tpu.memory_space<vmem>>, vector<16xf32>,
      %get3A_1543 = arith.index_cast %add3A_1447 : i32 to index
      %get3A_1544 = arith.constant 176 : index
      %get3A_1545 = tpu.vector_load %arg12[%get3A_1543, %get3A_1544] {strides = array<i32>} : memref<128x256xf32, #tpu.memory_space<vmem>>, vector<16xf32>,
      %get3A_1546 = arith.index_cast %add3A_1447 : i32 to index
      %get3A_1547 = arith.constant 48 : index
      %get3A_1548 = tpu.vector_load %arg13[%get3A_1546, %get3A_1547] {strides = array<i32>} : memref<128x256xf32, #tpu.memory_space<vmem>>, vector<16xf32>,
      %get3A_1549 = arith.index_cast %add3A_1447 : i32 to index
      %get3A_1550 = arith.constant 176 : index
      %get3A_1551 = tpu.vector_load %arg13[%get3A_1549, %get3A_1550] {strides = array<i32>} : memref<128x256xf32, #tpu.memory_space<vmem>>, vector<16xf32>,
      %mul3A_1552 = arith.mulf %get3A_1542, %get3A_1548 : vector<16xf32>
      %mul3A_1553 = arith.mulf %get3A_1545, %get3A_1551 : vector<16xf32>
      %add3A_1554 = arith.addf %mul3A_1552, %mul3A_1553 : vector<16xf32>
      %mul3A_1555 = arith.mulf %get3A_1536, %add3A_1554 : vector<16xf32>
      %add3A_1556 = arith.addf %add3A_1533, %mul3A_1555 : vector<16xf32>
      %mul3A_1557 = arith.mulf %get3A_1542, %get3A_1551 : vector<16xf32>
      %mul3A_1558 = arith.mulf %get3A_1545, %get3A_1548 : vector<16xf32>
      %sub3A_1559 = arith.subf %mul3A_1557, %mul3A_1558 : vector<16xf32>
      %mul3A_1560 = arith.mulf %get3A_1539, %sub3A_1559 : vector<16xf32>
      %add3A_1561 = arith.addf %add3A_1556, %mul3A_1560 : vector<16xf32>
      %get3A_1562 = arith.index_cast %add3A_1447 : i32 to index
      %get3A_1563 = arith.constant 64 : index
      %get3A_1564 = tpu.vector_load %arg11[%get3A_1562, %get3A_1563] {strides = array<i32>} : memref<128x256xf32, #tpu.memory_space<vmem>>, vector<16xf32>,
      %get3A_1565 = arith.index_cast %add3A_1447 : i32 to index
      %get3A_1566 = arith.constant 192 : index
      %get3A_1567 = tpu.vector_load %arg11[%get3A_1565, %get3A_1566] {strides = array<i32>} : memref<128x256xf32, #tpu.memory_space<vmem>>, vector<16xf32>,
      %get3A_1568 = arith.index_cast %add3A_1447 : i32 to index
      %get3A_1569 = arith.constant 64 : index
      %get3A_1570 = tpu.vector_load %arg12[%get3A_1568, %get3A_1569] {strides = array<i32>} : memref<128x256xf32, #tpu.memory_space<vmem>>, vector<16xf32>,
      %get3A_1571 = arith.index_cast %add3A_1447 : i32 to index
      %get3A_1572 = arith.constant 192 : index
      %get3A_1573 = tpu.vector_load %arg12[%get3A_1571, %get3A_1572] {strides = array<i32>} : memref<128x256xf32, #tpu.memory_space<vmem>>, vector<16xf32>,
      %get3A_1574 = arith.index_cast %add3A_1447 : i32 to index
      %get3A_1575 = arith.constant 64 : index
      %get3A_1576 = tpu.vector_load %arg13[%get3A_1574, %get3A_1575] {strides = array<i32>} : memref<128x256xf32, #tpu.memory_space<vmem>>, vector<16xf32>,
      %get3A_1577 = arith.index_cast %add3A_1447 : i32 to index
      %get3A_1578 = arith.constant 192 : index
      %get3A_1579 = tpu.vector_load %arg13[%get3A_1577, %get3A_1578] {strides = array<i32>} : memref<128x256xf32, #tpu.memory_space<vmem>>, vector<16xf32>,
      %mul3A_1580 = arith.mulf %get3A_1570, %get3A_1576 : vector<16xf32>
      %mul3A_1581 = arith.mulf %get3A_1573, %get3A_1579 : vector<16xf32>
      %add3A_1582 = arith.addf %mul3A_1580, %mul3A_1581 : vector<16xf32>
      %mul3A_1583 = arith.mulf %get3A_1564, %add3A_1582 : vector<16xf32>
      %add3A_1584 = arith.addf %add3A_1561, %mul3A_1583 : vector<16xf32>
      %mul3A_1585 = arith.mulf %get3A_1570, %get3A_1579 : vector<16xf32>
      %mul3A_1586 = arith.mulf %get3A_1573, %get3A_1576 : vector<16xf32>
      %sub3A_1587 = arith.subf %mul3A_1585, %mul3A_1586 : vector<16xf32>
      %mul3A_1588 = arith.mulf %get3A_1567, %sub3A_1587 : vector<16xf32>
      %add3A_1589 = arith.addf %add3A_1584, %mul3A_1588 : vector<16xf32>
      %get3A_1590 = arith.index_cast %add3A_1447 : i32 to index
      %get3A_1591 = arith.constant 80 : index
      %get3A_1592 = tpu.vector_load %arg11[%get3A_1590, %get3A_1591] {strides = array<i32>} : memref<128x256xf32, #tpu.memory_space<vmem>>, vector<16xf32>,
      %get3A_1593 = arith.index_cast %add3A_1447 : i32 to index
      %get3A_1594 = arith.constant 208 : index
      %get3A_1595 = tpu.vector_load %arg11[%get3A_1593, %get3A_1594] {strides = array<i32>} : memref<128x256xf32, #tpu.memory_space<vmem>>, vector<16xf32>,
      %get3A_1596 = arith.index_cast %add3A_1447 : i32 to index
      %get3A_1597 = arith.constant 80 : index
      %get3A_1598 = tpu.vector_load %arg12[%get3A_1596, %get3A_1597] {strides = array<i32>} : memref<128x256xf32, #tpu.memory_space<vmem>>, vector<16xf32>,
      %get3A_1599 = arith.index_cast %add3A_1447 : i32 to index
      %get3A_1600 = arith.constant 208 : index
      %get3A_1601 = tpu.vector_load %arg12[%get3A_1599, %get3A_1600] {strides = array<i32>} : memref<128x256xf32, #tpu.memory_space<vmem>>, vector<16xf32>,
      %get3A_1602 = arith.index_cast %add3A_1447 : i32 to index
      %get3A_1603 = arith.constant 80 : index
      %get3A_1604 = tpu.vector_load %arg13[%get3A_1602, %get3A_1603] {strides = array<i32>} : memref<128x256xf32, #tpu.memory_space<vmem>>, vector<16xf32>,
      %get3A_1605 = arith.index_cast %add3A_1447 : i32 to index
      %get3A_1606 = arith.constant 208 : index
      %get3A_1607 = tpu.vector_load %arg13[%get3A_1605, %get3A_1606] {strides = array<i32>} : memref<128x256xf32, #tpu.memory_space<vmem>>, vector<16xf32>,
      %mul3A_1608 = arith.mulf %get3A_1598, %get3A_1604 : vector<16xf32>
      %mul3A_1609 = arith.mulf %get3A_1601, %get3A_1607 : vector<16xf32>
      %add3A_1610 = arith.addf %mul3A_1608, %mul3A_1609 : vector<16xf32>
      %mul3A_1611 = arith.mulf %get3A_1592, %add3A_1610 : vector<16xf32>
      %add3A_1612 = arith.addf %add3A_1589, %mul3A_1611 : vector<16xf32>
      %mul3A_1613 = arith.mulf %get3A_1598, %get3A_1607 : vector<16xf32>
      %mul3A_1614 = arith.mulf %get3A_1601, %get3A_1604 : vector<16xf32>
      %sub3A_1615 = arith.subf %mul3A_1613, %mul3A_1614 : vector<16xf32>
      %mul3A_1616 = arith.mulf %get3A_1595, %sub3A_1615 : vector<16xf32>
      %add3A_1617 = arith.addf %add3A_1612, %mul3A_1616 : vector<16xf32>
      %get3A_1618 = arith.index_cast %add3A_1447 : i32 to index
      %get3A_1619 = arith.constant 96 : index
      %get3A_1620 = tpu.vector_load %arg11[%get3A_1618, %get3A_1619] {strides = array<i32>} : memref<128x256xf32, #tpu.memory_space<vmem>>, vector<16xf32>,
      %get3A_1621 = arith.index_cast %add3A_1447 : i32 to index
      %get3A_1622 = arith.constant 224 : index
      %get3A_1623 = tpu.vector_load %arg11[%get3A_1621, %get3A_1622] {strides = array<i32>} : memref<128x256xf32, #tpu.memory_space<vmem>>, vector<16xf32>,
      %get3A_1624 = arith.index_cast %add3A_1447 : i32 to index
      %get3A_1625 = arith.constant 96 : index
      %get3A_1626 = tpu.vector_load %arg12[%get3A_1624, %get3A_1625] {strides = array<i32>} : memref<128x256xf32, #tpu.memory_space<vmem>>, vector<16xf32>,
      %get3A_1627 = arith.index_cast %add3A_1447 : i32 to index
      %get3A_1628 = arith.constant 224 : index
      %get3A_1629 = tpu.vector_load %arg12[%get3A_1627, %get3A_1628] {strides = array<i32>} : memref<128x256xf32, #tpu.memory_space<vmem>>, vector<16xf32>,
      %get3A_1630 = arith.index_cast %add3A_1447 : i32 to index
      %get3A_1631 = arith.constant 96 : index
      %get3A_1632 = tpu.vector_load %arg13[%get3A_1630, %get3A_1631] {strides = array<i32>} : memref<128x256xf32, #tpu.memory_space<vmem>>, vector<16xf32>,
      %get3A_1633 = arith.index_cast %add3A_1447 : i32 to index
      %get3A_1634 = arith.constant 224 : index
      %get3A_1635 = tpu.vector_load %arg13[%get3A_1633, %get3A_1634] {strides = array<i32>} : memref<128x256xf32, #tpu.memory_space<vmem>>, vector<16xf32>,
      %mul3A_1636 = arith.mulf %get3A_1626, %get3A_1632 : vector<16xf32>
      %mul3A_1637 = arith.mulf %get3A_1629, %get3A_1635 : vector<16xf32>
      %add3A_1638 = arith.addf %mul3A_1636, %mul3A_1637 : vector<16xf32>
      %mul3A_1639 = arith.mulf %get3A_1620, %add3A_1638 : vector<16xf32>
      %add3A_1640 = arith.addf %add3A_1617, %mul3A_1639 : vector<16xf32>
      %mul3A_1641 = arith.mulf %get3A_1626, %get3A_1635 : vector<16xf32>
      %mul3A_1642 = arith.mulf %get3A_1629, %get3A_1632 : vector<16xf32>
      %sub3A_1643 = arith.subf %mul3A_1641, %mul3A_1642 : vector<16xf32>
      %mul3A_1644 = arith.mulf %get3A_1623, %sub3A_1643 : vector<16xf32>
      %add3A_1645 = arith.addf %add3A_1640, %mul3A_1644 : vector<16xf32>
      %get3A_1646 = arith.index_cast %add3A_1447 : i32 to index
      %get3A_1647 = arith.constant 112 : index
      %get3A_1648 = tpu.vector_load %arg11[%get3A_1646, %get3A_1647] {strides = array<i32>} : memref<128x256xf32, #tpu.memory_space<vmem>>, vector<16xf32>,
      %get3A_1649 = arith.index_cast %add3A_1447 : i32 to index
      %get3A_1650 = arith.constant 240 : index
      %get3A_1651 = tpu.vector_load %arg11[%get3A_1649, %get3A_1650] {strides = array<i32>} : memref<128x256xf32, #tpu.memory_space<vmem>>, vector<16xf32>,
      %get3A_1652 = arith.index_cast %add3A_1447 : i32 to index
      %get3A_1653 = arith.constant 112 : index
      %get3A_1654 = tpu.vector_load %arg12[%get3A_1652, %get3A_1653] {strides = array<i32>} : memref<128x256xf32, #tpu.memory_space<vmem>>, vector<16xf32>,
      %get3A_1655 = arith.index_cast %add3A_1447 : i32 to index
      %get3A_1656 = arith.constant 240 : index
      %get3A_1657 = tpu.vector_load %arg12[%get3A_1655, %get3A_1656] {strides = array<i32>} : memref<128x256xf32, #tpu.memory_space<vmem>>, vector<16xf32>,
      %get3A_1658 = arith.index_cast %add3A_1447 : i32 to index
      %get3A_1659 = arith.constant 112 : index
      %get3A_1660 = tpu.vector_load %arg13[%get3A_1658, %get3A_1659] {strides = array<i32>} : memref<128x256xf32, #tpu.memory_space<vmem>>, vector<16xf32>,
      %get3A_1661 = arith.index_cast %add3A_1447 : i32 to index
      %get3A_1662 = arith.constant 240 : index
      %get3A_1663 = tpu.vector_load %arg13[%get3A_1661, %get3A_1662] {strides = array<i32>} : memref<128x256xf32, #tpu.memory_space<vmem>>, vector<16xf32>,
      %mul3A_1664 = arith.mulf %get3A_1654, %get3A_1660 : vector<16xf32>
      %mul3A_1665 = arith.mulf %get3A_1657, %get3A_1663 : vector<16xf32>
      %add3A_1666 = arith.addf %mul3A_1664, %mul3A_1665 : vector<16xf32>
      %mul3A_1667 = arith.mulf %get3A_1648, %add3A_1666 : vector<16xf32>
      %add3A_1668 = arith.addf %add3A_1645, %mul3A_1667 : vector<16xf32>
      %mul3A_1669 = arith.mulf %get3A_1654, %get3A_1663 : vector<16xf32>
      %mul3A_1670 = arith.mulf %get3A_1657, %get3A_1660 : vector<16xf32>
      %sub3A_1671 = arith.subf %mul3A_1669, %mul3A_1670 : vector<16xf32>
      %mul3A_1672 = arith.mulf %get3A_1651, %sub3A_1671 : vector<16xf32>
      %add3A_1673 = arith.addf %add3A_1668, %mul3A_1672 : vector<16xf32>
      %reduce_sum3A_1674 = arith.constant true
      %reduce_sum3A_1675 = vector.broadcast %reduce_sum3A_1674 : i1 to vector<16xi1>
      %reduce_sum3A_1676 = tpu.scan <sum>, %add3A_1673 masked %reduce_sum3A_1675 : vector<16xf32>, vector<16xi1> -> vector<16xf32>
      %reduce_sum3A_1677 = vector.extract %reduce_sum3A_1676[15] : f32 from vector<16xf32>
      %eq3A_1678 = arith.constant 6 : i32
      %eq3A_1679 = vector.broadcast %eq3A_1678 : i32 to vector<16xi32>
      %eq3A_1680 = arith.cmpi eq, %iota3A, %eq3A_1679 : vector<16xi32>
      %broadcast_in_dim3A_1681 = vector.broadcast %reduce_sum3A_1677 : f32 to vector<16xf32>
      %select_n3A_1682 = arith.select %eq3A_1680, %broadcast_in_dim3A_1681, %select_n3A_1445 : vector<16xi1>, vector<16xf32>
      %add3A_1683 = arith.constant 7 : i32
      %add3A_1684 = arith.addi %add3A_27, %add3A_1683 : i32
      %broadcast_in_dim3A_1685 = arith.constant 0.000000e+00 : f32
      %broadcast_in_dim3A_1686 = vector.broadcast %broadcast_in_dim3A_1685 : f32 to vector<16xf32>
      %get3A_1687 = arith.index_cast %add3A_1684 : i32 to index
      %get3A_1688 = arith.constant 0 : index
      %get3A_1689 = tpu.vector_load %arg11[%get3A_1687, %get3A_1688] {strides = array<i32>} : memref<128x256xf32, #tpu.memory_space<vmem>>, vector<16xf32>,
      %get3A_1690 = arith.index_cast %add3A_1684 : i32 to index
      %get3A_1691 = arith.constant 128 : index
      %get3A_1692 = tpu.vector_load %arg11[%get3A_1690, %get3A_1691] {strides = array<i32>} : memref<128x256xf32, #tpu.memory_space<vmem>>, vector<16xf32>,
      %get3A_1693 = arith.index_cast %add3A_1684 : i32 to index
      %get3A_1694 = arith.constant 0 : index
      %get3A_1695 = tpu.vector_load %arg12[%get3A_1693, %get3A_1694] {strides = array<i32>} : memref<128x256xf32, #tpu.memory_space<vmem>>, vector<16xf32>,
      %get3A_1696 = arith.index_cast %add3A_1684 : i32 to index
      %get3A_1697 = arith.constant 128 : index
      %get3A_1698 = tpu.vector_load %arg12[%get3A_1696, %get3A_1697] {strides = array<i32>} : memref<128x256xf32, #tpu.memory_space<vmem>>, vector<16xf32>,
      %get3A_1699 = arith.index_cast %add3A_1684 : i32 to index
      %get3A_1700 = arith.constant 0 : index
      %get3A_1701 = tpu.vector_load %arg13[%get3A_1699, %get3A_1700] {strides = array<i32>} : memref<128x256xf32, #tpu.memory_space<vmem>>, vector<16xf32>,
      %get3A_1702 = arith.index_cast %add3A_1684 : i32 to index
      %get3A_1703 = arith.constant 128 : index
      %get3A_1704 = tpu.vector_load %arg13[%get3A_1702, %get3A_1703] {strides = array<i32>} : memref<128x256xf32, #tpu.memory_space<vmem>>, vector<16xf32>,
      %mul3A_1705 = arith.mulf %get3A_1695, %get3A_1701 : vector<16xf32>
      %mul3A_1706 = arith.mulf %get3A_1698, %get3A_1704 : vector<16xf32>
      %add3A_1707 = arith.addf %mul3A_1705, %mul3A_1706 : vector<16xf32>
      %mul3A_1708 = arith.mulf %get3A_1689, %add3A_1707 : vector<16xf32>
      %add3A_1709 = arith.addf %broadcast_in_dim3A_1686, %mul3A_1708 : vector<16xf32>
      %mul3A_1710 = arith.mulf %get3A_1695, %get3A_1704 : vector<16xf32>
      %mul3A_1711 = arith.mulf %get3A_1698, %get3A_1701 : vector<16xf32>
      %sub3A_1712 = arith.subf %mul3A_1710, %mul3A_1711 : vector<16xf32>
      %mul3A_1713 = arith.mulf %get3A_1692, %sub3A_1712 : vector<16xf32>
      %add3A_1714 = arith.addf %add3A_1709, %mul3A_1713 : vector<16xf32>
      %get3A_1715 = arith.index_cast %add3A_1684 : i32 to index
      %get3A_1716 = arith.constant 16 : index
      %get3A_1717 = tpu.vector_load %arg11[%get3A_1715, %get3A_1716] {strides = array<i32>} : memref<128x256xf32, #tpu.memory_space<vmem>>, vector<16xf32>,
      %get3A_1718 = arith.index_cast %add3A_1684 : i32 to index
      %get3A_1719 = arith.constant 144 : index
      %get3A_1720 = tpu.vector_load %arg11[%get3A_1718, %get3A_1719] {strides = array<i32>} : memref<128x256xf32, #tpu.memory_space<vmem>>, vector<16xf32>,
      %get3A_1721 = arith.index_cast %add3A_1684 : i32 to index
      %get3A_1722 = arith.constant 16 : index
      %get3A_1723 = tpu.vector_load %arg12[%get3A_1721, %get3A_1722] {strides = array<i32>} : memref<128x256xf32, #tpu.memory_space<vmem>>, vector<16xf32>,
      %get3A_1724 = arith.index_cast %add3A_1684 : i32 to index
      %get3A_1725 = arith.constant 144 : index
      %get3A_1726 = tpu.vector_load %arg12[%get3A_1724, %get3A_1725] {strides = array<i32>} : memref<128x256xf32, #tpu.memory_space<vmem>>, vector<16xf32>,
      %get3A_1727 = arith.index_cast %add3A_1684 : i32 to index
      %get3A_1728 = arith.constant 16 : index
      %get3A_1729 = tpu.vector_load %arg13[%get3A_1727, %get3A_1728] {strides = array<i32>} : memref<128x256xf32, #tpu.memory_space<vmem>>, vector<16xf32>,
      %get3A_1730 = arith.index_cast %add3A_1684 : i32 to index
      %get3A_1731 = arith.constant 144 : index
      %get3A_1732 = tpu.vector_load %arg13[%get3A_1730, %get3A_1731] {strides = array<i32>} : memref<128x256xf32, #tpu.memory_space<vmem>>, vector<16xf32>,
      %mul3A_1733 = arith.mulf %get3A_1723, %get3A_1729 : vector<16xf32>
      %mul3A_1734 = arith.mulf %get3A_1726, %get3A_1732 : vector<16xf32>
      %add3A_1735 = arith.addf %mul3A_1733, %mul3A_1734 : vector<16xf32>
      %mul3A_1736 = arith.mulf %get3A_1717, %add3A_1735 : vector<16xf32>
      %add3A_1737 = arith.addf %add3A_1714, %mul3A_1736 : vector<16xf32>
      %mul3A_1738 = arith.mulf %get3A_1723, %get3A_1732 : vector<16xf32>
      %mul3A_1739 = arith.mulf %get3A_1726, %get3A_1729 : vector<16xf32>
      %sub3A_1740 = arith.subf %mul3A_1738, %mul3A_1739 : vector<16xf32>
      %mul3A_1741 = arith.mulf %get3A_1720, %sub3A_1740 : vector<16xf32>
      %add3A_1742 = arith.addf %add3A_1737, %mul3A_1741 : vector<16xf32>
      %get3A_1743 = arith.index_cast %add3A_1684 : i32 to index
      %get3A_1744 = arith.constant 32 : index
      %get3A_1745 = tpu.vector_load %arg11[%get3A_1743, %get3A_1744] {strides = array<i32>} : memref<128x256xf32, #tpu.memory_space<vmem>>, vector<16xf32>,
      %get3A_1746 = arith.index_cast %add3A_1684 : i32 to index
      %get3A_1747 = arith.constant 160 : index
      %get3A_1748 = tpu.vector_load %arg11[%get3A_1746, %get3A_1747] {strides = array<i32>} : memref<128x256xf32, #tpu.memory_space<vmem>>, vector<16xf32>,
      %get3A_1749 = arith.index_cast %add3A_1684 : i32 to index
      %get3A_1750 = arith.constant 32 : index
      %get3A_1751 = tpu.vector_load %arg12[%get3A_1749, %get3A_1750] {strides = array<i32>} : memref<128x256xf32, #tpu.memory_space<vmem>>, vector<16xf32>,
      %get3A_1752 = arith.index_cast %add3A_1684 : i32 to index
      %get3A_1753 = arith.constant 160 : index
      %get3A_1754 = tpu.vector_load %arg12[%get3A_1752, %get3A_1753] {strides = array<i32>} : memref<128x256xf32, #tpu.memory_space<vmem>>, vector<16xf32>,
      %get3A_1755 = arith.index_cast %add3A_1684 : i32 to index
      %get3A_1756 = arith.constant 32 : index
      %get3A_1757 = tpu.vector_load %arg13[%get3A_1755, %get3A_1756] {strides = array<i32>} : memref<128x256xf32, #tpu.memory_space<vmem>>, vector<16xf32>,
      %get3A_1758 = arith.index_cast %add3A_1684 : i32 to index
      %get3A_1759 = arith.constant 160 : index
      %get3A_1760 = tpu.vector_load %arg13[%get3A_1758, %get3A_1759] {strides = array<i32>} : memref<128x256xf32, #tpu.memory_space<vmem>>, vector<16xf32>,
      %mul3A_1761 = arith.mulf %get3A_1751, %get3A_1757 : vector<16xf32>
      %mul3A_1762 = arith.mulf %get3A_1754, %get3A_1760 : vector<16xf32>
      %add3A_1763 = arith.addf %mul3A_1761, %mul3A_1762 : vector<16xf32>
      %mul3A_1764 = arith.mulf %get3A_1745, %add3A_1763 : vector<16xf32>
      %add3A_1765 = arith.addf %add3A_1742, %mul3A_1764 : vector<16xf32>
      %mul3A_1766 = arith.mulf %get3A_1751, %get3A_1760 : vector<16xf32>
      %mul3A_1767 = arith.mulf %get3A_1754, %get3A_1757 : vector<16xf32>
      %sub3A_1768 = arith.subf %mul3A_1766, %mul3A_1767 : vector<16xf32>
      %mul3A_1769 = arith.mulf %get3A_1748, %sub3A_1768 : vector<16xf32>
      %add3A_1770 = arith.addf %add3A_1765, %mul3A_1769 : vector<16xf32>
      %get3A_1771 = arith.index_cast %add3A_1684 : i32 to index
      %get3A_1772 = arith.constant 48 : index
      %get3A_1773 = tpu.vector_load %arg11[%get3A_1771, %get3A_1772] {strides = array<i32>} : memref<128x256xf32, #tpu.memory_space<vmem>>, vector<16xf32>,
      %get3A_1774 = arith.index_cast %add3A_1684 : i32 to index
      %get3A_1775 = arith.constant 176 : index
      %get3A_1776 = tpu.vector_load %arg11[%get3A_1774, %get3A_1775] {strides = array<i32>} : memref<128x256xf32, #tpu.memory_space<vmem>>, vector<16xf32>,
      %get3A_1777 = arith.index_cast %add3A_1684 : i32 to index
      %get3A_1778 = arith.constant 48 : index
      %get3A_1779 = tpu.vector_load %arg12[%get3A_1777, %get3A_1778] {strides = array<i32>} : memref<128x256xf32, #tpu.memory_space<vmem>>, vector<16xf32>,
      %get3A_1780 = arith.index_cast %add3A_1684 : i32 to index
      %get3A_1781 = arith.constant 176 : index
      %get3A_1782 = tpu.vector_load %arg12[%get3A_1780, %get3A_1781] {strides = array<i32>} : memref<128x256xf32, #tpu.memory_space<vmem>>, vector<16xf32>,
      %get3A_1783 = arith.index_cast %add3A_1684 : i32 to index
      %get3A_1784 = arith.constant 48 : index
      %get3A_1785 = tpu.vector_load %arg13[%get3A_1783, %get3A_1784] {strides = array<i32>} : memref<128x256xf32, #tpu.memory_space<vmem>>, vector<16xf32>,
      %get3A_1786 = arith.index_cast %add3A_1684 : i32 to index
      %get3A_1787 = arith.constant 176 : index
      %get3A_1788 = tpu.vector_load %arg13[%get3A_1786, %get3A_1787] {strides = array<i32>} : memref<128x256xf32, #tpu.memory_space<vmem>>, vector<16xf32>,
      %mul3A_1789 = arith.mulf %get3A_1779, %get3A_1785 : vector<16xf32>
      %mul3A_1790 = arith.mulf %get3A_1782, %get3A_1788 : vector<16xf32>
      %add3A_1791 = arith.addf %mul3A_1789, %mul3A_1790 : vector<16xf32>
      %mul3A_1792 = arith.mulf %get3A_1773, %add3A_1791 : vector<16xf32>
      %add3A_1793 = arith.addf %add3A_1770, %mul3A_1792 : vector<16xf32>
      %mul3A_1794 = arith.mulf %get3A_1779, %get3A_1788 : vector<16xf32>
      %mul3A_1795 = arith.mulf %get3A_1782, %get3A_1785 : vector<16xf32>
      %sub3A_1796 = arith.subf %mul3A_1794, %mul3A_1795 : vector<16xf32>
      %mul3A_1797 = arith.mulf %get3A_1776, %sub3A_1796 : vector<16xf32>
      %add3A_1798 = arith.addf %add3A_1793, %mul3A_1797 : vector<16xf32>
      %get3A_1799 = arith.index_cast %add3A_1684 : i32 to index
      %get3A_1800 = arith.constant 64 : index
      %get3A_1801 = tpu.vector_load %arg11[%get3A_1799, %get3A_1800] {strides = array<i32>} : memref<128x256xf32, #tpu.memory_space<vmem>>, vector<16xf32>,
      %get3A_1802 = arith.index_cast %add3A_1684 : i32 to index
      %get3A_1803 = arith.constant 192 : index
      %get3A_1804 = tpu.vector_load %arg11[%get3A_1802, %get3A_1803] {strides = array<i32>} : memref<128x256xf32, #tpu.memory_space<vmem>>, vector<16xf32>,
      %get3A_1805 = arith.index_cast %add3A_1684 : i32 to index
      %get3A_1806 = arith.constant 64 : index
      %get3A_1807 = tpu.vector_load %arg12[%get3A_1805, %get3A_1806] {strides = array<i32>} : memref<128x256xf32, #tpu.memory_space<vmem>>, vector<16xf32>,
      %get3A_1808 = arith.index_cast %add3A_1684 : i32 to index
      %get3A_1809 = arith.constant 192 : index
      %get3A_1810 = tpu.vector_load %arg12[%get3A_1808, %get3A_1809] {strides = array<i32>} : memref<128x256xf32, #tpu.memory_space<vmem>>, vector<16xf32>,
      %get3A_1811 = arith.index_cast %add3A_1684 : i32 to index
      %get3A_1812 = arith.constant 64 : index
      %get3A_1813 = tpu.vector_load %arg13[%get3A_1811, %get3A_1812] {strides = array<i32>} : memref<128x256xf32, #tpu.memory_space<vmem>>, vector<16xf32>,
      %get3A_1814 = arith.index_cast %add3A_1684 : i32 to index
      %get3A_1815 = arith.constant 192 : index
      %get3A_1816 = tpu.vector_load %arg13[%get3A_1814, %get3A_1815] {strides = array<i32>} : memref<128x256xf32, #tpu.memory_space<vmem>>, vector<16xf32>,
      %mul3A_1817 = arith.mulf %get3A_1807, %get3A_1813 : vector<16xf32>
      %mul3A_1818 = arith.mulf %get3A_1810, %get3A_1816 : vector<16xf32>
      %add3A_1819 = arith.addf %mul3A_1817, %mul3A_1818 : vector<16xf32>
      %mul3A_1820 = arith.mulf %get3A_1801, %add3A_1819 : vector<16xf32>
      %add3A_1821 = arith.addf %add3A_1798, %mul3A_1820 : vector<16xf32>
      %mul3A_1822 = arith.mulf %get3A_1807, %get3A_1816 : vector<16xf32>
      %mul3A_1823 = arith.mulf %get3A_1810, %get3A_1813 : vector<16xf32>
      %sub3A_1824 = arith.subf %mul3A_1822, %mul3A_1823 : vector<16xf32>
      %mul3A_1825 = arith.mulf %get3A_1804, %sub3A_1824 : vector<16xf32>
      %add3A_1826 = arith.addf %add3A_1821, %mul3A_1825 : vector<16xf32>
      %get3A_1827 = arith.index_cast %add3A_1684 : i32 to index
      %get3A_1828 = arith.constant 80 : index
      %get3A_1829 = tpu.vector_load %arg11[%get3A_1827, %get3A_1828] {strides = array<i32>} : memref<128x256xf32, #tpu.memory_space<vmem>>, vector<16xf32>,
      %get3A_1830 = arith.index_cast %add3A_1684 : i32 to index
      %get3A_1831 = arith.constant 208 : index
      %get3A_1832 = tpu.vector_load %arg11[%get3A_1830, %get3A_1831] {strides = array<i32>} : memref<128x256xf32, #tpu.memory_space<vmem>>, vector<16xf32>,
      %get3A_1833 = arith.index_cast %add3A_1684 : i32 to index
      %get3A_1834 = arith.constant 80 : index
      %get3A_1835 = tpu.vector_load %arg12[%get3A_1833, %get3A_1834] {strides = array<i32>} : memref<128x256xf32, #tpu.memory_space<vmem>>, vector<16xf32>,
      %get3A_1836 = arith.index_cast %add3A_1684 : i32 to index
      %get3A_1837 = arith.constant 208 : index
      %get3A_1838 = tpu.vector_load %arg12[%get3A_1836, %get3A_1837] {strides = array<i32>} : memref<128x256xf32, #tpu.memory_space<vmem>>, vector<16xf32>,
      %get3A_1839 = arith.index_cast %add3A_1684 : i32 to index
      %get3A_1840 = arith.constant 80 : index
      %get3A_1841 = tpu.vector_load %arg13[%get3A_1839, %get3A_1840] {strides = array<i32>} : memref<128x256xf32, #tpu.memory_space<vmem>>, vector<16xf32>,
      %get3A_1842 = arith.index_cast %add3A_1684 : i32 to index
      %get3A_1843 = arith.constant 208 : index
      %get3A_1844 = tpu.vector_load %arg13[%get3A_1842, %get3A_1843] {strides = array<i32>} : memref<128x256xf32, #tpu.memory_space<vmem>>, vector<16xf32>,
      %mul3A_1845 = arith.mulf %get3A_1835, %get3A_1841 : vector<16xf32>
      %mul3A_1846 = arith.mulf %get3A_1838, %get3A_1844 : vector<16xf32>
      %add3A_1847 = arith.addf %mul3A_1845, %mul3A_1846 : vector<16xf32>
      %mul3A_1848 = arith.mulf %get3A_1829, %add3A_1847 : vector<16xf32>
      %add3A_1849 = arith.addf %add3A_1826, %mul3A_1848 : vector<16xf32>
      %mul3A_1850 = arith.mulf %get3A_1835, %get3A_1844 : vector<16xf32>
      %mul3A_1851 = arith.mulf %get3A_1838, %get3A_1841 : vector<16xf32>
      %sub3A_1852 = arith.subf %mul3A_1850, %mul3A_1851 : vector<16xf32>
      %mul3A_1853 = arith.mulf %get3A_1832, %sub3A_1852 : vector<16xf32>
      %add3A_1854 = arith.addf %add3A_1849, %mul3A_1853 : vector<16xf32>
      %get3A_1855 = arith.index_cast %add3A_1684 : i32 to index
      %get3A_1856 = arith.constant 96 : index
      %get3A_1857 = tpu.vector_load %arg11[%get3A_1855, %get3A_1856] {strides = array<i32>} : memref<128x256xf32, #tpu.memory_space<vmem>>, vector<16xf32>,
      %get3A_1858 = arith.index_cast %add3A_1684 : i32 to index
      %get3A_1859 = arith.constant 224 : index
      %get3A_1860 = tpu.vector_load %arg11[%get3A_1858, %get3A_1859] {strides = array<i32>} : memref<128x256xf32, #tpu.memory_space<vmem>>, vector<16xf32>,
      %get3A_1861 = arith.index_cast %add3A_1684 : i32 to index
      %get3A_1862 = arith.constant 96 : index
      %get3A_1863 = tpu.vector_load %arg12[%get3A_1861, %get3A_1862] {strides = array<i32>} : memref<128x256xf32, #tpu.memory_space<vmem>>, vector<16xf32>,
      %get3A_1864 = arith.index_cast %add3A_1684 : i32 to index
      %get3A_1865 = arith.constant 224 : index
      %get3A_1866 = tpu.vector_load %arg12[%get3A_1864, %get3A_1865] {strides = array<i32>} : memref<128x256xf32, #tpu.memory_space<vmem>>, vector<16xf32>,
      %get3A_1867 = arith.index_cast %add3A_1684 : i32 to index
      %get3A_1868 = arith.constant 96 : index
      %get3A_1869 = tpu.vector_load %arg13[%get3A_1867, %get3A_1868] {strides = array<i32>} : memref<128x256xf32, #tpu.memory_space<vmem>>, vector<16xf32>,
      %get3A_1870 = arith.index_cast %add3A_1684 : i32 to index
      %get3A_1871 = arith.constant 224 : index
      %get3A_1872 = tpu.vector_load %arg13[%get3A_1870, %get3A_1871] {strides = array<i32>} : memref<128x256xf32, #tpu.memory_space<vmem>>, vector<16xf32>,
      %mul3A_1873 = arith.mulf %get3A_1863, %get3A_1869 : vector<16xf32>
      %mul3A_1874 = arith.mulf %get3A_1866, %get3A_1872 : vector<16xf32>
      %add3A_1875 = arith.addf %mul3A_1873, %mul3A_1874 : vector<16xf32>
      %mul3A_1876 = arith.mulf %get3A_1857, %add3A_1875 : vector<16xf32>
      %add3A_1877 = arith.addf %add3A_1854, %mul3A_1876 : vector<16xf32>
      %mul3A_1878 = arith.mulf %get3A_1863, %get3A_1872 : vector<16xf32>
      %mul3A_1879 = arith.mulf %get3A_1866, %get3A_1869 : vector<16xf32>
      %sub3A_1880 = arith.subf %mul3A_1878, %mul3A_1879 : vector<16xf32>
      %mul3A_1881 = arith.mulf %get3A_1860, %sub3A_1880 : vector<16xf32>
      %add3A_1882 = arith.addf %add3A_1877, %mul3A_1881 : vector<16xf32>
      %get3A_1883 = arith.index_cast %add3A_1684 : i32 to index
      %get3A_1884 = arith.constant 112 : index
      %get3A_1885 = tpu.vector_load %arg11[%get3A_1883, %get3A_1884] {strides = array<i32>} : memref<128x256xf32, #tpu.memory_space<vmem>>, vector<16xf32>,
      %get3A_1886 = arith.index_cast %add3A_1684 : i32 to index
      %get3A_1887 = arith.constant 240 : index
      %get3A_1888 = tpu.vector_load %arg11[%get3A_1886, %get3A_1887] {strides = array<i32>} : memref<128x256xf32, #tpu.memory_space<vmem>>, vector<16xf32>,
      %get3A_1889 = arith.index_cast %add3A_1684 : i32 to index
      %get3A_1890 = arith.constant 112 : index
      %get3A_1891 = tpu.vector_load %arg12[%get3A_1889, %get3A_1890] {strides = array<i32>} : memref<128x256xf32, #tpu.memory_space<vmem>>, vector<16xf32>,
      %get3A_1892 = arith.index_cast %add3A_1684 : i32 to index
      %get3A_1893 = arith.constant 240 : index
      %get3A_1894 = tpu.vector_load %arg12[%get3A_1892, %get3A_1893] {strides = array<i32>} : memref<128x256xf32, #tpu.memory_space<vmem>>, vector<16xf32>,
      %get3A_1895 = arith.index_cast %add3A_1684 : i32 to index
      %get3A_1896 = arith.constant 112 : index
      %get3A_1897 = tpu.vector_load %arg13[%get3A_1895, %get3A_1896] {strides = array<i32>} : memref<128x256xf32, #tpu.memory_space<vmem>>, vector<16xf32>,
      %get3A_1898 = arith.index_cast %add3A_1684 : i32 to index
      %get3A_1899 = arith.constant 240 : index
      %get3A_1900 = tpu.vector_load %arg13[%get3A_1898, %get3A_1899] {strides = array<i32>} : memref<128x256xf32, #tpu.memory_space<vmem>>, vector<16xf32>,
      %mul3A_1901 = arith.mulf %get3A_1891, %get3A_1897 : vector<16xf32>
      %mul3A_1902 = arith.mulf %get3A_1894, %get3A_1900 : vector<16xf32>
      %add3A_1903 = arith.addf %mul3A_1901, %mul3A_1902 : vector<16xf32>
      %mul3A_1904 = arith.mulf %get3A_1885, %add3A_1903 : vector<16xf32>
      %add3A_1905 = arith.addf %add3A_1882, %mul3A_1904 : vector<16xf32>
      %mul3A_1906 = arith.mulf %get3A_1891, %get3A_1900 : vector<16xf32>
      %mul3A_1907 = arith.mulf %get3A_1894, %get3A_1897 : vector<16xf32>
      %sub3A_1908 = arith.subf %mul3A_1906, %mul3A_1907 : vector<16xf32>
      %mul3A_1909 = arith.mulf %get3A_1888, %sub3A_1908 : vector<16xf32>
      %add3A_1910 = arith.addf %add3A_1905, %mul3A_1909 : vector<16xf32>
      %reduce_sum3A_1911 = arith.constant true
      %reduce_sum3A_1912 = vector.broadcast %reduce_sum3A_1911 : i1 to vector<16xi1>
      %reduce_sum3A_1913 = tpu.scan <sum>, %add3A_1910 masked %reduce_sum3A_1912 : vector<16xf32>, vector<16xi1> -> vector<16xf32>
      %reduce_sum3A_1914 = vector.extract %reduce_sum3A_1913[15] : f32 from vector<16xf32>
      %eq3A_1915 = arith.constant 7 : i32
      %eq3A_1916 = vector.broadcast %eq3A_1915 : i32 to vector<16xi32>
      %eq3A_1917 = arith.cmpi eq, %iota3A, %eq3A_1916 : vector<16xi32>
      %broadcast_in_dim3A_1918 = vector.broadcast %reduce_sum3A_1914 : f32 to vector<16xf32>
      %select_n3A_1919 = arith.select %eq3A_1917, %broadcast_in_dim3A_1918, %select_n3A_1682 : vector<16xi1>, vector<16xf32>
      %add3A_1920 = arith.constant 8 : i32
      %add3A_1921 = arith.addi %add3A_27, %add3A_1920 : i32
      %broadcast_in_dim3A_1922 = arith.constant 0.000000e+00 : f32
      %broadcast_in_dim3A_1923 = vector.broadcast %broadcast_in_dim3A_1922 : f32 to vector<16xf32>
      %get3A_1924 = arith.index_cast %add3A_1921 : i32 to index
      %get3A_1925 = arith.constant 0 : index
      %get3A_1926 = tpu.vector_load %arg11[%get3A_1924, %get3A_1925] {strides = array<i32>} : memref<128x256xf32, #tpu.memory_space<vmem>>, vector<16xf32>,
      %get3A_1927 = arith.index_cast %add3A_1921 : i32 to index
      %get3A_1928 = arith.constant 128 : index
      %get3A_1929 = tpu.vector_load %arg11[%get3A_1927, %get3A_1928] {strides = array<i32>} : memref<128x256xf32, #tpu.memory_space<vmem>>, vector<16xf32>,
      %get3A_1930 = arith.index_cast %add3A_1921 : i32 to index
      %get3A_1931 = arith.constant 0 : index
      %get3A_1932 = tpu.vector_load %arg12[%get3A_1930, %get3A_1931] {strides = array<i32>} : memref<128x256xf32, #tpu.memory_space<vmem>>, vector<16xf32>,
      %get3A_1933 = arith.index_cast %add3A_1921 : i32 to index
      %get3A_1934 = arith.constant 128 : index
      %get3A_1935 = tpu.vector_load %arg12[%get3A_1933, %get3A_1934] {strides = array<i32>} : memref<128x256xf32, #tpu.memory_space<vmem>>, vector<16xf32>,
      %get3A_1936 = arith.index_cast %add3A_1921 : i32 to index
      %get3A_1937 = arith.constant 0 : index
      %get3A_1938 = tpu.vector_load %arg13[%get3A_1936, %get3A_1937] {strides = array<i32>} : memref<128x256xf32, #tpu.memory_space<vmem>>, vector<16xf32>,
      %get3A_1939 = arith.index_cast %add3A_1921 : i32 to index
      %get3A_1940 = arith.constant 128 : index
      %get3A_1941 = tpu.vector_load %arg13[%get3A_1939, %get3A_1940] {strides = array<i32>} : memref<128x256xf32, #tpu.memory_space<vmem>>, vector<16xf32>,
      %mul3A_1942 = arith.mulf %get3A_1932, %get3A_1938 : vector<16xf32>
      %mul3A_1943 = arith.mulf %get3A_1935, %get3A_1941 : vector<16xf32>
      %add3A_1944 = arith.addf %mul3A_1942, %mul3A_1943 : vector<16xf32>
      %mul3A_1945 = arith.mulf %get3A_1926, %add3A_1944 : vector<16xf32>
      %add3A_1946 = arith.addf %broadcast_in_dim3A_1923, %mul3A_1945 : vector<16xf32>
      %mul3A_1947 = arith.mulf %get3A_1932, %get3A_1941 : vector<16xf32>
      %mul3A_1948 = arith.mulf %get3A_1935, %get3A_1938 : vector<16xf32>
      %sub3A_1949 = arith.subf %mul3A_1947, %mul3A_1948 : vector<16xf32>
      %mul3A_1950 = arith.mulf %get3A_1929, %sub3A_1949 : vector<16xf32>
      %add3A_1951 = arith.addf %add3A_1946, %mul3A_1950 : vector<16xf32>
      %get3A_1952 = arith.index_cast %add3A_1921 : i32 to index
      %get3A_1953 = arith.constant 16 : index
      %get3A_1954 = tpu.vector_load %arg11[%get3A_1952, %get3A_1953] {strides = array<i32>} : memref<128x256xf32, #tpu.memory_space<vmem>>, vector<16xf32>,
      %get3A_1955 = arith.index_cast %add3A_1921 : i32 to index
      %get3A_1956 = arith.constant 144 : index
      %get3A_1957 = tpu.vector_load %arg11[%get3A_1955, %get3A_1956] {strides = array<i32>} : memref<128x256xf32, #tpu.memory_space<vmem>>, vector<16xf32>,
      %get3A_1958 = arith.index_cast %add3A_1921 : i32 to index
      %get3A_1959 = arith.constant 16 : index
      %get3A_1960 = tpu.vector_load %arg12[%get3A_1958, %get3A_1959] {strides = array<i32>} : memref<128x256xf32, #tpu.memory_space<vmem>>, vector<16xf32>,
      %get3A_1961 = arith.index_cast %add3A_1921 : i32 to index
      %get3A_1962 = arith.constant 144 : index
      %get3A_1963 = tpu.vector_load %arg12[%get3A_1961, %get3A_1962] {strides = array<i32>} : memref<128x256xf32, #tpu.memory_space<vmem>>, vector<16xf32>,
      %get3A_1964 = arith.index_cast %add3A_1921 : i32 to index
      %get3A_1965 = arith.constant 16 : index
      %get3A_1966 = tpu.vector_load %arg13[%get3A_1964, %get3A_1965] {strides = array<i32>} : memref<128x256xf32, #tpu.memory_space<vmem>>, vector<16xf32>,
      %get3A_1967 = arith.index_cast %add3A_1921 : i32 to index
      %get3A_1968 = arith.constant 144 : index
      %get3A_1969 = tpu.vector_load %arg13[%get3A_1967, %get3A_1968] {strides = array<i32>} : memref<128x256xf32, #tpu.memory_space<vmem>>, vector<16xf32>,
      %mul3A_1970 = arith.mulf %get3A_1960, %get3A_1966 : vector<16xf32>
      %mul3A_1971 = arith.mulf %get3A_1963, %get3A_1969 : vector<16xf32>
      %add3A_1972 = arith.addf %mul3A_1970, %mul3A_1971 : vector<16xf32>
      %mul3A_1973 = arith.mulf %get3A_1954, %add3A_1972 : vector<16xf32>
      %add3A_1974 = arith.addf %add3A_1951, %mul3A_1973 : vector<16xf32>
      %mul3A_1975 = arith.mulf %get3A_1960, %get3A_1969 : vector<16xf32>
      %mul3A_1976 = arith.mulf %get3A_1963, %get3A_1966 : vector<16xf32>
      %sub3A_1977 = arith.subf %mul3A_1975, %mul3A_1976 : vector<16xf32>
      %mul3A_1978 = arith.mulf %get3A_1957, %sub3A_1977 : vector<16xf32>
      %add3A_1979 = arith.addf %add3A_1974, %mul3A_1978 : vector<16xf32>
      %get3A_1980 = arith.index_cast %add3A_1921 : i32 to index
      %get3A_1981 = arith.constant 32 : index
      %get3A_1982 = tpu.vector_load %arg11[%get3A_1980, %get3A_1981] {strides = array<i32>} : memref<128x256xf32, #tpu.memory_space<vmem>>, vector<16xf32>,
      %get3A_1983 = arith.index_cast %add3A_1921 : i32 to index
      %get3A_1984 = arith.constant 160 : index
      %get3A_1985 = tpu.vector_load %arg11[%get3A_1983, %get3A_1984] {strides = array<i32>} : memref<128x256xf32, #tpu.memory_space<vmem>>, vector<16xf32>,
      %get3A_1986 = arith.index_cast %add3A_1921 : i32 to index
      %get3A_1987 = arith.constant 32 : index
      %get3A_1988 = tpu.vector_load %arg12[%get3A_1986, %get3A_1987] {strides = array<i32>} : memref<128x256xf32, #tpu.memory_space<vmem>>, vector<16xf32>,
      %get3A_1989 = arith.index_cast %add3A_1921 : i32 to index
      %get3A_1990 = arith.constant 160 : index
      %get3A_1991 = tpu.vector_load %arg12[%get3A_1989, %get3A_1990] {strides = array<i32>} : memref<128x256xf32, #tpu.memory_space<vmem>>, vector<16xf32>,
      %get3A_1992 = arith.index_cast %add3A_1921 : i32 to index
      %get3A_1993 = arith.constant 32 : index
      %get3A_1994 = tpu.vector_load %arg13[%get3A_1992, %get3A_1993] {strides = array<i32>} : memref<128x256xf32, #tpu.memory_space<vmem>>, vector<16xf32>,
      %get3A_1995 = arith.index_cast %add3A_1921 : i32 to index
      %get3A_1996 = arith.constant 160 : index
      %get3A_1997 = tpu.vector_load %arg13[%get3A_1995, %get3A_1996] {strides = array<i32>} : memref<128x256xf32, #tpu.memory_space<vmem>>, vector<16xf32>,
      %mul3A_1998 = arith.mulf %get3A_1988, %get3A_1994 : vector<16xf32>
      %mul3A_1999 = arith.mulf %get3A_1991, %get3A_1997 : vector<16xf32>
      %add3A_2000 = arith.addf %mul3A_1998, %mul3A_1999 : vector<16xf32>
      %mul3A_2001 = arith.mulf %get3A_1982, %add3A_2000 : vector<16xf32>
      %add3A_2002 = arith.addf %add3A_1979, %mul3A_2001 : vector<16xf32>
      %mul3A_2003 = arith.mulf %get3A_1988, %get3A_1997 : vector<16xf32>
      %mul3A_2004 = arith.mulf %get3A_1991, %get3A_1994 : vector<16xf32>
      %sub3A_2005 = arith.subf %mul3A_2003, %mul3A_2004 : vector<16xf32>
      %mul3A_2006 = arith.mulf %get3A_1985, %sub3A_2005 : vector<16xf32>
      %add3A_2007 = arith.addf %add3A_2002, %mul3A_2006 : vector<16xf32>
      %get3A_2008 = arith.index_cast %add3A_1921 : i32 to index
      %get3A_2009 = arith.constant 48 : index
      %get3A_2010 = tpu.vector_load %arg11[%get3A_2008, %get3A_2009] {strides = array<i32>} : memref<128x256xf32, #tpu.memory_space<vmem>>, vector<16xf32>,
      %get3A_2011 = arith.index_cast %add3A_1921 : i32 to index
      %get3A_2012 = arith.constant 176 : index
      %get3A_2013 = tpu.vector_load %arg11[%get3A_2011, %get3A_2012] {strides = array<i32>} : memref<128x256xf32, #tpu.memory_space<vmem>>, vector<16xf32>,
      %get3A_2014 = arith.index_cast %add3A_1921 : i32 to index
      %get3A_2015 = arith.constant 48 : index
      %get3A_2016 = tpu.vector_load %arg12[%get3A_2014, %get3A_2015] {strides = array<i32>} : memref<128x256xf32, #tpu.memory_space<vmem>>, vector<16xf32>,
      %get3A_2017 = arith.index_cast %add3A_1921 : i32 to index
      %get3A_2018 = arith.constant 176 : index
      %get3A_2019 = tpu.vector_load %arg12[%get3A_2017, %get3A_2018] {strides = array<i32>} : memref<128x256xf32, #tpu.memory_space<vmem>>, vector<16xf32>,
      %get3A_2020 = arith.index_cast %add3A_1921 : i32 to index
      %get3A_2021 = arith.constant 48 : index
      %get3A_2022 = tpu.vector_load %arg13[%get3A_2020, %get3A_2021] {strides = array<i32>} : memref<128x256xf32, #tpu.memory_space<vmem>>, vector<16xf32>,
      %get3A_2023 = arith.index_cast %add3A_1921 : i32 to index
      %get3A_2024 = arith.constant 176 : index
      %get3A_2025 = tpu.vector_load %arg13[%get3A_2023, %get3A_2024] {strides = array<i32>} : memref<128x256xf32, #tpu.memory_space<vmem>>, vector<16xf32>,
      %mul3A_2026 = arith.mulf %get3A_2016, %get3A_2022 : vector<16xf32>
      %mul3A_2027 = arith.mulf %get3A_2019, %get3A_2025 : vector<16xf32>
      %add3A_2028 = arith.addf %mul3A_2026, %mul3A_2027 : vector<16xf32>
      %mul3A_2029 = arith.mulf %get3A_2010, %add3A_2028 : vector<16xf32>
      %add3A_2030 = arith.addf %add3A_2007, %mul3A_2029 : vector<16xf32>
      %mul3A_2031 = arith.mulf %get3A_2016, %get3A_2025 : vector<16xf32>
      %mul3A_2032 = arith.mulf %get3A_2019, %get3A_2022 : vector<16xf32>
      %sub3A_2033 = arith.subf %mul3A_2031, %mul3A_2032 : vector<16xf32>
      %mul3A_2034 = arith.mulf %get3A_2013, %sub3A_2033 : vector<16xf32>
      %add3A_2035 = arith.addf %add3A_2030, %mul3A_2034 : vector<16xf32>
      %get3A_2036 = arith.index_cast %add3A_1921 : i32 to index
      %get3A_2037 = arith.constant 64 : index
      %get3A_2038 = tpu.vector_load %arg11[%get3A_2036, %get3A_2037] {strides = array<i32>} : memref<128x256xf32, #tpu.memory_space<vmem>>, vector<16xf32>,
      %get3A_2039 = arith.index_cast %add3A_1921 : i32 to index
      %get3A_2040 = arith.constant 192 : index
      %get3A_2041 = tpu.vector_load %arg11[%get3A_2039, %get3A_2040] {strides = array<i32>} : memref<128x256xf32, #tpu.memory_space<vmem>>, vector<16xf32>,
      %get3A_2042 = arith.index_cast %add3A_1921 : i32 to index
      %get3A_2043 = arith.constant 64 : index
      %get3A_2044 = tpu.vector_load %arg12[%get3A_2042, %get3A_2043] {strides = array<i32>} : memref<128x256xf32, #tpu.memory_space<vmem>>, vector<16xf32>,
      %get3A_2045 = arith.index_cast %add3A_1921 : i32 to index
      %get3A_2046 = arith.constant 192 : index
      %get3A_2047 = tpu.vector_load %arg12[%get3A_2045, %get3A_2046] {strides = array<i32>} : memref<128x256xf32, #tpu.memory_space<vmem>>, vector<16xf32>,
      %get3A_2048 = arith.index_cast %add3A_1921 : i32 to index
      %get3A_2049 = arith.constant 64 : index
      %get3A_2050 = tpu.vector_load %arg13[%get3A_2048, %get3A_2049] {strides = array<i32>} : memref<128x256xf32, #tpu.memory_space<vmem>>, vector<16xf32>,
      %get3A_2051 = arith.index_cast %add3A_1921 : i32 to index
      %get3A_2052 = arith.constant 192 : index
      %get3A_2053 = tpu.vector_load %arg13[%get3A_2051, %get3A_2052] {strides = array<i32>} : memref<128x256xf32, #tpu.memory_space<vmem>>, vector<16xf32>,
      %mul3A_2054 = arith.mulf %get3A_2044, %get3A_2050 : vector<16xf32>
      %mul3A_2055 = arith.mulf %get3A_2047, %get3A_2053 : vector<16xf32>
      %add3A_2056 = arith.addf %mul3A_2054, %mul3A_2055 : vector<16xf32>
      %mul3A_2057 = arith.mulf %get3A_2038, %add3A_2056 : vector<16xf32>
      %add3A_2058 = arith.addf %add3A_2035, %mul3A_2057 : vector<16xf32>
      %mul3A_2059 = arith.mulf %get3A_2044, %get3A_2053 : vector<16xf32>
      %mul3A_2060 = arith.mulf %get3A_2047, %get3A_2050 : vector<16xf32>
      %sub3A_2061 = arith.subf %mul3A_2059, %mul3A_2060 : vector<16xf32>
      %mul3A_2062 = arith.mulf %get3A_2041, %sub3A_2061 : vector<16xf32>
      %add3A_2063 = arith.addf %add3A_2058, %mul3A_2062 : vector<16xf32>
      %get3A_2064 = arith.index_cast %add3A_1921 : i32 to index
      %get3A_2065 = arith.constant 80 : index
      %get3A_2066 = tpu.vector_load %arg11[%get3A_2064, %get3A_2065] {strides = array<i32>} : memref<128x256xf32, #tpu.memory_space<vmem>>, vector<16xf32>,
      %get3A_2067 = arith.index_cast %add3A_1921 : i32 to index
      %get3A_2068 = arith.constant 208 : index
      %get3A_2069 = tpu.vector_load %arg11[%get3A_2067, %get3A_2068] {strides = array<i32>} : memref<128x256xf32, #tpu.memory_space<vmem>>, vector<16xf32>,
      %get3A_2070 = arith.index_cast %add3A_1921 : i32 to index
      %get3A_2071 = arith.constant 80 : index
      %get3A_2072 = tpu.vector_load %arg12[%get3A_2070, %get3A_2071] {strides = array<i32>} : memref<128x256xf32, #tpu.memory_space<vmem>>, vector<16xf32>,
      %get3A_2073 = arith.index_cast %add3A_1921 : i32 to index
      %get3A_2074 = arith.constant 208 : index
      %get3A_2075 = tpu.vector_load %arg12[%get3A_2073, %get3A_2074] {strides = array<i32>} : memref<128x256xf32, #tpu.memory_space<vmem>>, vector<16xf32>,
      %get3A_2076 = arith.index_cast %add3A_1921 : i32 to index
      %get3A_2077 = arith.constant 80 : index
      %get3A_2078 = tpu.vector_load %arg13[%get3A_2076, %get3A_2077] {strides = array<i32>} : memref<128x256xf32, #tpu.memory_space<vmem>>, vector<16xf32>,
      %get3A_2079 = arith.index_cast %add3A_1921 : i32 to index
      %get3A_2080 = arith.constant 208 : index
      %get3A_2081 = tpu.vector_load %arg13[%get3A_2079, %get3A_2080] {strides = array<i32>} : memref<128x256xf32, #tpu.memory_space<vmem>>, vector<16xf32>,
      %mul3A_2082 = arith.mulf %get3A_2072, %get3A_2078 : vector<16xf32>
      %mul3A_2083 = arith.mulf %get3A_2075, %get3A_2081 : vector<16xf32>
      %add3A_2084 = arith.addf %mul3A_2082, %mul3A_2083 : vector<16xf32>
      %mul3A_2085 = arith.mulf %get3A_2066, %add3A_2084 : vector<16xf32>
      %add3A_2086 = arith.addf %add3A_2063, %mul3A_2085 : vector<16xf32>
      %mul3A_2087 = arith.mulf %get3A_2072, %get3A_2081 : vector<16xf32>
      %mul3A_2088 = arith.mulf %get3A_2075, %get3A_2078 : vector<16xf32>
      %sub3A_2089 = arith.subf %mul3A_2087, %mul3A_2088 : vector<16xf32>
      %mul3A_2090 = arith.mulf %get3A_2069, %sub3A_2089 : vector<16xf32>
      %add3A_2091 = arith.addf %add3A_2086, %mul3A_2090 : vector<16xf32>
      %get3A_2092 = arith.index_cast %add3A_1921 : i32 to index
      %get3A_2093 = arith.constant 96 : index
      %get3A_2094 = tpu.vector_load %arg11[%get3A_2092, %get3A_2093] {strides = array<i32>} : memref<128x256xf32, #tpu.memory_space<vmem>>, vector<16xf32>,
      %get3A_2095 = arith.index_cast %add3A_1921 : i32 to index
      %get3A_2096 = arith.constant 224 : index
      %get3A_2097 = tpu.vector_load %arg11[%get3A_2095, %get3A_2096] {strides = array<i32>} : memref<128x256xf32, #tpu.memory_space<vmem>>, vector<16xf32>,
      %get3A_2098 = arith.index_cast %add3A_1921 : i32 to index
      %get3A_2099 = arith.constant 96 : index
      %get3A_2100 = tpu.vector_load %arg12[%get3A_2098, %get3A_2099] {strides = array<i32>} : memref<128x256xf32, #tpu.memory_space<vmem>>, vector<16xf32>,
      %get3A_2101 = arith.index_cast %add3A_1921 : i32 to index
      %get3A_2102 = arith.constant 224 : index
      %get3A_2103 = tpu.vector_load %arg12[%get3A_2101, %get3A_2102] {strides = array<i32>} : memref<128x256xf32, #tpu.memory_space<vmem>>, vector<16xf32>,
      %get3A_2104 = arith.index_cast %add3A_1921 : i32 to index
      %get3A_2105 = arith.constant 96 : index
      %get3A_2106 = tpu.vector_load %arg13[%get3A_2104, %get3A_2105] {strides = array<i32>} : memref<128x256xf32, #tpu.memory_space<vmem>>, vector<16xf32>,
      %get3A_2107 = arith.index_cast %add3A_1921 : i32 to index
      %get3A_2108 = arith.constant 224 : index
      %get3A_2109 = tpu.vector_load %arg13[%get3A_2107, %get3A_2108] {strides = array<i32>} : memref<128x256xf32, #tpu.memory_space<vmem>>, vector<16xf32>,
      %mul3A_2110 = arith.mulf %get3A_2100, %get3A_2106 : vector<16xf32>
      %mul3A_2111 = arith.mulf %get3A_2103, %get3A_2109 : vector<16xf32>
      %add3A_2112 = arith.addf %mul3A_2110, %mul3A_2111 : vector<16xf32>
      %mul3A_2113 = arith.mulf %get3A_2094, %add3A_2112 : vector<16xf32>
      %add3A_2114 = arith.addf %add3A_2091, %mul3A_2113 : vector<16xf32>
      %mul3A_2115 = arith.mulf %get3A_2100, %get3A_2109 : vector<16xf32>
      %mul3A_2116 = arith.mulf %get3A_2103, %get3A_2106 : vector<16xf32>
      %sub3A_2117 = arith.subf %mul3A_2115, %mul3A_2116 : vector<16xf32>
      %mul3A_2118 = arith.mulf %get3A_2097, %sub3A_2117 : vector<16xf32>
      %add3A_2119 = arith.addf %add3A_2114, %mul3A_2118 : vector<16xf32>
      %get3A_2120 = arith.index_cast %add3A_1921 : i32 to index
      %get3A_2121 = arith.constant 112 : index
      %get3A_2122 = tpu.vector_load %arg11[%get3A_2120, %get3A_2121] {strides = array<i32>} : memref<128x256xf32, #tpu.memory_space<vmem>>, vector<16xf32>,
      %get3A_2123 = arith.index_cast %add3A_1921 : i32 to index
      %get3A_2124 = arith.constant 240 : index
      %get3A_2125 = tpu.vector_load %arg11[%get3A_2123, %get3A_2124] {strides = array<i32>} : memref<128x256xf32, #tpu.memory_space<vmem>>, vector<16xf32>,
      %get3A_2126 = arith.index_cast %add3A_1921 : i32 to index
      %get3A_2127 = arith.constant 112 : index
      %get3A_2128 = tpu.vector_load %arg12[%get3A_2126, %get3A_2127] {strides = array<i32>} : memref<128x256xf32, #tpu.memory_space<vmem>>, vector<16xf32>,
      %get3A_2129 = arith.index_cast %add3A_1921 : i32 to index
      %get3A_2130 = arith.constant 240 : index
      %get3A_2131 = tpu.vector_load %arg12[%get3A_2129, %get3A_2130] {strides = array<i32>} : memref<128x256xf32, #tpu.memory_space<vmem>>, vector<16xf32>,
      %get3A_2132 = arith.index_cast %add3A_1921 : i32 to index
      %get3A_2133 = arith.constant 112 : index
      %get3A_2134 = tpu.vector_load %arg13[%get3A_2132, %get3A_2133] {strides = array<i32>} : memref<128x256xf32, #tpu.memory_space<vmem>>, vector<16xf32>,
      %get3A_2135 = arith.index_cast %add3A_1921 : i32 to index
      %get3A_2136 = arith.constant 240 : index
      %get3A_2137 = tpu.vector_load %arg13[%get3A_2135, %get3A_2136] {strides = array<i32>} : memref<128x256xf32, #tpu.memory_space<vmem>>, vector<16xf32>,
      %mul3A_2138 = arith.mulf %get3A_2128, %get3A_2134 : vector<16xf32>
      %mul3A_2139 = arith.mulf %get3A_2131, %get3A_2137 : vector<16xf32>
      %add3A_2140 = arith.addf %mul3A_2138, %mul3A_2139 : vector<16xf32>
      %mul3A_2141 = arith.mulf %get3A_2122, %add3A_2140 : vector<16xf32>
      %add3A_2142 = arith.addf %add3A_2119, %mul3A_2141 : vector<16xf32>
      %mul3A_2143 = arith.mulf %get3A_2128, %get3A_2137 : vector<16xf32>
      %mul3A_2144 = arith.mulf %get3A_2131, %get3A_2134 : vector<16xf32>
      %sub3A_2145 = arith.subf %mul3A_2143, %mul3A_2144 : vector<16xf32>
      %mul3A_2146 = arith.mulf %get3A_2125, %sub3A_2145 : vector<16xf32>
      %add3A_2147 = arith.addf %add3A_2142, %mul3A_2146 : vector<16xf32>
      %reduce_sum3A_2148 = arith.constant true
      %reduce_sum3A_2149 = vector.broadcast %reduce_sum3A_2148 : i1 to vector<16xi1>
      %reduce_sum3A_2150 = tpu.scan <sum>, %add3A_2147 masked %reduce_sum3A_2149 : vector<16xf32>, vector<16xi1> -> vector<16xf32>
      %reduce_sum3A_2151 = vector.extract %reduce_sum3A_2150[15] : f32 from vector<16xf32>
      %eq3A_2152 = arith.constant 8 : i32
      %eq3A_2153 = vector.broadcast %eq3A_2152 : i32 to vector<16xi32>
      %eq3A_2154 = arith.cmpi eq, %iota3A, %eq3A_2153 : vector<16xi32>
      %broadcast_in_dim3A_2155 = vector.broadcast %reduce_sum3A_2151 : f32 to vector<16xf32>
      %select_n3A_2156 = arith.select %eq3A_2154, %broadcast_in_dim3A_2155, %select_n3A_1919 : vector<16xi1>, vector<16xf32>
      %add3A_2157 = arith.constant 9 : i32
      %add3A_2158 = arith.addi %add3A_27, %add3A_2157 : i32
      %broadcast_in_dim3A_2159 = arith.constant 0.000000e+00 : f32
      %broadcast_in_dim3A_2160 = vector.broadcast %broadcast_in_dim3A_2159 : f32 to vector<16xf32>
      %get3A_2161 = arith.index_cast %add3A_2158 : i32 to index
      %get3A_2162 = arith.constant 0 : index
      %get3A_2163 = tpu.vector_load %arg11[%get3A_2161, %get3A_2162] {strides = array<i32>} : memref<128x256xf32, #tpu.memory_space<vmem>>, vector<16xf32>,
      %get3A_2164 = arith.index_cast %add3A_2158 : i32 to index
      %get3A_2165 = arith.constant 128 : index
      %get3A_2166 = tpu.vector_load %arg11[%get3A_2164, %get3A_2165] {strides = array<i32>} : memref<128x256xf32, #tpu.memory_space<vmem>>, vector<16xf32>,
      %get3A_2167 = arith.index_cast %add3A_2158 : i32 to index
      %get3A_2168 = arith.constant 0 : index
      %get3A_2169 = tpu.vector_load %arg12[%get3A_2167, %get3A_2168] {strides = array<i32>} : memref<128x256xf32, #tpu.memory_space<vmem>>, vector<16xf32>,
      %get3A_2170 = arith.index_cast %add3A_2158 : i32 to index
      %get3A_2171 = arith.constant 128 : index
      %get3A_2172 = tpu.vector_load %arg12[%get3A_2170, %get3A_2171] {strides = array<i32>} : memref<128x256xf32, #tpu.memory_space<vmem>>, vector<16xf32>,
      %get3A_2173 = arith.index_cast %add3A_2158 : i32 to index
      %get3A_2174 = arith.constant 0 : index
      %get3A_2175 = tpu.vector_load %arg13[%get3A_2173, %get3A_2174] {strides = array<i32>} : memref<128x256xf32, #tpu.memory_space<vmem>>, vector<16xf32>,
      %get3A_2176 = arith.index_cast %add3A_2158 : i32 to index
      %get3A_2177 = arith.constant 128 : index
      %get3A_2178 = tpu.vector_load %arg13[%get3A_2176, %get3A_2177] {strides = array<i32>} : memref<128x256xf32, #tpu.memory_space<vmem>>, vector<16xf32>,
      %mul3A_2179 = arith.mulf %get3A_2169, %get3A_2175 : vector<16xf32>
      %mul3A_2180 = arith.mulf %get3A_2172, %get3A_2178 : vector<16xf32>
      %add3A_2181 = arith.addf %mul3A_2179, %mul3A_2180 : vector<16xf32>
      %mul3A_2182 = arith.mulf %get3A_2163, %add3A_2181 : vector<16xf32>
      %add3A_2183 = arith.addf %broadcast_in_dim3A_2160, %mul3A_2182 : vector<16xf32>
      %mul3A_2184 = arith.mulf %get3A_2169, %get3A_2178 : vector<16xf32>
      %mul3A_2185 = arith.mulf %get3A_2172, %get3A_2175 : vector<16xf32>
      %sub3A_2186 = arith.subf %mul3A_2184, %mul3A_2185 : vector<16xf32>
      %mul3A_2187 = arith.mulf %get3A_2166, %sub3A_2186 : vector<16xf32>
      %add3A_2188 = arith.addf %add3A_2183, %mul3A_2187 : vector<16xf32>
      %get3A_2189 = arith.index_cast %add3A_2158 : i32 to index
      %get3A_2190 = arith.constant 16 : index
      %get3A_2191 = tpu.vector_load %arg11[%get3A_2189, %get3A_2190] {strides = array<i32>} : memref<128x256xf32, #tpu.memory_space<vmem>>, vector<16xf32>,
      %get3A_2192 = arith.index_cast %add3A_2158 : i32 to index
      %get3A_2193 = arith.constant 144 : index
      %get3A_2194 = tpu.vector_load %arg11[%get3A_2192, %get3A_2193] {strides = array<i32>} : memref<128x256xf32, #tpu.memory_space<vmem>>, vector<16xf32>,
      %get3A_2195 = arith.index_cast %add3A_2158 : i32 to index
      %get3A_2196 = arith.constant 16 : index
      %get3A_2197 = tpu.vector_load %arg12[%get3A_2195, %get3A_2196] {strides = array<i32>} : memref<128x256xf32, #tpu.memory_space<vmem>>, vector<16xf32>,
      %get3A_2198 = arith.index_cast %add3A_2158 : i32 to index
      %get3A_2199 = arith.constant 144 : index
      %get3A_2200 = tpu.vector_load %arg12[%get3A_2198, %get3A_2199] {strides = array<i32>} : memref<128x256xf32, #tpu.memory_space<vmem>>, vector<16xf32>,
      %get3A_2201 = arith.index_cast %add3A_2158 : i32 to index
      %get3A_2202 = arith.constant 16 : index
      %get3A_2203 = tpu.vector_load %arg13[%get3A_2201, %get3A_2202] {strides = array<i32>} : memref<128x256xf32, #tpu.memory_space<vmem>>, vector<16xf32>,
      %get3A_2204 = arith.index_cast %add3A_2158 : i32 to index
      %get3A_2205 = arith.constant 144 : index
      %get3A_2206 = tpu.vector_load %arg13[%get3A_2204, %get3A_2205] {strides = array<i32>} : memref<128x256xf32, #tpu.memory_space<vmem>>, vector<16xf32>,
      %mul3A_2207 = arith.mulf %get3A_2197, %get3A_2203 : vector<16xf32>
      %mul3A_2208 = arith.mulf %get3A_2200, %get3A_2206 : vector<16xf32>
      %add3A_2209 = arith.addf %mul3A_2207, %mul3A_2208 : vector<16xf32>
      %mul3A_2210 = arith.mulf %get3A_2191, %add3A_2209 : vector<16xf32>
      %add3A_2211 = arith.addf %add3A_2188, %mul3A_2210 : vector<16xf32>
      %mul3A_2212 = arith.mulf %get3A_2197, %get3A_2206 : vector<16xf32>
      %mul3A_2213 = arith.mulf %get3A_2200, %get3A_2203 : vector<16xf32>
      %sub3A_2214 = arith.subf %mul3A_2212, %mul3A_2213 : vector<16xf32>
      %mul3A_2215 = arith.mulf %get3A_2194, %sub3A_2214 : vector<16xf32>
      %add3A_2216 = arith.addf %add3A_2211, %mul3A_2215 : vector<16xf32>
      %get3A_2217 = arith.index_cast %add3A_2158 : i32 to index
      %get3A_2218 = arith.constant 32 : index
      %get3A_2219 = tpu.vector_load %arg11[%get3A_2217, %get3A_2218] {strides = array<i32>} : memref<128x256xf32, #tpu.memory_space<vmem>>, vector<16xf32>,
      %get3A_2220 = arith.index_cast %add3A_2158 : i32 to index
      %get3A_2221 = arith.constant 160 : index
      %get3A_2222 = tpu.vector_load %arg11[%get3A_2220, %get3A_2221] {strides = array<i32>} : memref<128x256xf32, #tpu.memory_space<vmem>>, vector<16xf32>,
      %get3A_2223 = arith.index_cast %add3A_2158 : i32 to index
      %get3A_2224 = arith.constant 32 : index
      %get3A_2225 = tpu.vector_load %arg12[%get3A_2223, %get3A_2224] {strides = array<i32>} : memref<128x256xf32, #tpu.memory_space<vmem>>, vector<16xf32>,
      %get3A_2226 = arith.index_cast %add3A_2158 : i32 to index
      %get3A_2227 = arith.constant 160 : index
      %get3A_2228 = tpu.vector_load %arg12[%get3A_2226, %get3A_2227] {strides = array<i32>} : memref<128x256xf32, #tpu.memory_space<vmem>>, vector<16xf32>,
      %get3A_2229 = arith.index_cast %add3A_2158 : i32 to index
      %get3A_2230 = arith.constant 32 : index
      %get3A_2231 = tpu.vector_load %arg13[%get3A_2229, %get3A_2230] {strides = array<i32>} : memref<128x256xf32, #tpu.memory_space<vmem>>, vector<16xf32>,
      %get3A_2232 = arith.index_cast %add3A_2158 : i32 to index
      %get3A_2233 = arith.constant 160 : index
      %get3A_2234 = tpu.vector_load %arg13[%get3A_2232, %get3A_2233] {strides = array<i32>} : memref<128x256xf32, #tpu.memory_space<vmem>>, vector<16xf32>,
      %mul3A_2235 = arith.mulf %get3A_2225, %get3A_2231 : vector<16xf32>
      %mul3A_2236 = arith.mulf %get3A_2228, %get3A_2234 : vector<16xf32>
      %add3A_2237 = arith.addf %mul3A_2235, %mul3A_2236 : vector<16xf32>
      %mul3A_2238 = arith.mulf %get3A_2219, %add3A_2237 : vector<16xf32>
      %add3A_2239 = arith.addf %add3A_2216, %mul3A_2238 : vector<16xf32>
      %mul3A_2240 = arith.mulf %get3A_2225, %get3A_2234 : vector<16xf32>
      %mul3A_2241 = arith.mulf %get3A_2228, %get3A_2231 : vector<16xf32>
      %sub3A_2242 = arith.subf %mul3A_2240, %mul3A_2241 : vector<16xf32>
      %mul3A_2243 = arith.mulf %get3A_2222, %sub3A_2242 : vector<16xf32>
      %add3A_2244 = arith.addf %add3A_2239, %mul3A_2243 : vector<16xf32>
      %get3A_2245 = arith.index_cast %add3A_2158 : i32 to index
      %get3A_2246 = arith.constant 48 : index
      %get3A_2247 = tpu.vector_load %arg11[%get3A_2245, %get3A_2246] {strides = array<i32>} : memref<128x256xf32, #tpu.memory_space<vmem>>, vector<16xf32>,
      %get3A_2248 = arith.index_cast %add3A_2158 : i32 to index
      %get3A_2249 = arith.constant 176 : index
      %get3A_2250 = tpu.vector_load %arg11[%get3A_2248, %get3A_2249] {strides = array<i32>} : memref<128x256xf32, #tpu.memory_space<vmem>>, vector<16xf32>,
      %get3A_2251 = arith.index_cast %add3A_2158 : i32 to index
      %get3A_2252 = arith.constant 48 : index
      %get3A_2253 = tpu.vector_load %arg12[%get3A_2251, %get3A_2252] {strides = array<i32>} : memref<128x256xf32, #tpu.memory_space<vmem>>, vector<16xf32>,
      %get3A_2254 = arith.index_cast %add3A_2158 : i32 to index
      %get3A_2255 = arith.constant 176 : index
      %get3A_2256 = tpu.vector_load %arg12[%get3A_2254, %get3A_2255] {strides = array<i32>} : memref<128x256xf32, #tpu.memory_space<vmem>>, vector<16xf32>,
      %get3A_2257 = arith.index_cast %add3A_2158 : i32 to index
      %get3A_2258 = arith.constant 48 : index
      %get3A_2259 = tpu.vector_load %arg13[%get3A_2257, %get3A_2258] {strides = array<i32>} : memref<128x256xf32, #tpu.memory_space<vmem>>, vector<16xf32>,
      %get3A_2260 = arith.index_cast %add3A_2158 : i32 to index
      %get3A_2261 = arith.constant 176 : index
      %get3A_2262 = tpu.vector_load %arg13[%get3A_2260, %get3A_2261] {strides = array<i32>} : memref<128x256xf32, #tpu.memory_space<vmem>>, vector<16xf32>,
      %mul3A_2263 = arith.mulf %get3A_2253, %get3A_2259 : vector<16xf32>
      %mul3A_2264 = arith.mulf %get3A_2256, %get3A_2262 : vector<16xf32>
      %add3A_2265 = arith.addf %mul3A_2263, %mul3A_2264 : vector<16xf32>
      %mul3A_2266 = arith.mulf %get3A_2247, %add3A_2265 : vector<16xf32>
      %add3A_2267 = arith.addf %add3A_2244, %mul3A_2266 : vector<16xf32>
      %mul3A_2268 = arith.mulf %get3A_2253, %get3A_2262 : vector<16xf32>
      %mul3A_2269 = arith.mulf %get3A_2256, %get3A_2259 : vector<16xf32>
      %sub3A_2270 = arith.subf %mul3A_2268, %mul3A_2269 : vector<16xf32>
      %mul3A_2271 = arith.mulf %get3A_2250, %sub3A_2270 : vector<16xf32>
      %add3A_2272 = arith.addf %add3A_2267, %mul3A_2271 : vector<16xf32>
      %get3A_2273 = arith.index_cast %add3A_2158 : i32 to index
      %get3A_2274 = arith.constant 64 : index
      %get3A_2275 = tpu.vector_load %arg11[%get3A_2273, %get3A_2274] {strides = array<i32>} : memref<128x256xf32, #tpu.memory_space<vmem>>, vector<16xf32>,
      %get3A_2276 = arith.index_cast %add3A_2158 : i32 to index
      %get3A_2277 = arith.constant 192 : index
      %get3A_2278 = tpu.vector_load %arg11[%get3A_2276, %get3A_2277] {strides = array<i32>} : memref<128x256xf32, #tpu.memory_space<vmem>>, vector<16xf32>,
      %get3A_2279 = arith.index_cast %add3A_2158 : i32 to index
      %get3A_2280 = arith.constant 64 : index
      %get3A_2281 = tpu.vector_load %arg12[%get3A_2279, %get3A_2280] {strides = array<i32>} : memref<128x256xf32, #tpu.memory_space<vmem>>, vector<16xf32>,
      %get3A_2282 = arith.index_cast %add3A_2158 : i32 to index
      %get3A_2283 = arith.constant 192 : index
      %get3A_2284 = tpu.vector_load %arg12[%get3A_2282, %get3A_2283] {strides = array<i32>} : memref<128x256xf32, #tpu.memory_space<vmem>>, vector<16xf32>,
      %get3A_2285 = arith.index_cast %add3A_2158 : i32 to index
      %get3A_2286 = arith.constant 64 : index
      %get3A_2287 = tpu.vector_load %arg13[%get3A_2285, %get3A_2286] {strides = array<i32>} : memref<128x256xf32, #tpu.memory_space<vmem>>, vector<16xf32>,
      %get3A_2288 = arith.index_cast %add3A_2158 : i32 to index
      %get3A_2289 = arith.constant 192 : index
      %get3A_2290 = tpu.vector_load %arg13[%get3A_2288, %get3A_2289] {strides = array<i32>} : memref<128x256xf32, #tpu.memory_space<vmem>>, vector<16xf32>,
      %mul3A_2291 = arith.mulf %get3A_2281, %get3A_2287 : vector<16xf32>
      %mul3A_2292 = arith.mulf %get3A_2284, %get3A_2290 : vector<16xf32>
      %add3A_2293 = arith.addf %mul3A_2291, %mul3A_2292 : vector<16xf32>
      %mul3A_2294 = arith.mulf %get3A_2275, %add3A_2293 : vector<16xf32>
      %add3A_2295 = arith.addf %add3A_2272, %mul3A_2294 : vector<16xf32>
      %mul3A_2296 = arith.mulf %get3A_2281, %get3A_2290 : vector<16xf32>
      %mul3A_2297 = arith.mulf %get3A_2284, %get3A_2287 : vector<16xf32>
      %sub3A_2298 = arith.subf %mul3A_2296, %mul3A_2297 : vector<16xf32>
      %mul3A_2299 = arith.mulf %get3A_2278, %sub3A_2298 : vector<16xf32>
      %add3A_2300 = arith.addf %add3A_2295, %mul3A_2299 : vector<16xf32>
      %get3A_2301 = arith.index_cast %add3A_2158 : i32 to index
      %get3A_2302 = arith.constant 80 : index
      %get3A_2303 = tpu.vector_load %arg11[%get3A_2301, %get3A_2302] {strides = array<i32>} : memref<128x256xf32, #tpu.memory_space<vmem>>, vector<16xf32>,
      %get3A_2304 = arith.index_cast %add3A_2158 : i32 to index
      %get3A_2305 = arith.constant 208 : index
      %get3A_2306 = tpu.vector_load %arg11[%get3A_2304, %get3A_2305] {strides = array<i32>} : memref<128x256xf32, #tpu.memory_space<vmem>>, vector<16xf32>,
      %get3A_2307 = arith.index_cast %add3A_2158 : i32 to index
      %get3A_2308 = arith.constant 80 : index
      %get3A_2309 = tpu.vector_load %arg12[%get3A_2307, %get3A_2308] {strides = array<i32>} : memref<128x256xf32, #tpu.memory_space<vmem>>, vector<16xf32>,
      %get3A_2310 = arith.index_cast %add3A_2158 : i32 to index
      %get3A_2311 = arith.constant 208 : index
      %get3A_2312 = tpu.vector_load %arg12[%get3A_2310, %get3A_2311] {strides = array<i32>} : memref<128x256xf32, #tpu.memory_space<vmem>>, vector<16xf32>,
      %get3A_2313 = arith.index_cast %add3A_2158 : i32 to index
      %get3A_2314 = arith.constant 80 : index
      %get3A_2315 = tpu.vector_load %arg13[%get3A_2313, %get3A_2314] {strides = array<i32>} : memref<128x256xf32, #tpu.memory_space<vmem>>, vector<16xf32>,
      %get3A_2316 = arith.index_cast %add3A_2158 : i32 to index
      %get3A_2317 = arith.constant 208 : index
      %get3A_2318 = tpu.vector_load %arg13[%get3A_2316, %get3A_2317] {strides = array<i32>} : memref<128x256xf32, #tpu.memory_space<vmem>>, vector<16xf32>,
      %mul3A_2319 = arith.mulf %get3A_2309, %get3A_2315 : vector<16xf32>
      %mul3A_2320 = arith.mulf %get3A_2312, %get3A_2318 : vector<16xf32>
      %add3A_2321 = arith.addf %mul3A_2319, %mul3A_2320 : vector<16xf32>
      %mul3A_2322 = arith.mulf %get3A_2303, %add3A_2321 : vector<16xf32>
      %add3A_2323 = arith.addf %add3A_2300, %mul3A_2322 : vector<16xf32>
      %mul3A_2324 = arith.mulf %get3A_2309, %get3A_2318 : vector<16xf32>
      %mul3A_2325 = arith.mulf %get3A_2312, %get3A_2315 : vector<16xf32>
      %sub3A_2326 = arith.subf %mul3A_2324, %mul3A_2325 : vector<16xf32>
      %mul3A_2327 = arith.mulf %get3A_2306, %sub3A_2326 : vector<16xf32>
      %add3A_2328 = arith.addf %add3A_2323, %mul3A_2327 : vector<16xf32>
      %get3A_2329 = arith.index_cast %add3A_2158 : i32 to index
      %get3A_2330 = arith.constant 96 : index
      %get3A_2331 = tpu.vector_load %arg11[%get3A_2329, %get3A_2330] {strides = array<i32>} : memref<128x256xf32, #tpu.memory_space<vmem>>, vector<16xf32>,
      %get3A_2332 = arith.index_cast %add3A_2158 : i32 to index
      %get3A_2333 = arith.constant 224 : index
      %get3A_2334 = tpu.vector_load %arg11[%get3A_2332, %get3A_2333] {strides = array<i32>} : memref<128x256xf32, #tpu.memory_space<vmem>>, vector<16xf32>,
      %get3A_2335 = arith.index_cast %add3A_2158 : i32 to index
      %get3A_2336 = arith.constant 96 : index
      %get3A_2337 = tpu.vector_load %arg12[%get3A_2335, %get3A_2336] {strides = array<i32>} : memref<128x256xf32, #tpu.memory_space<vmem>>, vector<16xf32>,
      %get3A_2338 = arith.index_cast %add3A_2158 : i32 to index
      %get3A_2339 = arith.constant 224 : index
      %get3A_2340 = tpu.vector_load %arg12[%get3A_2338, %get3A_2339] {strides = array<i32>} : memref<128x256xf32, #tpu.memory_space<vmem>>, vector<16xf32>,
      %get3A_2341 = arith.index_cast %add3A_2158 : i32 to index
      %get3A_2342 = arith.constant 96 : index
      %get3A_2343 = tpu.vector_load %arg13[%get3A_2341, %get3A_2342] {strides = array<i32>} : memref<128x256xf32, #tpu.memory_space<vmem>>, vector<16xf32>,
      %get3A_2344 = arith.index_cast %add3A_2158 : i32 to index
      %get3A_2345 = arith.constant 224 : index
      %get3A_2346 = tpu.vector_load %arg13[%get3A_2344, %get3A_2345] {strides = array<i32>} : memref<128x256xf32, #tpu.memory_space<vmem>>, vector<16xf32>,
      %mul3A_2347 = arith.mulf %get3A_2337, %get3A_2343 : vector<16xf32>
      %mul3A_2348 = arith.mulf %get3A_2340, %get3A_2346 : vector<16xf32>
      %add3A_2349 = arith.addf %mul3A_2347, %mul3A_2348 : vector<16xf32>
      %mul3A_2350 = arith.mulf %get3A_2331, %add3A_2349 : vector<16xf32>
      %add3A_2351 = arith.addf %add3A_2328, %mul3A_2350 : vector<16xf32>
      %mul3A_2352 = arith.mulf %get3A_2337, %get3A_2346 : vector<16xf32>
      %mul3A_2353 = arith.mulf %get3A_2340, %get3A_2343 : vector<16xf32>
      %sub3A_2354 = arith.subf %mul3A_2352, %mul3A_2353 : vector<16xf32>
      %mul3A_2355 = arith.mulf %get3A_2334, %sub3A_2354 : vector<16xf32>
      %add3A_2356 = arith.addf %add3A_2351, %mul3A_2355 : vector<16xf32>
      %get3A_2357 = arith.index_cast %add3A_2158 : i32 to index
      %get3A_2358 = arith.constant 112 : index
      %get3A_2359 = tpu.vector_load %arg11[%get3A_2357, %get3A_2358] {strides = array<i32>} : memref<128x256xf32, #tpu.memory_space<vmem>>, vector<16xf32>,
      %get3A_2360 = arith.index_cast %add3A_2158 : i32 to index
      %get3A_2361 = arith.constant 240 : index
      %get3A_2362 = tpu.vector_load %arg11[%get3A_2360, %get3A_2361] {strides = array<i32>} : memref<128x256xf32, #tpu.memory_space<vmem>>, vector<16xf32>,
      %get3A_2363 = arith.index_cast %add3A_2158 : i32 to index
      %get3A_2364 = arith.constant 112 : index
      %get3A_2365 = tpu.vector_load %arg12[%get3A_2363, %get3A_2364] {strides = array<i32>} : memref<128x256xf32, #tpu.memory_space<vmem>>, vector<16xf32>,
      %get3A_2366 = arith.index_cast %add3A_2158 : i32 to index
      %get3A_2367 = arith.constant 240 : index
      %get3A_2368 = tpu.vector_load %arg12[%get3A_2366, %get3A_2367] {strides = array<i32>} : memref<128x256xf32, #tpu.memory_space<vmem>>, vector<16xf32>,
      %get3A_2369 = arith.index_cast %add3A_2158 : i32 to index
      %get3A_2370 = arith.constant 112 : index
      %get3A_2371 = tpu.vector_load %arg13[%get3A_2369, %get3A_2370] {strides = array<i32>} : memref<128x256xf32, #tpu.memory_space<vmem>>, vector<16xf32>,
      %get3A_2372 = arith.index_cast %add3A_2158 : i32 to index
      %get3A_2373 = arith.constant 240 : index
      %get3A_2374 = tpu.vector_load %arg13[%get3A_2372, %get3A_2373] {strides = array<i32>} : memref<128x256xf32, #tpu.memory_space<vmem>>, vector<16xf32>,
      %mul3A_2375 = arith.mulf %get3A_2365, %get3A_2371 : vector<16xf32>
      %mul3A_2376 = arith.mulf %get3A_2368, %get3A_2374 : vector<16xf32>
      %add3A_2377 = arith.addf %mul3A_2375, %mul3A_2376 : vector<16xf32>
      %mul3A_2378 = arith.mulf %get3A_2359, %add3A_2377 : vector<16xf32>
      %add3A_2379 = arith.addf %add3A_2356, %mul3A_2378 : vector<16xf32>
      %mul3A_2380 = arith.mulf %get3A_2365, %get3A_2374 : vector<16xf32>
      %mul3A_2381 = arith.mulf %get3A_2368, %get3A_2371 : vector<16xf32>
      %sub3A_2382 = arith.subf %mul3A_2380, %mul3A_2381 : vector<16xf32>
      %mul3A_2383 = arith.mulf %get3A_2362, %sub3A_2382 : vector<16xf32>
      %add3A_2384 = arith.addf %add3A_2379, %mul3A_2383 : vector<16xf32>
      %reduce_sum3A_2385 = arith.constant true
      %reduce_sum3A_2386 = vector.broadcast %reduce_sum3A_2385 : i1 to vector<16xi1>
      %reduce_sum3A_2387 = tpu.scan <sum>, %add3A_2384 masked %reduce_sum3A_2386 : vector<16xf32>, vector<16xi1> -> vector<16xf32>
      %reduce_sum3A_2388 = vector.extract %reduce_sum3A_2387[15] : f32 from vector<16xf32>
      %eq3A_2389 = arith.constant 9 : i32
      %eq3A_2390 = vector.broadcast %eq3A_2389 : i32 to vector<16xi32>
      %eq3A_2391 = arith.cmpi eq, %iota3A, %eq3A_2390 : vector<16xi32>
      %broadcast_in_dim3A_2392 = vector.broadcast %reduce_sum3A_2388 : f32 to vector<16xf32>
      %select_n3A_2393 = arith.select %eq3A_2391, %broadcast_in_dim3A_2392, %select_n3A_2156 : vector<16xi1>, vector<16xf32>
      %add3A_2394 = arith.constant 10 : i32
      %add3A_2395 = arith.addi %add3A_27, %add3A_2394 : i32
      %broadcast_in_dim3A_2396 = arith.constant 0.000000e+00 : f32
      %broadcast_in_dim3A_2397 = vector.broadcast %broadcast_in_dim3A_2396 : f32 to vector<16xf32>
      %get3A_2398 = arith.index_cast %add3A_2395 : i32 to index
      %get3A_2399 = arith.constant 0 : index
      %get3A_2400 = tpu.vector_load %arg11[%get3A_2398, %get3A_2399] {strides = array<i32>} : memref<128x256xf32, #tpu.memory_space<vmem>>, vector<16xf32>,
      %get3A_2401 = arith.index_cast %add3A_2395 : i32 to index
      %get3A_2402 = arith.constant 128 : index
      %get3A_2403 = tpu.vector_load %arg11[%get3A_2401, %get3A_2402] {strides = array<i32>} : memref<128x256xf32, #tpu.memory_space<vmem>>, vector<16xf32>,
      %get3A_2404 = arith.index_cast %add3A_2395 : i32 to index
      %get3A_2405 = arith.constant 0 : index
      %get3A_2406 = tpu.vector_load %arg12[%get3A_2404, %get3A_2405] {strides = array<i32>} : memref<128x256xf32, #tpu.memory_space<vmem>>, vector<16xf32>,
      %get3A_2407 = arith.index_cast %add3A_2395 : i32 to index
      %get3A_2408 = arith.constant 128 : index
      %get3A_2409 = tpu.vector_load %arg12[%get3A_2407, %get3A_2408] {strides = array<i32>} : memref<128x256xf32, #tpu.memory_space<vmem>>, vector<16xf32>,
      %get3A_2410 = arith.index_cast %add3A_2395 : i32 to index
      %get3A_2411 = arith.constant 0 : index
      %get3A_2412 = tpu.vector_load %arg13[%get3A_2410, %get3A_2411] {strides = array<i32>} : memref<128x256xf32, #tpu.memory_space<vmem>>, vector<16xf32>,
      %get3A_2413 = arith.index_cast %add3A_2395 : i32 to index
      %get3A_2414 = arith.constant 128 : index
      %get3A_2415 = tpu.vector_load %arg13[%get3A_2413, %get3A_2414] {strides = array<i32>} : memref<128x256xf32, #tpu.memory_space<vmem>>, vector<16xf32>,
      %mul3A_2416 = arith.mulf %get3A_2406, %get3A_2412 : vector<16xf32>
      %mul3A_2417 = arith.mulf %get3A_2409, %get3A_2415 : vector<16xf32>
      %add3A_2418 = arith.addf %mul3A_2416, %mul3A_2417 : vector<16xf32>
      %mul3A_2419 = arith.mulf %get3A_2400, %add3A_2418 : vector<16xf32>
      %add3A_2420 = arith.addf %broadcast_in_dim3A_2397, %mul3A_2419 : vector<16xf32>
      %mul3A_2421 = arith.mulf %get3A_2406, %get3A_2415 : vector<16xf32>
      %mul3A_2422 = arith.mulf %get3A_2409, %get3A_2412 : vector<16xf32>
      %sub3A_2423 = arith.subf %mul3A_2421, %mul3A_2422 : vector<16xf32>
      %mul3A_2424 = arith.mulf %get3A_2403, %sub3A_2423 : vector<16xf32>
      %add3A_2425 = arith.addf %add3A_2420, %mul3A_2424 : vector<16xf32>
      %get3A_2426 = arith.index_cast %add3A_2395 : i32 to index
      %get3A_2427 = arith.constant 16 : index
      %get3A_2428 = tpu.vector_load %arg11[%get3A_2426, %get3A_2427] {strides = array<i32>} : memref<128x256xf32, #tpu.memory_space<vmem>>, vector<16xf32>,
      %get3A_2429 = arith.index_cast %add3A_2395 : i32 to index
      %get3A_2430 = arith.constant 144 : index
      %get3A_2431 = tpu.vector_load %arg11[%get3A_2429, %get3A_2430] {strides = array<i32>} : memref<128x256xf32, #tpu.memory_space<vmem>>, vector<16xf32>,
      %get3A_2432 = arith.index_cast %add3A_2395 : i32 to index
      %get3A_2433 = arith.constant 16 : index
      %get3A_2434 = tpu.vector_load %arg12[%get3A_2432, %get3A_2433] {strides = array<i32>} : memref<128x256xf32, #tpu.memory_space<vmem>>, vector<16xf32>,
      %get3A_2435 = arith.index_cast %add3A_2395 : i32 to index
      %get3A_2436 = arith.constant 144 : index
      %get3A_2437 = tpu.vector_load %arg12[%get3A_2435, %get3A_2436] {strides = array<i32>} : memref<128x256xf32, #tpu.memory_space<vmem>>, vector<16xf32>,
      %get3A_2438 = arith.index_cast %add3A_2395 : i32 to index
      %get3A_2439 = arith.constant 16 : index
      %get3A_2440 = tpu.vector_load %arg13[%get3A_2438, %get3A_2439] {strides = array<i32>} : memref<128x256xf32, #tpu.memory_space<vmem>>, vector<16xf32>,
      %get3A_2441 = arith.index_cast %add3A_2395 : i32 to index
      %get3A_2442 = arith.constant 144 : index
      %get3A_2443 = tpu.vector_load %arg13[%get3A_2441, %get3A_2442] {strides = array<i32>} : memref<128x256xf32, #tpu.memory_space<vmem>>, vector<16xf32>,
      %mul3A_2444 = arith.mulf %get3A_2434, %get3A_2440 : vector<16xf32>
      %mul3A_2445 = arith.mulf %get3A_2437, %get3A_2443 : vector<16xf32>
      %add3A_2446 = arith.addf %mul3A_2444, %mul3A_2445 : vector<16xf32>
      %mul3A_2447 = arith.mulf %get3A_2428, %add3A_2446 : vector<16xf32>
      %add3A_2448 = arith.addf %add3A_2425, %mul3A_2447 : vector<16xf32>
      %mul3A_2449 = arith.mulf %get3A_2434, %get3A_2443 : vector<16xf32>
      %mul3A_2450 = arith.mulf %get3A_2437, %get3A_2440 : vector<16xf32>
      %sub3A_2451 = arith.subf %mul3A_2449, %mul3A_2450 : vector<16xf32>
      %mul3A_2452 = arith.mulf %get3A_2431, %sub3A_2451 : vector<16xf32>
      %add3A_2453 = arith.addf %add3A_2448, %mul3A_2452 : vector<16xf32>
      %get3A_2454 = arith.index_cast %add3A_2395 : i32 to index
      %get3A_2455 = arith.constant 32 : index
      %get3A_2456 = tpu.vector_load %arg11[%get3A_2454, %get3A_2455] {strides = array<i32>} : memref<128x256xf32, #tpu.memory_space<vmem>>, vector<16xf32>,
      %get3A_2457 = arith.index_cast %add3A_2395 : i32 to index
      %get3A_2458 = arith.constant 160 : index
      %get3A_2459 = tpu.vector_load %arg11[%get3A_2457, %get3A_2458] {strides = array<i32>} : memref<128x256xf32, #tpu.memory_space<vmem>>, vector<16xf32>,
      %get3A_2460 = arith.index_cast %add3A_2395 : i32 to index
      %get3A_2461 = arith.constant 32 : index
      %get3A_2462 = tpu.vector_load %arg12[%get3A_2460, %get3A_2461] {strides = array<i32>} : memref<128x256xf32, #tpu.memory_space<vmem>>, vector<16xf32>,
      %get3A_2463 = arith.index_cast %add3A_2395 : i32 to index
      %get3A_2464 = arith.constant 160 : index
      %get3A_2465 = tpu.vector_load %arg12[%get3A_2463, %get3A_2464] {strides = array<i32>} : memref<128x256xf32, #tpu.memory_space<vmem>>, vector<16xf32>,
      %get3A_2466 = arith.index_cast %add3A_2395 : i32 to index
      %get3A_2467 = arith.constant 32 : index
      %get3A_2468 = tpu.vector_load %arg13[%get3A_2466, %get3A_2467] {strides = array<i32>} : memref<128x256xf32, #tpu.memory_space<vmem>>, vector<16xf32>,
      %get3A_2469 = arith.index_cast %add3A_2395 : i32 to index
      %get3A_2470 = arith.constant 160 : index
      %get3A_2471 = tpu.vector_load %arg13[%get3A_2469, %get3A_2470] {strides = array<i32>} : memref<128x256xf32, #tpu.memory_space<vmem>>, vector<16xf32>,
      %mul3A_2472 = arith.mulf %get3A_2462, %get3A_2468 : vector<16xf32>
      %mul3A_2473 = arith.mulf %get3A_2465, %get3A_2471 : vector<16xf32>
      %add3A_2474 = arith.addf %mul3A_2472, %mul3A_2473 : vector<16xf32>
      %mul3A_2475 = arith.mulf %get3A_2456, %add3A_2474 : vector<16xf32>
      %add3A_2476 = arith.addf %add3A_2453, %mul3A_2475 : vector<16xf32>
      %mul3A_2477 = arith.mulf %get3A_2462, %get3A_2471 : vector<16xf32>
      %mul3A_2478 = arith.mulf %get3A_2465, %get3A_2468 : vector<16xf32>
      %sub3A_2479 = arith.subf %mul3A_2477, %mul3A_2478 : vector<16xf32>
      %mul3A_2480 = arith.mulf %get3A_2459, %sub3A_2479 : vector<16xf32>
      %add3A_2481 = arith.addf %add3A_2476, %mul3A_2480 : vector<16xf32>
      %get3A_2482 = arith.index_cast %add3A_2395 : i32 to index
      %get3A_2483 = arith.constant 48 : index
      %get3A_2484 = tpu.vector_load %arg11[%get3A_2482, %get3A_2483] {strides = array<i32>} : memref<128x256xf32, #tpu.memory_space<vmem>>, vector<16xf32>,
      %get3A_2485 = arith.index_cast %add3A_2395 : i32 to index
      %get3A_2486 = arith.constant 176 : index
      %get3A_2487 = tpu.vector_load %arg11[%get3A_2485, %get3A_2486] {strides = array<i32>} : memref<128x256xf32, #tpu.memory_space<vmem>>, vector<16xf32>,
      %get3A_2488 = arith.index_cast %add3A_2395 : i32 to index
      %get3A_2489 = arith.constant 48 : index
      %get3A_2490 = tpu.vector_load %arg12[%get3A_2488, %get3A_2489] {strides = array<i32>} : memref<128x256xf32, #tpu.memory_space<vmem>>, vector<16xf32>,
      %get3A_2491 = arith.index_cast %add3A_2395 : i32 to index
      %get3A_2492 = arith.constant 176 : index
      %get3A_2493 = tpu.vector_load %arg12[%get3A_2491, %get3A_2492] {strides = array<i32>} : memref<128x256xf32, #tpu.memory_space<vmem>>, vector<16xf32>,
      %get3A_2494 = arith.index_cast %add3A_2395 : i32 to index
      %get3A_2495 = arith.constant 48 : index
      %get3A_2496 = tpu.vector_load %arg13[%get3A_2494, %get3A_2495] {strides = array<i32>} : memref<128x256xf32, #tpu.memory_space<vmem>>, vector<16xf32>,
      %get3A_2497 = arith.index_cast %add3A_2395 : i32 to index
      %get3A_2498 = arith.constant 176 : index
      %get3A_2499 = tpu.vector_load %arg13[%get3A_2497, %get3A_2498] {strides = array<i32>} : memref<128x256xf32, #tpu.memory_space<vmem>>, vector<16xf32>,
      %mul3A_2500 = arith.mulf %get3A_2490, %get3A_2496 : vector<16xf32>
      %mul3A_2501 = arith.mulf %get3A_2493, %get3A_2499 : vector<16xf32>
      %add3A_2502 = arith.addf %mul3A_2500, %mul3A_2501 : vector<16xf32>
      %mul3A_2503 = arith.mulf %get3A_2484, %add3A_2502 : vector<16xf32>
      %add3A_2504 = arith.addf %add3A_2481, %mul3A_2503 : vector<16xf32>
      %mul3A_2505 = arith.mulf %get3A_2490, %get3A_2499 : vector<16xf32>
      %mul3A_2506 = arith.mulf %get3A_2493, %get3A_2496 : vector<16xf32>
      %sub3A_2507 = arith.subf %mul3A_2505, %mul3A_2506 : vector<16xf32>
      %mul3A_2508 = arith.mulf %get3A_2487, %sub3A_2507 : vector<16xf32>
      %add3A_2509 = arith.addf %add3A_2504, %mul3A_2508 : vector<16xf32>
      %get3A_2510 = arith.index_cast %add3A_2395 : i32 to index
      %get3A_2511 = arith.constant 64 : index
      %get3A_2512 = tpu.vector_load %arg11[%get3A_2510, %get3A_2511] {strides = array<i32>} : memref<128x256xf32, #tpu.memory_space<vmem>>, vector<16xf32>,
      %get3A_2513 = arith.index_cast %add3A_2395 : i32 to index
      %get3A_2514 = arith.constant 192 : index
      %get3A_2515 = tpu.vector_load %arg11[%get3A_2513, %get3A_2514] {strides = array<i32>} : memref<128x256xf32, #tpu.memory_space<vmem>>, vector<16xf32>,
      %get3A_2516 = arith.index_cast %add3A_2395 : i32 to index
      %get3A_2517 = arith.constant 64 : index
      %get3A_2518 = tpu.vector_load %arg12[%get3A_2516, %get3A_2517] {strides = array<i32>} : memref<128x256xf32, #tpu.memory_space<vmem>>, vector<16xf32>,
      %get3A_2519 = arith.index_cast %add3A_2395 : i32 to index
      %get3A_2520 = arith.constant 192 : index
      %get3A_2521 = tpu.vector_load %arg12[%get3A_2519, %get3A_2520] {strides = array<i32>} : memref<128x256xf32, #tpu.memory_space<vmem>>, vector<16xf32>,
      %get3A_2522 = arith.index_cast %add3A_2395 : i32 to index
      %get3A_2523 = arith.constant 64 : index
      %get3A_2524 = tpu.vector_load %arg13[%get3A_2522, %get3A_2523] {strides = array<i32>} : memref<128x256xf32, #tpu.memory_space<vmem>>, vector<16xf32>,
      %get3A_2525 = arith.index_cast %add3A_2395 : i32 to index
      %get3A_2526 = arith.constant 192 : index
      %get3A_2527 = tpu.vector_load %arg13[%get3A_2525, %get3A_2526] {strides = array<i32>} : memref<128x256xf32, #tpu.memory_space<vmem>>, vector<16xf32>,
      %mul3A_2528 = arith.mulf %get3A_2518, %get3A_2524 : vector<16xf32>
      %mul3A_2529 = arith.mulf %get3A_2521, %get3A_2527 : vector<16xf32>
      %add3A_2530 = arith.addf %mul3A_2528, %mul3A_2529 : vector<16xf32>
      %mul3A_2531 = arith.mulf %get3A_2512, %add3A_2530 : vector<16xf32>
      %add3A_2532 = arith.addf %add3A_2509, %mul3A_2531 : vector<16xf32>
      %mul3A_2533 = arith.mulf %get3A_2518, %get3A_2527 : vector<16xf32>
      %mul3A_2534 = arith.mulf %get3A_2521, %get3A_2524 : vector<16xf32>
      %sub3A_2535 = arith.subf %mul3A_2533, %mul3A_2534 : vector<16xf32>
      %mul3A_2536 = arith.mulf %get3A_2515, %sub3A_2535 : vector<16xf32>
      %add3A_2537 = arith.addf %add3A_2532, %mul3A_2536 : vector<16xf32>
      %get3A_2538 = arith.index_cast %add3A_2395 : i32 to index
      %get3A_2539 = arith.constant 80 : index
      %get3A_2540 = tpu.vector_load %arg11[%get3A_2538, %get3A_2539] {strides = array<i32>} : memref<128x256xf32, #tpu.memory_space<vmem>>, vector<16xf32>,
      %get3A_2541 = arith.index_cast %add3A_2395 : i32 to index
      %get3A_2542 = arith.constant 208 : index
      %get3A_2543 = tpu.vector_load %arg11[%get3A_2541, %get3A_2542] {strides = array<i32>} : memref<128x256xf32, #tpu.memory_space<vmem>>, vector<16xf32>,
      %get3A_2544 = arith.index_cast %add3A_2395 : i32 to index
      %get3A_2545 = arith.constant 80 : index
      %get3A_2546 = tpu.vector_load %arg12[%get3A_2544, %get3A_2545] {strides = array<i32>} : memref<128x256xf32, #tpu.memory_space<vmem>>, vector<16xf32>,
      %get3A_2547 = arith.index_cast %add3A_2395 : i32 to index
      %get3A_2548 = arith.constant 208 : index
      %get3A_2549 = tpu.vector_load %arg12[%get3A_2547, %get3A_2548] {strides = array<i32>} : memref<128x256xf32, #tpu.memory_space<vmem>>, vector<16xf32>,
      %get3A_2550 = arith.index_cast %add3A_2395 : i32 to index
      %get3A_2551 = arith.constant 80 : index
      %get3A_2552 = tpu.vector_load %arg13[%get3A_2550, %get3A_2551] {strides = array<i32>} : memref<128x256xf32, #tpu.memory_space<vmem>>, vector<16xf32>,
      %get3A_2553 = arith.index_cast %add3A_2395 : i32 to index
      %get3A_2554 = arith.constant 208 : index
      %get3A_2555 = tpu.vector_load %arg13[%get3A_2553, %get3A_2554] {strides = array<i32>} : memref<128x256xf32, #tpu.memory_space<vmem>>, vector<16xf32>,
      %mul3A_2556 = arith.mulf %get3A_2546, %get3A_2552 : vector<16xf32>
      %mul3A_2557 = arith.mulf %get3A_2549, %get3A_2555 : vector<16xf32>
      %add3A_2558 = arith.addf %mul3A_2556, %mul3A_2557 : vector<16xf32>
      %mul3A_2559 = arith.mulf %get3A_2540, %add3A_2558 : vector<16xf32>
      %add3A_2560 = arith.addf %add3A_2537, %mul3A_2559 : vector<16xf32>
      %mul3A_2561 = arith.mulf %get3A_2546, %get3A_2555 : vector<16xf32>
      %mul3A_2562 = arith.mulf %get3A_2549, %get3A_2552 : vector<16xf32>
      %sub3A_2563 = arith.subf %mul3A_2561, %mul3A_2562 : vector<16xf32>
      %mul3A_2564 = arith.mulf %get3A_2543, %sub3A_2563 : vector<16xf32>
      %add3A_2565 = arith.addf %add3A_2560, %mul3A_2564 : vector<16xf32>
      %get3A_2566 = arith.index_cast %add3A_2395 : i32 to index
      %get3A_2567 = arith.constant 96 : index
      %get3A_2568 = tpu.vector_load %arg11[%get3A_2566, %get3A_2567] {strides = array<i32>} : memref<128x256xf32, #tpu.memory_space<vmem>>, vector<16xf32>,
      %get3A_2569 = arith.index_cast %add3A_2395 : i32 to index
      %get3A_2570 = arith.constant 224 : index
      %get3A_2571 = tpu.vector_load %arg11[%get3A_2569, %get3A_2570] {strides = array<i32>} : memref<128x256xf32, #tpu.memory_space<vmem>>, vector<16xf32>,
      %get3A_2572 = arith.index_cast %add3A_2395 : i32 to index
      %get3A_2573 = arith.constant 96 : index
      %get3A_2574 = tpu.vector_load %arg12[%get3A_2572, %get3A_2573] {strides = array<i32>} : memref<128x256xf32, #tpu.memory_space<vmem>>, vector<16xf32>,
      %get3A_2575 = arith.index_cast %add3A_2395 : i32 to index
      %get3A_2576 = arith.constant 224 : index
      %get3A_2577 = tpu.vector_load %arg12[%get3A_2575, %get3A_2576] {strides = array<i32>} : memref<128x256xf32, #tpu.memory_space<vmem>>, vector<16xf32>,
      %get3A_2578 = arith.index_cast %add3A_2395 : i32 to index
      %get3A_2579 = arith.constant 96 : index
      %get3A_2580 = tpu.vector_load %arg13[%get3A_2578, %get3A_2579] {strides = array<i32>} : memref<128x256xf32, #tpu.memory_space<vmem>>, vector<16xf32>,
      %get3A_2581 = arith.index_cast %add3A_2395 : i32 to index
      %get3A_2582 = arith.constant 224 : index
      %get3A_2583 = tpu.vector_load %arg13[%get3A_2581, %get3A_2582] {strides = array<i32>} : memref<128x256xf32, #tpu.memory_space<vmem>>, vector<16xf32>,
      %mul3A_2584 = arith.mulf %get3A_2574, %get3A_2580 : vector<16xf32>
      %mul3A_2585 = arith.mulf %get3A_2577, %get3A_2583 : vector<16xf32>
      %add3A_2586 = arith.addf %mul3A_2584, %mul3A_2585 : vector<16xf32>
      %mul3A_2587 = arith.mulf %get3A_2568, %add3A_2586 : vector<16xf32>
      %add3A_2588 = arith.addf %add3A_2565, %mul3A_2587 : vector<16xf32>
      %mul3A_2589 = arith.mulf %get3A_2574, %get3A_2583 : vector<16xf32>
      %mul3A_2590 = arith.mulf %get3A_2577, %get3A_2580 : vector<16xf32>
      %sub3A_2591 = arith.subf %mul3A_2589, %mul3A_2590 : vector<16xf32>
      %mul3A_2592 = arith.mulf %get3A_2571, %sub3A_2591 : vector<16xf32>
      %add3A_2593 = arith.addf %add3A_2588, %mul3A_2592 : vector<16xf32>
      %get3A_2594 = arith.index_cast %add3A_2395 : i32 to index
      %get3A_2595 = arith.constant 112 : index
      %get3A_2596 = tpu.vector_load %arg11[%get3A_2594, %get3A_2595] {strides = array<i32>} : memref<128x256xf32, #tpu.memory_space<vmem>>, vector<16xf32>,
      %get3A_2597 = arith.index_cast %add3A_2395 : i32 to index
      %get3A_2598 = arith.constant 240 : index
      %get3A_2599 = tpu.vector_load %arg11[%get3A_2597, %get3A_2598] {strides = array<i32>} : memref<128x256xf32, #tpu.memory_space<vmem>>, vector<16xf32>,
      %get3A_2600 = arith.index_cast %add3A_2395 : i32 to index
      %get3A_2601 = arith.constant 112 : index
      %get3A_2602 = tpu.vector_load %arg12[%get3A_2600, %get3A_2601] {strides = array<i32>} : memref<128x256xf32, #tpu.memory_space<vmem>>, vector<16xf32>,
      %get3A_2603 = arith.index_cast %add3A_2395 : i32 to index
      %get3A_2604 = arith.constant 240 : index
      %get3A_2605 = tpu.vector_load %arg12[%get3A_2603, %get3A_2604] {strides = array<i32>} : memref<128x256xf32, #tpu.memory_space<vmem>>, vector<16xf32>,
      %get3A_2606 = arith.index_cast %add3A_2395 : i32 to index
      %get3A_2607 = arith.constant 112 : index
      %get3A_2608 = tpu.vector_load %arg13[%get3A_2606, %get3A_2607] {strides = array<i32>} : memref<128x256xf32, #tpu.memory_space<vmem>>, vector<16xf32>,
      %get3A_2609 = arith.index_cast %add3A_2395 : i32 to index
      %get3A_2610 = arith.constant 240 : index
      %get3A_2611 = tpu.vector_load %arg13[%get3A_2609, %get3A_2610] {strides = array<i32>} : memref<128x256xf32, #tpu.memory_space<vmem>>, vector<16xf32>,
      %mul3A_2612 = arith.mulf %get3A_2602, %get3A_2608 : vector<16xf32>
      %mul3A_2613 = arith.mulf %get3A_2605, %get3A_2611 : vector<16xf32>
      %add3A_2614 = arith.addf %mul3A_2612, %mul3A_2613 : vector<16xf32>
      %mul3A_2615 = arith.mulf %get3A_2596, %add3A_2614 : vector<16xf32>
      %add3A_2616 = arith.addf %add3A_2593, %mul3A_2615 : vector<16xf32>
      %mul3A_2617 = arith.mulf %get3A_2602, %get3A_2611 : vector<16xf32>
      %mul3A_2618 = arith.mulf %get3A_2605, %get3A_2608 : vector<16xf32>
      %sub3A_2619 = arith.subf %mul3A_2617, %mul3A_2618 : vector<16xf32>
      %mul3A_2620 = arith.mulf %get3A_2599, %sub3A_2619 : vector<16xf32>
      %add3A_2621 = arith.addf %add3A_2616, %mul3A_2620 : vector<16xf32>
      %reduce_sum3A_2622 = arith.constant true
      %reduce_sum3A_2623 = vector.broadcast %reduce_sum3A_2622 : i1 to vector<16xi1>
      %reduce_sum3A_2624 = tpu.scan <sum>, %add3A_2621 masked %reduce_sum3A_2623 : vector<16xf32>, vector<16xi1> -> vector<16xf32>
      %reduce_sum3A_2625 = vector.extract %reduce_sum3A_2624[15] : f32 from vector<16xf32>
      %eq3A_2626 = arith.constant 10 : i32
      %eq3A_2627 = vector.broadcast %eq3A_2626 : i32 to vector<16xi32>
      %eq3A_2628 = arith.cmpi eq, %iota3A, %eq3A_2627 : vector<16xi32>
      %broadcast_in_dim3A_2629 = vector.broadcast %reduce_sum3A_2625 : f32 to vector<16xf32>
      %select_n3A_2630 = arith.select %eq3A_2628, %broadcast_in_dim3A_2629, %select_n3A_2393 : vector<16xi1>, vector<16xf32>
      %add3A_2631 = arith.constant 11 : i32
      %add3A_2632 = arith.addi %add3A_27, %add3A_2631 : i32
      %broadcast_in_dim3A_2633 = arith.constant 0.000000e+00 : f32
      %broadcast_in_dim3A_2634 = vector.broadcast %broadcast_in_dim3A_2633 : f32 to vector<16xf32>
      %get3A_2635 = arith.index_cast %add3A_2632 : i32 to index
      %get3A_2636 = arith.constant 0 : index
      %get3A_2637 = tpu.vector_load %arg11[%get3A_2635, %get3A_2636] {strides = array<i32>} : memref<128x256xf32, #tpu.memory_space<vmem>>, vector<16xf32>,
      %get3A_2638 = arith.index_cast %add3A_2632 : i32 to index
      %get3A_2639 = arith.constant 128 : index
      %get3A_2640 = tpu.vector_load %arg11[%get3A_2638, %get3A_2639] {strides = array<i32>} : memref<128x256xf32, #tpu.memory_space<vmem>>, vector<16xf32>,
      %get3A_2641 = arith.index_cast %add3A_2632 : i32 to index
      %get3A_2642 = arith.constant 0 : index
      %get3A_2643 = tpu.vector_load %arg12[%get3A_2641, %get3A_2642] {strides = array<i32>} : memref<128x256xf32, #tpu.memory_space<vmem>>, vector<16xf32>,
      %get3A_2644 = arith.index_cast %add3A_2632 : i32 to index
      %get3A_2645 = arith.constant 128 : index
      %get3A_2646 = tpu.vector_load %arg12[%get3A_2644, %get3A_2645] {strides = array<i32>} : memref<128x256xf32, #tpu.memory_space<vmem>>, vector<16xf32>,
      %get3A_2647 = arith.index_cast %add3A_2632 : i32 to index
      %get3A_2648 = arith.constant 0 : index
      %get3A_2649 = tpu.vector_load %arg13[%get3A_2647, %get3A_2648] {strides = array<i32>} : memref<128x256xf32, #tpu.memory_space<vmem>>, vector<16xf32>,
      %get3A_2650 = arith.index_cast %add3A_2632 : i32 to index
      %get3A_2651 = arith.constant 128 : index
      %get3A_2652 = tpu.vector_load %arg13[%get3A_2650, %get3A_2651] {strides = array<i32>} : memref<128x256xf32, #tpu.memory_space<vmem>>, vector<16xf32>,
      %mul3A_2653 = arith.mulf %get3A_2643, %get3A_2649 : vector<16xf32>
      %mul3A_2654 = arith.mulf %get3A_2646, %get3A_2652 : vector<16xf32>
      %add3A_2655 = arith.addf %mul3A_2653, %mul3A_2654 : vector<16xf32>
      %mul3A_2656 = arith.mulf %get3A_2637, %add3A_2655 : vector<16xf32>
      %add3A_2657 = arith.addf %broadcast_in_dim3A_2634, %mul3A_2656 : vector<16xf32>
      %mul3A_2658 = arith.mulf %get3A_2643, %get3A_2652 : vector<16xf32>
      %mul3A_2659 = arith.mulf %get3A_2646, %get3A_2649 : vector<16xf32>
      %sub3A_2660 = arith.subf %mul3A_2658, %mul3A_2659 : vector<16xf32>
      %mul3A_2661 = arith.mulf %get3A_2640, %sub3A_2660 : vector<16xf32>
      %add3A_2662 = arith.addf %add3A_2657, %mul3A_2661 : vector<16xf32>
      %get3A_2663 = arith.index_cast %add3A_2632 : i32 to index
      %get3A_2664 = arith.constant 16 : index
      %get3A_2665 = tpu.vector_load %arg11[%get3A_2663, %get3A_2664] {strides = array<i32>} : memref<128x256xf32, #tpu.memory_space<vmem>>, vector<16xf32>,
      %get3A_2666 = arith.index_cast %add3A_2632 : i32 to index
      %get3A_2667 = arith.constant 144 : index
      %get3A_2668 = tpu.vector_load %arg11[%get3A_2666, %get3A_2667] {strides = array<i32>} : memref<128x256xf32, #tpu.memory_space<vmem>>, vector<16xf32>,
      %get3A_2669 = arith.index_cast %add3A_2632 : i32 to index
      %get3A_2670 = arith.constant 16 : index
      %get3A_2671 = tpu.vector_load %arg12[%get3A_2669, %get3A_2670] {strides = array<i32>} : memref<128x256xf32, #tpu.memory_space<vmem>>, vector<16xf32>,
      %get3A_2672 = arith.index_cast %add3A_2632 : i32 to index
      %get3A_2673 = arith.constant 144 : index
      %get3A_2674 = tpu.vector_load %arg12[%get3A_2672, %get3A_2673] {strides = array<i32>} : memref<128x256xf32, #tpu.memory_space<vmem>>, vector<16xf32>,
      %get3A_2675 = arith.index_cast %add3A_2632 : i32 to index
      %get3A_2676 = arith.constant 16 : index
      %get3A_2677 = tpu.vector_load %arg13[%get3A_2675, %get3A_2676] {strides = array<i32>} : memref<128x256xf32, #tpu.memory_space<vmem>>, vector<16xf32>,
      %get3A_2678 = arith.index_cast %add3A_2632 : i32 to index
      %get3A_2679 = arith.constant 144 : index
      %get3A_2680 = tpu.vector_load %arg13[%get3A_2678, %get3A_2679] {strides = array<i32>} : memref<128x256xf32, #tpu.memory_space<vmem>>, vector<16xf32>,
      %mul3A_2681 = arith.mulf %get3A_2671, %get3A_2677 : vector<16xf32>
      %mul3A_2682 = arith.mulf %get3A_2674, %get3A_2680 : vector<16xf32>
      %add3A_2683 = arith.addf %mul3A_2681, %mul3A_2682 : vector<16xf32>
      %mul3A_2684 = arith.mulf %get3A_2665, %add3A_2683 : vector<16xf32>
      %add3A_2685 = arith.addf %add3A_2662, %mul3A_2684 : vector<16xf32>
      %mul3A_2686 = arith.mulf %get3A_2671, %get3A_2680 : vector<16xf32>
      %mul3A_2687 = arith.mulf %get3A_2674, %get3A_2677 : vector<16xf32>
      %sub3A_2688 = arith.subf %mul3A_2686, %mul3A_2687 : vector<16xf32>
      %mul3A_2689 = arith.mulf %get3A_2668, %sub3A_2688 : vector<16xf32>
      %add3A_2690 = arith.addf %add3A_2685, %mul3A_2689 : vector<16xf32>
      %get3A_2691 = arith.index_cast %add3A_2632 : i32 to index
      %get3A_2692 = arith.constant 32 : index
      %get3A_2693 = tpu.vector_load %arg11[%get3A_2691, %get3A_2692] {strides = array<i32>} : memref<128x256xf32, #tpu.memory_space<vmem>>, vector<16xf32>,
      %get3A_2694 = arith.index_cast %add3A_2632 : i32 to index
      %get3A_2695 = arith.constant 160 : index
      %get3A_2696 = tpu.vector_load %arg11[%get3A_2694, %get3A_2695] {strides = array<i32>} : memref<128x256xf32, #tpu.memory_space<vmem>>, vector<16xf32>,
      %get3A_2697 = arith.index_cast %add3A_2632 : i32 to index
      %get3A_2698 = arith.constant 32 : index
      %get3A_2699 = tpu.vector_load %arg12[%get3A_2697, %get3A_2698] {strides = array<i32>} : memref<128x256xf32, #tpu.memory_space<vmem>>, vector<16xf32>,
      %get3A_2700 = arith.index_cast %add3A_2632 : i32 to index
      %get3A_2701 = arith.constant 160 : index
      %get3A_2702 = tpu.vector_load %arg12[%get3A_2700, %get3A_2701] {strides = array<i32>} : memref<128x256xf32, #tpu.memory_space<vmem>>, vector<16xf32>,
      %get3A_2703 = arith.index_cast %add3A_2632 : i32 to index
      %get3A_2704 = arith.constant 32 : index
      %get3A_2705 = tpu.vector_load %arg13[%get3A_2703, %get3A_2704] {strides = array<i32>} : memref<128x256xf32, #tpu.memory_space<vmem>>, vector<16xf32>,
      %get3A_2706 = arith.index_cast %add3A_2632 : i32 to index
      %get3A_2707 = arith.constant 160 : index
      %get3A_2708 = tpu.vector_load %arg13[%get3A_2706, %get3A_2707] {strides = array<i32>} : memref<128x256xf32, #tpu.memory_space<vmem>>, vector<16xf32>,
      %mul3A_2709 = arith.mulf %get3A_2699, %get3A_2705 : vector<16xf32>
      %mul3A_2710 = arith.mulf %get3A_2702, %get3A_2708 : vector<16xf32>
      %add3A_2711 = arith.addf %mul3A_2709, %mul3A_2710 : vector<16xf32>
      %mul3A_2712 = arith.mulf %get3A_2693, %add3A_2711 : vector<16xf32>
      %add3A_2713 = arith.addf %add3A_2690, %mul3A_2712 : vector<16xf32>
      %mul3A_2714 = arith.mulf %get3A_2699, %get3A_2708 : vector<16xf32>
      %mul3A_2715 = arith.mulf %get3A_2702, %get3A_2705 : vector<16xf32>
      %sub3A_2716 = arith.subf %mul3A_2714, %mul3A_2715 : vector<16xf32>
      %mul3A_2717 = arith.mulf %get3A_2696, %sub3A_2716 : vector<16xf32>
      %add3A_2718 = arith.addf %add3A_2713, %mul3A_2717 : vector<16xf32>
      %get3A_2719 = arith.index_cast %add3A_2632 : i32 to index
      %get3A_2720 = arith.constant 48 : index
      %get3A_2721 = tpu.vector_load %arg11[%get3A_2719, %get3A_2720] {strides = array<i32>} : memref<128x256xf32, #tpu.memory_space<vmem>>, vector<16xf32>,
      %get3A_2722 = arith.index_cast %add3A_2632 : i32 to index
      %get3A_2723 = arith.constant 176 : index
      %get3A_2724 = tpu.vector_load %arg11[%get3A_2722, %get3A_2723] {strides = array<i32>} : memref<128x256xf32, #tpu.memory_space<vmem>>, vector<16xf32>,
      %get3A_2725 = arith.index_cast %add3A_2632 : i32 to index
      %get3A_2726 = arith.constant 48 : index
      %get3A_2727 = tpu.vector_load %arg12[%get3A_2725, %get3A_2726] {strides = array<i32>} : memref<128x256xf32, #tpu.memory_space<vmem>>, vector<16xf32>,
      %get3A_2728 = arith.index_cast %add3A_2632 : i32 to index
      %get3A_2729 = arith.constant 176 : index
      %get3A_2730 = tpu.vector_load %arg12[%get3A_2728, %get3A_2729] {strides = array<i32>} : memref<128x256xf32, #tpu.memory_space<vmem>>, vector<16xf32>,
      %get3A_2731 = arith.index_cast %add3A_2632 : i32 to index
      %get3A_2732 = arith.constant 48 : index
      %get3A_2733 = tpu.vector_load %arg13[%get3A_2731, %get3A_2732] {strides = array<i32>} : memref<128x256xf32, #tpu.memory_space<vmem>>, vector<16xf32>,
      %get3A_2734 = arith.index_cast %add3A_2632 : i32 to index
      %get3A_2735 = arith.constant 176 : index
      %get3A_2736 = tpu.vector_load %arg13[%get3A_2734, %get3A_2735] {strides = array<i32>} : memref<128x256xf32, #tpu.memory_space<vmem>>, vector<16xf32>,
      %mul3A_2737 = arith.mulf %get3A_2727, %get3A_2733 : vector<16xf32>
      %mul3A_2738 = arith.mulf %get3A_2730, %get3A_2736 : vector<16xf32>
      %add3A_2739 = arith.addf %mul3A_2737, %mul3A_2738 : vector<16xf32>
      %mul3A_2740 = arith.mulf %get3A_2721, %add3A_2739 : vector<16xf32>
      %add3A_2741 = arith.addf %add3A_2718, %mul3A_2740 : vector<16xf32>
      %mul3A_2742 = arith.mulf %get3A_2727, %get3A_2736 : vector<16xf32>
      %mul3A_2743 = arith.mulf %get3A_2730, %get3A_2733 : vector<16xf32>
      %sub3A_2744 = arith.subf %mul3A_2742, %mul3A_2743 : vector<16xf32>
      %mul3A_2745 = arith.mulf %get3A_2724, %sub3A_2744 : vector<16xf32>
      %add3A_2746 = arith.addf %add3A_2741, %mul3A_2745 : vector<16xf32>
      %get3A_2747 = arith.index_cast %add3A_2632 : i32 to index
      %get3A_2748 = arith.constant 64 : index
      %get3A_2749 = tpu.vector_load %arg11[%get3A_2747, %get3A_2748] {strides = array<i32>} : memref<128x256xf32, #tpu.memory_space<vmem>>, vector<16xf32>,
      %get3A_2750 = arith.index_cast %add3A_2632 : i32 to index
      %get3A_2751 = arith.constant 192 : index
      %get3A_2752 = tpu.vector_load %arg11[%get3A_2750, %get3A_2751] {strides = array<i32>} : memref<128x256xf32, #tpu.memory_space<vmem>>, vector<16xf32>,
      %get3A_2753 = arith.index_cast %add3A_2632 : i32 to index
      %get3A_2754 = arith.constant 64 : index
      %get3A_2755 = tpu.vector_load %arg12[%get3A_2753, %get3A_2754] {strides = array<i32>} : memref<128x256xf32, #tpu.memory_space<vmem>>, vector<16xf32>,
      %get3A_2756 = arith.index_cast %add3A_2632 : i32 to index
      %get3A_2757 = arith.constant 192 : index
      %get3A_2758 = tpu.vector_load %arg12[%get3A_2756, %get3A_2757] {strides = array<i32>} : memref<128x256xf32, #tpu.memory_space<vmem>>, vector<16xf32>,
      %get3A_2759 = arith.index_cast %add3A_2632 : i32 to index
      %get3A_2760 = arith.constant 64 : index
      %get3A_2761 = tpu.vector_load %arg13[%get3A_2759, %get3A_2760] {strides = array<i32>} : memref<128x256xf32, #tpu.memory_space<vmem>>, vector<16xf32>,
      %get3A_2762 = arith.index_cast %add3A_2632 : i32 to index
      %get3A_2763 = arith.constant 192 : index
      %get3A_2764 = tpu.vector_load %arg13[%get3A_2762, %get3A_2763] {strides = array<i32>} : memref<128x256xf32, #tpu.memory_space<vmem>>, vector<16xf32>,
      %mul3A_2765 = arith.mulf %get3A_2755, %get3A_2761 : vector<16xf32>
      %mul3A_2766 = arith.mulf %get3A_2758, %get3A_2764 : vector<16xf32>
      %add3A_2767 = arith.addf %mul3A_2765, %mul3A_2766 : vector<16xf32>
      %mul3A_2768 = arith.mulf %get3A_2749, %add3A_2767 : vector<16xf32>
      %add3A_2769 = arith.addf %add3A_2746, %mul3A_2768 : vector<16xf32>
      %mul3A_2770 = arith.mulf %get3A_2755, %get3A_2764 : vector<16xf32>
      %mul3A_2771 = arith.mulf %get3A_2758, %get3A_2761 : vector<16xf32>
      %sub3A_2772 = arith.subf %mul3A_2770, %mul3A_2771 : vector<16xf32>
      %mul3A_2773 = arith.mulf %get3A_2752, %sub3A_2772 : vector<16xf32>
      %add3A_2774 = arith.addf %add3A_2769, %mul3A_2773 : vector<16xf32>
      %get3A_2775 = arith.index_cast %add3A_2632 : i32 to index
      %get3A_2776 = arith.constant 80 : index
      %get3A_2777 = tpu.vector_load %arg11[%get3A_2775, %get3A_2776] {strides = array<i32>} : memref<128x256xf32, #tpu.memory_space<vmem>>, vector<16xf32>,
      %get3A_2778 = arith.index_cast %add3A_2632 : i32 to index
      %get3A_2779 = arith.constant 208 : index
      %get3A_2780 = tpu.vector_load %arg11[%get3A_2778, %get3A_2779] {strides = array<i32>} : memref<128x256xf32, #tpu.memory_space<vmem>>, vector<16xf32>,
      %get3A_2781 = arith.index_cast %add3A_2632 : i32 to index
      %get3A_2782 = arith.constant 80 : index
      %get3A_2783 = tpu.vector_load %arg12[%get3A_2781, %get3A_2782] {strides = array<i32>} : memref<128x256xf32, #tpu.memory_space<vmem>>, vector<16xf32>,
      %get3A_2784 = arith.index_cast %add3A_2632 : i32 to index
      %get3A_2785 = arith.constant 208 : index
      %get3A_2786 = tpu.vector_load %arg12[%get3A_2784, %get3A_2785] {strides = array<i32>} : memref<128x256xf32, #tpu.memory_space<vmem>>, vector<16xf32>,
      %get3A_2787 = arith.index_cast %add3A_2632 : i32 to index
      %get3A_2788 = arith.constant 80 : index
      %get3A_2789 = tpu.vector_load %arg13[%get3A_2787, %get3A_2788] {strides = array<i32>} : memref<128x256xf32, #tpu.memory_space<vmem>>, vector<16xf32>,
      %get3A_2790 = arith.index_cast %add3A_2632 : i32 to index
      %get3A_2791 = arith.constant 208 : index
      %get3A_2792 = tpu.vector_load %arg13[%get3A_2790, %get3A_2791] {strides = array<i32>} : memref<128x256xf32, #tpu.memory_space<vmem>>, vector<16xf32>,
      %mul3A_2793 = arith.mulf %get3A_2783, %get3A_2789 : vector<16xf32>
      %mul3A_2794 = arith.mulf %get3A_2786, %get3A_2792 : vector<16xf32>
      %add3A_2795 = arith.addf %mul3A_2793, %mul3A_2794 : vector<16xf32>
      %mul3A_2796 = arith.mulf %get3A_2777, %add3A_2795 : vector<16xf32>
      %add3A_2797 = arith.addf %add3A_2774, %mul3A_2796 : vector<16xf32>
      %mul3A_2798 = arith.mulf %get3A_2783, %get3A_2792 : vector<16xf32>
      %mul3A_2799 = arith.mulf %get3A_2786, %get3A_2789 : vector<16xf32>
      %sub3A_2800 = arith.subf %mul3A_2798, %mul3A_2799 : vector<16xf32>
      %mul3A_2801 = arith.mulf %get3A_2780, %sub3A_2800 : vector<16xf32>
      %add3A_2802 = arith.addf %add3A_2797, %mul3A_2801 : vector<16xf32>
      %get3A_2803 = arith.index_cast %add3A_2632 : i32 to index
      %get3A_2804 = arith.constant 96 : index
      %get3A_2805 = tpu.vector_load %arg11[%get3A_2803, %get3A_2804] {strides = array<i32>} : memref<128x256xf32, #tpu.memory_space<vmem>>, vector<16xf32>,
      %get3A_2806 = arith.index_cast %add3A_2632 : i32 to index
      %get3A_2807 = arith.constant 224 : index
      %get3A_2808 = tpu.vector_load %arg11[%get3A_2806, %get3A_2807] {strides = array<i32>} : memref<128x256xf32, #tpu.memory_space<vmem>>, vector<16xf32>,
      %get3A_2809 = arith.index_cast %add3A_2632 : i32 to index
      %get3A_2810 = arith.constant 96 : index
      %get3A_2811 = tpu.vector_load %arg12[%get3A_2809, %get3A_2810] {strides = array<i32>} : memref<128x256xf32, #tpu.memory_space<vmem>>, vector<16xf32>,
      %get3A_2812 = arith.index_cast %add3A_2632 : i32 to index
      %get3A_2813 = arith.constant 224 : index
      %get3A_2814 = tpu.vector_load %arg12[%get3A_2812, %get3A_2813] {strides = array<i32>} : memref<128x256xf32, #tpu.memory_space<vmem>>, vector<16xf32>,
      %get3A_2815 = arith.index_cast %add3A_2632 : i32 to index
      %get3A_2816 = arith.constant 96 : index
      %get3A_2817 = tpu.vector_load %arg13[%get3A_2815, %get3A_2816] {strides = array<i32>} : memref<128x256xf32, #tpu.memory_space<vmem>>, vector<16xf32>,
      %get3A_2818 = arith.index_cast %add3A_2632 : i32 to index
      %get3A_2819 = arith.constant 224 : index
      %get3A_2820 = tpu.vector_load %arg13[%get3A_2818, %get3A_2819] {strides = array<i32>} : memref<128x256xf32, #tpu.memory_space<vmem>>, vector<16xf32>,
      %mul3A_2821 = arith.mulf %get3A_2811, %get3A_2817 : vector<16xf32>
      %mul3A_2822 = arith.mulf %get3A_2814, %get3A_2820 : vector<16xf32>
      %add3A_2823 = arith.addf %mul3A_2821, %mul3A_2822 : vector<16xf32>
      %mul3A_2824 = arith.mulf %get3A_2805, %add3A_2823 : vector<16xf32>
      %add3A_2825 = arith.addf %add3A_2802, %mul3A_2824 : vector<16xf32>
      %mul3A_2826 = arith.mulf %get3A_2811, %get3A_2820 : vector<16xf32>
      %mul3A_2827 = arith.mulf %get3A_2814, %get3A_2817 : vector<16xf32>
      %sub3A_2828 = arith.subf %mul3A_2826, %mul3A_2827 : vector<16xf32>
      %mul3A_2829 = arith.mulf %get3A_2808, %sub3A_2828 : vector<16xf32>
      %add3A_2830 = arith.addf %add3A_2825, %mul3A_2829 : vector<16xf32>
      %get3A_2831 = arith.index_cast %add3A_2632 : i32 to index
      %get3A_2832 = arith.constant 112 : index
      %get3A_2833 = tpu.vector_load %arg11[%get3A_2831, %get3A_2832] {strides = array<i32>} : memref<128x256xf32, #tpu.memory_space<vmem>>, vector<16xf32>,
      %get3A_2834 = arith.index_cast %add3A_2632 : i32 to index
      %get3A_2835 = arith.constant 240 : index
      %get3A_2836 = tpu.vector_load %arg11[%get3A_2834, %get3A_2835] {strides = array<i32>} : memref<128x256xf32, #tpu.memory_space<vmem>>, vector<16xf32>,
      %get3A_2837 = arith.index_cast %add3A_2632 : i32 to index
      %get3A_2838 = arith.constant 112 : index
      %get3A_2839 = tpu.vector_load %arg12[%get3A_2837, %get3A_2838] {strides = array<i32>} : memref<128x256xf32, #tpu.memory_space<vmem>>, vector<16xf32>,
      %get3A_2840 = arith.index_cast %add3A_2632 : i32 to index
      %get3A_2841 = arith.constant 240 : index
      %get3A_2842 = tpu.vector_load %arg12[%get3A_2840, %get3A_2841] {strides = array<i32>} : memref<128x256xf32, #tpu.memory_space<vmem>>, vector<16xf32>,
      %get3A_2843 = arith.index_cast %add3A_2632 : i32 to index
      %get3A_2844 = arith.constant 112 : index
      %get3A_2845 = tpu.vector_load %arg13[%get3A_2843, %get3A_2844] {strides = array<i32>} : memref<128x256xf32, #tpu.memory_space<vmem>>, vector<16xf32>,
      %get3A_2846 = arith.index_cast %add3A_2632 : i32 to index
      %get3A_2847 = arith.constant 240 : index
      %get3A_2848 = tpu.vector_load %arg13[%get3A_2846, %get3A_2847] {strides = array<i32>} : memref<128x256xf32, #tpu.memory_space<vmem>>, vector<16xf32>,
      %mul3A_2849 = arith.mulf %get3A_2839, %get3A_2845 : vector<16xf32>
      %mul3A_2850 = arith.mulf %get3A_2842, %get3A_2848 : vector<16xf32>
      %add3A_2851 = arith.addf %mul3A_2849, %mul3A_2850 : vector<16xf32>
      %mul3A_2852 = arith.mulf %get3A_2833, %add3A_2851 : vector<16xf32>
      %add3A_2853 = arith.addf %add3A_2830, %mul3A_2852 : vector<16xf32>
      %mul3A_2854 = arith.mulf %get3A_2839, %get3A_2848 : vector<16xf32>
      %mul3A_2855 = arith.mulf %get3A_2842, %get3A_2845 : vector<16xf32>
      %sub3A_2856 = arith.subf %mul3A_2854, %mul3A_2855 : vector<16xf32>
      %mul3A_2857 = arith.mulf %get3A_2836, %sub3A_2856 : vector<16xf32>
      %add3A_2858 = arith.addf %add3A_2853, %mul3A_2857 : vector<16xf32>
      %reduce_sum3A_2859 = arith.constant true
      %reduce_sum3A_2860 = vector.broadcast %reduce_sum3A_2859 : i1 to vector<16xi1>
      %reduce_sum3A_2861 = tpu.scan <sum>, %add3A_2858 masked %reduce_sum3A_2860 : vector<16xf32>, vector<16xi1> -> vector<16xf32>
      %reduce_sum3A_2862 = vector.extract %reduce_sum3A_2861[15] : f32 from vector<16xf32>
      %eq3A_2863 = arith.constant 11 : i32
      %eq3A_2864 = vector.broadcast %eq3A_2863 : i32 to vector<16xi32>
      %eq3A_2865 = arith.cmpi eq, %iota3A, %eq3A_2864 : vector<16xi32>
      %broadcast_in_dim3A_2866 = vector.broadcast %reduce_sum3A_2862 : f32 to vector<16xf32>
      %select_n3A_2867 = arith.select %eq3A_2865, %broadcast_in_dim3A_2866, %select_n3A_2630 : vector<16xi1>, vector<16xf32>
      %add3A_2868 = arith.constant 12 : i32
      %add3A_2869 = arith.addi %add3A_27, %add3A_2868 : i32
      %broadcast_in_dim3A_2870 = arith.constant 0.000000e+00 : f32
      %broadcast_in_dim3A_2871 = vector.broadcast %broadcast_in_dim3A_2870 : f32 to vector<16xf32>
      %get3A_2872 = arith.index_cast %add3A_2869 : i32 to index
      %get3A_2873 = arith.constant 0 : index
      %get3A_2874 = tpu.vector_load %arg11[%get3A_2872, %get3A_2873] {strides = array<i32>} : memref<128x256xf32, #tpu.memory_space<vmem>>, vector<16xf32>,
      %get3A_2875 = arith.index_cast %add3A_2869 : i32 to index
      %get3A_2876 = arith.constant 128 : index
      %get3A_2877 = tpu.vector_load %arg11[%get3A_2875, %get3A_2876] {strides = array<i32>} : memref<128x256xf32, #tpu.memory_space<vmem>>, vector<16xf32>,
      %get3A_2878 = arith.index_cast %add3A_2869 : i32 to index
      %get3A_2879 = arith.constant 0 : index
      %get3A_2880 = tpu.vector_load %arg12[%get3A_2878, %get3A_2879] {strides = array<i32>} : memref<128x256xf32, #tpu.memory_space<vmem>>, vector<16xf32>,
      %get3A_2881 = arith.index_cast %add3A_2869 : i32 to index
      %get3A_2882 = arith.constant 128 : index
      %get3A_2883 = tpu.vector_load %arg12[%get3A_2881, %get3A_2882] {strides = array<i32>} : memref<128x256xf32, #tpu.memory_space<vmem>>, vector<16xf32>,
      %get3A_2884 = arith.index_cast %add3A_2869 : i32 to index
      %get3A_2885 = arith.constant 0 : index
      %get3A_2886 = tpu.vector_load %arg13[%get3A_2884, %get3A_2885] {strides = array<i32>} : memref<128x256xf32, #tpu.memory_space<vmem>>, vector<16xf32>,
      %get3A_2887 = arith.index_cast %add3A_2869 : i32 to index
      %get3A_2888 = arith.constant 128 : index
      %get3A_2889 = tpu.vector_load %arg13[%get3A_2887, %get3A_2888] {strides = array<i32>} : memref<128x256xf32, #tpu.memory_space<vmem>>, vector<16xf32>,
      %mul3A_2890 = arith.mulf %get3A_2880, %get3A_2886 : vector<16xf32>
      %mul3A_2891 = arith.mulf %get3A_2883, %get3A_2889 : vector<16xf32>
      %add3A_2892 = arith.addf %mul3A_2890, %mul3A_2891 : vector<16xf32>
      %mul3A_2893 = arith.mulf %get3A_2874, %add3A_2892 : vector<16xf32>
      %add3A_2894 = arith.addf %broadcast_in_dim3A_2871, %mul3A_2893 : vector<16xf32>
      %mul3A_2895 = arith.mulf %get3A_2880, %get3A_2889 : vector<16xf32>
      %mul3A_2896 = arith.mulf %get3A_2883, %get3A_2886 : vector<16xf32>
      %sub3A_2897 = arith.subf %mul3A_2895, %mul3A_2896 : vector<16xf32>
      %mul3A_2898 = arith.mulf %get3A_2877, %sub3A_2897 : vector<16xf32>
      %add3A_2899 = arith.addf %add3A_2894, %mul3A_2898 : vector<16xf32>
      %get3A_2900 = arith.index_cast %add3A_2869 : i32 to index
      %get3A_2901 = arith.constant 16 : index
      %get3A_2902 = tpu.vector_load %arg11[%get3A_2900, %get3A_2901] {strides = array<i32>} : memref<128x256xf32, #tpu.memory_space<vmem>>, vector<16xf32>,
      %get3A_2903 = arith.index_cast %add3A_2869 : i32 to index
      %get3A_2904 = arith.constant 144 : index
      %get3A_2905 = tpu.vector_load %arg11[%get3A_2903, %get3A_2904] {strides = array<i32>} : memref<128x256xf32, #tpu.memory_space<vmem>>, vector<16xf32>,
      %get3A_2906 = arith.index_cast %add3A_2869 : i32 to index
      %get3A_2907 = arith.constant 16 : index
      %get3A_2908 = tpu.vector_load %arg12[%get3A_2906, %get3A_2907] {strides = array<i32>} : memref<128x256xf32, #tpu.memory_space<vmem>>, vector<16xf32>,
      %get3A_2909 = arith.index_cast %add3A_2869 : i32 to index
      %get3A_2910 = arith.constant 144 : index
      %get3A_2911 = tpu.vector_load %arg12[%get3A_2909, %get3A_2910] {strides = array<i32>} : memref<128x256xf32, #tpu.memory_space<vmem>>, vector<16xf32>,
      %get3A_2912 = arith.index_cast %add3A_2869 : i32 to index
      %get3A_2913 = arith.constant 16 : index
      %get3A_2914 = tpu.vector_load %arg13[%get3A_2912, %get3A_2913] {strides = array<i32>} : memref<128x256xf32, #tpu.memory_space<vmem>>, vector<16xf32>,
      %get3A_2915 = arith.index_cast %add3A_2869 : i32 to index
      %get3A_2916 = arith.constant 144 : index
      %get3A_2917 = tpu.vector_load %arg13[%get3A_2915, %get3A_2916] {strides = array<i32>} : memref<128x256xf32, #tpu.memory_space<vmem>>, vector<16xf32>,
      %mul3A_2918 = arith.mulf %get3A_2908, %get3A_2914 : vector<16xf32>
      %mul3A_2919 = arith.mulf %get3A_2911, %get3A_2917 : vector<16xf32>
      %add3A_2920 = arith.addf %mul3A_2918, %mul3A_2919 : vector<16xf32>
      %mul3A_2921 = arith.mulf %get3A_2902, %add3A_2920 : vector<16xf32>
      %add3A_2922 = arith.addf %add3A_2899, %mul3A_2921 : vector<16xf32>
      %mul3A_2923 = arith.mulf %get3A_2908, %get3A_2917 : vector<16xf32>
      %mul3A_2924 = arith.mulf %get3A_2911, %get3A_2914 : vector<16xf32>
      %sub3A_2925 = arith.subf %mul3A_2923, %mul3A_2924 : vector<16xf32>
      %mul3A_2926 = arith.mulf %get3A_2905, %sub3A_2925 : vector<16xf32>
      %add3A_2927 = arith.addf %add3A_2922, %mul3A_2926 : vector<16xf32>
      %get3A_2928 = arith.index_cast %add3A_2869 : i32 to index
      %get3A_2929 = arith.constant 32 : index
      %get3A_2930 = tpu.vector_load %arg11[%get3A_2928, %get3A_2929] {strides = array<i32>} : memref<128x256xf32, #tpu.memory_space<vmem>>, vector<16xf32>,
      %get3A_2931 = arith.index_cast %add3A_2869 : i32 to index
      %get3A_2932 = arith.constant 160 : index
      %get3A_2933 = tpu.vector_load %arg11[%get3A_2931, %get3A_2932] {strides = array<i32>} : memref<128x256xf32, #tpu.memory_space<vmem>>, vector<16xf32>,
      %get3A_2934 = arith.index_cast %add3A_2869 : i32 to index
      %get3A_2935 = arith.constant 32 : index
      %get3A_2936 = tpu.vector_load %arg12[%get3A_2934, %get3A_2935] {strides = array<i32>} : memref<128x256xf32, #tpu.memory_space<vmem>>, vector<16xf32>,
      %get3A_2937 = arith.index_cast %add3A_2869 : i32 to index
      %get3A_2938 = arith.constant 160 : index
      %get3A_2939 = tpu.vector_load %arg12[%get3A_2937, %get3A_2938] {strides = array<i32>} : memref<128x256xf32, #tpu.memory_space<vmem>>, vector<16xf32>,
      %get3A_2940 = arith.index_cast %add3A_2869 : i32 to index
      %get3A_2941 = arith.constant 32 : index
      %get3A_2942 = tpu.vector_load %arg13[%get3A_2940, %get3A_2941] {strides = array<i32>} : memref<128x256xf32, #tpu.memory_space<vmem>>, vector<16xf32>,
      %get3A_2943 = arith.index_cast %add3A_2869 : i32 to index
      %get3A_2944 = arith.constant 160 : index
      %get3A_2945 = tpu.vector_load %arg13[%get3A_2943, %get3A_2944] {strides = array<i32>} : memref<128x256xf32, #tpu.memory_space<vmem>>, vector<16xf32>,
      %mul3A_2946 = arith.mulf %get3A_2936, %get3A_2942 : vector<16xf32>
      %mul3A_2947 = arith.mulf %get3A_2939, %get3A_2945 : vector<16xf32>
      %add3A_2948 = arith.addf %mul3A_2946, %mul3A_2947 : vector<16xf32>
      %mul3A_2949 = arith.mulf %get3A_2930, %add3A_2948 : vector<16xf32>
      %add3A_2950 = arith.addf %add3A_2927, %mul3A_2949 : vector<16xf32>
      %mul3A_2951 = arith.mulf %get3A_2936, %get3A_2945 : vector<16xf32>
      %mul3A_2952 = arith.mulf %get3A_2939, %get3A_2942 : vector<16xf32>
      %sub3A_2953 = arith.subf %mul3A_2951, %mul3A_2952 : vector<16xf32>
      %mul3A_2954 = arith.mulf %get3A_2933, %sub3A_2953 : vector<16xf32>
      %add3A_2955 = arith.addf %add3A_2950, %mul3A_2954 : vector<16xf32>
      %get3A_2956 = arith.index_cast %add3A_2869 : i32 to index
      %get3A_2957 = arith.constant 48 : index
      %get3A_2958 = tpu.vector_load %arg11[%get3A_2956, %get3A_2957] {strides = array<i32>} : memref<128x256xf32, #tpu.memory_space<vmem>>, vector<16xf32>,
      %get3A_2959 = arith.index_cast %add3A_2869 : i32 to index
      %get3A_2960 = arith.constant 176 : index
      %get3A_2961 = tpu.vector_load %arg11[%get3A_2959, %get3A_2960] {strides = array<i32>} : memref<128x256xf32, #tpu.memory_space<vmem>>, vector<16xf32>,
      %get3A_2962 = arith.index_cast %add3A_2869 : i32 to index
      %get3A_2963 = arith.constant 48 : index
      %get3A_2964 = tpu.vector_load %arg12[%get3A_2962, %get3A_2963] {strides = array<i32>} : memref<128x256xf32, #tpu.memory_space<vmem>>, vector<16xf32>,
      %get3A_2965 = arith.index_cast %add3A_2869 : i32 to index
      %get3A_2966 = arith.constant 176 : index
      %get3A_2967 = tpu.vector_load %arg12[%get3A_2965, %get3A_2966] {strides = array<i32>} : memref<128x256xf32, #tpu.memory_space<vmem>>, vector<16xf32>,
      %get3A_2968 = arith.index_cast %add3A_2869 : i32 to index
      %get3A_2969 = arith.constant 48 : index
      %get3A_2970 = tpu.vector_load %arg13[%get3A_2968, %get3A_2969] {strides = array<i32>} : memref<128x256xf32, #tpu.memory_space<vmem>>, vector<16xf32>,
      %get3A_2971 = arith.index_cast %add3A_2869 : i32 to index
      %get3A_2972 = arith.constant 176 : index
      %get3A_2973 = tpu.vector_load %arg13[%get3A_2971, %get3A_2972] {strides = array<i32>} : memref<128x256xf32, #tpu.memory_space<vmem>>, vector<16xf32>,
      %mul3A_2974 = arith.mulf %get3A_2964, %get3A_2970 : vector<16xf32>
      %mul3A_2975 = arith.mulf %get3A_2967, %get3A_2973 : vector<16xf32>
      %add3A_2976 = arith.addf %mul3A_2974, %mul3A_2975 : vector<16xf32>
      %mul3A_2977 = arith.mulf %get3A_2958, %add3A_2976 : vector<16xf32>
      %add3A_2978 = arith.addf %add3A_2955, %mul3A_2977 : vector<16xf32>
      %mul3A_2979 = arith.mulf %get3A_2964, %get3A_2973 : vector<16xf32>
      %mul3A_2980 = arith.mulf %get3A_2967, %get3A_2970 : vector<16xf32>
      %sub3A_2981 = arith.subf %mul3A_2979, %mul3A_2980 : vector<16xf32>
      %mul3A_2982 = arith.mulf %get3A_2961, %sub3A_2981 : vector<16xf32>
      %add3A_2983 = arith.addf %add3A_2978, %mul3A_2982 : vector<16xf32>
      %get3A_2984 = arith.index_cast %add3A_2869 : i32 to index
      %get3A_2985 = arith.constant 64 : index
      %get3A_2986 = tpu.vector_load %arg11[%get3A_2984, %get3A_2985] {strides = array<i32>} : memref<128x256xf32, #tpu.memory_space<vmem>>, vector<16xf32>,
      %get3A_2987 = arith.index_cast %add3A_2869 : i32 to index
      %get3A_2988 = arith.constant 192 : index
      %get3A_2989 = tpu.vector_load %arg11[%get3A_2987, %get3A_2988] {strides = array<i32>} : memref<128x256xf32, #tpu.memory_space<vmem>>, vector<16xf32>,
      %get3A_2990 = arith.index_cast %add3A_2869 : i32 to index
      %get3A_2991 = arith.constant 64 : index
      %get3A_2992 = tpu.vector_load %arg12[%get3A_2990, %get3A_2991] {strides = array<i32>} : memref<128x256xf32, #tpu.memory_space<vmem>>, vector<16xf32>,
      %get3A_2993 = arith.index_cast %add3A_2869 : i32 to index
      %get3A_2994 = arith.constant 192 : index
      %get3A_2995 = tpu.vector_load %arg12[%get3A_2993, %get3A_2994] {strides = array<i32>} : memref<128x256xf32, #tpu.memory_space<vmem>>, vector<16xf32>,
      %get3A_2996 = arith.index_cast %add3A_2869 : i32 to index
      %get3A_2997 = arith.constant 64 : index
      %get3A_2998 = tpu.vector_load %arg13[%get3A_2996, %get3A_2997] {strides = array<i32>} : memref<128x256xf32, #tpu.memory_space<vmem>>, vector<16xf32>,
      %get3A_2999 = arith.index_cast %add3A_2869 : i32 to index
      %get3A_3000 = arith.constant 192 : index
      %get3A_3001 = tpu.vector_load %arg13[%get3A_2999, %get3A_3000] {strides = array<i32>} : memref<128x256xf32, #tpu.memory_space<vmem>>, vector<16xf32>,
      %mul3A_3002 = arith.mulf %get3A_2992, %get3A_2998 : vector<16xf32>
      %mul3A_3003 = arith.mulf %get3A_2995, %get3A_3001 : vector<16xf32>
      %add3A_3004 = arith.addf %mul3A_3002, %mul3A_3003 : vector<16xf32>
      %mul3A_3005 = arith.mulf %get3A_2986, %add3A_3004 : vector<16xf32>
      %add3A_3006 = arith.addf %add3A_2983, %mul3A_3005 : vector<16xf32>
      %mul3A_3007 = arith.mulf %get3A_2992, %get3A_3001 : vector<16xf32>
      %mul3A_3008 = arith.mulf %get3A_2995, %get3A_2998 : vector<16xf32>
      %sub3A_3009 = arith.subf %mul3A_3007, %mul3A_3008 : vector<16xf32>
      %mul3A_3010 = arith.mulf %get3A_2989, %sub3A_3009 : vector<16xf32>
      %add3A_3011 = arith.addf %add3A_3006, %mul3A_3010 : vector<16xf32>
      %get3A_3012 = arith.index_cast %add3A_2869 : i32 to index
      %get3A_3013 = arith.constant 80 : index
      %get3A_3014 = tpu.vector_load %arg11[%get3A_3012, %get3A_3013] {strides = array<i32>} : memref<128x256xf32, #tpu.memory_space<vmem>>, vector<16xf32>,
      %get3A_3015 = arith.index_cast %add3A_2869 : i32 to index
      %get3A_3016 = arith.constant 208 : index
      %get3A_3017 = tpu.vector_load %arg11[%get3A_3015, %get3A_3016] {strides = array<i32>} : memref<128x256xf32, #tpu.memory_space<vmem>>, vector<16xf32>,
      %get3A_3018 = arith.index_cast %add3A_2869 : i32 to index
      %get3A_3019 = arith.constant 80 : index
      %get3A_3020 = tpu.vector_load %arg12[%get3A_3018, %get3A_3019] {strides = array<i32>} : memref<128x256xf32, #tpu.memory_space<vmem>>, vector<16xf32>,
      %get3A_3021 = arith.index_cast %add3A_2869 : i32 to index
      %get3A_3022 = arith.constant 208 : index
      %get3A_3023 = tpu.vector_load %arg12[%get3A_3021, %get3A_3022] {strides = array<i32>} : memref<128x256xf32, #tpu.memory_space<vmem>>, vector<16xf32>,
      %get3A_3024 = arith.index_cast %add3A_2869 : i32 to index
      %get3A_3025 = arith.constant 80 : index
      %get3A_3026 = tpu.vector_load %arg13[%get3A_3024, %get3A_3025] {strides = array<i32>} : memref<128x256xf32, #tpu.memory_space<vmem>>, vector<16xf32>,
      %get3A_3027 = arith.index_cast %add3A_2869 : i32 to index
      %get3A_3028 = arith.constant 208 : index
      %get3A_3029 = tpu.vector_load %arg13[%get3A_3027, %get3A_3028] {strides = array<i32>} : memref<128x256xf32, #tpu.memory_space<vmem>>, vector<16xf32>,
      %mul3A_3030 = arith.mulf %get3A_3020, %get3A_3026 : vector<16xf32>
      %mul3A_3031 = arith.mulf %get3A_3023, %get3A_3029 : vector<16xf32>
      %add3A_3032 = arith.addf %mul3A_3030, %mul3A_3031 : vector<16xf32>
      %mul3A_3033 = arith.mulf %get3A_3014, %add3A_3032 : vector<16xf32>
      %add3A_3034 = arith.addf %add3A_3011, %mul3A_3033 : vector<16xf32>
      %mul3A_3035 = arith.mulf %get3A_3020, %get3A_3029 : vector<16xf32>
      %mul3A_3036 = arith.mulf %get3A_3023, %get3A_3026 : vector<16xf32>
      %sub3A_3037 = arith.subf %mul3A_3035, %mul3A_3036 : vector<16xf32>
      %mul3A_3038 = arith.mulf %get3A_3017, %sub3A_3037 : vector<16xf32>
      %add3A_3039 = arith.addf %add3A_3034, %mul3A_3038 : vector<16xf32>
      %get3A_3040 = arith.index_cast %add3A_2869 : i32 to index
      %get3A_3041 = arith.constant 96 : index
      %get3A_3042 = tpu.vector_load %arg11[%get3A_3040, %get3A_3041] {strides = array<i32>} : memref<128x256xf32, #tpu.memory_space<vmem>>, vector<16xf32>,
      %get3A_3043 = arith.index_cast %add3A_2869 : i32 to index
      %get3A_3044 = arith.constant 224 : index
      %get3A_3045 = tpu.vector_load %arg11[%get3A_3043, %get3A_3044] {strides = array<i32>} : memref<128x256xf32, #tpu.memory_space<vmem>>, vector<16xf32>,
      %get3A_3046 = arith.index_cast %add3A_2869 : i32 to index
      %get3A_3047 = arith.constant 96 : index
      %get3A_3048 = tpu.vector_load %arg12[%get3A_3046, %get3A_3047] {strides = array<i32>} : memref<128x256xf32, #tpu.memory_space<vmem>>, vector<16xf32>,
      %get3A_3049 = arith.index_cast %add3A_2869 : i32 to index
      %get3A_3050 = arith.constant 224 : index
      %get3A_3051 = tpu.vector_load %arg12[%get3A_3049, %get3A_3050] {strides = array<i32>} : memref<128x256xf32, #tpu.memory_space<vmem>>, vector<16xf32>,
      %get3A_3052 = arith.index_cast %add3A_2869 : i32 to index
      %get3A_3053 = arith.constant 96 : index
      %get3A_3054 = tpu.vector_load %arg13[%get3A_3052, %get3A_3053] {strides = array<i32>} : memref<128x256xf32, #tpu.memory_space<vmem>>, vector<16xf32>,
      %get3A_3055 = arith.index_cast %add3A_2869 : i32 to index
      %get3A_3056 = arith.constant 224 : index
      %get3A_3057 = tpu.vector_load %arg13[%get3A_3055, %get3A_3056] {strides = array<i32>} : memref<128x256xf32, #tpu.memory_space<vmem>>, vector<16xf32>,
      %mul3A_3058 = arith.mulf %get3A_3048, %get3A_3054 : vector<16xf32>
      %mul3A_3059 = arith.mulf %get3A_3051, %get3A_3057 : vector<16xf32>
      %add3A_3060 = arith.addf %mul3A_3058, %mul3A_3059 : vector<16xf32>
      %mul3A_3061 = arith.mulf %get3A_3042, %add3A_3060 : vector<16xf32>
      %add3A_3062 = arith.addf %add3A_3039, %mul3A_3061 : vector<16xf32>
      %mul3A_3063 = arith.mulf %get3A_3048, %get3A_3057 : vector<16xf32>
      %mul3A_3064 = arith.mulf %get3A_3051, %get3A_3054 : vector<16xf32>
      %sub3A_3065 = arith.subf %mul3A_3063, %mul3A_3064 : vector<16xf32>
      %mul3A_3066 = arith.mulf %get3A_3045, %sub3A_3065 : vector<16xf32>
      %add3A_3067 = arith.addf %add3A_3062, %mul3A_3066 : vector<16xf32>
      %get3A_3068 = arith.index_cast %add3A_2869 : i32 to index
      %get3A_3069 = arith.constant 112 : index
      %get3A_3070 = tpu.vector_load %arg11[%get3A_3068, %get3A_3069] {strides = array<i32>} : memref<128x256xf32, #tpu.memory_space<vmem>>, vector<16xf32>,
      %get3A_3071 = arith.index_cast %add3A_2869 : i32 to index
      %get3A_3072 = arith.constant 240 : index
      %get3A_3073 = tpu.vector_load %arg11[%get3A_3071, %get3A_3072] {strides = array<i32>} : memref<128x256xf32, #tpu.memory_space<vmem>>, vector<16xf32>,
      %get3A_3074 = arith.index_cast %add3A_2869 : i32 to index
      %get3A_3075 = arith.constant 112 : index
      %get3A_3076 = tpu.vector_load %arg12[%get3A_3074, %get3A_3075] {strides = array<i32>} : memref<128x256xf32, #tpu.memory_space<vmem>>, vector<16xf32>,
      %get3A_3077 = arith.index_cast %add3A_2869 : i32 to index
      %get3A_3078 = arith.constant 240 : index
      %get3A_3079 = tpu.vector_load %arg12[%get3A_3077, %get3A_3078] {strides = array<i32>} : memref<128x256xf32, #tpu.memory_space<vmem>>, vector<16xf32>,
      %get3A_3080 = arith.index_cast %add3A_2869 : i32 to index
      %get3A_3081 = arith.constant 112 : index
      %get3A_3082 = tpu.vector_load %arg13[%get3A_3080, %get3A_3081] {strides = array<i32>} : memref<128x256xf32, #tpu.memory_space<vmem>>, vector<16xf32>,
      %get3A_3083 = arith.index_cast %add3A_2869 : i32 to index
      %get3A_3084 = arith.constant 240 : index
      %get3A_3085 = tpu.vector_load %arg13[%get3A_3083, %get3A_3084] {strides = array<i32>} : memref<128x256xf32, #tpu.memory_space<vmem>>, vector<16xf32>,
      %mul3A_3086 = arith.mulf %get3A_3076, %get3A_3082 : vector<16xf32>
      %mul3A_3087 = arith.mulf %get3A_3079, %get3A_3085 : vector<16xf32>
      %add3A_3088 = arith.addf %mul3A_3086, %mul3A_3087 : vector<16xf32>
      %mul3A_3089 = arith.mulf %get3A_3070, %add3A_3088 : vector<16xf32>
      %add3A_3090 = arith.addf %add3A_3067, %mul3A_3089 : vector<16xf32>
      %mul3A_3091 = arith.mulf %get3A_3076, %get3A_3085 : vector<16xf32>
      %mul3A_3092 = arith.mulf %get3A_3079, %get3A_3082 : vector<16xf32>
      %sub3A_3093 = arith.subf %mul3A_3091, %mul3A_3092 : vector<16xf32>
      %mul3A_3094 = arith.mulf %get3A_3073, %sub3A_3093 : vector<16xf32>
      %add3A_3095 = arith.addf %add3A_3090, %mul3A_3094 : vector<16xf32>
      %reduce_sum3A_3096 = arith.constant true
      %reduce_sum3A_3097 = vector.broadcast %reduce_sum3A_3096 : i1 to vector<16xi1>
      %reduce_sum3A_3098 = tpu.scan <sum>, %add3A_3095 masked %reduce_sum3A_3097 : vector<16xf32>, vector<16xi1> -> vector<16xf32>
      %reduce_sum3A_3099 = vector.extract %reduce_sum3A_3098[15] : f32 from vector<16xf32>
      %eq3A_3100 = arith.constant 12 : i32
      %eq3A_3101 = vector.broadcast %eq3A_3100 : i32 to vector<16xi32>
      %eq3A_3102 = arith.cmpi eq, %iota3A, %eq3A_3101 : vector<16xi32>
      %broadcast_in_dim3A_3103 = vector.broadcast %reduce_sum3A_3099 : f32 to vector<16xf32>
      %select_n3A_3104 = arith.select %eq3A_3102, %broadcast_in_dim3A_3103, %select_n3A_2867 : vector<16xi1>, vector<16xf32>
      %add3A_3105 = arith.constant 13 : i32
      %add3A_3106 = arith.addi %add3A_27, %add3A_3105 : i32
      %broadcast_in_dim3A_3107 = arith.constant 0.000000e+00 : f32
      %broadcast_in_dim3A_3108 = vector.broadcast %broadcast_in_dim3A_3107 : f32 to vector<16xf32>
      %get3A_3109 = arith.index_cast %add3A_3106 : i32 to index
      %get3A_3110 = arith.constant 0 : index
      %get3A_3111 = tpu.vector_load %arg11[%get3A_3109, %get3A_3110] {strides = array<i32>} : memref<128x256xf32, #tpu.memory_space<vmem>>, vector<16xf32>,
      %get3A_3112 = arith.index_cast %add3A_3106 : i32 to index
      %get3A_3113 = arith.constant 128 : index
      %get3A_3114 = tpu.vector_load %arg11[%get3A_3112, %get3A_3113] {strides = array<i32>} : memref<128x256xf32, #tpu.memory_space<vmem>>, vector<16xf32>,
      %get3A_3115 = arith.index_cast %add3A_3106 : i32 to index
      %get3A_3116 = arith.constant 0 : index
      %get3A_3117 = tpu.vector_load %arg12[%get3A_3115, %get3A_3116] {strides = array<i32>} : memref<128x256xf32, #tpu.memory_space<vmem>>, vector<16xf32>,
      %get3A_3118 = arith.index_cast %add3A_3106 : i32 to index
      %get3A_3119 = arith.constant 128 : index
      %get3A_3120 = tpu.vector_load %arg12[%get3A_3118, %get3A_3119] {strides = array<i32>} : memref<128x256xf32, #tpu.memory_space<vmem>>, vector<16xf32>,
      %get3A_3121 = arith.index_cast %add3A_3106 : i32 to index
      %get3A_3122 = arith.constant 0 : index
      %get3A_3123 = tpu.vector_load %arg13[%get3A_3121, %get3A_3122] {strides = array<i32>} : memref<128x256xf32, #tpu.memory_space<vmem>>, vector<16xf32>,
      %get3A_3124 = arith.index_cast %add3A_3106 : i32 to index
      %get3A_3125 = arith.constant 128 : index
      %get3A_3126 = tpu.vector_load %arg13[%get3A_3124, %get3A_3125] {strides = array<i32>} : memref<128x256xf32, #tpu.memory_space<vmem>>, vector<16xf32>,
      %mul3A_3127 = arith.mulf %get3A_3117, %get3A_3123 : vector<16xf32>
      %mul3A_3128 = arith.mulf %get3A_3120, %get3A_3126 : vector<16xf32>
      %add3A_3129 = arith.addf %mul3A_3127, %mul3A_3128 : vector<16xf32>
      %mul3A_3130 = arith.mulf %get3A_3111, %add3A_3129 : vector<16xf32>
      %add3A_3131 = arith.addf %broadcast_in_dim3A_3108, %mul3A_3130 : vector<16xf32>
      %mul3A_3132 = arith.mulf %get3A_3117, %get3A_3126 : vector<16xf32>
      %mul3A_3133 = arith.mulf %get3A_3120, %get3A_3123 : vector<16xf32>
      %sub3A_3134 = arith.subf %mul3A_3132, %mul3A_3133 : vector<16xf32>
      %mul3A_3135 = arith.mulf %get3A_3114, %sub3A_3134 : vector<16xf32>
      %add3A_3136 = arith.addf %add3A_3131, %mul3A_3135 : vector<16xf32>
      %get3A_3137 = arith.index_cast %add3A_3106 : i32 to index
      %get3A_3138 = arith.constant 16 : index
      %get3A_3139 = tpu.vector_load %arg11[%get3A_3137, %get3A_3138] {strides = array<i32>} : memref<128x256xf32, #tpu.memory_space<vmem>>, vector<16xf32>,
      %get3A_3140 = arith.index_cast %add3A_3106 : i32 to index
      %get3A_3141 = arith.constant 144 : index
      %get3A_3142 = tpu.vector_load %arg11[%get3A_3140, %get3A_3141] {strides = array<i32>} : memref<128x256xf32, #tpu.memory_space<vmem>>, vector<16xf32>,
      %get3A_3143 = arith.index_cast %add3A_3106 : i32 to index
      %get3A_3144 = arith.constant 16 : index
      %get3A_3145 = tpu.vector_load %arg12[%get3A_3143, %get3A_3144] {strides = array<i32>} : memref<128x256xf32, #tpu.memory_space<vmem>>, vector<16xf32>,
      %get3A_3146 = arith.index_cast %add3A_3106 : i32 to index
      %get3A_3147 = arith.constant 144 : index
      %get3A_3148 = tpu.vector_load %arg12[%get3A_3146, %get3A_3147] {strides = array<i32>} : memref<128x256xf32, #tpu.memory_space<vmem>>, vector<16xf32>,
      %get3A_3149 = arith.index_cast %add3A_3106 : i32 to index
      %get3A_3150 = arith.constant 16 : index
      %get3A_3151 = tpu.vector_load %arg13[%get3A_3149, %get3A_3150] {strides = array<i32>} : memref<128x256xf32, #tpu.memory_space<vmem>>, vector<16xf32>,
      %get3A_3152 = arith.index_cast %add3A_3106 : i32 to index
      %get3A_3153 = arith.constant 144 : index
      %get3A_3154 = tpu.vector_load %arg13[%get3A_3152, %get3A_3153] {strides = array<i32>} : memref<128x256xf32, #tpu.memory_space<vmem>>, vector<16xf32>,
      %mul3A_3155 = arith.mulf %get3A_3145, %get3A_3151 : vector<16xf32>
      %mul3A_3156 = arith.mulf %get3A_3148, %get3A_3154 : vector<16xf32>
      %add3A_3157 = arith.addf %mul3A_3155, %mul3A_3156 : vector<16xf32>
      %mul3A_3158 = arith.mulf %get3A_3139, %add3A_3157 : vector<16xf32>
      %add3A_3159 = arith.addf %add3A_3136, %mul3A_3158 : vector<16xf32>
      %mul3A_3160 = arith.mulf %get3A_3145, %get3A_3154 : vector<16xf32>
      %mul3A_3161 = arith.mulf %get3A_3148, %get3A_3151 : vector<16xf32>
      %sub3A_3162 = arith.subf %mul3A_3160, %mul3A_3161 : vector<16xf32>
      %mul3A_3163 = arith.mulf %get3A_3142, %sub3A_3162 : vector<16xf32>
      %add3A_3164 = arith.addf %add3A_3159, %mul3A_3163 : vector<16xf32>
      %get3A_3165 = arith.index_cast %add3A_3106 : i32 to index
      %get3A_3166 = arith.constant 32 : index
      %get3A_3167 = tpu.vector_load %arg11[%get3A_3165, %get3A_3166] {strides = array<i32>} : memref<128x256xf32, #tpu.memory_space<vmem>>, vector<16xf32>,
      %get3A_3168 = arith.index_cast %add3A_3106 : i32 to index
      %get3A_3169 = arith.constant 160 : index
      %get3A_3170 = tpu.vector_load %arg11[%get3A_3168, %get3A_3169] {strides = array<i32>} : memref<128x256xf32, #tpu.memory_space<vmem>>, vector<16xf32>,
      %get3A_3171 = arith.index_cast %add3A_3106 : i32 to index
      %get3A_3172 = arith.constant 32 : index
      %get3A_3173 = tpu.vector_load %arg12[%get3A_3171, %get3A_3172] {strides = array<i32>} : memref<128x256xf32, #tpu.memory_space<vmem>>, vector<16xf32>,
      %get3A_3174 = arith.index_cast %add3A_3106 : i32 to index
      %get3A_3175 = arith.constant 160 : index
      %get3A_3176 = tpu.vector_load %arg12[%get3A_3174, %get3A_3175] {strides = array<i32>} : memref<128x256xf32, #tpu.memory_space<vmem>>, vector<16xf32>,
      %get3A_3177 = arith.index_cast %add3A_3106 : i32 to index
      %get3A_3178 = arith.constant 32 : index
      %get3A_3179 = tpu.vector_load %arg13[%get3A_3177, %get3A_3178] {strides = array<i32>} : memref<128x256xf32, #tpu.memory_space<vmem>>, vector<16xf32>,
      %get3A_3180 = arith.index_cast %add3A_3106 : i32 to index
      %get3A_3181 = arith.constant 160 : index
      %get3A_3182 = tpu.vector_load %arg13[%get3A_3180, %get3A_3181] {strides = array<i32>} : memref<128x256xf32, #tpu.memory_space<vmem>>, vector<16xf32>,
      %mul3A_3183 = arith.mulf %get3A_3173, %get3A_3179 : vector<16xf32>
      %mul3A_3184 = arith.mulf %get3A_3176, %get3A_3182 : vector<16xf32>
      %add3A_3185 = arith.addf %mul3A_3183, %mul3A_3184 : vector<16xf32>
      %mul3A_3186 = arith.mulf %get3A_3167, %add3A_3185 : vector<16xf32>
      %add3A_3187 = arith.addf %add3A_3164, %mul3A_3186 : vector<16xf32>
      %mul3A_3188 = arith.mulf %get3A_3173, %get3A_3182 : vector<16xf32>
      %mul3A_3189 = arith.mulf %get3A_3176, %get3A_3179 : vector<16xf32>
      %sub3A_3190 = arith.subf %mul3A_3188, %mul3A_3189 : vector<16xf32>
      %mul3A_3191 = arith.mulf %get3A_3170, %sub3A_3190 : vector<16xf32>
      %add3A_3192 = arith.addf %add3A_3187, %mul3A_3191 : vector<16xf32>
      %get3A_3193 = arith.index_cast %add3A_3106 : i32 to index
      %get3A_3194 = arith.constant 48 : index
      %get3A_3195 = tpu.vector_load %arg11[%get3A_3193, %get3A_3194] {strides = array<i32>} : memref<128x256xf32, #tpu.memory_space<vmem>>, vector<16xf32>,
      %get3A_3196 = arith.index_cast %add3A_3106 : i32 to index
      %get3A_3197 = arith.constant 176 : index
      %get3A_3198 = tpu.vector_load %arg11[%get3A_3196, %get3A_3197] {strides = array<i32>} : memref<128x256xf32, #tpu.memory_space<vmem>>, vector<16xf32>,
      %get3A_3199 = arith.index_cast %add3A_3106 : i32 to index
      %get3A_3200 = arith.constant 48 : index
      %get3A_3201 = tpu.vector_load %arg12[%get3A_3199, %get3A_3200] {strides = array<i32>} : memref<128x256xf32, #tpu.memory_space<vmem>>, vector<16xf32>,
      %get3A_3202 = arith.index_cast %add3A_3106 : i32 to index
      %get3A_3203 = arith.constant 176 : index
      %get3A_3204 = tpu.vector_load %arg12[%get3A_3202, %get3A_3203] {strides = array<i32>} : memref<128x256xf32, #tpu.memory_space<vmem>>, vector<16xf32>,
      %get3A_3205 = arith.index_cast %add3A_3106 : i32 to index
      %get3A_3206 = arith.constant 48 : index
      %get3A_3207 = tpu.vector_load %arg13[%get3A_3205, %get3A_3206] {strides = array<i32>} : memref<128x256xf32, #tpu.memory_space<vmem>>, vector<16xf32>,
      %get3A_3208 = arith.index_cast %add3A_3106 : i32 to index
      %get3A_3209 = arith.constant 176 : index
      %get3A_3210 = tpu.vector_load %arg13[%get3A_3208, %get3A_3209] {strides = array<i32>} : memref<128x256xf32, #tpu.memory_space<vmem>>, vector<16xf32>,
      %mul3A_3211 = arith.mulf %get3A_3201, %get3A_3207 : vector<16xf32>
      %mul3A_3212 = arith.mulf %get3A_3204, %get3A_3210 : vector<16xf32>
      %add3A_3213 = arith.addf %mul3A_3211, %mul3A_3212 : vector<16xf32>
      %mul3A_3214 = arith.mulf %get3A_3195, %add3A_3213 : vector<16xf32>
      %add3A_3215 = arith.addf %add3A_3192, %mul3A_3214 : vector<16xf32>
      %mul3A_3216 = arith.mulf %get3A_3201, %get3A_3210 : vector<16xf32>
      %mul3A_3217 = arith.mulf %get3A_3204, %get3A_3207 : vector<16xf32>
      %sub3A_3218 = arith.subf %mul3A_3216, %mul3A_3217 : vector<16xf32>
      %mul3A_3219 = arith.mulf %get3A_3198, %sub3A_3218 : vector<16xf32>
      %add3A_3220 = arith.addf %add3A_3215, %mul3A_3219 : vector<16xf32>
      %get3A_3221 = arith.index_cast %add3A_3106 : i32 to index
      %get3A_3222 = arith.constant 64 : index
      %get3A_3223 = tpu.vector_load %arg11[%get3A_3221, %get3A_3222] {strides = array<i32>} : memref<128x256xf32, #tpu.memory_space<vmem>>, vector<16xf32>,
      %get3A_3224 = arith.index_cast %add3A_3106 : i32 to index
      %get3A_3225 = arith.constant 192 : index
      %get3A_3226 = tpu.vector_load %arg11[%get3A_3224, %get3A_3225] {strides = array<i32>} : memref<128x256xf32, #tpu.memory_space<vmem>>, vector<16xf32>,
      %get3A_3227 = arith.index_cast %add3A_3106 : i32 to index
      %get3A_3228 = arith.constant 64 : index
      %get3A_3229 = tpu.vector_load %arg12[%get3A_3227, %get3A_3228] {strides = array<i32>} : memref<128x256xf32, #tpu.memory_space<vmem>>, vector<16xf32>,
      %get3A_3230 = arith.index_cast %add3A_3106 : i32 to index
      %get3A_3231 = arith.constant 192 : index
      %get3A_3232 = tpu.vector_load %arg12[%get3A_3230, %get3A_3231] {strides = array<i32>} : memref<128x256xf32, #tpu.memory_space<vmem>>, vector<16xf32>,
      %get3A_3233 = arith.index_cast %add3A_3106 : i32 to index
      %get3A_3234 = arith.constant 64 : index
      %get3A_3235 = tpu.vector_load %arg13[%get3A_3233, %get3A_3234] {strides = array<i32>} : memref<128x256xf32, #tpu.memory_space<vmem>>, vector<16xf32>,
      %get3A_3236 = arith.index_cast %add3A_3106 : i32 to index
      %get3A_3237 = arith.constant 192 : index
      %get3A_3238 = tpu.vector_load %arg13[%get3A_3236, %get3A_3237] {strides = array<i32>} : memref<128x256xf32, #tpu.memory_space<vmem>>, vector<16xf32>,
      %mul3A_3239 = arith.mulf %get3A_3229, %get3A_3235 : vector<16xf32>
      %mul3A_3240 = arith.mulf %get3A_3232, %get3A_3238 : vector<16xf32>
      %add3A_3241 = arith.addf %mul3A_3239, %mul3A_3240 : vector<16xf32>
      %mul3A_3242 = arith.mulf %get3A_3223, %add3A_3241 : vector<16xf32>
      %add3A_3243 = arith.addf %add3A_3220, %mul3A_3242 : vector<16xf32>
      %mul3A_3244 = arith.mulf %get3A_3229, %get3A_3238 : vector<16xf32>
      %mul3A_3245 = arith.mulf %get3A_3232, %get3A_3235 : vector<16xf32>
      %sub3A_3246 = arith.subf %mul3A_3244, %mul3A_3245 : vector<16xf32>
      %mul3A_3247 = arith.mulf %get3A_3226, %sub3A_3246 : vector<16xf32>
      %add3A_3248 = arith.addf %add3A_3243, %mul3A_3247 : vector<16xf32>
      %get3A_3249 = arith.index_cast %add3A_3106 : i32 to index
      %get3A_3250 = arith.constant 80 : index
      %get3A_3251 = tpu.vector_load %arg11[%get3A_3249, %get3A_3250] {strides = array<i32>} : memref<128x256xf32, #tpu.memory_space<vmem>>, vector<16xf32>,
      %get3A_3252 = arith.index_cast %add3A_3106 : i32 to index
      %get3A_3253 = arith.constant 208 : index
      %get3A_3254 = tpu.vector_load %arg11[%get3A_3252, %get3A_3253] {strides = array<i32>} : memref<128x256xf32, #tpu.memory_space<vmem>>, vector<16xf32>,
      %get3A_3255 = arith.index_cast %add3A_3106 : i32 to index
      %get3A_3256 = arith.constant 80 : index
      %get3A_3257 = tpu.vector_load %arg12[%get3A_3255, %get3A_3256] {strides = array<i32>} : memref<128x256xf32, #tpu.memory_space<vmem>>, vector<16xf32>,
      %get3A_3258 = arith.index_cast %add3A_3106 : i32 to index
      %get3A_3259 = arith.constant 208 : index
      %get3A_3260 = tpu.vector_load %arg12[%get3A_3258, %get3A_3259] {strides = array<i32>} : memref<128x256xf32, #tpu.memory_space<vmem>>, vector<16xf32>,
      %get3A_3261 = arith.index_cast %add3A_3106 : i32 to index
      %get3A_3262 = arith.constant 80 : index
      %get3A_3263 = tpu.vector_load %arg13[%get3A_3261, %get3A_3262] {strides = array<i32>} : memref<128x256xf32, #tpu.memory_space<vmem>>, vector<16xf32>,
      %get3A_3264 = arith.index_cast %add3A_3106 : i32 to index
      %get3A_3265 = arith.constant 208 : index
      %get3A_3266 = tpu.vector_load %arg13[%get3A_3264, %get3A_3265] {strides = array<i32>} : memref<128x256xf32, #tpu.memory_space<vmem>>, vector<16xf32>,
      %mul3A_3267 = arith.mulf %get3A_3257, %get3A_3263 : vector<16xf32>
      %mul3A_3268 = arith.mulf %get3A_3260, %get3A_3266 : vector<16xf32>
      %add3A_3269 = arith.addf %mul3A_3267, %mul3A_3268 : vector<16xf32>
      %mul3A_3270 = arith.mulf %get3A_3251, %add3A_3269 : vector<16xf32>
      %add3A_3271 = arith.addf %add3A_3248, %mul3A_3270 : vector<16xf32>
      %mul3A_3272 = arith.mulf %get3A_3257, %get3A_3266 : vector<16xf32>
      %mul3A_3273 = arith.mulf %get3A_3260, %get3A_3263 : vector<16xf32>
      %sub3A_3274 = arith.subf %mul3A_3272, %mul3A_3273 : vector<16xf32>
      %mul3A_3275 = arith.mulf %get3A_3254, %sub3A_3274 : vector<16xf32>
      %add3A_3276 = arith.addf %add3A_3271, %mul3A_3275 : vector<16xf32>
      %get3A_3277 = arith.index_cast %add3A_3106 : i32 to index
      %get3A_3278 = arith.constant 96 : index
      %get3A_3279 = tpu.vector_load %arg11[%get3A_3277, %get3A_3278] {strides = array<i32>} : memref<128x256xf32, #tpu.memory_space<vmem>>, vector<16xf32>,
      %get3A_3280 = arith.index_cast %add3A_3106 : i32 to index
      %get3A_3281 = arith.constant 224 : index
      %get3A_3282 = tpu.vector_load %arg11[%get3A_3280, %get3A_3281] {strides = array<i32>} : memref<128x256xf32, #tpu.memory_space<vmem>>, vector<16xf32>,
      %get3A_3283 = arith.index_cast %add3A_3106 : i32 to index
      %get3A_3284 = arith.constant 96 : index
      %get3A_3285 = tpu.vector_load %arg12[%get3A_3283, %get3A_3284] {strides = array<i32>} : memref<128x256xf32, #tpu.memory_space<vmem>>, vector<16xf32>,
      %get3A_3286 = arith.index_cast %add3A_3106 : i32 to index
      %get3A_3287 = arith.constant 224 : index
      %get3A_3288 = tpu.vector_load %arg12[%get3A_3286, %get3A_3287] {strides = array<i32>} : memref<128x256xf32, #tpu.memory_space<vmem>>, vector<16xf32>,
      %get3A_3289 = arith.index_cast %add3A_3106 : i32 to index
      %get3A_3290 = arith.constant 96 : index
      %get3A_3291 = tpu.vector_load %arg13[%get3A_3289, %get3A_3290] {strides = array<i32>} : memref<128x256xf32, #tpu.memory_space<vmem>>, vector<16xf32>,
      %get3A_3292 = arith.index_cast %add3A_3106 : i32 to index
      %get3A_3293 = arith.constant 224 : index
      %get3A_3294 = tpu.vector_load %arg13[%get3A_3292, %get3A_3293] {strides = array<i32>} : memref<128x256xf32, #tpu.memory_space<vmem>>, vector<16xf32>,
      %mul3A_3295 = arith.mulf %get3A_3285, %get3A_3291 : vector<16xf32>
      %mul3A_3296 = arith.mulf %get3A_3288, %get3A_3294 : vector<16xf32>
      %add3A_3297 = arith.addf %mul3A_3295, %mul3A_3296 : vector<16xf32>
      %mul3A_3298 = arith.mulf %get3A_3279, %add3A_3297 : vector<16xf32>
      %add3A_3299 = arith.addf %add3A_3276, %mul3A_3298 : vector<16xf32>
      %mul3A_3300 = arith.mulf %get3A_3285, %get3A_3294 : vector<16xf32>
      %mul3A_3301 = arith.mulf %get3A_3288, %get3A_3291 : vector<16xf32>
      %sub3A_3302 = arith.subf %mul3A_3300, %mul3A_3301 : vector<16xf32>
      %mul3A_3303 = arith.mulf %get3A_3282, %sub3A_3302 : vector<16xf32>
      %add3A_3304 = arith.addf %add3A_3299, %mul3A_3303 : vector<16xf32>
      %get3A_3305 = arith.index_cast %add3A_3106 : i32 to index
      %get3A_3306 = arith.constant 112 : index
      %get3A_3307 = tpu.vector_load %arg11[%get3A_3305, %get3A_3306] {strides = array<i32>} : memref<128x256xf32, #tpu.memory_space<vmem>>, vector<16xf32>,
      %get3A_3308 = arith.index_cast %add3A_3106 : i32 to index
      %get3A_3309 = arith.constant 240 : index
      %get3A_3310 = tpu.vector_load %arg11[%get3A_3308, %get3A_3309] {strides = array<i32>} : memref<128x256xf32, #tpu.memory_space<vmem>>, vector<16xf32>,
      %get3A_3311 = arith.index_cast %add3A_3106 : i32 to index
      %get3A_3312 = arith.constant 112 : index
      %get3A_3313 = tpu.vector_load %arg12[%get3A_3311, %get3A_3312] {strides = array<i32>} : memref<128x256xf32, #tpu.memory_space<vmem>>, vector<16xf32>,
      %get3A_3314 = arith.index_cast %add3A_3106 : i32 to index
      %get3A_3315 = arith.constant 240 : index
      %get3A_3316 = tpu.vector_load %arg12[%get3A_3314, %get3A_3315] {strides = array<i32>} : memref<128x256xf32, #tpu.memory_space<vmem>>, vector<16xf32>,
      %get3A_3317 = arith.index_cast %add3A_3106 : i32 to index
      %get3A_3318 = arith.constant 112 : index
      %get3A_3319 = tpu.vector_load %arg13[%get3A_3317, %get3A_3318] {strides = array<i32>} : memref<128x256xf32, #tpu.memory_space<vmem>>, vector<16xf32>,
      %get3A_3320 = arith.index_cast %add3A_3106 : i32 to index
      %get3A_3321 = arith.constant 240 : index
      %get3A_3322 = tpu.vector_load %arg13[%get3A_3320, %get3A_3321] {strides = array<i32>} : memref<128x256xf32, #tpu.memory_space<vmem>>, vector<16xf32>,
      %mul3A_3323 = arith.mulf %get3A_3313, %get3A_3319 : vector<16xf32>
      %mul3A_3324 = arith.mulf %get3A_3316, %get3A_3322 : vector<16xf32>
      %add3A_3325 = arith.addf %mul3A_3323, %mul3A_3324 : vector<16xf32>
      %mul3A_3326 = arith.mulf %get3A_3307, %add3A_3325 : vector<16xf32>
      %add3A_3327 = arith.addf %add3A_3304, %mul3A_3326 : vector<16xf32>
      %mul3A_3328 = arith.mulf %get3A_3313, %get3A_3322 : vector<16xf32>
      %mul3A_3329 = arith.mulf %get3A_3316, %get3A_3319 : vector<16xf32>
      %sub3A_3330 = arith.subf %mul3A_3328, %mul3A_3329 : vector<16xf32>
      %mul3A_3331 = arith.mulf %get3A_3310, %sub3A_3330 : vector<16xf32>
      %add3A_3332 = arith.addf %add3A_3327, %mul3A_3331 : vector<16xf32>
      %reduce_sum3A_3333 = arith.constant true
      %reduce_sum3A_3334 = vector.broadcast %reduce_sum3A_3333 : i1 to vector<16xi1>
      %reduce_sum3A_3335 = tpu.scan <sum>, %add3A_3332 masked %reduce_sum3A_3334 : vector<16xf32>, vector<16xi1> -> vector<16xf32>
      %reduce_sum3A_3336 = vector.extract %reduce_sum3A_3335[15] : f32 from vector<16xf32>
      %eq3A_3337 = arith.constant 13 : i32
      %eq3A_3338 = vector.broadcast %eq3A_3337 : i32 to vector<16xi32>
      %eq3A_3339 = arith.cmpi eq, %iota3A, %eq3A_3338 : vector<16xi32>
      %broadcast_in_dim3A_3340 = vector.broadcast %reduce_sum3A_3336 : f32 to vector<16xf32>
      %select_n3A_3341 = arith.select %eq3A_3339, %broadcast_in_dim3A_3340, %select_n3A_3104 : vector<16xi1>, vector<16xf32>
      %add3A_3342 = arith.constant 14 : i32
      %add3A_3343 = arith.addi %add3A_27, %add3A_3342 : i32
      %broadcast_in_dim3A_3344 = arith.constant 0.000000e+00 : f32
      %broadcast_in_dim3A_3345 = vector.broadcast %broadcast_in_dim3A_3344 : f32 to vector<16xf32>
      %get3A_3346 = arith.index_cast %add3A_3343 : i32 to index
      %get3A_3347 = arith.constant 0 : index
      %get3A_3348 = tpu.vector_load %arg11[%get3A_3346, %get3A_3347] {strides = array<i32>} : memref<128x256xf32, #tpu.memory_space<vmem>>, vector<16xf32>,
      %get3A_3349 = arith.index_cast %add3A_3343 : i32 to index
      %get3A_3350 = arith.constant 128 : index
      %get3A_3351 = tpu.vector_load %arg11[%get3A_3349, %get3A_3350] {strides = array<i32>} : memref<128x256xf32, #tpu.memory_space<vmem>>, vector<16xf32>,
      %get3A_3352 = arith.index_cast %add3A_3343 : i32 to index
      %get3A_3353 = arith.constant 0 : index
      %get3A_3354 = tpu.vector_load %arg12[%get3A_3352, %get3A_3353] {strides = array<i32>} : memref<128x256xf32, #tpu.memory_space<vmem>>, vector<16xf32>,
      %get3A_3355 = arith.index_cast %add3A_3343 : i32 to index
      %get3A_3356 = arith.constant 128 : index
      %get3A_3357 = tpu.vector_load %arg12[%get3A_3355, %get3A_3356] {strides = array<i32>} : memref<128x256xf32, #tpu.memory_space<vmem>>, vector<16xf32>,
      %get3A_3358 = arith.index_cast %add3A_3343 : i32 to index
      %get3A_3359 = arith.constant 0 : index
      %get3A_3360 = tpu.vector_load %arg13[%get3A_3358, %get3A_3359] {strides = array<i32>} : memref<128x256xf32, #tpu.memory_space<vmem>>, vector<16xf32>,
      %get3A_3361 = arith.index_cast %add3A_3343 : i32 to index
      %get3A_3362 = arith.constant 128 : index
      %get3A_3363 = tpu.vector_load %arg13[%get3A_3361, %get3A_3362] {strides = array<i32>} : memref<128x256xf32, #tpu.memory_space<vmem>>, vector<16xf32>,
      %mul3A_3364 = arith.mulf %get3A_3354, %get3A_3360 : vector<16xf32>
      %mul3A_3365 = arith.mulf %get3A_3357, %get3A_3363 : vector<16xf32>
      %add3A_3366 = arith.addf %mul3A_3364, %mul3A_3365 : vector<16xf32>
      %mul3A_3367 = arith.mulf %get3A_3348, %add3A_3366 : vector<16xf32>
      %add3A_3368 = arith.addf %broadcast_in_dim3A_3345, %mul3A_3367 : vector<16xf32>
      %mul3A_3369 = arith.mulf %get3A_3354, %get3A_3363 : vector<16xf32>
      %mul3A_3370 = arith.mulf %get3A_3357, %get3A_3360 : vector<16xf32>
      %sub3A_3371 = arith.subf %mul3A_3369, %mul3A_3370 : vector<16xf32>
      %mul3A_3372 = arith.mulf %get3A_3351, %sub3A_3371 : vector<16xf32>
      %add3A_3373 = arith.addf %add3A_3368, %mul3A_3372 : vector<16xf32>
      %get3A_3374 = arith.index_cast %add3A_3343 : i32 to index
      %get3A_3375 = arith.constant 16 : index
      %get3A_3376 = tpu.vector_load %arg11[%get3A_3374, %get3A_3375] {strides = array<i32>} : memref<128x256xf32, #tpu.memory_space<vmem>>, vector<16xf32>,
      %get3A_3377 = arith.index_cast %add3A_3343 : i32 to index
      %get3A_3378 = arith.constant 144 : index
      %get3A_3379 = tpu.vector_load %arg11[%get3A_3377, %get3A_3378] {strides = array<i32>} : memref<128x256xf32, #tpu.memory_space<vmem>>, vector<16xf32>,
      %get3A_3380 = arith.index_cast %add3A_3343 : i32 to index
      %get3A_3381 = arith.constant 16 : index
      %get3A_3382 = tpu.vector_load %arg12[%get3A_3380, %get3A_3381] {strides = array<i32>} : memref<128x256xf32, #tpu.memory_space<vmem>>, vector<16xf32>,
      %get3A_3383 = arith.index_cast %add3A_3343 : i32 to index
      %get3A_3384 = arith.constant 144 : index
      %get3A_3385 = tpu.vector_load %arg12[%get3A_3383, %get3A_3384] {strides = array<i32>} : memref<128x256xf32, #tpu.memory_space<vmem>>, vector<16xf32>,
      %get3A_3386 = arith.index_cast %add3A_3343 : i32 to index
      %get3A_3387 = arith.constant 16 : index
      %get3A_3388 = tpu.vector_load %arg13[%get3A_3386, %get3A_3387] {strides = array<i32>} : memref<128x256xf32, #tpu.memory_space<vmem>>, vector<16xf32>,
      %get3A_3389 = arith.index_cast %add3A_3343 : i32 to index
      %get3A_3390 = arith.constant 144 : index
      %get3A_3391 = tpu.vector_load %arg13[%get3A_3389, %get3A_3390] {strides = array<i32>} : memref<128x256xf32, #tpu.memory_space<vmem>>, vector<16xf32>,
      %mul3A_3392 = arith.mulf %get3A_3382, %get3A_3388 : vector<16xf32>
      %mul3A_3393 = arith.mulf %get3A_3385, %get3A_3391 : vector<16xf32>
      %add3A_3394 = arith.addf %mul3A_3392, %mul3A_3393 : vector<16xf32>
      %mul3A_3395 = arith.mulf %get3A_3376, %add3A_3394 : vector<16xf32>
      %add3A_3396 = arith.addf %add3A_3373, %mul3A_3395 : vector<16xf32>
      %mul3A_3397 = arith.mulf %get3A_3382, %get3A_3391 : vector<16xf32>
      %mul3A_3398 = arith.mulf %get3A_3385, %get3A_3388 : vector<16xf32>
      %sub3A_3399 = arith.subf %mul3A_3397, %mul3A_3398 : vector<16xf32>
      %mul3A_3400 = arith.mulf %get3A_3379, %sub3A_3399 : vector<16xf32>
      %add3A_3401 = arith.addf %add3A_3396, %mul3A_3400 : vector<16xf32>
      %get3A_3402 = arith.index_cast %add3A_3343 : i32 to index
      %get3A_3403 = arith.constant 32 : index
      %get3A_3404 = tpu.vector_load %arg11[%get3A_3402, %get3A_3403] {strides = array<i32>} : memref<128x256xf32, #tpu.memory_space<vmem>>, vector<16xf32>,
      %get3A_3405 = arith.index_cast %add3A_3343 : i32 to index
      %get3A_3406 = arith.constant 160 : index
      %get3A_3407 = tpu.vector_load %arg11[%get3A_3405, %get3A_3406] {strides = array<i32>} : memref<128x256xf32, #tpu.memory_space<vmem>>, vector<16xf32>,
      %get3A_3408 = arith.index_cast %add3A_3343 : i32 to index
      %get3A_3409 = arith.constant 32 : index
      %get3A_3410 = tpu.vector_load %arg12[%get3A_3408, %get3A_3409] {strides = array<i32>} : memref<128x256xf32, #tpu.memory_space<vmem>>, vector<16xf32>,
      %get3A_3411 = arith.index_cast %add3A_3343 : i32 to index
      %get3A_3412 = arith.constant 160 : index
      %get3A_3413 = tpu.vector_load %arg12[%get3A_3411, %get3A_3412] {strides = array<i32>} : memref<128x256xf32, #tpu.memory_space<vmem>>, vector<16xf32>,
      %get3A_3414 = arith.index_cast %add3A_3343 : i32 to index
      %get3A_3415 = arith.constant 32 : index
      %get3A_3416 = tpu.vector_load %arg13[%get3A_3414, %get3A_3415] {strides = array<i32>} : memref<128x256xf32, #tpu.memory_space<vmem>>, vector<16xf32>,
      %get3A_3417 = arith.index_cast %add3A_3343 : i32 to index
      %get3A_3418 = arith.constant 160 : index
      %get3A_3419 = tpu.vector_load %arg13[%get3A_3417, %get3A_3418] {strides = array<i32>} : memref<128x256xf32, #tpu.memory_space<vmem>>, vector<16xf32>,
      %mul3A_3420 = arith.mulf %get3A_3410, %get3A_3416 : vector<16xf32>
      %mul3A_3421 = arith.mulf %get3A_3413, %get3A_3419 : vector<16xf32>
      %add3A_3422 = arith.addf %mul3A_3420, %mul3A_3421 : vector<16xf32>
      %mul3A_3423 = arith.mulf %get3A_3404, %add3A_3422 : vector<16xf32>
      %add3A_3424 = arith.addf %add3A_3401, %mul3A_3423 : vector<16xf32>
      %mul3A_3425 = arith.mulf %get3A_3410, %get3A_3419 : vector<16xf32>
      %mul3A_3426 = arith.mulf %get3A_3413, %get3A_3416 : vector<16xf32>
      %sub3A_3427 = arith.subf %mul3A_3425, %mul3A_3426 : vector<16xf32>
      %mul3A_3428 = arith.mulf %get3A_3407, %sub3A_3427 : vector<16xf32>
      %add3A_3429 = arith.addf %add3A_3424, %mul3A_3428 : vector<16xf32>
      %get3A_3430 = arith.index_cast %add3A_3343 : i32 to index
      %get3A_3431 = arith.constant 48 : index
      %get3A_3432 = tpu.vector_load %arg11[%get3A_3430, %get3A_3431] {strides = array<i32>} : memref<128x256xf32, #tpu.memory_space<vmem>>, vector<16xf32>,
      %get3A_3433 = arith.index_cast %add3A_3343 : i32 to index
      %get3A_3434 = arith.constant 176 : index
      %get3A_3435 = tpu.vector_load %arg11[%get3A_3433, %get3A_3434] {strides = array<i32>} : memref<128x256xf32, #tpu.memory_space<vmem>>, vector<16xf32>,
      %get3A_3436 = arith.index_cast %add3A_3343 : i32 to index
      %get3A_3437 = arith.constant 48 : index
      %get3A_3438 = tpu.vector_load %arg12[%get3A_3436, %get3A_3437] {strides = array<i32>} : memref<128x256xf32, #tpu.memory_space<vmem>>, vector<16xf32>,
      %get3A_3439 = arith.index_cast %add3A_3343 : i32 to index
      %get3A_3440 = arith.constant 176 : index
      %get3A_3441 = tpu.vector_load %arg12[%get3A_3439, %get3A_3440] {strides = array<i32>} : memref<128x256xf32, #tpu.memory_space<vmem>>, vector<16xf32>,
      %get3A_3442 = arith.index_cast %add3A_3343 : i32 to index
      %get3A_3443 = arith.constant 48 : index
      %get3A_3444 = tpu.vector_load %arg13[%get3A_3442, %get3A_3443] {strides = array<i32>} : memref<128x256xf32, #tpu.memory_space<vmem>>, vector<16xf32>,
      %get3A_3445 = arith.index_cast %add3A_3343 : i32 to index
      %get3A_3446 = arith.constant 176 : index
      %get3A_3447 = tpu.vector_load %arg13[%get3A_3445, %get3A_3446] {strides = array<i32>} : memref<128x256xf32, #tpu.memory_space<vmem>>, vector<16xf32>,
      %mul3A_3448 = arith.mulf %get3A_3438, %get3A_3444 : vector<16xf32>
      %mul3A_3449 = arith.mulf %get3A_3441, %get3A_3447 : vector<16xf32>
      %add3A_3450 = arith.addf %mul3A_3448, %mul3A_3449 : vector<16xf32>
      %mul3A_3451 = arith.mulf %get3A_3432, %add3A_3450 : vector<16xf32>
      %add3A_3452 = arith.addf %add3A_3429, %mul3A_3451 : vector<16xf32>
      %mul3A_3453 = arith.mulf %get3A_3438, %get3A_3447 : vector<16xf32>
      %mul3A_3454 = arith.mulf %get3A_3441, %get3A_3444 : vector<16xf32>
      %sub3A_3455 = arith.subf %mul3A_3453, %mul3A_3454 : vector<16xf32>
      %mul3A_3456 = arith.mulf %get3A_3435, %sub3A_3455 : vector<16xf32>
      %add3A_3457 = arith.addf %add3A_3452, %mul3A_3456 : vector<16xf32>
      %get3A_3458 = arith.index_cast %add3A_3343 : i32 to index
      %get3A_3459 = arith.constant 64 : index
      %get3A_3460 = tpu.vector_load %arg11[%get3A_3458, %get3A_3459] {strides = array<i32>} : memref<128x256xf32, #tpu.memory_space<vmem>>, vector<16xf32>,
      %get3A_3461 = arith.index_cast %add3A_3343 : i32 to index
      %get3A_3462 = arith.constant 192 : index
      %get3A_3463 = tpu.vector_load %arg11[%get3A_3461, %get3A_3462] {strides = array<i32>} : memref<128x256xf32, #tpu.memory_space<vmem>>, vector<16xf32>,
      %get3A_3464 = arith.index_cast %add3A_3343 : i32 to index
      %get3A_3465 = arith.constant 64 : index
      %get3A_3466 = tpu.vector_load %arg12[%get3A_3464, %get3A_3465] {strides = array<i32>} : memref<128x256xf32, #tpu.memory_space<vmem>>, vector<16xf32>,
      %get3A_3467 = arith.index_cast %add3A_3343 : i32 to index
      %get3A_3468 = arith.constant 192 : index
      %get3A_3469 = tpu.vector_load %arg12[%get3A_3467, %get3A_3468] {strides = array<i32>} : memref<128x256xf32, #tpu.memory_space<vmem>>, vector<16xf32>,
      %get3A_3470 = arith.index_cast %add3A_3343 : i32 to index
      %get3A_3471 = arith.constant 64 : index
      %get3A_3472 = tpu.vector_load %arg13[%get3A_3470, %get3A_3471] {strides = array<i32>} : memref<128x256xf32, #tpu.memory_space<vmem>>, vector<16xf32>,
      %get3A_3473 = arith.index_cast %add3A_3343 : i32 to index
      %get3A_3474 = arith.constant 192 : index
      %get3A_3475 = tpu.vector_load %arg13[%get3A_3473, %get3A_3474] {strides = array<i32>} : memref<128x256xf32, #tpu.memory_space<vmem>>, vector<16xf32>,
      %mul3A_3476 = arith.mulf %get3A_3466, %get3A_3472 : vector<16xf32>
      %mul3A_3477 = arith.mulf %get3A_3469, %get3A_3475 : vector<16xf32>
      %add3A_3478 = arith.addf %mul3A_3476, %mul3A_3477 : vector<16xf32>
      %mul3A_3479 = arith.mulf %get3A_3460, %add3A_3478 : vector<16xf32>
      %add3A_3480 = arith.addf %add3A_3457, %mul3A_3479 : vector<16xf32>
      %mul3A_3481 = arith.mulf %get3A_3466, %get3A_3475 : vector<16xf32>
      %mul3A_3482 = arith.mulf %get3A_3469, %get3A_3472 : vector<16xf32>
      %sub3A_3483 = arith.subf %mul3A_3481, %mul3A_3482 : vector<16xf32>
      %mul3A_3484 = arith.mulf %get3A_3463, %sub3A_3483 : vector<16xf32>
      %add3A_3485 = arith.addf %add3A_3480, %mul3A_3484 : vector<16xf32>
      %get3A_3486 = arith.index_cast %add3A_3343 : i32 to index
      %get3A_3487 = arith.constant 80 : index
      %get3A_3488 = tpu.vector_load %arg11[%get3A_3486, %get3A_3487] {strides = array<i32>} : memref<128x256xf32, #tpu.memory_space<vmem>>, vector<16xf32>,
      %get3A_3489 = arith.index_cast %add3A_3343 : i32 to index
      %get3A_3490 = arith.constant 208 : index
      %get3A_3491 = tpu.vector_load %arg11[%get3A_3489, %get3A_3490] {strides = array<i32>} : memref<128x256xf32, #tpu.memory_space<vmem>>, vector<16xf32>,
      %get3A_3492 = arith.index_cast %add3A_3343 : i32 to index
      %get3A_3493 = arith.constant 80 : index
      %get3A_3494 = tpu.vector_load %arg12[%get3A_3492, %get3A_3493] {strides = array<i32>} : memref<128x256xf32, #tpu.memory_space<vmem>>, vector<16xf32>,
      %get3A_3495 = arith.index_cast %add3A_3343 : i32 to index
      %get3A_3496 = arith.constant 208 : index
      %get3A_3497 = tpu.vector_load %arg12[%get3A_3495, %get3A_3496] {strides = array<i32>} : memref<128x256xf32, #tpu.memory_space<vmem>>, vector<16xf32>,
      %get3A_3498 = arith.index_cast %add3A_3343 : i32 to index
      %get3A_3499 = arith.constant 80 : index
      %get3A_3500 = tpu.vector_load %arg13[%get3A_3498, %get3A_3499] {strides = array<i32>} : memref<128x256xf32, #tpu.memory_space<vmem>>, vector<16xf32>,
      %get3A_3501 = arith.index_cast %add3A_3343 : i32 to index
      %get3A_3502 = arith.constant 208 : index
      %get3A_3503 = tpu.vector_load %arg13[%get3A_3501, %get3A_3502] {strides = array<i32>} : memref<128x256xf32, #tpu.memory_space<vmem>>, vector<16xf32>,
      %mul3A_3504 = arith.mulf %get3A_3494, %get3A_3500 : vector<16xf32>
      %mul3A_3505 = arith.mulf %get3A_3497, %get3A_3503 : vector<16xf32>
      %add3A_3506 = arith.addf %mul3A_3504, %mul3A_3505 : vector<16xf32>
      %mul3A_3507 = arith.mulf %get3A_3488, %add3A_3506 : vector<16xf32>
      %add3A_3508 = arith.addf %add3A_3485, %mul3A_3507 : vector<16xf32>
      %mul3A_3509 = arith.mulf %get3A_3494, %get3A_3503 : vector<16xf32>
      %mul3A_3510 = arith.mulf %get3A_3497, %get3A_3500 : vector<16xf32>
      %sub3A_3511 = arith.subf %mul3A_3509, %mul3A_3510 : vector<16xf32>
      %mul3A_3512 = arith.mulf %get3A_3491, %sub3A_3511 : vector<16xf32>
      %add3A_3513 = arith.addf %add3A_3508, %mul3A_3512 : vector<16xf32>
      %get3A_3514 = arith.index_cast %add3A_3343 : i32 to index
      %get3A_3515 = arith.constant 96 : index
      %get3A_3516 = tpu.vector_load %arg11[%get3A_3514, %get3A_3515] {strides = array<i32>} : memref<128x256xf32, #tpu.memory_space<vmem>>, vector<16xf32>,
      %get3A_3517 = arith.index_cast %add3A_3343 : i32 to index
      %get3A_3518 = arith.constant 224 : index
      %get3A_3519 = tpu.vector_load %arg11[%get3A_3517, %get3A_3518] {strides = array<i32>} : memref<128x256xf32, #tpu.memory_space<vmem>>, vector<16xf32>,
      %get3A_3520 = arith.index_cast %add3A_3343 : i32 to index
      %get3A_3521 = arith.constant 96 : index
      %get3A_3522 = tpu.vector_load %arg12[%get3A_3520, %get3A_3521] {strides = array<i32>} : memref<128x256xf32, #tpu.memory_space<vmem>>, vector<16xf32>,
      %get3A_3523 = arith.index_cast %add3A_3343 : i32 to index
      %get3A_3524 = arith.constant 224 : index
      %get3A_3525 = tpu.vector_load %arg12[%get3A_3523, %get3A_3524] {strides = array<i32>} : memref<128x256xf32, #tpu.memory_space<vmem>>, vector<16xf32>,
      %get3A_3526 = arith.index_cast %add3A_3343 : i32 to index
      %get3A_3527 = arith.constant 96 : index
      %get3A_3528 = tpu.vector_load %arg13[%get3A_3526, %get3A_3527] {strides = array<i32>} : memref<128x256xf32, #tpu.memory_space<vmem>>, vector<16xf32>,
      %get3A_3529 = arith.index_cast %add3A_3343 : i32 to index
      %get3A_3530 = arith.constant 224 : index
      %get3A_3531 = tpu.vector_load %arg13[%get3A_3529, %get3A_3530] {strides = array<i32>} : memref<128x256xf32, #tpu.memory_space<vmem>>, vector<16xf32>,
      %mul3A_3532 = arith.mulf %get3A_3522, %get3A_3528 : vector<16xf32>
      %mul3A_3533 = arith.mulf %get3A_3525, %get3A_3531 : vector<16xf32>
      %add3A_3534 = arith.addf %mul3A_3532, %mul3A_3533 : vector<16xf32>
      %mul3A_3535 = arith.mulf %get3A_3516, %add3A_3534 : vector<16xf32>
      %add3A_3536 = arith.addf %add3A_3513, %mul3A_3535 : vector<16xf32>
      %mul3A_3537 = arith.mulf %get3A_3522, %get3A_3531 : vector<16xf32>
      %mul3A_3538 = arith.mulf %get3A_3525, %get3A_3528 : vector<16xf32>
      %sub3A_3539 = arith.subf %mul3A_3537, %mul3A_3538 : vector<16xf32>
      %mul3A_3540 = arith.mulf %get3A_3519, %sub3A_3539 : vector<16xf32>
      %add3A_3541 = arith.addf %add3A_3536, %mul3A_3540 : vector<16xf32>
      %get3A_3542 = arith.index_cast %add3A_3343 : i32 to index
      %get3A_3543 = arith.constant 112 : index
      %get3A_3544 = tpu.vector_load %arg11[%get3A_3542, %get3A_3543] {strides = array<i32>} : memref<128x256xf32, #tpu.memory_space<vmem>>, vector<16xf32>,
      %get3A_3545 = arith.index_cast %add3A_3343 : i32 to index
      %get3A_3546 = arith.constant 240 : index
      %get3A_3547 = tpu.vector_load %arg11[%get3A_3545, %get3A_3546] {strides = array<i32>} : memref<128x256xf32, #tpu.memory_space<vmem>>, vector<16xf32>,
      %get3A_3548 = arith.index_cast %add3A_3343 : i32 to index
      %get3A_3549 = arith.constant 112 : index
      %get3A_3550 = tpu.vector_load %arg12[%get3A_3548, %get3A_3549] {strides = array<i32>} : memref<128x256xf32, #tpu.memory_space<vmem>>, vector<16xf32>,
      %get3A_3551 = arith.index_cast %add3A_3343 : i32 to index
      %get3A_3552 = arith.constant 240 : index
      %get3A_3553 = tpu.vector_load %arg12[%get3A_3551, %get3A_3552] {strides = array<i32>} : memref<128x256xf32, #tpu.memory_space<vmem>>, vector<16xf32>,
      %get3A_3554 = arith.index_cast %add3A_3343 : i32 to index
      %get3A_3555 = arith.constant 112 : index
      %get3A_3556 = tpu.vector_load %arg13[%get3A_3554, %get3A_3555] {strides = array<i32>} : memref<128x256xf32, #tpu.memory_space<vmem>>, vector<16xf32>,
      %get3A_3557 = arith.index_cast %add3A_3343 : i32 to index
      %get3A_3558 = arith.constant 240 : index
      %get3A_3559 = tpu.vector_load %arg13[%get3A_3557, %get3A_3558] {strides = array<i32>} : memref<128x256xf32, #tpu.memory_space<vmem>>, vector<16xf32>,
      %mul3A_3560 = arith.mulf %get3A_3550, %get3A_3556 : vector<16xf32>
      %mul3A_3561 = arith.mulf %get3A_3553, %get3A_3559 : vector<16xf32>
      %add3A_3562 = arith.addf %mul3A_3560, %mul3A_3561 : vector<16xf32>
      %mul3A_3563 = arith.mulf %get3A_3544, %add3A_3562 : vector<16xf32>
      %add3A_3564 = arith.addf %add3A_3541, %mul3A_3563 : vector<16xf32>
      %mul3A_3565 = arith.mulf %get3A_3550, %get3A_3559 : vector<16xf32>
      %mul3A_3566 = arith.mulf %get3A_3553, %get3A_3556 : vector<16xf32>
      %sub3A_3567 = arith.subf %mul3A_3565, %mul3A_3566 : vector<16xf32>
      %mul3A_3568 = arith.mulf %get3A_3547, %sub3A_3567 : vector<16xf32>
      %add3A_3569 = arith.addf %add3A_3564, %mul3A_3568 : vector<16xf32>
      %reduce_sum3A_3570 = arith.constant true
      %reduce_sum3A_3571 = vector.broadcast %reduce_sum3A_3570 : i1 to vector<16xi1>
      %reduce_sum3A_3572 = tpu.scan <sum>, %add3A_3569 masked %reduce_sum3A_3571 : vector<16xf32>, vector<16xi1> -> vector<16xf32>
      %reduce_sum3A_3573 = vector.extract %reduce_sum3A_3572[15] : f32 from vector<16xf32>
      %eq3A_3574 = arith.constant 14 : i32
      %eq3A_3575 = vector.broadcast %eq3A_3574 : i32 to vector<16xi32>
      %eq3A_3576 = arith.cmpi eq, %iota3A, %eq3A_3575 : vector<16xi32>
      %broadcast_in_dim3A_3577 = vector.broadcast %reduce_sum3A_3573 : f32 to vector<16xf32>
      %select_n3A_3578 = arith.select %eq3A_3576, %broadcast_in_dim3A_3577, %select_n3A_3341 : vector<16xi1>, vector<16xf32>
      %add3A_3579 = arith.constant 15 : i32
      %add3A_3580 = arith.addi %add3A_27, %add3A_3579 : i32
      %broadcast_in_dim3A_3581 = arith.constant 0.000000e+00 : f32
      %broadcast_in_dim3A_3582 = vector.broadcast %broadcast_in_dim3A_3581 : f32 to vector<16xf32>
      %get3A_3583 = arith.index_cast %add3A_3580 : i32 to index
      %get3A_3584 = arith.constant 0 : index
      %get3A_3585 = tpu.vector_load %arg11[%get3A_3583, %get3A_3584] {strides = array<i32>} : memref<128x256xf32, #tpu.memory_space<vmem>>, vector<16xf32>,
      %get3A_3586 = arith.index_cast %add3A_3580 : i32 to index
      %get3A_3587 = arith.constant 128 : index
      %get3A_3588 = tpu.vector_load %arg11[%get3A_3586, %get3A_3587] {strides = array<i32>} : memref<128x256xf32, #tpu.memory_space<vmem>>, vector<16xf32>,
      %get3A_3589 = arith.index_cast %add3A_3580 : i32 to index
      %get3A_3590 = arith.constant 0 : index
      %get3A_3591 = tpu.vector_load %arg12[%get3A_3589, %get3A_3590] {strides = array<i32>} : memref<128x256xf32, #tpu.memory_space<vmem>>, vector<16xf32>,
      %get3A_3592 = arith.index_cast %add3A_3580 : i32 to index
      %get3A_3593 = arith.constant 128 : index
      %get3A_3594 = tpu.vector_load %arg12[%get3A_3592, %get3A_3593] {strides = array<i32>} : memref<128x256xf32, #tpu.memory_space<vmem>>, vector<16xf32>,
      %get3A_3595 = arith.index_cast %add3A_3580 : i32 to index
      %get3A_3596 = arith.constant 0 : index
      %get3A_3597 = tpu.vector_load %arg13[%get3A_3595, %get3A_3596] {strides = array<i32>} : memref<128x256xf32, #tpu.memory_space<vmem>>, vector<16xf32>,
      %get3A_3598 = arith.index_cast %add3A_3580 : i32 to index
      %get3A_3599 = arith.constant 128 : index
      %get3A_3600 = tpu.vector_load %arg13[%get3A_3598, %get3A_3599] {strides = array<i32>} : memref<128x256xf32, #tpu.memory_space<vmem>>, vector<16xf32>,
      %mul3A_3601 = arith.mulf %get3A_3591, %get3A_3597 : vector<16xf32>
      %mul3A_3602 = arith.mulf %get3A_3594, %get3A_3600 : vector<16xf32>
      %add3A_3603 = arith.addf %mul3A_3601, %mul3A_3602 : vector<16xf32>
      %mul3A_3604 = arith.mulf %get3A_3585, %add3A_3603 : vector<16xf32>
      %add3A_3605 = arith.addf %broadcast_in_dim3A_3582, %mul3A_3604 : vector<16xf32>
      %mul3A_3606 = arith.mulf %get3A_3591, %get3A_3600 : vector<16xf32>
      %mul3A_3607 = arith.mulf %get3A_3594, %get3A_3597 : vector<16xf32>
      %sub3A_3608 = arith.subf %mul3A_3606, %mul3A_3607 : vector<16xf32>
      %mul3A_3609 = arith.mulf %get3A_3588, %sub3A_3608 : vector<16xf32>
      %add3A_3610 = arith.addf %add3A_3605, %mul3A_3609 : vector<16xf32>
      %get3A_3611 = arith.index_cast %add3A_3580 : i32 to index
      %get3A_3612 = arith.constant 16 : index
      %get3A_3613 = tpu.vector_load %arg11[%get3A_3611, %get3A_3612] {strides = array<i32>} : memref<128x256xf32, #tpu.memory_space<vmem>>, vector<16xf32>,
      %get3A_3614 = arith.index_cast %add3A_3580 : i32 to index
      %get3A_3615 = arith.constant 144 : index
      %get3A_3616 = tpu.vector_load %arg11[%get3A_3614, %get3A_3615] {strides = array<i32>} : memref<128x256xf32, #tpu.memory_space<vmem>>, vector<16xf32>,
      %get3A_3617 = arith.index_cast %add3A_3580 : i32 to index
      %get3A_3618 = arith.constant 16 : index
      %get3A_3619 = tpu.vector_load %arg12[%get3A_3617, %get3A_3618] {strides = array<i32>} : memref<128x256xf32, #tpu.memory_space<vmem>>, vector<16xf32>,
      %get3A_3620 = arith.index_cast %add3A_3580 : i32 to index
      %get3A_3621 = arith.constant 144 : index
      %get3A_3622 = tpu.vector_load %arg12[%get3A_3620, %get3A_3621] {strides = array<i32>} : memref<128x256xf32, #tpu.memory_space<vmem>>, vector<16xf32>,
      %get3A_3623 = arith.index_cast %add3A_3580 : i32 to index
      %get3A_3624 = arith.constant 16 : index
      %get3A_3625 = tpu.vector_load %arg13[%get3A_3623, %get3A_3624] {strides = array<i32>} : memref<128x256xf32, #tpu.memory_space<vmem>>, vector<16xf32>,
      %get3A_3626 = arith.index_cast %add3A_3580 : i32 to index
      %get3A_3627 = arith.constant 144 : index
      %get3A_3628 = tpu.vector_load %arg13[%get3A_3626, %get3A_3627] {strides = array<i32>} : memref<128x256xf32, #tpu.memory_space<vmem>>, vector<16xf32>,
      %mul3A_3629 = arith.mulf %get3A_3619, %get3A_3625 : vector<16xf32>
      %mul3A_3630 = arith.mulf %get3A_3622, %get3A_3628 : vector<16xf32>
      %add3A_3631 = arith.addf %mul3A_3629, %mul3A_3630 : vector<16xf32>
      %mul3A_3632 = arith.mulf %get3A_3613, %add3A_3631 : vector<16xf32>
      %add3A_3633 = arith.addf %add3A_3610, %mul3A_3632 : vector<16xf32>
      %mul3A_3634 = arith.mulf %get3A_3619, %get3A_3628 : vector<16xf32>
      %mul3A_3635 = arith.mulf %get3A_3622, %get3A_3625 : vector<16xf32>
      %sub3A_3636 = arith.subf %mul3A_3634, %mul3A_3635 : vector<16xf32>
      %mul3A_3637 = arith.mulf %get3A_3616, %sub3A_3636 : vector<16xf32>
      %add3A_3638 = arith.addf %add3A_3633, %mul3A_3637 : vector<16xf32>
      %get3A_3639 = arith.index_cast %add3A_3580 : i32 to index
      %get3A_3640 = arith.constant 32 : index
      %get3A_3641 = tpu.vector_load %arg11[%get3A_3639, %get3A_3640] {strides = array<i32>} : memref<128x256xf32, #tpu.memory_space<vmem>>, vector<16xf32>,
      %get3A_3642 = arith.index_cast %add3A_3580 : i32 to index
      %get3A_3643 = arith.constant 160 : index
      %get3A_3644 = tpu.vector_load %arg11[%get3A_3642, %get3A_3643] {strides = array<i32>} : memref<128x256xf32, #tpu.memory_space<vmem>>, vector<16xf32>,
      %get3A_3645 = arith.index_cast %add3A_3580 : i32 to index
      %get3A_3646 = arith.constant 32 : index
      %get3A_3647 = tpu.vector_load %arg12[%get3A_3645, %get3A_3646] {strides = array<i32>} : memref<128x256xf32, #tpu.memory_space<vmem>>, vector<16xf32>,
      %get3A_3648 = arith.index_cast %add3A_3580 : i32 to index
      %get3A_3649 = arith.constant 160 : index
      %get3A_3650 = tpu.vector_load %arg12[%get3A_3648, %get3A_3649] {strides = array<i32>} : memref<128x256xf32, #tpu.memory_space<vmem>>, vector<16xf32>,
      %get3A_3651 = arith.index_cast %add3A_3580 : i32 to index
      %get3A_3652 = arith.constant 32 : index
      %get3A_3653 = tpu.vector_load %arg13[%get3A_3651, %get3A_3652] {strides = array<i32>} : memref<128x256xf32, #tpu.memory_space<vmem>>, vector<16xf32>,
      %get3A_3654 = arith.index_cast %add3A_3580 : i32 to index
      %get3A_3655 = arith.constant 160 : index
      %get3A_3656 = tpu.vector_load %arg13[%get3A_3654, %get3A_3655] {strides = array<i32>} : memref<128x256xf32, #tpu.memory_space<vmem>>, vector<16xf32>,
      %mul3A_3657 = arith.mulf %get3A_3647, %get3A_3653 : vector<16xf32>
      %mul3A_3658 = arith.mulf %get3A_3650, %get3A_3656 : vector<16xf32>
      %add3A_3659 = arith.addf %mul3A_3657, %mul3A_3658 : vector<16xf32>
      %mul3A_3660 = arith.mulf %get3A_3641, %add3A_3659 : vector<16xf32>
      %add3A_3661 = arith.addf %add3A_3638, %mul3A_3660 : vector<16xf32>
      %mul3A_3662 = arith.mulf %get3A_3647, %get3A_3656 : vector<16xf32>
      %mul3A_3663 = arith.mulf %get3A_3650, %get3A_3653 : vector<16xf32>
      %sub3A_3664 = arith.subf %mul3A_3662, %mul3A_3663 : vector<16xf32>
      %mul3A_3665 = arith.mulf %get3A_3644, %sub3A_3664 : vector<16xf32>
      %add3A_3666 = arith.addf %add3A_3661, %mul3A_3665 : vector<16xf32>
      %get3A_3667 = arith.index_cast %add3A_3580 : i32 to index
      %get3A_3668 = arith.constant 48 : index
      %get3A_3669 = tpu.vector_load %arg11[%get3A_3667, %get3A_3668] {strides = array<i32>} : memref<128x256xf32, #tpu.memory_space<vmem>>, vector<16xf32>,
      %get3A_3670 = arith.index_cast %add3A_3580 : i32 to index
      %get3A_3671 = arith.constant 176 : index
      %get3A_3672 = tpu.vector_load %arg11[%get3A_3670, %get3A_3671] {strides = array<i32>} : memref<128x256xf32, #tpu.memory_space<vmem>>, vector<16xf32>,
      %get3A_3673 = arith.index_cast %add3A_3580 : i32 to index
      %get3A_3674 = arith.constant 48 : index
      %get3A_3675 = tpu.vector_load %arg12[%get3A_3673, %get3A_3674] {strides = array<i32>} : memref<128x256xf32, #tpu.memory_space<vmem>>, vector<16xf32>,
      %get3A_3676 = arith.index_cast %add3A_3580 : i32 to index
      %get3A_3677 = arith.constant 176 : index
      %get3A_3678 = tpu.vector_load %arg12[%get3A_3676, %get3A_3677] {strides = array<i32>} : memref<128x256xf32, #tpu.memory_space<vmem>>, vector<16xf32>,
      %get3A_3679 = arith.index_cast %add3A_3580 : i32 to index
      %get3A_3680 = arith.constant 48 : index
      %get3A_3681 = tpu.vector_load %arg13[%get3A_3679, %get3A_3680] {strides = array<i32>} : memref<128x256xf32, #tpu.memory_space<vmem>>, vector<16xf32>,
      %get3A_3682 = arith.index_cast %add3A_3580 : i32 to index
      %get3A_3683 = arith.constant 176 : index
      %get3A_3684 = tpu.vector_load %arg13[%get3A_3682, %get3A_3683] {strides = array<i32>} : memref<128x256xf32, #tpu.memory_space<vmem>>, vector<16xf32>,
      %mul3A_3685 = arith.mulf %get3A_3675, %get3A_3681 : vector<16xf32>
      %mul3A_3686 = arith.mulf %get3A_3678, %get3A_3684 : vector<16xf32>
      %add3A_3687 = arith.addf %mul3A_3685, %mul3A_3686 : vector<16xf32>
      %mul3A_3688 = arith.mulf %get3A_3669, %add3A_3687 : vector<16xf32>
      %add3A_3689 = arith.addf %add3A_3666, %mul3A_3688 : vector<16xf32>
      %mul3A_3690 = arith.mulf %get3A_3675, %get3A_3684 : vector<16xf32>
      %mul3A_3691 = arith.mulf %get3A_3678, %get3A_3681 : vector<16xf32>
      %sub3A_3692 = arith.subf %mul3A_3690, %mul3A_3691 : vector<16xf32>
      %mul3A_3693 = arith.mulf %get3A_3672, %sub3A_3692 : vector<16xf32>
      %add3A_3694 = arith.addf %add3A_3689, %mul3A_3693 : vector<16xf32>
      %get3A_3695 = arith.index_cast %add3A_3580 : i32 to index
      %get3A_3696 = arith.constant 64 : index
      %get3A_3697 = tpu.vector_load %arg11[%get3A_3695, %get3A_3696] {strides = array<i32>} : memref<128x256xf32, #tpu.memory_space<vmem>>, vector<16xf32>,
      %get3A_3698 = arith.index_cast %add3A_3580 : i32 to index
      %get3A_3699 = arith.constant 192 : index
      %get3A_3700 = tpu.vector_load %arg11[%get3A_3698, %get3A_3699] {strides = array<i32>} : memref<128x256xf32, #tpu.memory_space<vmem>>, vector<16xf32>,
      %get3A_3701 = arith.index_cast %add3A_3580 : i32 to index
      %get3A_3702 = arith.constant 64 : index
      %get3A_3703 = tpu.vector_load %arg12[%get3A_3701, %get3A_3702] {strides = array<i32>} : memref<128x256xf32, #tpu.memory_space<vmem>>, vector<16xf32>,
      %get3A_3704 = arith.index_cast %add3A_3580 : i32 to index
      %get3A_3705 = arith.constant 192 : index
      %get3A_3706 = tpu.vector_load %arg12[%get3A_3704, %get3A_3705] {strides = array<i32>} : memref<128x256xf32, #tpu.memory_space<vmem>>, vector<16xf32>,
      %get3A_3707 = arith.index_cast %add3A_3580 : i32 to index
      %get3A_3708 = arith.constant 64 : index
      %get3A_3709 = tpu.vector_load %arg13[%get3A_3707, %get3A_3708] {strides = array<i32>} : memref<128x256xf32, #tpu.memory_space<vmem>>, vector<16xf32>,
      %get3A_3710 = arith.index_cast %add3A_3580 : i32 to index
      %get3A_3711 = arith.constant 192 : index
      %get3A_3712 = tpu.vector_load %arg13[%get3A_3710, %get3A_3711] {strides = array<i32>} : memref<128x256xf32, #tpu.memory_space<vmem>>, vector<16xf32>,
      %mul3A_3713 = arith.mulf %get3A_3703, %get3A_3709 : vector<16xf32>
      %mul3A_3714 = arith.mulf %get3A_3706, %get3A_3712 : vector<16xf32>
      %add3A_3715 = arith.addf %mul3A_3713, %mul3A_3714 : vector<16xf32>
      %mul3A_3716 = arith.mulf %get3A_3697, %add3A_3715 : vector<16xf32>
      %add3A_3717 = arith.addf %add3A_3694, %mul3A_3716 : vector<16xf32>
      %mul3A_3718 = arith.mulf %get3A_3703, %get3A_3712 : vector<16xf32>
      %mul3A_3719 = arith.mulf %get3A_3706, %get3A_3709 : vector<16xf32>
      %sub3A_3720 = arith.subf %mul3A_3718, %mul3A_3719 : vector<16xf32>
      %mul3A_3721 = arith.mulf %get3A_3700, %sub3A_3720 : vector<16xf32>
      %add3A_3722 = arith.addf %add3A_3717, %mul3A_3721 : vector<16xf32>
      %get3A_3723 = arith.index_cast %add3A_3580 : i32 to index
      %get3A_3724 = arith.constant 80 : index
      %get3A_3725 = tpu.vector_load %arg11[%get3A_3723, %get3A_3724] {strides = array<i32>} : memref<128x256xf32, #tpu.memory_space<vmem>>, vector<16xf32>,
      %get3A_3726 = arith.index_cast %add3A_3580 : i32 to index
      %get3A_3727 = arith.constant 208 : index
      %get3A_3728 = tpu.vector_load %arg11[%get3A_3726, %get3A_3727] {strides = array<i32>} : memref<128x256xf32, #tpu.memory_space<vmem>>, vector<16xf32>,
      %get3A_3729 = arith.index_cast %add3A_3580 : i32 to index
      %get3A_3730 = arith.constant 80 : index
      %get3A_3731 = tpu.vector_load %arg12[%get3A_3729, %get3A_3730] {strides = array<i32>} : memref<128x256xf32, #tpu.memory_space<vmem>>, vector<16xf32>,
      %get3A_3732 = arith.index_cast %add3A_3580 : i32 to index
      %get3A_3733 = arith.constant 208 : index
      %get3A_3734 = tpu.vector_load %arg12[%get3A_3732, %get3A_3733] {strides = array<i32>} : memref<128x256xf32, #tpu.memory_space<vmem>>, vector<16xf32>,
      %get3A_3735 = arith.index_cast %add3A_3580 : i32 to index
      %get3A_3736 = arith.constant 80 : index
      %get3A_3737 = tpu.vector_load %arg13[%get3A_3735, %get3A_3736] {strides = array<i32>} : memref<128x256xf32, #tpu.memory_space<vmem>>, vector<16xf32>,
      %get3A_3738 = arith.index_cast %add3A_3580 : i32 to index
      %get3A_3739 = arith.constant 208 : index
      %get3A_3740 = tpu.vector_load %arg13[%get3A_3738, %get3A_3739] {strides = array<i32>} : memref<128x256xf32, #tpu.memory_space<vmem>>, vector<16xf32>,
      %mul3A_3741 = arith.mulf %get3A_3731, %get3A_3737 : vector<16xf32>
      %mul3A_3742 = arith.mulf %get3A_3734, %get3A_3740 : vector<16xf32>
      %add3A_3743 = arith.addf %mul3A_3741, %mul3A_3742 : vector<16xf32>
      %mul3A_3744 = arith.mulf %get3A_3725, %add3A_3743 : vector<16xf32>
      %add3A_3745 = arith.addf %add3A_3722, %mul3A_3744 : vector<16xf32>
      %mul3A_3746 = arith.mulf %get3A_3731, %get3A_3740 : vector<16xf32>
      %mul3A_3747 = arith.mulf %get3A_3734, %get3A_3737 : vector<16xf32>
      %sub3A_3748 = arith.subf %mul3A_3746, %mul3A_3747 : vector<16xf32>
      %mul3A_3749 = arith.mulf %get3A_3728, %sub3A_3748 : vector<16xf32>
      %add3A_3750 = arith.addf %add3A_3745, %mul3A_3749 : vector<16xf32>
      %get3A_3751 = arith.index_cast %add3A_3580 : i32 to index
      %get3A_3752 = arith.constant 96 : index
      %get3A_3753 = tpu.vector_load %arg11[%get3A_3751, %get3A_3752] {strides = array<i32>} : memref<128x256xf32, #tpu.memory_space<vmem>>, vector<16xf32>,
      %get3A_3754 = arith.index_cast %add3A_3580 : i32 to index
      %get3A_3755 = arith.constant 224 : index
      %get3A_3756 = tpu.vector_load %arg11[%get3A_3754, %get3A_3755] {strides = array<i32>} : memref<128x256xf32, #tpu.memory_space<vmem>>, vector<16xf32>,
      %get3A_3757 = arith.index_cast %add3A_3580 : i32 to index
      %get3A_3758 = arith.constant 96 : index
      %get3A_3759 = tpu.vector_load %arg12[%get3A_3757, %get3A_3758] {strides = array<i32>} : memref<128x256xf32, #tpu.memory_space<vmem>>, vector<16xf32>,
      %get3A_3760 = arith.index_cast %add3A_3580 : i32 to index
      %get3A_3761 = arith.constant 224 : index
      %get3A_3762 = tpu.vector_load %arg12[%get3A_3760, %get3A_3761] {strides = array<i32>} : memref<128x256xf32, #tpu.memory_space<vmem>>, vector<16xf32>,
      %get3A_3763 = arith.index_cast %add3A_3580 : i32 to index
      %get3A_3764 = arith.constant 96 : index
      %get3A_3765 = tpu.vector_load %arg13[%get3A_3763, %get3A_3764] {strides = array<i32>} : memref<128x256xf32, #tpu.memory_space<vmem>>, vector<16xf32>,
      %get3A_3766 = arith.index_cast %add3A_3580 : i32 to index
      %get3A_3767 = arith.constant 224 : index
      %get3A_3768 = tpu.vector_load %arg13[%get3A_3766, %get3A_3767] {strides = array<i32>} : memref<128x256xf32, #tpu.memory_space<vmem>>, vector<16xf32>,
      %mul3A_3769 = arith.mulf %get3A_3759, %get3A_3765 : vector<16xf32>
      %mul3A_3770 = arith.mulf %get3A_3762, %get3A_3768 : vector<16xf32>
      %add3A_3771 = arith.addf %mul3A_3769, %mul3A_3770 : vector<16xf32>
      %mul3A_3772 = arith.mulf %get3A_3753, %add3A_3771 : vector<16xf32>
      %add3A_3773 = arith.addf %add3A_3750, %mul3A_3772 : vector<16xf32>
      %mul3A_3774 = arith.mulf %get3A_3759, %get3A_3768 : vector<16xf32>
      %mul3A_3775 = arith.mulf %get3A_3762, %get3A_3765 : vector<16xf32>
      %sub3A_3776 = arith.subf %mul3A_3774, %mul3A_3775 : vector<16xf32>
      %mul3A_3777 = arith.mulf %get3A_3756, %sub3A_3776 : vector<16xf32>
      %add3A_3778 = arith.addf %add3A_3773, %mul3A_3777 : vector<16xf32>
      %get3A_3779 = arith.index_cast %add3A_3580 : i32 to index
      %get3A_3780 = arith.constant 112 : index
      %get3A_3781 = tpu.vector_load %arg11[%get3A_3779, %get3A_3780] {strides = array<i32>} : memref<128x256xf32, #tpu.memory_space<vmem>>, vector<16xf32>,
      %get3A_3782 = arith.index_cast %add3A_3580 : i32 to index
      %get3A_3783 = arith.constant 240 : index
      %get3A_3784 = tpu.vector_load %arg11[%get3A_3782, %get3A_3783] {strides = array<i32>} : memref<128x256xf32, #tpu.memory_space<vmem>>, vector<16xf32>,
      %get3A_3785 = arith.index_cast %add3A_3580 : i32 to index
      %get3A_3786 = arith.constant 112 : index
      %get3A_3787 = tpu.vector_load %arg12[%get3A_3785, %get3A_3786] {strides = array<i32>} : memref<128x256xf32, #tpu.memory_space<vmem>>, vector<16xf32>,
      %get3A_3788 = arith.index_cast %add3A_3580 : i32 to index
      %get3A_3789 = arith.constant 240 : index
      %get3A_3790 = tpu.vector_load %arg12[%get3A_3788, %get3A_3789] {strides = array<i32>} : memref<128x256xf32, #tpu.memory_space<vmem>>, vector<16xf32>,
      %get3A_3791 = arith.index_cast %add3A_3580 : i32 to index
      %get3A_3792 = arith.constant 112 : index
      %get3A_3793 = tpu.vector_load %arg13[%get3A_3791, %get3A_3792] {strides = array<i32>} : memref<128x256xf32, #tpu.memory_space<vmem>>, vector<16xf32>,
      %get3A_3794 = arith.index_cast %add3A_3580 : i32 to index
      %get3A_3795 = arith.constant 240 : index
      %get3A_3796 = tpu.vector_load %arg13[%get3A_3794, %get3A_3795] {strides = array<i32>} : memref<128x256xf32, #tpu.memory_space<vmem>>, vector<16xf32>,
      %mul3A_3797 = arith.mulf %get3A_3787, %get3A_3793 : vector<16xf32>
      %mul3A_3798 = arith.mulf %get3A_3790, %get3A_3796 : vector<16xf32>
      %add3A_3799 = arith.addf %mul3A_3797, %mul3A_3798 : vector<16xf32>
      %mul3A_3800 = arith.mulf %get3A_3781, %add3A_3799 : vector<16xf32>
      %add3A_3801 = arith.addf %add3A_3778, %mul3A_3800 : vector<16xf32>
      %mul3A_3802 = arith.mulf %get3A_3787, %get3A_3796 : vector<16xf32>
      %mul3A_3803 = arith.mulf %get3A_3790, %get3A_3793 : vector<16xf32>
      %sub3A_3804 = arith.subf %mul3A_3802, %mul3A_3803 : vector<16xf32>
      %mul3A_3805 = arith.mulf %get3A_3784, %sub3A_3804 : vector<16xf32>
      %add3A_3806 = arith.addf %add3A_3801, %mul3A_3805 : vector<16xf32>
      %reduce_sum3A_3807 = arith.constant true
      %reduce_sum3A_3808 = vector.broadcast %reduce_sum3A_3807 : i1 to vector<16xi1>
      %reduce_sum3A_3809 = tpu.scan <sum>, %add3A_3806 masked %reduce_sum3A_3808 : vector<16xf32>, vector<16xi1> -> vector<16xf32>
      %reduce_sum3A_3810 = vector.extract %reduce_sum3A_3809[15] : f32 from vector<16xf32>
      %eq3A_3811 = arith.constant 15 : i32
      %eq3A_3812 = vector.broadcast %eq3A_3811 : i32 to vector<16xi32>
      %eq3A_3813 = arith.cmpi eq, %iota3A, %eq3A_3812 : vector<16xi32>
      %broadcast_in_dim3A_3814 = vector.broadcast %reduce_sum3A_3810 : f32 to vector<16xf32>
      %select_n3A_3815 = arith.select %eq3A_3813, %broadcast_in_dim3A_3814, %select_n3A_3578 : vector<16xi1>, vector<16xf32>
      %swap3A = arith.index_cast %add3A_27 : i32 to index
      %swap3A_3816 = tpu.vector_load %arg14[%swap3A] {strides = array<i32>} : memref<128xf32, #tpu.memory_space<vmem>>, vector<16xf32>,
      tpu.vector_store %arg14[%swap3A], %select_n3A_3815 {strides = array<i32>} : memref<128xf32, #tpu.memory_space<vmem>>, vector<16xf32>,
    }
    %scan3A_22 = arith.constant 8 : i32
    "tpu.region"() ({
      %run_scoped3A = tpu.sem_alloc : memref<!tpu.dma_semaphore, #tpu.memory_space<semaphore_mem>>
      %dma_start3A_23 = tpu.memref_slice %arg7[%mul3A_2] : memref<4096xf32, #tpu.memory_space<hbm>> -> memref<128xf32, #tpu.memory_space<hbm>>
      %dma_start3A_24 = tpu.memref_slice %arg7[%mul3A_2] : memref<4096xf32, #tpu.memory_space<hbm>> -> memref<128xf32, #tpu.memory_space<hbm>>
      tpu.enqueue_dma source(%arg14 : memref<128xf32, #tpu.memory_space<vmem>>) target(%dma_start3A_24 : memref<128xf32, #tpu.memory_space<hbm>>) target_semaphore(%run_scoped3A : memref<!tpu.dma_semaphore, #tpu.memory_space<semaphore_mem>>)
      %dma_wait3A_25 = tpu.memref_slice %arg7[%mul3A_2] : memref<4096xf32, #tpu.memory_space<hbm>> -> memref<128xf32, #tpu.memory_space<hbm>>
      %dma_wait3A_26 = tpu.memref_slice %arg7[%mul3A_2] : memref<4096xf32, #tpu.memory_space<hbm>> -> memref<128xf32, #tpu.memory_space<hbm>>
      tpu.wait_dma2 semaphore(%run_scoped3A : memref<!tpu.dma_semaphore, #tpu.memory_space<semaphore_mem>>) src(%arg14 : memref<128xf32, #tpu.memory_space<vmem>>) dst(%dma_wait3A_26 : memref<128xf32, #tpu.memory_space<hbm>>)
      tpu.yield
    }) : () -> ()
    return
  }
}

</mosaic_0001>

<sc_bundles>
// kernel: kernel.3.cloned.1.call-start
scs
__scs_entry_jumppad:
0x0: {  	(pc) =	sbr.rel $0x88, $3  }
0x1: {  	(tag) =	ssettag $0x0;
	lr =	simm.s32 $0x1  }
0x2: {  	[smem:$0x3F9C] =	sst lr;
	_ =	strace $0xD0000000  }
0x3: {  	_ = 	snop  }
0x4: {  	_ = 	snop  }
0x5: {  	_ = 	snop  }
0x6: {  	_ = 	snop  }
0x7: {  	_ = 	snop  }
__scs_overlays_trampoline_lowered:
0x8: {  	[smem:$0x3FAB] =	sst s0  }
0x9: {  	[smem:$0x3FAC] =	sst s1  }
0xa: {  	[smem:$0x3FAD] =	sst s2  }
0xb: {  	[smem:$0x3FAE] =	sst s3  }
0xc: {  	[smem:$0x3FAF] =	sst s4  }
0xd: {  	[smem:$0x3FB0] =	sst s5  }
0xe: {  	[smem:$0x3FB1] =	sst s6  }
0xf: {  	[smem:$0x3FB2] =	sst s7  }
0x10: {  	[smem:$0x3FB3] =	sst s8  }
0x11: {  	[smem:$0x3FB4] =	sst s9;
	s0 =	simm.s32 @!p0 $0x0  }
0x12: {  	s1 =	sld [smem:$0x3F9A];
	s0 =	simm.s32 @p0 $0x1  }
0x13: {  	[smem:$0x3FB5] =	sst s0;
	s0 =	simm.s32 @!p1 $0x0  }
0x14: {  	s2 =	sld [smem:$0x3F99];
	s0 =	simm.s32 @p1 $0x1  }
0x15: {  	[smem:$0x3FB6] =	sst s0;
	s0 =	simm.s32 @!p2 $0x0  }
0x16: {  	s3 =	sld [smem:$0x3FDB];
	s0 =	simm.s32 @p2 $0x1  }
0x17: {  	s4 =	simm.s32 $0x1BF5;
	[smem:$0x3FB8] =	sst s0  }
0x18: {  	s0 =	sld [smem:$0x3F9B];
	_ =	swait.ge [sflag:s4], $0x0  }
0x19: {  	s7 =	sld [smem:$0x3F9C]  }
0x1a: {  	s8 =	sadd.s32 $0xFFFFE003, lr  }
0x1b: {  	s9 =	sadd.s32 $0xFFFFFEF7, lr;
	s5 =	simm.s32 $0xFFFFFFFF;
	p2 =	slt.u32 s8, $0xFFFFF086  }
0x1c: {  	p1 =	slt.u32 s9, $0xF7A;
	s5 =	simm.s32 @!p2 $0x0  }
0x1d: {  	s5 =	simm.s32 @p1 $0x1;
	p0 =	seq.s32 s7, s2  }
0x1e: {  	s7 =	smul.u32 @!p0 $0xF7A, s2;
	p2 =	seq.s32 @!p0 s5, $0x0  }
0x1f: {  	s9 =	smul.u32 $0xF7A, s1;
	s8 =	simm.s32 @!p0 $0x1BF5;
	p2 =	por !p2, p0  }
0x20: {  	[sflag:s8] =	ssyncset.s32 @!p0 $0xFFFFF086;
	s6 =	sadd.s32 @!p0 s3, s7;
	s7 =	simm.s32 @!p0 $0x108  }
0x21: {  	s3 =	sadd.s32 s3, s9;
	s6 =	sadd.s32 @!p0 $0x88, s6;
	s7 =	simm.s32 @p2 $0x1082  }
0x22: {  	[simem:s7], [sflag:s8] =	dma.local @!p0 [hbm:s6], $0xF7A  }
0x23: {  	s9 =	sor.u32 $0xD0000000, s2;
	s6 =	simm.s32 $0x108;
	_ =	swait.ge @!p0 [sflag:s8], $0x0  }
0x24: {  	s3 =	sadd.s32 $0x88, s3;
	s6 =	simm.s32 @!p1 $0x1082;
	[sflag:s4] =	ssyncset.s32 $0xFFFFF086  }
0x25: {  	[simem:s6], [sflag:s4] =	dma.local [hbm:s3], $0xF7A  }
0x26: {  	[smem:$0x3F9C] =	sst s1;
	(tag) =	ssettag s2;
	_ =	strace s9  }
0x27: {  	s1 =	sld [smem:$0x3FAC]  }
0x28: {  	s2 =	sld [smem:$0x3FAD]  }
0x29: {  	s4 =	sld [smem:$0x3FAF]  }
0x2a: {  	p0 =	seq.s32 s5, $0x0;
	s5 =	sld [smem:$0x3FB0]  }
0x2b: {  	s6 =	sld [smem:$0x3FB1]  }
0x2c: {  	s7 =	sld [smem:$0x3FB2]  }
0x2d: {  	s3 =	simm.s32 $0x108;
	s8 =	sld [smem:$0x3FB3]  }
0x2e: {  	s3 =	simm.s32 @!p0 $0x1082;
	s9 =	sld [smem:$0x3FB4]  }
0x2f: {  	lr =	sadd.s32 s0, s3;
	s0 =	sld [smem:$0x3FAB]  }
0x30: {  	s3 =	sld [smem:$0x3FAE]  }
0x31: {  	[smem:$0x3FB7] =	sst s10  }
0x32: {  	s10 =	sld [smem:$0x3FB5];
	_ =	sdelay $0x3  }
0x33: {  	p0 =	seq.s32 s10, $0x1;
	s10 =	sld [smem:$0x3FB7];
	_ =	sdelay $0x3  }
0x34: {  	[smem:$0x3FB7] =	sst s10  }
0x35: {  	s10 =	sld [smem:$0x3FB6];
	_ =	sdelay $0x3  }
0x36: {  	p1 =	seq.s32 s10, $0x1;
	s10 =	sld [smem:$0x3FB7];
	_ =	sdelay $0x3  }
0x37: {  	[smem:$0x3FB7] =	sst s10  }
0x38: {  	s10 =	sld [smem:$0x3FB8]  }
0x39: {  	_ = 	snop;
	(pc) =	sbr.ind lr, $3  }
0x3a: {  	_ = 	snop  }
0x3b: {  	_ = 	snop  }
0x3c: {  	p2 =	seq.s32 s10, $0x1;
	s10 =	sld [smem:$0x3FB7]  }
0x3d: {  	_ =	shalt  }
0x3e: {  	_ =	shalt  }
0x3f: {  	_ =	shalt  }
0x40: {  	_ =	shalt  }
0x41: {  	_ =	shalt  }
0x42: {  	_ =	shalt  }
0x43: {  	_ =	shalt  }
0x44: {  	_ =	shalt  }
0x45: {  	_ =	shalt  }
0x46: {  	_ =	shalt  }
0x47: {  	_ =	shalt  }
0x48: {  	_ =	shalt  }
0x49: {  	_ =	shalt  }
0x4a: {  	_ =	shalt  }
0x4b: {  	_ =	shalt  }
0x4c: {  	_ =	shalt  }
0x4d: {  	_ =	shalt  }
0x4e: {  	_ =	shalt  }
0x4f: {  	_ =	shalt  }
0x50: {  	_ =	shalt  }
0x51: {  	_ =	shalt  }
0x52: {  	_ =	shalt  }
0x53: {  	_ =	shalt  }
0x54: {  	_ =	shalt  }
0x55: {  	_ =	shalt  }
0x56: {  	_ =	shalt  }
0x57: {  	_ =	shalt  }
0x58: {  	_ =	shalt  }
0x59: {  	_ =	shalt  }
0x5a: {  	_ =	shalt  }
0x5b: {  	_ =	shalt  }
0x5c: {  	_ =	shalt  }
0x5d: {  	_ =	shalt  }
0x5e: {  	_ =	shalt  }
0x5f: {  	_ =	shalt  }
0x60: {  	_ =	shalt  }
0x61: {  	_ =	shalt  }
0x62: {  	_ =	shalt  }
0x63: {  	_ =	shalt  }
0x64: {  	_ =	shalt  }
0x65: {  	_ =	shalt  }
0x66: {  	_ =	shalt  }
0x67: {  	_ =	shalt  }
0x68: {  	_ =	shalt  }
0x69: {  	_ =	shalt  }
0x6a: {  	_ =	shalt  }
0x6b: {  	_ =	shalt  }
0x6c: {  	_ =	shalt  }
0x6d: {  	_ =	shalt  }
0x6e: {  	_ =	shalt  }
0x6f: {  	_ =	shalt  }
0x70: {  	_ =	shalt  }
0x71: {  	_ =	shalt  }
0x72: {  	_ =	shalt  }
0x73: {  	_ =	shalt  }
0x74: {  	_ =	shalt  }
0x75: {  	_ =	shalt  }
0x76: {  	_ =	shalt  }
0x77: {  	_ =	shalt  }
0x78: {  	_ =	shalt  }
0x79: {  	_ =	shalt  }
0x7a: {  	_ =	shalt  }
0x7b: {  	_ =	shalt  }
0x7c: {  	_ =	shalt  }
0x7d: {  	_ =	shalt  }
0x7e: {  	_ =	shalt  }
0x7f: {  	_ =	shalt  }
0x80: {  	_ =	shalt  }
0x81: {  	_ =	shalt  }
0x82: {  	_ =	shalt  }
0x83: {  	_ =	shalt  }
0x84: {  	_ =	shalt  }
0x85: {  	_ =	shalt  }
0x86: {  	_ =	shalt  }
0x87: {  	_ =	shalt  }
.Lfunc_end0:
.L_simem_size_0:
called_computation_lowered:
.L_overlay_start_0:
0x88: {  	s2 =	sld [smem:$0x3FD9]  }
0x89: {  	s3 =	sld [smem:$0x3FFE];
	_ =	sdelay $0x1  }
0x8a: {  	s1 =	srdreg.scid  }
0x8b: {  	s0 =	sand.u32 $0x1, s1  }
0x8c: {  	s18 =	sshll.u32 s0, $0xA;
	s2 =	sadd.s32 s3, s2  }
0x8d: {  	s2 =	sadd.s32 s2, s18  }
0x8e: {  	[smem:$0x3FC3] =	sst s2  }
0x8f: {  	_ = 	snop  }
0x90: {  	s2 =	sld [smem:$0x3FC9]  }
0x91: {  	s19 =	sld [smem:$0x3FC8]  }
0x92: {  	s4 =	sld [smem:$0x3FC7]  }
0x93: {  	s5 =	sld [smem:$0x3FC6]  }
0x94: {  	s6 =	sld [smem:$0x3FC5]  }
0x95: {  	s7 =	sld [smem:$0x3FD0];
	(tm) =	ssettm $0x1  }
0x96: {  	s8 =	sld [smem:$0x3FFB];
	_ =	sdelay $0x3  }
0x97: {  	_ =	strace s8  }
0x98: {  	s8 =	sld [smem:$0x3FFC];
	_ =	sdelay $0x3  }
0x99: {  	_ =	strace s8  }
0x9a: {  	s8 =	sld [smem:$0x3FFD];
	_ =	sdelay $0x3  }
0x9b: {  	_ =	strace s8  }
0x9c: {  	_ =	strace $0x8FFFFFFF  }
0x9d: {  	s20 =	sld [smem:$0x3FDB];
	_ =	sdelay $0x1  }
0x9e: {  	s9 =	simm.s32 $_scs_section_size  }
0x9f: {  	s10 =	simm.s32 $_size__tile_overlayer_lowered;
	s11 =	simm.s32 $_tile_overlayer_lowered  }
0xa0: {  	s23 =	simm.s32 $0x1BFF;
	s22 =	sshll.u32 s11, $0x1;
	s8 =	sadd.s32 s9, s20  }
0xa1: {  	s12 =	simm.s32 $0x0;
	s21 =	sshll.u32 s10, $0x1;
	s10 =	sadd.s32 s22, s8  }
0xa2: {  	[timem:s12], [sflag:s23] =	dma.local [hbm:s10], s21  }
0xa3: {  	_ =	swait.ge [sflag:s23], s21  }
0xa4: {  	s9 =	ssub.s32 $0x0, s21;
	[sflag:s23] =	ssyncset.done $0x0  }
0xa5: {  	[sflag:s23] =	ssyncadd.s32 s9;
	_ =	sdelay $0x1  }
0xa6: {  	s24 =	simm.s32 $0x1B8B  }
0xa7: {  	_ =	swait.ge [sflag:s24], $0x1  }
0xa8: {  	[sflag:s24] =	ssyncset.done $0x0  }
0xa9: {  	s25 =	simm.s32 $0x1B8E;
	[sflag:s24] =	ssyncadd.s32 $0xFFFFFFFF  }
0xaa: {  	s26 =	simm.s32 $execute0_lowered;
	[smem:$0x3FD2] =	sst s25  }
0xab: {  	s9 =	sshll.u32 s26, $0x1;
	_ =	strace $0x80000046;
	[dreg:$0x1] =	wrdreg $0xFFFFFFFF  }
0xac: {  	s28 =	simm.s32 $_size_execute0_lowered;
	s8 =	sadd.s32 s8, s9;
	[dreg:$0x0] =	wrdreg $0x0  }
0xad: {  	s9 =	sshll.u32 s28, $0x1;
	[dreg:$0x2] =	wrdreg s8  }
0xae: {  	[dreg:$0x3] =	wrdreg s9  }
0xaf: {  	[dreg:$0x4] =	wrdreg $0xC0  }
0xb0: {  	_ =	task [dreg:s12], $0x5FFFF  }
0xb1: {  	[dreg:$0x1] =	wrdreg $0xFFFFFFFF  }
0xb2: {  	[dreg:$0x0] =	wrdreg $0x60  }
0xb3: {  	[dreg:$0x2] =	wrdreg s2  }
0xb4: {  	[dreg:$0x3] =	wrdreg s19  }
0xb5: {  	[dreg:$0x4] =	wrdreg s4  }
0xb6: {  	[dreg:$0x5] =	wrdreg s5  }
0xb7: {  	[dreg:$0x6] =	wrdreg s6  }
0xb8: {  	[dreg:$0x7] =	wrdreg s7  }
0xb9: {  	[dreg:$0x8] =	wrdreg $0x9  }
0xba: {  	_ =	task.clear_ibuf [dreg:s12], $0x9FFFF;
	_ =	strace $0x90000046  }
0xbb: {  	s29 =	simm.s32 $0x9;
	_ =	strace $0x80000048  }
0xbc: {  	_ =	swait.ge [sflag:s29], $0x1  }
0xbd: {  	[sflag:s29] =	ssyncadd.s32 $0xFFFFFFFF  }
0xbe: {  	_ =	strace $0x90000048  }
0xbf: {  	_ =	sfence  }
0xc0: {  	s30 =	sld [smem:$0x0];
	_ =	sdelay $0x2  }
0xc1: {  	s31 =	sshll.u32 s1, $0xD;
	s1 =	sshrl.u32 s1, $0x2  }
0xc2: {  	s3 =	sand.u32 $0x4000, s31;
	s1 =	sadd.s32 s1, s30  }
0xc3: {  	s0 =	sor.u32 s3, s0;
	s1 =	sshll.u32 s1, $0x11  }
0xc4: {  	s0 =	sor.u32 s1, s0  }
0xc5: {  	s0 =	sadd.s32 $0x8F2B, s0  }
0xc6: {  	[sflag:s0] =	ssyncadd.remote.s32 $0x1  }
0xc7: {  	_ =	sfence.sel $0xFFFF  }
0xc8: {  	[dreg:$0x0] =	wrdreg $0xFFFFFFFF;
	(pc) =	sbr.abs _section_cstart, $3  }
0xc9: {  	[dreg:$0x1] =	wrdreg $0xFFFFFFFF  }
0xca: {  	_ =	task.clear_ibuf [dreg:s12], $0x2FFFF;
	_ =	strace $0x9FFFFFFF  }
0xcb: {  	(tm) =	ssettm $0x7FFFFFFF  }
tec
execute0_lowered:
.L_overlay_start_1:
0x0: {  	(tag) =	ssettag $0x1  }
0x1: {  	s0 =	rddreg [dreg:$0x0]  }
0x2: {  	s3 =	rddreg [dreg:$0x1]  }
0x3: {  	s7 =	rddreg [dreg:$0x2]  }
0x4: {  	s1 =	rddreg [dreg:$0x3]  }
0x5: {  	s2 =	rddreg [dreg:$0x4]  }
0x6: {  	s8 =	rddreg [dreg:$0x5];
	s4 =	simm.s32 $0x0;
	s5 =	srdreg.scid  }
0x7: {  	s9 =	stileid.u32;
	s22 =	simm.s32 $0xF980;
	s23 =	simm.s32 $0x10180  }
0x8: {  	s24 =	simm.s32 $0x10980;
	s25 =	simm.s32 $0x11180;
	s26 =	simm.s32 $0x11980  }
0x9: {  	s28 =	simm.s32 $0x12180;
	s29 =	simm.s32 $0x12980;
	s30 =	simm.s32 $0x13180  }
0xa: {  	s31 =	simm.s32 $0x13980;
	s11 =	simm.s32 $0x15180;
	s12 =	simm.s32 $0x15980  }
0xb: {  	s13 =	simm.s32 $0x16180;
	s14 =	simm.s32 $0x16980;
	s15 =	simm.s32 $0x17180  }
0xc: {  	v0 =	vlaneseq.u32;
	vm0 =	vmmov $0xffff;
	vm1 =	vmmov $0x1;
	s16 =	simm.s32 $0x17980;
	s17 =	simm.s32 $0x1;
	s18 =	simm.s32 $0x18180  }
0xd: {  	vm2 =	vmmov $0x3;
	vm3 =	vmmov $0x7;
	vm4 =	vmmov $0xf;
	s19 =	simm.s32 $0x0;
	[smem:$0x7FF] =	sst s4;
	s5 =	sand.u32 $0x1, s5  }
0xe: {  	vm5 =	vmmov $0x1f;
	vm6 =	vmmov $0x3f;
	vm7 =	vmmov $0x7f;
	s9 =	sshll.u32 s9, $0x5;
	s6 =	ssub.s32 $0x2, s5;
	s5 =	sshll.u32 s5, $0x4  }
0xf: {  	vm8 =	vmmov $0xff;
	v1 =	vand.u32 $0x7, v0;
	v63 =	vshrl.u32 v0, $0x3;
	_ =	strace $0x80000047;
	s10 =	sshrl.u32 s6, $0x1;
	s9 =	sor.u32 s5, s9  }
0x10: {  	vm9 =	vmmov $0x1ff;
	v0 =	vor.u32 $0x8, v0;
	[tilespmem:$0x1FFD0] =	vst v1;
	v1 =	vmul.u32 $0x8, v63;
	s10 =	ssub.s32 s6, s10;
	s5 =	sadd.s32 s0, s9;
	s6 =	sadd.s32 s3, s9  }
0x11: {  	vm10 =	vmmov $0x3ff;
	vm11 =	vmmov $0x7ff;
	vm12 =	vmmov $0xfff;
	[tilespmem:$0x1FFF0] =	vst v0;
	s7 =	sadd.s32 s7, s9;
	s8 =	sadd.s32 s8, s9;
	s0 =	simm.s32 $0x14180  }
0x12: {  	vm13 =	vmmov $0x1fff;
	vm14 =	vmmov $0x3fff;
	vm15 =	vmmov $0x7fff;
	[tilespmem:$0x1FFE0] =	vst v1;
	s3 =	simm.s32 $0x14980;
	s9 =	smax.u32 s10, $0x1;
	s10 =	simm.s32 $0x2  }
.LBB2_1:
0x13: {  	[tilespmem:s4], [sflag:$0x2] =	stream.linear.gather [hbm4b:s5+s4], $0x80, $0x38;
	[tilespmem:$0x18200] =	vst v63  }
0x14: {  	_ =	swait.ge [sflag:s10], $0x80  }
0x15: {  	[sflag:s10] =	ssyncset.done $0x0  }
0x16: {  	s20 =	simm.s32 $0x80;
	[sflag:s10] =	ssyncadd.s32 $0xFFFFFF80  }
0x17: {  	[tilespmem:s20], [sflag:$0x2] =	stream.linear.gather [hbm4b:s6+s4], $0x80, $0x38;
	[tilespmem:$0x18200] =	vst v63  }
0x18: {  	_ =	swait.ge [sflag:s10], $0x80  }
0x19: {  	[sflag:s10] =	ssyncset.done $0x0  }
0x1a: {  	s21 =	simm.s32 $0x100;
	[sflag:s10] =	ssyncadd.s32 $0xFFFFFF80  }
0x1b: {  	[tilespmem:s21], [sflag:$0x2] =	stream.linear.gather [hbm4b:s7+s4], $0x80, $0x38;
	[tilespmem:$0x18200] =	vst v63  }
0x1c: {  	_ =	swait.ge [sflag:s10], $0x80  }
0x1d: {  	[sflag:s10] =	ssyncset.done $0x0  }
0x1e: {  	[sflag:s10] =	ssyncadd.s32 $0xFFFFFF80  }
0x1f: {  	v0 =	vld [tilespmem:$0x0];
	_ =	sdelay $0x2  }
0x20: {  	v2 =	vld [tilespmem:$0x1FFD0]  }
0x21: {  	v3 =	vld [tilespmem:$0x1FFE0]  }
0x22: {  	v4 =	vld [tilespmem:$0x1FFF0];
	v1 =	vshll.u32 v0, $0x1  }
0x23: {  	v0 =	vand.u32 $0x7, v0;
	v1 =	vand.u32 $0xFFFFFFF0, v1  }
0x24: {  	v0 =	vor.u32 v0, v1  }
0x25: {  	v1 =	vperm.xlane v0, v2;
	_ =	sdelay $0x1  }
0x26: {  	v0 =	vperm.xlane v0, v4;
	v1 =	vadd.s32 v3, v1;
	_ =	sdelay $0x1  }
0x27: {  	v0 =	vadd.s32 v3, v0;
	_ =	sdelay $0x1  }
0x28: {  	s21 =	simm.s32 $0x180  }
0x29: {  	[tilespmem:s21], [sflag:$0x1] =	stream.indirect_vreg.gather [hbm4b:s1+s4], $0x80, v1, vm0, $0xb8;
	[tilespmem:$0x18200] =	vst v63  }
0x2a: {  	s21 =	simm.s32 $0x980  }
0x2b: {  	[tilespmem:s21], [sflag:$0x1] =	stream.indirect_vreg.gather [hbm4b:s1+s4], $0x80, v0, vm0, $0xb8;
	[tilespmem:$0x18200] =	vst v63  }
0x2c: {  	v0 =	vld [tilespmem:$0x10];
	_ =	sdelay $0x4  }
0x2d: {  	v41 =	vshll.u32 v0, $0x1  }
0x2e: {  	v0 =	vand.u32 $0x7, v0;
	v1 =	vand.u32 $0xFFFFFFF0, v41  }
0x2f: {  	v0 =	vor.u32 v0, v1  }
0x30: {  	v1 =	vperm.xlane v0, v2;
	_ =	sdelay $0x1  }
0x31: {  	v0 =	vperm.xlane v0, v4;
	v1 =	vadd.s32 v3, v1;
	_ =	sdelay $0x1  }
0x32: {  	v0 =	vadd.s32 v3, v0;
	_ =	sdelay $0x1  }
0x33: {  	s21 =	simm.s32 $0x1180  }
0x34: {  	[tilespmem:s21], [sflag:$0x1] =	stream.indirect_vreg.gather [hbm4b:s1+s4], $0x80, v1, vm0, $0xb8;
	[tilespmem:$0x18200] =	vst v63  }
0x35: {  	s21 =	simm.s32 $0x1980  }
0x36: {  	[tilespmem:s21], [sflag:$0x1] =	stream.indirect_vreg.gather [hbm4b:s1+s4], $0x80, v0, vm0, $0xb8;
	[tilespmem:$0x18200] =	vst v63  }
0x37: {  	v0 =	vld [tilespmem:$0x20];
	_ =	sdelay $0x4  }
0x38: {  	v42 =	vshll.u32 v0, $0x1  }
0x39: {  	v0 =	vand.u32 $0x7, v0;
	v1 =	vand.u32 $0xFFFFFFF0, v42  }
0x3a: {  	v0 =	vor.u32 v0, v1  }
0x3b: {  	v1 =	vperm.xlane v0, v2;
	_ =	sdelay $0x1  }
0x3c: {  	v0 =	vperm.xlane v0, v4;
	v1 =	vadd.s32 v3, v1;
	_ =	sdelay $0x1  }
0x3d: {  	v0 =	vadd.s32 v3, v0;
	_ =	sdelay $0x1  }
0x3e: {  	s21 =	simm.s32 $0x2180  }
0x3f: {  	[tilespmem:s21], [sflag:$0x1] =	stream.indirect_vreg.gather [hbm4b:s1+s4], $0x80, v1, vm0, $0xb8;
	[tilespmem:$0x18200] =	vst v63  }
0x40: {  	s21 =	simm.s32 $0x2980  }
0x41: {  	[tilespmem:s21], [sflag:$0x1] =	stream.indirect_vreg.gather [hbm4b:s1+s4], $0x80, v0, vm0, $0xb8;
	[tilespmem:$0x18200] =	vst v63  }
0x42: {  	v0 =	vld [tilespmem:$0x30];
	_ =	sdelay $0x4  }
0x43: {  	v43 =	vshll.u32 v0, $0x1  }
0x44: {  	v0 =	vand.u32 $0x7, v0;
	v1 =	vand.u32 $0xFFFFFFF0, v43  }
0x45: {  	v0 =	vor.u32 v0, v1  }
0x46: {  	v1 =	vperm.xlane v0, v2;
	_ =	sdelay $0x1  }
0x47: {  	v0 =	vperm.xlane v0, v4;
	v1 =	vadd.s32 v3, v1;
	_ =	sdelay $0x1  }
0x48: {  	v0 =	vadd.s32 v3, v0;
	_ =	sdelay $0x1  }
0x49: {  	s21 =	simm.s32 $0x3180  }
0x4a: {  	[tilespmem:s21], [sflag:$0x1] =	stream.indirect_vreg.gather [hbm4b:s1+s4], $0x80, v1, vm0, $0xb8;
	[tilespmem:$0x18200] =	vst v63  }
0x4b: {  	s21 =	simm.s32 $0x3980  }
0x4c: {  	[tilespmem:s21], [sflag:$0x1] =	stream.indirect_vreg.gather [hbm4b:s1+s4], $0x80, v0, vm0, $0xb8;
	[tilespmem:$0x18200] =	vst v63  }
0x4d: {  	v0 =	vld [tilespmem:$0x40];
	_ =	sdelay $0x4  }
0x4e: {  	v44 =	vshll.u32 v0, $0x1  }
0x4f: {  	v0 =	vand.u32 $0x7, v0;
	v1 =	vand.u32 $0xFFFFFFF0, v44  }
0x50: {  	v0 =	vor.u32 v0, v1  }
0x51: {  	v1 =	vperm.xlane v0, v2;
	_ =	sdelay $0x1  }
0x52: {  	v0 =	vperm.xlane v0, v4;
	v1 =	vadd.s32 v3, v1;
	_ =	sdelay $0x1  }
0x53: {  	v0 =	vadd.s32 v3, v0;
	_ =	sdelay $0x1  }
0x54: {  	s21 =	simm.s32 $0x4180  }
0x55: {  	[tilespmem:s21], [sflag:$0x1] =	stream.indirect_vreg.gather [hbm4b:s1+s4], $0x80, v1, vm0, $0xb8;
	[tilespmem:$0x18200] =	vst v63  }
0x56: {  	s21 =	simm.s32 $0x4980  }
0x57: {  	[tilespmem:s21], [sflag:$0x1] =	stream.indirect_vreg.gather [hbm4b:s1+s4], $0x80, v0, vm0, $0xb8;
	[tilespmem:$0x18200] =	vst v63  }
0x58: {  	v0 =	vld [tilespmem:$0x50];
	_ =	sdelay $0x4  }
0x59: {  	v45 =	vshll.u32 v0, $0x1  }
0x5a: {  	v0 =	vand.u32 $0x7, v0;
	v1 =	vand.u32 $0xFFFFFFF0, v45  }
0x5b: {  	v0 =	vor.u32 v0, v1  }
0x5c: {  	v1 =	vperm.xlane v0, v2;
	_ =	sdelay $0x1  }
0x5d: {  	v0 =	vperm.xlane v0, v4;
	v1 =	vadd.s32 v3, v1;
	_ =	sdelay $0x1  }
0x5e: {  	v0 =	vadd.s32 v3, v0;
	_ =	sdelay $0x1  }
0x5f: {  	s21 =	simm.s32 $0x5180  }
0x60: {  	[tilespmem:s21], [sflag:$0x1] =	stream.indirect_vreg.gather [hbm4b:s1+s4], $0x80, v1, vm0, $0xb8;
	[tilespmem:$0x18200] =	vst v63  }
0x61: {  	s21 =	simm.s32 $0x5980  }
0x62: {  	[tilespmem:s21], [sflag:$0x1] =	stream.indirect_vreg.gather [hbm4b:s1+s4], $0x80, v0, vm0, $0xb8;
	[tilespmem:$0x18200] =	vst v63  }
0x63: {  	v0 =	vld [tilespmem:$0x60];
	_ =	sdelay $0x4  }
0x64: {  	v46 =	vshll.u32 v0, $0x1  }
0x65: {  	v0 =	vand.u32 $0x7, v0;
	v1 =	vand.u32 $0xFFFFFFF0, v46  }
0x66: {  	v0 =	vor.u32 v0, v1  }
0x67: {  	v1 =	vperm.xlane v0, v2;
	_ =	sdelay $0x1  }
0x68: {  	v0 =	vperm.xlane v0, v4;
	v1 =	vadd.s32 v3, v1;
	_ =	sdelay $0x1  }
0x69: {  	v0 =	vadd.s32 v3, v0;
	_ =	sdelay $0x1  }
0x6a: {  	s21 =	simm.s32 $0x6180  }
0x6b: {  	[tilespmem:s21], [sflag:$0x1] =	stream.indirect_vreg.gather [hbm4b:s1+s4], $0x80, v1, vm0, $0xb8;
	[tilespmem:$0x18200] =	vst v63  }
0x6c: {  	s21 =	simm.s32 $0x6980  }
0x6d: {  	[tilespmem:s21], [sflag:$0x1] =	stream.indirect_vreg.gather [hbm4b:s1+s4], $0x80, v0, vm0, $0xb8;
	[tilespmem:$0x18200] =	vst v63  }
0x6e: {  	v0 =	vld [tilespmem:$0x70];
	_ =	sdelay $0x4  }
0x6f: {  	v47 =	vshll.u32 v0, $0x1  }
0x70: {  	v0 =	vand.u32 $0x7, v0;
	v1 =	vand.u32 $0xFFFFFFF0, v47  }
0x71: {  	v0 =	vor.u32 v0, v1  }
0x72: {  	v1 =	vperm.xlane v0, v2;
	_ =	sdelay $0x1  }
0x73: {  	v0 =	vperm.xlane v0, v4;
	v1 =	vadd.s32 v3, v1;
	_ =	sdelay $0x1  }
0x74: {  	v0 =	vadd.s32 v3, v0;
	_ =	sdelay $0x1  }
0x75: {  	s21 =	simm.s32 $0x7180  }
0x76: {  	[tilespmem:s21], [sflag:$0x1] =	stream.indirect_vreg.gather [hbm4b:s1+s4], $0x80, v1, vm0, $0xb8;
	[tilespmem:$0x18200] =	vst v63  }
0x77: {  	s21 =	simm.s32 $0x7980  }
0x78: {  	[tilespmem:s21], [sflag:$0x1] =	stream.indirect_vreg.gather [hbm4b:s1+s4], $0x80, v0, vm0, $0xb8;
	[tilespmem:$0x18200] =	vst v63  }
0x79: {  	v0 =	vld [tilespmem:$0x80];
	_ =	sdelay $0x4  }
0x7a: {  	v48 =	vshll.u32 v0, $0x1  }
0x7b: {  	v0 =	vand.u32 $0x7, v0;
	v1 =	vand.u32 $0xFFFFFFF0, v48  }
0x7c: {  	v0 =	vor.u32 v0, v1  }
0x7d: {  	v1 =	vperm.xlane v0, v2;
	_ =	sdelay $0x1  }
0x7e: {  	v0 =	vperm.xlane v0, v4;
	v1 =	vadd.s32 v3, v1;
	_ =	sdelay $0x1  }
0x7f: {  	v0 =	vadd.s32 v3, v0;
	_ =	sdelay $0x1  }
0x80: {  	s21 =	simm.s32 $0x8180  }
0x81: {  	[tilespmem:s21], [sflag:$0x1] =	stream.indirect_vreg.gather [hbm4b:s2+s4], $0x80, v1, vm0, $0xb8;
	[tilespmem:$0x18200] =	vst v63  }
0x82: {  	s21 =	simm.s32 $0x8980  }
0x83: {  	[tilespmem:s21], [sflag:$0x1] =	stream.indirect_vreg.gather [hbm4b:s2+s4], $0x80, v0, vm0, $0xb8;
	[tilespmem:$0x18200] =	vst v63  }
0x84: {  	v0 =	vld [tilespmem:$0x90];
	_ =	sdelay $0x4  }
0x85: {  	v49 =	vshll.u32 v0, $0x1  }
0x86: {  	v0 =	vand.u32 $0x7, v0;
	v1 =	vand.u32 $0xFFFFFFF0, v49  }
0x87: {  	v0 =	vor.u32 v0, v1  }
0x88: {  	v1 =	vperm.xlane v0, v2;
	_ =	sdelay $0x1  }
0x89: {  	v0 =	vperm.xlane v0, v4;
	v1 =	vadd.s32 v3, v1;
	_ =	sdelay $0x1  }
0x8a: {  	v0 =	vadd.s32 v3, v0;
	_ =	sdelay $0x1  }
0x8b: {  	s21 =	simm.s32 $0x9180  }
0x8c: {  	[tilespmem:s21], [sflag:$0x1] =	stream.indirect_vreg.gather [hbm4b:s2+s4], $0x80, v1, vm0, $0xb8;
	[tilespmem:$0x18200] =	vst v63  }
0x8d: {  	s21 =	simm.s32 $0x9980  }
0x8e: {  	[tilespmem:s21], [sflag:$0x1] =	stream.indirect_vreg.gather [hbm4b:s2+s4], $0x80, v0, vm0, $0xb8;
	[tilespmem:$0x18200] =	vst v63  }
0x8f: {  	v0 =	vld [tilespmem:$0xA0];
	_ =	sdelay $0x4  }
0x90: {  	v50 =	vshll.u32 v0, $0x1  }
0x91: {  	v0 =	vand.u32 $0x7, v0;
	v1 =	vand.u32 $0xFFFFFFF0, v50  }
0x92: {  	v0 =	vor.u32 v0, v1  }
0x93: {  	v1 =	vperm.xlane v0, v2;
	_ =	sdelay $0x1  }
0x94: {  	v0 =	vperm.xlane v0, v4;
	v1 =	vadd.s32 v3, v1;
	_ =	sdelay $0x1  }
0x95: {  	v0 =	vadd.s32 v3, v0;
	_ =	sdelay $0x1  }
0x96: {  	s21 =	simm.s32 $0xA180  }
0x97: {  	[tilespmem:s21], [sflag:$0x1] =	stream.indirect_vreg.gather [hbm4b:s2+s4], $0x80, v1, vm0, $0xb8;
	[tilespmem:$0x18200] =	vst v63  }
0x98: {  	s21 =	simm.s32 $0xA980  }
0x99: {  	[tilespmem:s21], [sflag:$0x1] =	stream.indirect_vreg.gather [hbm4b:s2+s4], $0x80, v0, vm0, $0xb8;
	[tilespmem:$0x18200] =	vst v63  }
0x9a: {  	v0 =	vld [tilespmem:$0xB0];
	_ =	sdelay $0x4  }
0x9b: {  	v51 =	vshll.u32 v0, $0x1  }
0x9c: {  	v0 =	vand.u32 $0x7, v0;
	v1 =	vand.u32 $0xFFFFFFF0, v51  }
0x9d: {  	v0 =	vor.u32 v0, v1  }
0x9e: {  	v1 =	vperm.xlane v0, v2;
	_ =	sdelay $0x1  }
0x9f: {  	v0 =	vperm.xlane v0, v4;
	v1 =	vadd.s32 v3, v1;
	_ =	sdelay $0x1  }
0xa0: {  	v0 =	vadd.s32 v3, v0;
	_ =	sdelay $0x1  }
0xa1: {  	s21 =	simm.s32 $0xB180  }
0xa2: {  	[tilespmem:s21], [sflag:$0x1] =	stream.indirect_vreg.gather [hbm4b:s2+s4], $0x80, v1, vm0, $0xb8;
	[tilespmem:$0x18200] =	vst v63  }
0xa3: {  	s21 =	simm.s32 $0xB980  }
0xa4: {  	[tilespmem:s21], [sflag:$0x1] =	stream.indirect_vreg.gather [hbm4b:s2+s4], $0x80, v0, vm0, $0xb8;
	[tilespmem:$0x18200] =	vst v63  }
0xa5: {  	v0 =	vld [tilespmem:$0xC0];
	_ =	sdelay $0x4  }
0xa6: {  	v52 =	vshll.u32 v0, $0x1  }
0xa7: {  	v0 =	vand.u32 $0x7, v0;
	v1 =	vand.u32 $0xFFFFFFF0, v52  }
0xa8: {  	v0 =	vor.u32 v0, v1  }
0xa9: {  	v1 =	vperm.xlane v0, v2;
	_ =	sdelay $0x1  }
0xaa: {  	v0 =	vperm.xlane v0, v4;
	v1 =	vadd.s32 v3, v1;
	_ =	sdelay $0x1  }
0xab: {  	v0 =	vadd.s32 v3, v0;
	_ =	sdelay $0x1  }
0xac: {  	s21 =	simm.s32 $0xC180  }
0xad: {  	[tilespmem:s21], [sflag:$0x1] =	stream.indirect_vreg.gather [hbm4b:s2+s4], $0x80, v1, vm0, $0xb8;
	[tilespmem:$0x18200] =	vst v63  }
0xae: {  	s21 =	simm.s32 $0xC980  }
0xaf: {  	[tilespmem:s21], [sflag:$0x1] =	stream.indirect_vreg.gather [hbm4b:s2+s4], $0x80, v0, vm0, $0xb8;
	[tilespmem:$0x18200] =	vst v63  }
0xb0: {  	v0 =	vld [tilespmem:$0xD0];
	_ =	sdelay $0x4  }
0xb1: {  	v53 =	vshll.u32 v0, $0x1  }
0xb2: {  	v0 =	vand.u32 $0x7, v0;
	v1 =	vand.u32 $0xFFFFFFF0, v53  }
0xb3: {  	v0 =	vor.u32 v0, v1  }
0xb4: {  	v1 =	vperm.xlane v0, v2;
	_ =	sdelay $0x1  }
0xb5: {  	v0 =	vperm.xlane v0, v4;
	v1 =	vadd.s32 v3, v1;
	_ =	sdelay $0x1  }
0xb6: {  	v0 =	vadd.s32 v3, v0;
	_ =	sdelay $0x1  }
0xb7: {  	s21 =	simm.s32 $0xD180  }
0xb8: {  	[tilespmem:s21], [sflag:$0x1] =	stream.indirect_vreg.gather [hbm4b:s2+s4], $0x80, v1, vm0, $0xb8;
	[tilespmem:$0x18200] =	vst v63  }
0xb9: {  	s21 =	simm.s32 $0xD980  }
0xba: {  	[tilespmem:s21], [sflag:$0x1] =	stream.indirect_vreg.gather [hbm4b:s2+s4], $0x80, v0, vm0, $0xb8;
	[tilespmem:$0x18200] =	vst v63  }
0xbb: {  	v0 =	vld [tilespmem:$0xE0];
	_ =	sdelay $0x4  }
0xbc: {  	v54 =	vshll.u32 v0, $0x1  }
0xbd: {  	v0 =	vand.u32 $0x7, v0;
	v1 =	vand.u32 $0xFFFFFFF0, v54  }
0xbe: {  	v0 =	vor.u32 v0, v1  }
0xbf: {  	v1 =	vperm.xlane v0, v2;
	_ =	sdelay $0x1  }
0xc0: {  	v0 =	vperm.xlane v0, v4;
	v1 =	vadd.s32 v3, v1;
	_ =	sdelay $0x1  }
0xc1: {  	v0 =	vadd.s32 v3, v0;
	_ =	sdelay $0x1  }
0xc2: {  	s21 =	simm.s32 $0xE180  }
0xc3: {  	[tilespmem:s21], [sflag:$0x1] =	stream.indirect_vreg.gather [hbm4b:s2+s4], $0x80, v1, vm0, $0xb8;
	[tilespmem:$0x18200] =	vst v63  }
0xc4: {  	s21 =	simm.s32 $0xE980  }
0xc5: {  	[tilespmem:s21], [sflag:$0x1] =	stream.indirect_vreg.gather [hbm4b:s2+s4], $0x80, v0, vm0, $0xb8;
	[tilespmem:$0x18200] =	vst v63  }
0xc6: {  	v0 =	vld [tilespmem:$0xF0];
	_ =	sdelay $0x4  }
0xc7: {  	v55 =	vshll.u32 v0, $0x1  }
0xc8: {  	v0 =	vand.u32 $0x7, v0;
	v1 =	vand.u32 $0xFFFFFFF0, v55  }
0xc9: {  	v0 =	vor.u32 v0, v1  }
0xca: {  	v1 =	vperm.xlane v0, v2;
	_ =	sdelay $0x1  }
0xcb: {  	v0 =	vperm.xlane v0, v4;
	v1 =	vadd.s32 v3, v1;
	_ =	sdelay $0x1  }
0xcc: {  	v0 =	vadd.s32 v3, v0;
	_ =	sdelay $0x1  }
0xcd: {  	s21 =	simm.s32 $0xF180  }
0xce: {  	[tilespmem:s21], [sflag:$0x1] =	stream.indirect_vreg.gather [hbm4b:s2+s4], $0x80, v1, vm0, $0xb8;
	[tilespmem:$0x18200] =	vst v63  }
0xcf: {  	_ = 	snop  }
0xd0: {  	[tilespmem:s22], [sflag:$0x1] =	stream.indirect_vreg.gather [hbm4b:s2+s4], $0x80, v0, vm0, $0xb8;
	[tilespmem:$0x18200] =	vst v63  }
0xd1: {  	v0 =	vld [tilespmem:$0x100];
	_ =	sdelay $0x4  }
0xd2: {  	v56 =	vshll.u32 v0, $0x1  }
0xd3: {  	v0 =	vand.u32 $0x7, v0;
	v1 =	vand.u32 $0xFFFFFFF0, v56  }
0xd4: {  	v0 =	vor.u32 v0, v1  }
0xd5: {  	v1 =	vperm.xlane v0, v2;
	_ =	sdelay $0x1  }
0xd6: {  	v0 =	vperm.xlane v0, v4;
	v1 =	vadd.s32 v3, v1;
	_ =	sdelay $0x1  }
0xd7: {  	v0 =	vadd.s32 v3, v0;
	_ =	sdelay $0x2  }
0xd8: {  	[tilespmem:s23], [sflag:$0x1] =	stream.indirect_vreg.gather [hbm4b:s1+s4], $0x80, v1, vm0, $0xb8;
	[tilespmem:$0x18200] =	vst v63  }
0xd9: {  	_ = 	snop  }
0xda: {  	[tilespmem:s24], [sflag:$0x1] =	stream.indirect_vreg.gather [hbm4b:s1+s4], $0x80, v0, vm0, $0xb8;
	[tilespmem:$0x18200] =	vst v63  }
0xdb: {  	v0 =	vld [tilespmem:$0x110];
	_ =	sdelay $0x4  }
0xdc: {  	v57 =	vshll.u32 v0, $0x1  }
0xdd: {  	v0 =	vand.u32 $0x7, v0;
	v1 =	vand.u32 $0xFFFFFFF0, v57  }
0xde: {  	v0 =	vor.u32 v0, v1  }
0xdf: {  	v1 =	vperm.xlane v0, v2;
	_ =	sdelay $0x1  }
0xe0: {  	v0 =	vperm.xlane v0, v4;
	v1 =	vadd.s32 v3, v1;
	_ =	sdelay $0x1  }
0xe1: {  	v0 =	vadd.s32 v3, v0;
	_ =	sdelay $0x2  }
0xe2: {  	[tilespmem:s25], [sflag:$0x1] =	stream.indirect_vreg.gather [hbm4b:s1+s4], $0x80, v1, vm0, $0xb8;
	[tilespmem:$0x18200] =	vst v63  }
0xe3: {  	_ = 	snop  }
0xe4: {  	[tilespmem:s26], [sflag:$0x1] =	stream.indirect_vreg.gather [hbm4b:s1+s4], $0x80, v0, vm0, $0xb8;
	[tilespmem:$0x18200] =	vst v63  }
0xe5: {  	v0 =	vld [tilespmem:$0x120];
	_ =	sdelay $0x4  }
0xe6: {  	v58 =	vshll.u32 v0, $0x1  }
0xe7: {  	v0 =	vand.u32 $0x7, v0;
	v1 =	vand.u32 $0xFFFFFFF0, v58  }
0xe8: {  	v0 =	vor.u32 v0, v1  }
0xe9: {  	v1 =	vperm.xlane v0, v2;
	_ =	sdelay $0x1  }
0xea: {  	v0 =	vperm.xlane v0, v4;
	v1 =	vadd.s32 v3, v1;
	_ =	sdelay $0x1  }
0xeb: {  	v0 =	vadd.s32 v3, v0;
	_ =	sdelay $0x2  }
0xec: {  	[tilespmem:s28], [sflag:$0x1] =	stream.indirect_vreg.gather [hbm4b:s1+s4], $0x80, v1, vm0, $0xb8;
	[tilespmem:$0x18200] =	vst v63  }
0xed: {  	_ = 	snop  }
0xee: {  	[tilespmem:s29], [sflag:$0x1] =	stream.indirect_vreg.gather [hbm4b:s1+s4], $0x80, v0, vm0, $0xb8;
	[tilespmem:$0x18200] =	vst v63  }
0xef: {  	v0 =	vld [tilespmem:$0x130];
	_ =	sdelay $0x4  }
0xf0: {  	v59 =	vshll.u32 v0, $0x1  }
0xf1: {  	v0 =	vand.u32 $0x7, v0;
	v1 =	vand.u32 $0xFFFFFFF0, v59  }
0xf2: {  	v0 =	vor.u32 v0, v1  }
0xf3: {  	v1 =	vperm.xlane v0, v2;
	_ =	sdelay $0x1  }
0xf4: {  	v0 =	vperm.xlane v0, v4;
	v1 =	vadd.s32 v3, v1;
	_ =	sdelay $0x1  }
0xf5: {  	v0 =	vadd.s32 v3, v0;
	_ =	sdelay $0x2  }
0xf6: {  	[tilespmem:s30], [sflag:$0x1] =	stream.indirect_vreg.gather [hbm4b:s1+s4], $0x80, v1, vm0, $0xb8;
	[tilespmem:$0x18200] =	vst v63  }
0xf7: {  	_ = 	snop  }
0xf8: {  	[tilespmem:s31], [sflag:$0x1] =	stream.indirect_vreg.gather [hbm4b:s1+s4], $0x80, v0, vm0, $0xb8;
	[tilespmem:$0x18200] =	vst v63  }
0xf9: {  	v0 =	vld [tilespmem:$0x140];
	_ =	sdelay $0x4  }
0xfa: {  	v60 =	vshll.u32 v0, $0x1  }
0xfb: {  	v0 =	vand.u32 $0x7, v0;
	v1 =	vand.u32 $0xFFFFFFF0, v60  }
0xfc: {  	v0 =	vor.u32 v0, v1  }
0xfd: {  	v1 =	vperm.xlane v0, v2;
	_ =	sdelay $0x1  }
0xfe: {  	v0 =	vperm.xlane v0, v4;
	v1 =	vadd.s32 v3, v1;
	_ =	sdelay $0x1  }
0xff: {  	v0 =	vadd.s32 v3, v0;
	_ =	sdelay $0x2  }
0x100: {  	[tilespmem:s0], [sflag:$0x1] =	stream.indirect_vreg.gather [hbm4b:s1+s4], $0x80, v1, vm0, $0xb8;
	[tilespmem:$0x18200] =	vst v63  }
0x101: {  	_ = 	snop  }
0x102: {  	[tilespmem:s3], [sflag:$0x1] =	stream.indirect_vreg.gather [hbm4b:s1+s4], $0x80, v0, vm0, $0xb8;
	[tilespmem:$0x18200] =	vst v63  }
0x103: {  	v0 =	vld [tilespmem:$0x150];
	_ =	sdelay $0x4  }
0x104: {  	v61 =	vshll.u32 v0, $0x1  }
0x105: {  	v0 =	vand.u32 $0x7, v0;
	v1 =	vand.u32 $0xFFFFFFF0, v61  }
0x106: {  	v0 =	vor.u32 v0, v1  }
0x107: {  	v1 =	vperm.xlane v0, v2;
	_ =	sdelay $0x1  }
0x108: {  	v0 =	vperm.xlane v0, v4;
	v1 =	vadd.s32 v3, v1;
	_ =	sdelay $0x1  }
0x109: {  	v0 =	vadd.s32 v3, v0;
	_ =	sdelay $0x2  }
0x10a: {  	[tilespmem:s11], [sflag:$0x1] =	stream.indirect_vreg.gather [hbm4b:s1+s4], $0x80, v1, vm0, $0xb8;
	[tilespmem:$0x18200] =	vst v63  }
0x10b: {  	_ = 	snop  }
0x10c: {  	[tilespmem:s12], [sflag:$0x1] =	stream.indirect_vreg.gather [hbm4b:s1+s4], $0x80, v0, vm0, $0xb8;
	[tilespmem:$0x18200] =	vst v63  }
0x10d: {  	v0 =	vld [tilespmem:$0x160];
	_ =	sdelay $0x4  }
0x10e: {  	v62 =	vshll.u32 v0, $0x1  }
0x10f: {  	v0 =	vand.u32 $0x7, v0;
	v1 =	vand.u32 $0xFFFFFFF0, v62  }
0x110: {  	v0 =	vor.u32 v0, v1  }
0x111: {  	v1 =	vperm.xlane v0, v2;
	_ =	sdelay $0x1  }
0x112: {  	v0 =	vperm.xlane v0, v4;
	v1 =	vadd.s32 v3, v1;
	_ =	sdelay $0x1  }
0x113: {  	v0 =	vadd.s32 v3, v0;
	_ =	sdelay $0x2  }
0x114: {  	[tilespmem:s13], [sflag:$0x1] =	stream.indirect_vreg.gather [hbm4b:s1+s4], $0x80, v1, vm0, $0xb8;
	[tilespmem:$0x18200] =	vst v63  }
0x115: {  	_ = 	snop  }
0x116: {  	[tilespmem:s14], [sflag:$0x1] =	stream.indirect_vreg.gather [hbm4b:s1+s4], $0x80, v0, vm0, $0xb8;
	[tilespmem:$0x18200] =	vst v63  }
0x117: {  	v0 =	vld [tilespmem:$0x170];
	_ =	sdelay $0x4  }
0x118: {  	v63 =	vshll.u32 v0, $0x1  }
0x119: {  	v0 =	vand.u32 $0x7, v0;
	v1 =	vand.u32 $0xFFFFFFF0, v63  }
0x11a: {  	v0 =	vor.u32 v0, v1  }
0x11b: {  	v1 =	vperm.xlane v0, v2;
	_ =	sdelay $0x1  }
0x11c: {  	v0 =	vperm.xlane v0, v4;
	v1 =	vadd.s32 v3, v1;
	_ =	sdelay $0x1  }
0x11d: {  	v0 =	vadd.s32 v3, v0;
	_ =	sdelay $0x2  }
0x11e: {  	[tilespmem:s15], [sflag:$0x1] =	stream.indirect_vreg.gather [hbm4b:s1+s4], $0x80, v1, vm0, $0xb8;
	[tilespmem:$0x18200] =	vst v63  }
0x11f: {  	_ = 	snop  }
0x120: {  	[tilespmem:s16], [sflag:$0x1] =	stream.indirect_vreg.gather [hbm4b:s1+s4], $0x80, v0, vm0, $0xb8;
	[tilespmem:$0x18200] =	vst v63  }
0x121: {  	_ =	swait.ge [sflag:s17], $0x8000  }
0x122: {  	[sflag:s17] =	ssyncset.done $0x0  }
0x123: {  	[sflag:s17] =	ssyncadd.s32 $0xFFFF8000  }
0x124: {  	_ =	swait.ge [sflag:s17], $0x8000  }
0x125: {  	[sflag:s17] =	ssyncset.done $0x0  }
0x126: {  	[sflag:s17] =	ssyncadd.s32 $0xFFFF8000  }
0x127: {  	_ =	swait.ge [sflag:s17], $0x8000  }
0x128: {  	[sflag:s17] =	ssyncset.done $0x0  }
0x129: {  	s20 =	simm.s32 $0x0;
	[sflag:s17] =	ssyncadd.s32 $0xFFFF8000  }
.LBB2_2:
0x12a: {  	s21 =	sshll.u32 s20, $0xC  }
0x12b: {  	v55 =	vld [tilespmem:s21+$0x180]  }
0x12c: {  	v60 =	vld [tilespmem:s21+$0x580]  }
0x12d: {  	v2 =	vld [tilespmem:s21+$0x8180]  }
0x12e: {  	v4 =	vld [tilespmem:s21+$0x8580]  }
0x12f: {  	v3 =	vld [tilespmem:s21+$0x10180]  }
0x130: {  	v1 =	vld [tilespmem:s21+$0x10580]  }
0x131: {  	v0 =	vld [tilespmem:s21+$0x190]  }
0x132: {  	v27 =	vld [tilespmem:s21+$0x590]  }
0x133: {  	v9 =	vld [tilespmem:s21+$0x8190]  }
0x134: {  	v10 =	vld [tilespmem:s21+$0x8590]  }
0x135: {  	v8 =	vld [tilespmem:s21+$0x10190]  }
0x136: {  	v5 =	vld [tilespmem:s21+$0x10590]  }
0x137: {  	v28 =	vld [tilespmem:s21+$0x1A0]  }
0x138: {  	v29 =	vld [tilespmem:s21+$0x5A0]  }
0x139: {  	v7 =	vld [tilespmem:s21+$0x81A0]  }
0x13a: {  	v12 =	vld [tilespmem:s21+$0x85A0]  }
0x13b: {  	v11 =	vld [tilespmem:s21+$0x101A0]  }
0x13c: {  	v6 =	vld [tilespmem:s21+$0x105A0]  }
0x13d: {  	v30 =	vld [tilespmem:s21+$0x1B0]  }
0x13e: {  	v31 =	vld [tilespmem:s21+$0x5B0]  }
0x13f: {  	v14 =	vld [tilespmem:s21+$0x81B0]  }
0x140: {  	v18 =	vld [tilespmem:s21+$0x85B0]  }
0x141: {  	v15 =	vld [tilespmem:s21+$0x101B0]  }
0x142: {  	v13 =	vld [tilespmem:s21+$0x105B0]  }
0x143: {  	v32 =	vld [tilespmem:s21+$0x1C0]  }
0x144: {  	v33 =	vld [tilespmem:s21+$0x5C0]  }
0x145: {  	v16 =	vld [tilespmem:s21+$0x81C0]  }
0x146: {  	v20 =	vld [tilespmem:s21+$0x85C0]  }
0x147: {  	v19 =	vld [tilespmem:s21+$0x101C0]  }
0x148: {  	v17 =	vld [tilespmem:s21+$0x105C0];
	[tilespmem:$0x1E850] =	vst v0  }
0x149: {  	v34 =	vld [tilespmem:s21+$0x1D0];
	[tilespmem:$0x1E860] =	vst v27  }
0x14a: {  	v35 =	vld [tilespmem:s21+$0x5D0];
	[tilespmem:$0x1E870] =	vst v28  }
0x14b: {  	v42 =	vld [tilespmem:s21+$0x81D0];
	[tilespmem:$0x1E880] =	vst v29  }
0x14c: {  	v40 =	vld [tilespmem:s21+$0x105D0];
	[tilespmem:$0x1E890] =	vst v30  }
0x14d: {  	v36 =	vld [tilespmem:s21+$0x1E0];
	[tilespmem:$0x1E8A0] =	vst v31  }
0x14e: {  	v37 =	vld [tilespmem:s21+$0x5E0];
	[tilespmem:$0x1E8B0] =	vst v32  }
0x14f: {  	v39 =	vld [tilespmem:s21+$0x81E0];
	[tilespmem:$0x1E8C0] =	vst v33  }
0x150: {  	v26 =	vld [tilespmem:s21+$0x101E0];
	[tilespmem:$0x1E8D0] =	vst v34  }
0x151: {  	[tilespmem:$0x1E8E0] =	vst v35;
	v32 =	vld [tilespmem:s21+$0x85D0]  }
0x152: {  	v33 =	vld [tilespmem:s21+$0x101D0];
	[tilespmem:$0x1E8F0] =	vst v36  }
0x153: {  	[tilespmem:$0x1E900] =	vst v37;
	v30 =	vld [tilespmem:s21+$0x85E0]  }
0x154: {  	v25 =	vld [tilespmem:s21+$0x105E0]  }
0x155: {  	v38 =	vld [tilespmem:s21+$0x1F0]  }
0x156: {  	v41 =	vld [tilespmem:s21+$0x5F0]  }
0x157: {  	v46 =	vld [tilespmem:s21+$0x81F0]  }
0x158: {  	v48 =	vld [tilespmem:s21+$0x85F0]  }
0x159: {  	v47 =	vld [tilespmem:s21+$0x101F0]  }
0x15a: {  	v45 =	vld [tilespmem:s21+$0x105F0]  }
0x15b: {  	v43 =	vld [tilespmem:s21+$0x200]  }
0x15c: {  	v44 =	vld [tilespmem:s21+$0x600]  }
0x15d: {  	v22 =	vld [tilespmem:s21+$0x8200]  }
0x15e: {  	v24 =	vld [tilespmem:s21+$0x8600]  }
0x15f: {  	v23 =	vld [tilespmem:s21+$0x10200]  }
0x160: {  	v21 =	vld [tilespmem:s21+$0x10600]  }
0x161: {  	v49 =	vld [tilespmem:s21+$0x210]  }
0x162: {  	v50 =	vld [tilespmem:s21+$0x610]  }
0x163: {  	v31 =	vld [tilespmem:s21+$0x8210]  }
0x164: {  	v29 =	vld [tilespmem:s21+$0x8610]  }
0x165: {  	v28 =	vld [tilespmem:s21+$0x10210]  }
0x166: {  	v27 =	vld [tilespmem:s21+$0x10610]  }
0x167: {  	v51 =	vld [tilespmem:s21+$0x220]  }
0x168: {  	v52 =	vld [tilespmem:s21+$0x620]  }
0x169: {  	v36 =	vld [tilespmem:s21+$0x10220]  }
0x16a: {  	v34 =	vld [tilespmem:s21+$0x10620]  }
0x16b: {  	v53 =	vld [tilespmem:s21+$0x230]  }
0x16c: {  	v54 =	vld [tilespmem:s21+$0x630]  }
0x16d: {  	v37 =	vld [tilespmem:s21+$0x8230]  }
0x16e: {  	v63 =	vld [tilespmem:s21+$0x270]  }
0x16f: {  	v35 =	vld [tilespmem:s21+$0x10630]  }
0x170: {  	v56 =	vld [tilespmem:s21+$0x240]  }
0x171: {  	v57 =	vld [tilespmem:s21+$0x640]  }
0x172: {  	v58 =	vld [tilespmem:s21+$0x250]  }
0x173: {  	[tilespmem:$0x1EB90] =	vst v63;
	v63 =	vld [tilespmem:s21+$0x670]  }
0x174: {  	v0 =	vmul.f32 v3, v2;
	v2 =	vmul.f32 v1, v2;
	v59 =	vld [tilespmem:s21+$0x650]  }
0x175: {  	v1 =	vmul.f32 v1, v4;
	v3 =	vmul.f32 v3, v4;
	v61 =	vld [tilespmem:s21+$0x260]  }
0x176: {  	v62 =	vld [tilespmem:s21+$0x660]  }
0x177: {  	v4 =	vld [tilespmem:s21+$0x2E0];
	v0 =	vadd.f32 v1, v0;
	v1 =	vsub.f32 v2, v3  }
0x178: {  	v2 =	vmul.f32 v8, v9;
	[tilespmem:$0x1EBB0] =	vst v63;
	v63 =	vld [tilespmem:s21+$0x8270]  }
0x179: {  	v3 =	vmul.f32 v5, v10;
	v1 =	vmul.f32 v1, v60;
	v60 =	vld [tilespmem:s21+$0x6E0]  }
0x17a: {  	v0 =	vmul.f32 v0, v55;
	v55 =	vld [tilespmem:s21+$0x82E0]  }
0x17b: {  	v2 =	vadd.f32 v3, v2;
	v3 =	vmul.f32 v5, v9;
	v9 =	vld [tilespmem:$0x1E850]  }
0x17c: {  	[tilespmem:$0x1E980] =	vst v41;
	v41 =	vld [tilespmem:s21+$0x8220]  }
0x17d: {  	[tilespmem:$0x1EAB0] =	vst v63;
	v63 =	vld [tilespmem:s21+$0x8670]  }
0x17e: {  	[tilespmem:$0x1E960] =	vst v38;
	v38 =	vld [tilespmem:s21+$0x8620]  }
0x17f: {  	[tilespmem:$0x1E920] =	vst v44;
	v44 =	vld [tilespmem:s21+$0x8630]  }
0x180: {  	[tilespmem:$0x1E910] =	vst v43;
	v43 =	vld [tilespmem:s21+$0x10230]  }
0x181: {  	[tilespmem:$0x1E990] =	vst v53;
	v53 =	vld [tilespmem:s21+$0x8240]  }
0x182: {  	[tilespmem:$0x1EAD0] =	vst v63;
	v63 =	vld [tilespmem:s21+$0x10270]  }
0x183: {  	[tilespmem:$0x1E9A0] =	vst v54;
	v54 =	vld [tilespmem:s21+$0x8640]  }
0x184: {  	[tilespmem:$0x1E950] =	vst v51;
	v51 =	vld [tilespmem:s21+$0x10240]  }
0x185: {  	[tilespmem:$0x1E930] =	vst v49;
	v49 =	vld [tilespmem:s21+$0x10640]  }
0x186: {  	[tilespmem:$0x1E970] =	vst v52;
	v52 =	vld [tilespmem:s21+$0x8250]  }
0x187: {  	[tilespmem:$0x1EAA0] =	vst v63;
	v63 =	vld [tilespmem:s21+$0x10670]  }
0x188: {  	[tilespmem:$0x1EA10] =	vst v58;
	v58 =	vld [tilespmem:s21+$0x8650]  }
0x189: {  	[tilespmem:$0x1EA00] =	vst v57;
	v57 =	vld [tilespmem:s21+$0x10250]  }
0x18a: {  	[tilespmem:$0x1E940] =	vst v50;
	v50 =	vld [tilespmem:s21+$0x10650]  }
0x18b: {  	[tilespmem:$0x1EA40] =	vst v62;
	v62 =	vld [tilespmem:s21+$0x8260]  }
0x18c: {  	[tilespmem:$0x1EAC0] =	vst v63;
	v63 =	vld [tilespmem:s21+$0x280]  }
0x18d: {  	[tilespmem:$0x1EA30] =	vst v61;
	v61 =	vld [tilespmem:s21+$0x8660]  }
0x18e: {  	[tilespmem:$0x1EA20] =	vst v59;
	v59 =	vld [tilespmem:s21+$0x10260]  }
0x18f: {  	[tilespmem:$0x1E9B0] =	vst v56;
	v56 =	vld [tilespmem:s21+$0x10660]  }
0x190: {  	[tilespmem:$0x1ED00] =	vst v4;
	v4 =	vmul.f32 v8, v10;
	v0 =	vadd.f32 $0.0e+00, v0;
	v8 =	vld [tilespmem:$0x1E860]  }
0x191: {  	[tilespmem:$0x1EA50] =	vst v63;
	v63 =	vld [tilespmem:s21+$0x680]  }
0x192: {  	v5 =	vmul.f32 v11, v7;
	v0 =	vadd.f32 v0, v1;
	[tilespmem:$0x1EDF0] =	vst v60;
	v60 =	vld [tilespmem:s21+$0x86E0]  }
0x193: {  	v10 =	vsub.f32 v3, v4;
	[tilespmem:$0x1EC60] =	vst v55;
	v55 =	vmul.f32 v11, v12;
	v1 =	vmul.f32 v2, v9;
	v11 =	vld [tilespmem:s21+$0x106E0]  }
0x194: {  	v9 =	vld [tilespmem:s21+$0x6F0]  }
0x195: {  	v0 =	vadd.f32 v1, v0;
	v1 =	vmul.f32 v10, v8;
	v10 =	vld [tilespmem:$0x1E870]  }
0x196: {  	[tilespmem:$0x1EAE0] =	vst v63;
	v63 =	vld [tilespmem:s21+$0x8280]  }
0x197: {  	v8 =	vld [tilespmem:s21+$0x10300]  }
0x198: {  	v7 =	vmul.f32 v6, v7;
	v6 =	vmul.f32 v6, v12;
	[tilespmem:$0x1EC80] =	vst v60;
	v60 =	vld [tilespmem:s21+$0x102E0]  }
0x199: {  	[tilespmem:$0x1EC90] =	vst v11;
	v11 =	vld [tilespmem:$0x1E880]  }
0x19a: {  	v12 =	vadd.f32 v6, v5;
	[tilespmem:$0x1EE50] =	vst v9;
	v9 =	vld [tilespmem:s21+$0x700]  }
0x19b: {  	[tilespmem:$0x1E9C0] =	vst v63;
	v63 =	vld [tilespmem:s21+$0x8680]  }
0x19c: {  	v55 =	vsub.f32 v7, v55;
	v2 =	vmul.f32 v12, v10;
	v12 =	vld [tilespmem:s21+$0x82F0]  }
0x19d: {  	[tilespmem:$0x1EC70] =	vst v60;
	v60 =	vld [tilespmem:s21+$0x2F0]  }
0x19e: {  	v3 =	vmul.f32 v55, v11;
	v55 =	vld [tilespmem:s21+$0x86F0]  }
0x19f: {  	v4 =	vmul.f32 v13, v14;
	v10 =	vld [tilespmem:$0x1E890]  }
0x1a0: {  	v0 =	vadd.f32 v0, v1;
	v1 =	vmul.f32 v15, v14;
	v14 =	vmul.f32 v19, v16;
	[tilespmem:$0x1E9E0] =	vst v63;
	v63 =	vld [tilespmem:s21+$0x10280]  }
0x1a1: {  	[tilespmem:$0x1ED30] =	vst v12;
	v12 =	vmul.f32 v15, v18;
	v15 =	vmul.f32 v17, v16;
	v16 =	vld [tilespmem:s21+$0x106F0]  }
0x1a2: {  	[tilespmem:$0x1EE00] =	vst v60;
	v60 =	vmul.f32 v13, v18;
	v13 =	vld [tilespmem:s21+$0x102F0]  }
0x1a3: {  	[tilespmem:$0x1ED50] =	vst v55;
	v55 =	vld [tilespmem:s21+$0x300]  }
0x1a4: {  	v18 =	vmul.f32 v17, v20;
	v1 =	vadd.f32 v60, v1;
	v60 =	vsub.f32 v4, v12;
	v12 =	vld [tilespmem:s21+$0x8300]  }
0x1a5: {  	v20 =	vmul.f32 v19, v20;
	[tilespmem:$0x1E9D0] =	vst v63;
	v63 =	vld [tilespmem:s21+$0x10680]  }
0x1a6: {  	v0 =	vadd.f32 v2, v0;
	v2 =	vadd.f32 v18, v14;
	v14 =	vld [tilespmem:s21+$0x8700]  }
0x1a7: {  	v11 =	vsub.f32 v15, v20;
	v15 =	vld [tilespmem:$0x1E8B0]  }
0x1a8: {  	[tilespmem:$0x1ED60] =	vst v16;
	v16 =	vld [tilespmem:$0x1E8C0]  }
0x1a9: {  	[tilespmem:$0x1ED20] =	vst v9;
	v19 =	vmul.f32 v40, v32;
	v18 =	vmul.f32 v40, v42;
	v40 =	vld [tilespmem:s21+$0x8310]  }
0x1aa: {  	v9 =	vmul.f32 v25, v30;
	v17 =	vmul.f32 v33, v42;
	[tilespmem:$0x1E9F0] =	vst v63;
	v63 =	vld [tilespmem:s21+$0x290]  }
0x1ab: {  	v33 =	vmul.f32 v33, v32;
	v20 =	vmul.f32 v26, v30;
	v30 =	vld [tilespmem:s21+$0x10310]  }
0x1ac: {  	v1 =	vmul.f32 v1, v10;
	v10 =	vld [tilespmem:s21+$0x10700]  }
0x1ad: {  	v42 =	vmul.f32 v23, v24;
	v5 =	vsub.f32 v18, v33;
	v33 =	vmul.f32 v21, v24;
	v24 =	vld [tilespmem:$0x1E910]  }
0x1ae: {  	v0 =	vadd.f32 v0, v3;
	[tilespmem:$0x1ED40] =	vst v13;
	v13 =	vld [tilespmem:$0x1E8A0]  }
0x1af: {  	[tilespmem:$0x1EAF0] =	vst v63;
	v63 =	vld [tilespmem:s21+$0x690]  }
0x1b0: {  	[tilespmem:$0x1ED10] =	vst v55;
	v55 =	vld [tilespmem:s21+$0x310];
	v0 =	vadd.f32 v1, v0;
	v1 =	vmul.f32 v2, v15;
	v2 =	vmul.f32 v11, v16  }
0x1b1: {  	[tilespmem:$0x1ECA0] =	vst v12;
	v11 =	vmul.f32 v26, v39;
	v12 =	vmul.f32 v25, v39;
	v39 =	vld [tilespmem:s21+$0x8710]  }
0x1b2: {  	v26 =	vmul.f32 v21, v22;
	v21 =	vld [tilespmem:$0x1E8F0]  }
0x1b3: {  	v25 =	vmul.f32 v23, v22;
	v22 =	vld [tilespmem:$0x1E900]  }
0x1b4: {  	[tilespmem:$0x1EB00] =	vst v63;
	v63 =	vld [tilespmem:s21+$0x8290]  }
0x1b5: {  	v23 =	vld [tilespmem:s21+$0x720]  }
0x1b6: {  	v18 =	vadd.f32 v33, v25;
	v25 =	vld [tilespmem:$0x1E920]  }
0x1b7: {  	v3 =	vmul.f32 v60, v13;
	v60 =	vld [tilespmem:s21+$0x710]  }
0x1b8: {  	v32 =	vmul.f32 v28, v31;
	v33 =	vmul.f32 v27, v29;
	[tilespmem:$0x1ED70] =	vst v55;
	v55 =	vld [tilespmem:$0x1E8D0]  }
0x1b9: {  	[tilespmem:$0x1EA60] =	vst v63;
	v63 =	vld [tilespmem:s21+$0x8690]  }
0x1ba: {  	v6 =	vadd.f32 v33, v32;
	v32 =	vld [tilespmem:s21+$0x10720]  }
0x1bb: {  	v0 =	vadd.f32 v0, v3;
	v3 =	vadd.f32 v19, v17;
	v17 =	vld [tilespmem:$0x1E8E0]  }
0x1bc: {  	v19 =	vsub.f32 v26, v42;
	v26 =	vld [tilespmem:s21+$0x8320]  }
0x1bd: {  	v42 =	vld [tilespmem:s21+$0x10320]  }
0x1be: {  	[tilespmem:$0x1EA80] =	vst v63;
	v63 =	vld [tilespmem:s21+$0x10290]  }
0x1bf: {  	v0 =	vadd.f32 v1, v0;
	v1 =	vadd.f32 v9, v11;
	v9 =	vld [tilespmem:s21+$0x10710]  }
0x1c0: {  	[tilespmem:$0x1ED80] =	vst v60;
	v60 =	vsub.f32 v12, v20;
	v20 =	vld [tilespmem:s21+$0x320]  }
0x1c1: {  	[tilespmem:$0x1ECB0] =	vst v14;
	v3 =	vmul.f32 v3, v55;
	v55 =	vld [tilespmem:s21+$0x8720]  }
0x1c2: {  	[tilespmem:$0x1EE20] =	vst v23;
	v14 =	vmul.f32 v1, v21;
	v1 =	vmul.f32 v18, v24;
	v24 =	vld [tilespmem:s21+$0x330]  }
0x1c3: {  	v23 =	vmul.f32 v47, v46;
	[tilespmem:$0x1EA70] =	vst v63;
	v63 =	vld [tilespmem:s21+$0x10690]  }
0x1c4: {  	v0 =	vadd.f32 v0, v2;
	v2 =	vmul.f32 v19, v25;
	v25 =	vmul.f32 v45, v46;
	v46 =	vld [tilespmem:s21+$0x730]  }
0x1c5: {  	[tilespmem:$0x1ED90] =	vst v26;
	v26 =	vld [tilespmem:$0x1E940]  }
0x1c6: {  	v11 =	vmul.f32 v60, v22;
	v60 =	vmul.f32 v27, v31;
	v27 =	vld [tilespmem:$0x1E950]  }
0x1c7: {  	v22 =	vmul.f32 v34, v38;
	v31 =	vmul.f32 v34, v41;
	v34 =	vld [tilespmem:s21+$0x10330]  }
0x1c8: {  	v33 =	vmul.f32 v36, v38;
	[tilespmem:$0x1EA90] =	vst v63;
	v63 =	vld [tilespmem:s21+$0x2A0]  }
0x1c9: {  	v21 =	vmul.f32 v36, v41;
	v36 =	vmul.f32 v43, v37;
	v38 =	vld [tilespmem:s21+$0x10730]  }
0x1ca: {  	v37 =	vmul.f32 v35, v37;
	v41 =	vmul.f32 v35, v44;
	v35 =	vld [tilespmem:s21+$0x8740]  }
0x1cb: {  	v44 =	vmul.f32 v43, v44;
	v43 =	vld [tilespmem:$0x1E9B0]  }
0x1cc: {  	v45 =	vmul.f32 v45, v48;
	v13 =	vmul.f32 v5, v17;
	v17 =	vld [tilespmem:s21+$0x8350]  }
0x1cd: {  	v48 =	vmul.f32 v47, v48;
	[tilespmem:$0x1EBA0] =	vst v63;
	v63 =	vld [tilespmem:s21+$0x6A0]  }
0x1ce: {  	v12 =	vadd.f32 v45, v23;
	v45 =	vld [tilespmem:s21+$0x340]  }
0x1cf: {  	v16 =	vsub.f32 v25, v48;
	v48 =	vld [tilespmem:s21+$0x740]  }
0x1d0: {  	v15 =	vadd.f32 v22, v21;
	v21 =	vld [tilespmem:$0x1E970]  }
0x1d1: {  	v7 =	vadd.f32 v41, v36;
	v36 =	vld [tilespmem:$0x1E980]  }
0x1d2: {  	[tilespmem:$0x1EBC0] =	vst v63;
	v63 =	vld [tilespmem:s21+$0x82A0]  }
0x1d3: {  	v19 =	vsub.f32 v31, v33;
	v33 =	vsub.f32 v37, v44;
	v37 =	vld [tilespmem:$0x1E990]  }
0x1d4: {  	v41 =	vld [tilespmem:$0x1E9A0]  }
0x1d5: {  	v47 =	vmul.f32 v49, v54;
	v44 =	vmul.f32 v49, v53;
	v49 =	vld [tilespmem:s21+$0x750]  }
0x1d6: {  	v22 =	vld [tilespmem:s21+$0x8360]  }
0x1d7: {  	[tilespmem:$0x1EB20] =	vst v63;
	v63 =	vld [tilespmem:s21+$0x86A0]  }
0x1d8: {  	[tilespmem:$0x1EDA0] =	vst v55;
	v55 =	vld [tilespmem:$0x1E930]  }
0x1d9: {  	[tilespmem:$0x1EE10] =	vst v20;
	v20 =	vmul.f32 v28, v29;
	v29 =	vld [tilespmem:s21+$0x8730]  }
0x1da: {  	[tilespmem:$0x1EE30] =	vst v24;
	v24 =	vld [tilespmem:s21+$0x8760]  }
0x1db: {  	v0 =	vadd.f32 v3, v0;
	[tilespmem:$0x1EE60] =	vst v46;
	v3 =	vsub.f32 v60, v20;
	v60 =	vld [tilespmem:s21+$0x8330]  }
0x1dc: {  	v46 =	vmul.f32 v51, v53;
	[tilespmem:$0x1EB40] =	vst v63;
	v63 =	vld [tilespmem:s21+$0x102A0]  }
0x1dd: {  	v28 =	vmul.f32 v15, v27;
	[tilespmem:$0x1EDC0] =	vst v34;
	v15 =	vld [tilespmem:s21+$0x10750]  }
0x1de: {  	[tilespmem:$0x1EE70] =	vst v45;
	v34 =	vadd.f32 v47, v46;
	v45 =	vmul.f32 v51, v54;
	v46 =	vld [tilespmem:s21+$0x350]  }
0x1df: {  	v47 =	vmul.f32 v57, v52;
	v51 =	vmul.f32 v57, v58;
	v57 =	vld [tilespmem:$0x1E9C0]  }
0x1e0: {  	v3 =	vmul.f32 v3, v26;
	v26 =	vmul.f32 v19, v21;
	v21 =	vld [tilespmem:s21+$0x10740]  }
0x1e1: {  	[tilespmem:$0x1EB10] =	vst v63;
	v63 =	vld [tilespmem:s21+$0x106A0]  }
0x1e2: {  	v18 =	vmul.f32 v33, v41;
	v33 =	vld [tilespmem:s21+$0x10350]  }
0x1e3: {  	v41 =	vld [tilespmem:s21+$0x360]  }
0x1e4: {  	[tilespmem:$0x1EEA0] =	vst v49;
	v49 =	vld [tilespmem:$0x1EA30]  }
0x1e5: {  	[tilespmem:$0x1EDE0] =	vst v38;
	v20 =	vmul.f32 v16, v36;
	v36 =	vld [tilespmem:s21+$0x10760]  }
0x1e6: {  	v1 =	vadd.f32 $0.0e+00, v1;
	[tilespmem:$0x1EB30] =	vst v63;
	v63 =	vld [tilespmem:s21+$0x2B0]  }
0x1e7: {  	[tilespmem:$0x1EE80] =	vst v48;
	v48 =	vmul.f32 v50, v52;
	v38 =	vmul.f32 v7, v37;
	v37 =	vld [tilespmem:s21+$0x8370]  }
0x1e8: {  	v1 =	vadd.f32 v1, v2;
	v50 =	vmul.f32 v50, v58;
	v2 =	vmul.f32 v6, v55;
	v55 =	vld [tilespmem:$0x1E960]  }
0x1e9: {  	v19 =	vmul.f32 v34, v43;
	v43 =	vld [tilespmem:$0x1EA10]  }
0x1ea: {  	v23 =	vadd.f32 v50, v47;
	v47 =	vld [tilespmem:s21+$0x760]  }
0x1eb: {  	[tilespmem:$0x1EBD0] =	vst v63;
	v63 =	vld [tilespmem:s21+$0x6B0]  }
0x1ec: {  	v50 =	vld [tilespmem:$0x1EA40]  }
0x1ed: {  	v53 =	vmul.f32 v56, v62;
	v1 =	vadd.f32 v2, v1;
	v2 =	vld [tilespmem:$0x1ED60]  }
0x1ee: {  	v54 =	vmul.f32 v56, v61;
	v56 =	vmul.f32 v59, v61;
	v61 =	vld [tilespmem:$0x1E9E0]  }
0x1ef: {  	[tilespmem:$0x1EEB0] =	vst v41;
	v41 =	vld [tilespmem:s21+$0x10370]  }
0x1f0: {  	[tilespmem:$0x1EBE0] =	vst v63;
	v63 =	vld [tilespmem:s21+$0x82B0]  }
0x1f1: {  	v13 =	vadd.f32 v0, v13;
	v1 =	vadd.f32 v1, v3;
	v3 =	vld [tilespmem:$0x1ECA0]  }
0x1f2: {  	v25 =	vmul.f32 v12, v55;
	v55 =	vld [tilespmem:s21+$0x8340]  }
0x1f3: {  	v13 =	vadd.f32 v14, v13;
	v14 =	vsub.f32 v44, v45;
	v44 =	vmul.f32 v23, v43;
	v23 =	vld [tilespmem:s21+$0x10360]  }
0x1f4: {  	[tilespmem:$0x1EDB0] =	vst v60;
	v43 =	vld [tilespmem:s21+$0x10770]  }
0x1f5: {  	v60 =	vadd.f32 v28, v1;
	[tilespmem:$0x1EB60] =	vst v63;
	v63 =	vld [tilespmem:s21+$0x86B0]  }
0x1f6: {  	v28 =	vld [tilespmem:s21+$0x10340]  }
0x1f7: {  	v6 =	vadd.f32 v60, v26;
	v60 =	vld [tilespmem:s21+$0x8750]  }
0x1f8: {  	v58 =	vld [tilespmem:$0x1E9D0]  }
0x1f9: {  	v26 =	vadd.f32 v13, v11;
	v11 =	vsub.f32 v48, v51;
	v48 =	vld [tilespmem:$0x1EA20]  }
0x1fa: {  	[tilespmem:$0x1EB80] =	vst v63;
	v63 =	vld [tilespmem:s21+$0x102B0]  }
0x1fb: {  	v45 =	vsub.f32 v53, v56;
	v51 =	vld [tilespmem:$0x1EA50]  }
0x1fc: {  	v13 =	vld [tilespmem:s21+$0x770]  }
0x1fd: {  	v52 =	vmul.f32 v59, v62;
	v25 =	vadd.f32 v25, v26;
	v26 =	vmul.f32 v45, v50;
	v50 =	vld [tilespmem:s21+$0x10380]  }
0x1fe: {  	v6 =	vadd.f32 v38, v6;
	v62 =	vld [tilespmem:$0x1E9F0]  }
0x1ff: {  	v38 =	vadd.f32 v54, v52;
	[tilespmem:$0x1EB50] =	vst v63;
	v63 =	vld [tilespmem:s21+$0x106B0]  }
0x200: {  	v18 =	vadd.f32 v6, v18;
	v6 =	vld [tilespmem:$0x1EA00]  }
0x201: {  	v27 =	vmul.f32 v38, v49;
	v54 =	vadd.f32 v25, v20;
	v38 =	vld [tilespmem:s21+$0x8770]  }
0x202: {  	v34 =	vmul.f32 v11, v48;
	v11 =	vld [tilespmem:$0x1EAB0]  }
0x203: {  	[tilespmem:$0x1EF10] =	vst v54;
	v54 =	vld [tilespmem:$0x1EAE0]  }
0x204: {  	v59 =	vmul.f32 v58, v57;
	v5 =	vmul.f32 v62, v61;
	[tilespmem:$0x1EB70] =	vst v63;
	v63 =	vld [tilespmem:s21+$0x2C0]  }
0x205: {  	v19 =	vadd.f32 v19, v18;
	v7 =	vmul.f32 v14, v6;
	v6 =	vld [tilespmem:s21+$0x370]  }
0x206: {  	[tilespmem:$0x1EE90] =	vst v46;
	v14 =	vld [tilespmem:$0x1EAC0];
	v46 =	vadd.f32 v5, v59  }
0x207: {  	v19 =	vadd.f32 v19, v7;
	v7 =	vld [tilespmem:$0x1EAA0]  }
0x208: {  	v31 =	vmul.f32 v46, v51;
	v51 =	vld [tilespmem:$0x1EAD0]  }
0x209: {  	[tilespmem:$0x1ECC0] =	vst v63;
	v63 =	vld [tilespmem:s21+$0x6C0]  }
0x20a: {  	v56 =	vld [tilespmem:$0x1EA60]  }
0x20b: {  	v59 =	vld [tilespmem:$0x1EA80]  }
0x20c: {  	v52 =	vmul.f32 v62, v57;
	v57 =	vld [tilespmem:$0x1EA70]  }
0x20d: {  	v53 =	vmul.f32 v58, v61;
	v61 =	vld [tilespmem:$0x1EA90]  }
0x20e: {  	[tilespmem:$0x1ECD0] =	vst v63;
	v63 =	vld [tilespmem:s21+$0x82C0]  }
0x20f: {  	v46 =	vld [tilespmem:s21+$0x8380]  }
0x210: {  	[tilespmem:$0x1EE40] =	vst v35;
	v35 =	vsub.f32 v52, v53;
	v52 =	vmul.f32 v14, v51;
	v53 =	vmul.f32 v7, v51;
	v51 =	vld [tilespmem:s21+$0x10390]  }
0x211: {  	v58 =	vmul.f32 v57, v56;
	v5 =	vmul.f32 v57, v59;
	v57 =	vld [tilespmem:$0x1EB00]  }
0x212: {  	v12 =	vmul.f32 v7, v11;
	v4 =	vmul.f32 v61, v56;
	v56 =	vld [tilespmem:$0x1EAF0]  }
0x213: {  	v19 =	vadd.f32 v44, v19;
	v16 =	vmul.f32 v14, v11;
	v35 =	vmul.f32 v35, v54;
	[tilespmem:$0x1EC00] =	vst v63;
	v63 =	vld [tilespmem:s21+$0x86C0]  }
0x214: {  	v31 =	vadd.f32 $0.0e+00, v31;
	v25 =	vadd.f32 v52, v12;
	v52 =	vld [tilespmem:s21+$0x10780];
	v62 =	vmul.f32 v61, v59  }
0x215: {  	[tilespmem:$0x1EDD0] =	vst v29;
	v44 =	vsub.f32 v16, v53;
	v53 =	vld [tilespmem:s21+$0x10790];
	v29 =	vsub.f32 v4, v5  }
0x216: {  	v20 =	vadd.f32 v62, v58;
	v58 =	vadd.f32 v31, v35;
	v31 =	vld [tilespmem:s21+$0x380]  }
0x217: {  	[tilespmem:$0x1EEC0] =	vst v47;
	v47 =	vmul.f32 v29, v57;
	v29 =	vld [tilespmem:s21+$0x780]  }
0x218: {  	v20 =	vmul.f32 v20, v56;
	[tilespmem:$0x1EC20] =	vst v63;
	v63 =	vld [tilespmem:s21+$0x102C0]  }
0x219: {  	v61 =	vld [tilespmem:$0x1EB20]  }
0x21a: {  	v20 =	vadd.f32 v20, v58;
	v59 =	vld [tilespmem:$0x1EB10]  }
0x21b: {  	v4 =	vld [tilespmem:$0x1EB30]  }
0x21c: {  	v20 =	vadd.f32 v20, v47;
	v47 =	vld [tilespmem:s21+$0x8780]  }
0x21d: {  	[tilespmem:$0x1EBF0] =	vst v63;
	v63 =	vld [tilespmem:s21+$0x106C0]  }
0x21e: {  	v5 =	vld [tilespmem:$0x1EB40]  }
0x21f: {  	v12 =	vld [tilespmem:$0x1EB60]  }
0x220: {  	v62 =	vmul.f32 v59, v61;
	v48 =	vmul.f32 v4, v61;
	v61 =	vld [tilespmem:$0x1EB80]  }
0x221: {  	v11 =	vld [tilespmem:$0x1EB50]  }
0x222: {  	[tilespmem:$0x1EC10] =	vst v63;
	v63 =	vld [tilespmem:s21+$0x2D0]  }
0x223: {  	v14 =	vld [tilespmem:$0x1EB70]  }
0x224: {  	v7 =	vmul.f32 v59, v5;
	v59 =	vld [tilespmem:s21+$0x390]  }
0x225: {  	[tilespmem:$0x1EED0] =	vst v6;
	v6 =	vmul.f32 v4, v5;
	v5 =	vld [tilespmem:$0x1EB90]  }
0x226: {  	v57 =	vld [tilespmem:$0x1EBD0]  }
0x227: {  	v35 =	vadd.f32 v6, v62;
	[tilespmem:$0x1ECE0] =	vst v63;
	v63 =	vld [tilespmem:s21+$0x6D0]  }
0x228: {  	[tilespmem:$0x1EEE0] =	vst v13;
	v6 =	vsub.f32 v48, v7;
	v7 =	vld [tilespmem:$0x1EBA0];
	v13 =	vmul.f32 v11, v12;
	v62 =	vmul.f32 v14, v61  }
0x229: {  	v48 =	vld [tilespmem:s21+$0x8790]  }
0x22a: {  	v45 =	vadd.f32 v62, v13;
	v13 =	vld [tilespmem:$0x1EBC0]  }
0x22b: {  	v16 =	vmul.f32 v14, v12;
	v12 =	vld [tilespmem:$0x1EBB0]  }
0x22c: {  	[tilespmem:$0x1ECF0] =	vst v63;
	v63 =	vld [tilespmem:s21+$0x82D0]  }
0x22d: {  	v58 =	vld [tilespmem:$0x1EBE0];
	v35 =	vmul.f32 v35, v7;
	v4 =	vmul.f32 v11, v61  }
0x22e: {  	v56 =	vmul.f32 v25, v5;
	v25 =	vld [tilespmem:s21+$0x790]  }
0x22f: {  	v35 =	vadd.f32 v35, v20;
	v11 =	vsub.f32 v16, v4;
	v16 =	vld [tilespmem:$0x1ECC0];
	v14 =	vmul.f32 v6, v13  }
0x230: {  	v49 =	vmul.f32 v44, v12;
	v44 =	vld [tilespmem:s21+$0x8390]  }
0x231: {  	v19 =	vadd.f32 v19, v34;
	v45 =	vmul.f32 v45, v57;
	v34 =	vadd.f32 v35, v14;
	[tilespmem:$0x1EC30] =	vst v63;
	v63 =	vld [tilespmem:s21+$0x86D0]  }
0x232: {  	v35 =	vld [tilespmem:s21+$0x3A0]  }
0x233: {  	v57 =	vmul.f32 v11, v58;
	v62 =	vld [tilespmem:$0x1EC00];
	v45 =	vadd.f32 v45, v34  }
0x234: {  	v34 =	vld [tilespmem:s21+$0x7A0]  }
0x235: {  	v45 =	vadd.f32 v45, v57;
	v57 =	vld [tilespmem:$0x1ED00]  }
0x236: {  	[tilespmem:$0x1EC50] =	vst v63;
	v63 =	vld [tilespmem:s21+$0x102D0]  }
0x237: {  	v5 =	vld [tilespmem:$0x1EC20]  }
0x238: {  	v61 =	vld [tilespmem:$0x1EBF0]  }
0x239: {  	v4 =	vld [tilespmem:$0x1EC10]  }
0x23a: {  	v7 =	vld [tilespmem:$0x1EC30]  }
0x23b: {  	[tilespmem:$0x1EC40] =	vst v63;
	v63 =	vld [tilespmem:s21+$0x106D0]  }
0x23c: {  	v11 =	vld [tilespmem:$0x1EC40]  }
0x23d: {  	v19 =	vadd.f32 v27, v19;
	v27 =	vmul.f32 v61, v62;
	v13 =	vld [tilespmem:$0x1EC50]  }
0x23e: {  	v54 =	vmul.f32 v4, v62;
	v6 =	vmul.f32 v4, v5;
	v4 =	vld [tilespmem:$0x1EC60]  }
0x23f: {  	v58 =	vmul.f32 v61, v5;
	v5 =	vld [tilespmem:$0x1EC80]  }
0x240: {  	v27 =	vadd.f32 v6, v27;
	v6 =	vld [tilespmem:$0x1EC70]  }
0x241: {  	v19 =	vadd.f32 v19, v26;
	v12 =	vmul.f32 v63, v7;
	v26 =	vmul.f32 v11, v7;
	v7 =	vld [tilespmem:$0x1EC90]  }
0x242: {  	v18 =	vmul.f32 v11, v13;
	v11 =	vld [tilespmem:$0x1ECB0]  }
0x243: {  	v54 =	vsub.f32 v54, v58;
	v58 =	vld [tilespmem:s21+$0x87A0]  }
0x244: {  	v27 =	vmul.f32 v27, v16;
	v16 =	vld [tilespmem:s21+$0x87B0]  }
0x245: {  	v19 =	vadd.f32 v56, v19;
	v20 =	vmul.f32 v8, v3;
	v56 =	vld [tilespmem:$0x1ECF0]  }
0x246: {  	[tilespmem:$0x1EEF0] =	vst v59;
	v14 =	vmul.f32 v63, v13;
	v63 =	vmul.f32 v6, v4;
	v59 =	vsub.f32 v12, v18;
	v18 =	vld [tilespmem:$0x1ECD0]  }
0x247: {  	v12 =	vadd.f32 v27, v45;
	v45 =	vld [tilespmem:s21+$0x3B0];
	v1 =	vmul.f32 v7, v5;
	v61 =	vmul.f32 v10, v11  }
0x248: {  	v10 =	vmul.f32 v10, v3;
	v11 =	vmul.f32 v8, v11;
	v8 =	vld [tilespmem:$0x1ED30]  }
0x249: {  	v4 =	vmul.f32 v7, v4;
	v7 =	vmul.f32 v6, v5;
	v6 =	vld [tilespmem:s21+$0x3C0]  }
0x24a: {  	v3 =	vld [tilespmem:$0x1EDD0]  }
0x24b: {  	v10 =	vsub.f32 v10, v11;
	v11 =	vld [tilespmem:$0x1ED20]  }
0x24c: {  	v1 =	vadd.f32 v1, v63;
	v63 =	vmul.f32 v59, v56;
	v59 =	vld [tilespmem:$0x1ED10]  }
0x24d: {  	v13 =	vmul.f32 v54, v18;
	v0 =	vadd.f32 v61, v20;
	v54 =	vld [tilespmem:s21+$0x83A0];
	v61 =	vadd.f32 v19, v49  }
0x24e: {  	v20 =	vld [tilespmem:$0x1ECE0]  }
0x24f: {  	v49 =	vmul.f32 v9, v39;
	[tilespmem:$0x1EF20] =	vst v61;
	v61 =	vmul.f32 v30, v39;
	v39 =	vsub.f32 v4, v7;
	v7 =	vld [tilespmem:$0x1ED50]  }
0x250: {  	v18 =	vmul.f32 v1, v57;
	v1 =	vmul.f32 v10, v11;
	v11 =	vld [tilespmem:$0x1ED40]  }
0x251: {  	v26 =	vadd.f32 v14, v26;
	v14 =	vmul.f32 v30, v40;
	v56 =	vld [tilespmem:s21+$0x107A0];
	v62 =	vmul.f32 v0, v59  }
0x252: {  	v9 =	vmul.f32 v9, v40;
	v19 =	vld [tilespmem:$0x1ED80]  }
0x253: {  	v27 =	vadd.f32 v49, v14;
	v57 =	vld [tilespmem:s21+$0x83B0];
	v14 =	vadd.f32 $0.0e+00, v62  }
0x254: {  	v4 =	vld [tilespmem:$0x1EDC0];
	v9 =	vsub.f32 v9, v61  }
0x255: {  	v49 =	vmul.f32 v2, v7;
	v1 =	vadd.f32 v14, v1;
	v14 =	vld [tilespmem:$0x1ED70];
	v30 =	vmul.f32 v11, v8  }
0x256: {  	v10 =	vld [tilespmem:$0x1EDF0]  }
0x257: {  	v9 =	vmul.f32 v9, v19;
	v19 =	vadd.f32 v49, v30;
	v30 =	vld [tilespmem:$0x1ED90]  }
0x258: {  	v49 =	vld [tilespmem:$0x1EDA0]  }
0x259: {  	v59 =	vld [tilespmem:s21+$0x103A0]  }
0x25a: {  	v26 =	vmul.f32 v26, v20;
	v20 =	vld [tilespmem:s21+$0x7B0];
	v27 =	vmul.f32 v27, v14  }
0x25b: {  	v0 =	vld [tilespmem:$0x1EDE0]  }
0x25c: {  	[tilespmem:$0x1EF00] =	vst v6;
	v10 =	vmul.f32 v39, v10;
	v39 =	vld [tilespmem:$0x1EE00];
	v6 =	vadd.f32 v27, v1;
	v40 =	vmul.f32 v42, v30  }
0x25d: {  	v61 =	vmul.f32 v32, v49;
	v42 =	vmul.f32 v42, v49;
	v49 =	vld [tilespmem:$0x1EDB0]  }
0x25e: {  	v6 =	vadd.f32 v6, v9;
	v9 =	vld [tilespmem:$0x1EE10]  }
0x25f: {  	v62 =	vld [tilespmem:s21+$0x103B0]  }
0x260: {  	v14 =	vld [tilespmem:s21+$0x107B0]  }
0x261: {  	v19 =	vmul.f32 v19, v39;
	v39 =	vld [tilespmem:s21+$0x87C0];
	v30 =	vmul.f32 v32, v30;
	v1 =	vadd.f32 v61, v40  }
0x262: {  	v27 =	vld [tilespmem:s21+$0x7C0];
	v61 =	vmul.f32 v0, v3;
	v40 =	vmul.f32 v4, v49  }
0x263: {  	v5 =	vmul.f32 v28, v55;
	v32 =	vld [tilespmem:s21+$0x83C0];
	v1 =	vmul.f32 v1, v9  }
0x264: {  	v9 =	vsub.f32 v30, v42;
	v30 =	vadd.f32 v61, v40;
	v61 =	vmul.f32 v11, v7;
	v11 =	vld [tilespmem:$0x1EE30]  }
0x265: {  	v12 =	vadd.f32 v12, v13;
	v8 =	vmul.f32 v2, v8;
	v13 =	vadd.f32 v1, v6;
	v6 =	vld [tilespmem:$0x1EE20]  }
0x266: {  	v2 =	vmul.f32 v4, v3;
	v3 =	vmul.f32 v21, v55;
	v55 =	vld [tilespmem:s21+$0x83D0]  }
0x267: {  	v42 =	vld [tilespmem:s21+$0x107C0]  }
0x268: {  	v40 =	vld [tilespmem:s21+$0x103C0]  }
0x269: {  	v4 =	vsub.f32 v8, v61;
	v61 =	vld [tilespmem:$0x1EE70]  }
0x26a: {  	v1 =	vmul.f32 v9, v6;
	v9 =	vmul.f32 v30, v11;
	v30 =	vld [tilespmem:s21+$0x3D0]  }
0x26b: {  	v6 =	vadd.f32 v26, v12;
	v26 =	vmul.f32 v0, v49;
	v49 =	vld [tilespmem:s21+$0x7D0]  }
0x26c: {  	v11 =	vld [tilespmem:$0x1EE50]  }
0x26d: {  	v12 =	vadd.f32 v13, v1;
	v13 =	vld [tilespmem:$0x1EE40]  }
0x26e: {  	v8 =	vmul.f32 v33, v60;
	v2 =	vsub.f32 v26, v2;
	v26 =	vld [tilespmem:s21+$0x7E0];
	v6 =	vadd.f32 v6, v63  }
0x26f: {  	v63 =	vld [tilespmem:$0x1EE80];
	v0 =	vadd.f32 v9, v12;
	v9 =	vmul.f32 v33, v17;
	v17 =	vmul.f32 v15, v17  }
0x270: {  	v12 =	vld [tilespmem:$0x1EE60]  }
0x271: {  	v17 =	vsub.f32 v17, v8;
	v8 =	vld [tilespmem:$0x1EEA0]  }
0x272: {  	v7 =	vmul.f32 v21, v13;
	v21 =	vld [tilespmem:s21+$0x87D0]  }
0x273: {  	v1 =	vmul.f32 v28, v13;
	v28 =	vld [tilespmem:s21+$0x103D0]  }
0x274: {  	v33 =	vmul.f32 v4, v11;
	v13 =	vmul.f32 v15, v60;
	v60 =	vld [tilespmem:s21+$0x107D0]  }
0x275: {  	v11 =	vmul.f32 v23, v24;
	v4 =	vadd.f32 v7, v5;
	v2 =	vmul.f32 v2, v12;
	v7 =	vld [tilespmem:$0x1EE90]  }
0x276: {  	v15 =	vmul.f32 v52, v47;
	v3 =	vsub.f32 v3, v1;
	v1 =	vld [tilespmem:s21+$0x3E0];
	v5 =	vadd.f32 v13, v9  }
0x277: {  	v13 =	vld [tilespmem:s21+$0x83E0];
	v12 =	vmul.f32 v36, v22;
	v4 =	vmul.f32 v4, v61;
	v0 =	vadd.f32 v0, v2  }
0x278: {  	v9 =	vld [tilespmem:s21+$0x87E0];
	v3 =	vmul.f32 v3, v63;
	v61 =	vmul.f32 v17, v8  }
0x279: {  	v63 =	vld [tilespmem:s21+$0x103E0];
	v0 =	vadd.f32 v4, v0;
	v4 =	vmul.f32 v36, v24;
	v24 =	vmul.f32 v50, v47  }
0x27a: {  	v17 =	vld [tilespmem:s21+$0x107E0];
	v2 =	vmul.f32 v5, v7;
	v5 =	vadd.f32 v18, v6;
	v6 =	vmul.f32 v23, v22  }
0x27b: {  	v47 =	vld [tilespmem:$0x1EEE0];
	v18 =	vmul.f32 v41, v37;
	v22 =	vmul.f32 v43, v38  }
0x27c: {  	v38 =	vmul.f32 v41, v38;
	v41 =	vmul.f32 v50, v46;
	v50 =	vld [tilespmem:$0x1EEB0]  }
0x27d: {  	v23 =	vmul.f32 v43, v37;
	v37 =	vld [tilespmem:s21+$0x400]  }
0x27e: {  	v43 =	vmul.f32 v52, v46;
	v52 =	vld [tilespmem:$0x1EEC0]  }
0x27f: {  	v46 =	vld [tilespmem:$0x1EED0]  }
0x280: {  	v36 =	vadd.f32 v0, v3;
	v0 =	vld [tilespmem:s21+$0x87F0]  }
0x281: {  	v12 =	vsub.f32 v12, v11;
	v3 =	vld [tilespmem:s21+$0x103F0]  }
0x282: {  	v7 =	vadd.f32 v5, v10;
	v5 =	vld [tilespmem:s21+$0x83F0];
	v6 =	vadd.f32 v4, v6  }
0x283: {  	v4 =	vld [tilespmem:s21+$0x107F0];
	v18 =	vadd.f32 v22, v18;
	v23 =	vsub.f32 v23, v38  }
0x284: {  	v11 =	vadd.f32 v15, v41;
	v24 =	vsub.f32 v43, v24;
	v43 =	vld [tilespmem:s21+$0x800]  }
0x285: {  	v38 =	vld [tilespmem:s21+$0x10400];
	v22 =	vmul.f32 v53, v44;
	v36 =	vadd.f32 v2, v36;
	v15 =	vmul.f32 v23, v47  }
0x286: {  	v23 =	vld [tilespmem:s21+$0x8400];
	v2 =	vadd.f32 v19, v7;
	v19 =	vmul.f32 v53, v48;
	v47 =	vmul.f32 v56, v58  }
0x287: {  	v53 =	vld [tilespmem:s21+$0x8410];
	v6 =	vmul.f32 v6, v50;
	v12 =	vmul.f32 v12, v52  }
0x288: {  	v18 =	vmul.f32 v18, v46;
	v52 =	vmul.f32 v24, v29;
	v24 =	vld [tilespmem:s21+$0x8800]  }
0x289: {  	v50 =	vmul.f32 v11, v31;
	v31 =	vmul.f32 v51, v44;
	v46 =	vld [tilespmem:s21+$0x10800]  }
0x28a: {  	v10 =	vadd.f32 v36, v61;
	v61 =	vmul.f32 v51, v48;
	v29 =	vmul.f32 v59, v54;
	v48 =	vld [tilespmem:s21+$0x410]  }
0x28b: {  	v11 =	vmul.f32 v56, v54;
	v51 =	vld [tilespmem:s21+$0x810];
	v56 =	vmul.f32 v14, v16;
	v7 =	vadd.f32 $0.0e+00, v50  }
0x28c: {  	v44 =	vld [tilespmem:s21+$0x8810];
	v6 =	vadd.f32 v6, v10;
	v50 =	vmul.f32 v59, v58;
	v31 =	vadd.f32 v19, v31  }
0x28d: {  	v19 =	vmul.f32 v62, v57;
	v41 =	vsub.f32 v22, v61;
	v57 =	vmul.f32 v14, v57;
	v59 =	vld [tilespmem:$0x1EEF0]  }
0x28e: {  	v58 =	vmul.f32 v62, v16;
	v29 =	vadd.f32 v47, v29;
	v62 =	vld [tilespmem:s21+$0x10810];
	v47 =	vmul.f32 v40, v32  }
0x28f: {  	v32 =	vmul.f32 v42, v32;
	v16 =	vld [tilespmem:s21+$0x450];
	v11 =	vsub.f32 v11, v50;
	v25 =	vmul.f32 v41, v25  }
0x290: {  	v6 =	vadd.f32 v6, v12;
	v12 =	vmul.f32 v29, v35;
	v29 =	vld [tilespmem:s21+$0x420];
	v14 =	vmul.f32 v38, v23  }
0x291: {  	v36 =	vadd.f32 v56, v19;
	v50 =	vmul.f32 v42, v39;
	v56 =	vmul.f32 v40, v39;
	v41 =	vld [tilespmem:s21+$0x8830]  }
0x292: {  	v8 =	vsub.f32 v57, v58;
	v57 =	vmul.f32 v28, v55;
	v54 =	vmul.f32 v38, v24;
	v38 =	vld [tilespmem:s21+$0x10820]  }
0x293: {  	v7 =	vadd.f32 v7, v52;
	v52 =	vmul.f32 v46, v23;
	v11 =	vmul.f32 v11, v34;
	v34 =	vld [tilespmem:s21+$0x8420]  }
0x294: {  	v22 =	vmul.f32 v36, v45;
	v8 =	vmul.f32 v8, v20;
	v36 =	vld [tilespmem:s21+$0x8820]  }
0x295: {  	v45 =	vmul.f32 v46, v24;
	v61 =	vmul.f32 v31, v59;
	v31 =	vld [tilespmem:s21+$0x10410]  }
0x296: {  	v10 =	vadd.f32 v18, v6;
	v24 =	vld [tilespmem:s21+$0x10420];
	v18 =	vsub.f32 v52, v54;
	v59 =	vmul.f32 v62, v44  }
0x297: {  	v62 =	vmul.f32 v62, v53;
	v52 =	vld [tilespmem:s21+$0x10830];
	v6 =	vadd.f32 v45, v14;
	v7 =	vadd.f32 v61, v7  }
0x298: {  	v32 =	vsub.f32 v32, v56;
	v45 =	vld [tilespmem:$0x1EF00];
	v61 =	vmul.f32 v60, v21;
	v18 =	vmul.f32 v18, v43  }
0x299: {  	v40 =	vld [tilespmem:s21+$0x830];
	v6 =	vmul.f32 v6, v37;
	v7 =	vadd.f32 v7, v25;
	v54 =	vmul.f32 v38, v36  }
0x29a: {  	v23 =	vld [tilespmem:s21+$0x430];
	v46 =	vadd.f32 v61, v57;
	v57 =	vmul.f32 v38, v34;
	v58 =	vmul.f32 v31, v53  }
0x29b: {  	v43 =	vld [tilespmem:s21+$0x8430];
	v25 =	vadd.f32 v50, v47;
	v31 =	vmul.f32 v31, v44;
	v53 =	vmul.f32 v24, v34  }
0x29c: {  	v20 =	vld [tilespmem:s21+$0x820];
	v24 =	vmul.f32 v24, v36;
	v36 =	vmul.f32 v52, v41  }
0x29d: {  	v47 =	vld [tilespmem:s21+$0x10430];
	v6 =	vadd.f32 $0.0e+00, v6;
	v19 =	vmul.f32 v25, v45;
	v25 =	vmul.f32 v32, v27  }
0x29e: {  	v37 =	vld [tilespmem:s21+$0x10840];
	v7 =	vadd.f32 v12, v7;
	v27 =	vmul.f32 v46, v30;
	v35 =	vadd.f32 v59, v58  }
0x29f: {  	v61 =	vld [tilespmem:s21+$0x10440];
	v6 =	vadd.f32 v6, v18;
	v31 =	vsub.f32 v62, v31;
	v58 =	vmul.f32 v60, v55  }
0x2a0: {  	v34 =	vld [tilespmem:s21+$0x8440];
	v12 =	vadd.f32 v54, v53;
	v59 =	vmul.f32 v28, v21;
	v44 =	vmul.f32 v52, v43  }
0x2a1: {  	v46 =	vld [tilespmem:s21+$0x8450];
	v60 =	vsub.f32 v57, v24;
	v50 =	vmul.f32 v35, v48;
	v56 =	vmul.f32 v31, v51  }
0x2a2: {  	v21 =	vld [tilespmem:s21+$0x8840];
	v7 =	vadd.f32 v7, v11;
	v12 =	vmul.f32 v12, v29;
	v62 =	vmul.f32 v47, v43  }
0x2a3: {  	v52 =	vld [tilespmem:s21+$0x10450];
	v11 =	vsub.f32 v58, v59;
	v38 =	vmul.f32 v60, v20;
	v45 =	vmul.f32 v47, v41  }
0x2a4: {  	v48 =	vmul.f32 v63, v13;
	v60 =	vld [tilespmem:s21+$0x8460];
	v13 =	vmul.f32 v17, v13;
	v7 =	vadd.f32 v22, v7  }
0x2a5: {  	v29 =	vld [tilespmem:s21+$0x10460];
	v53 =	vmul.f32 v61, v34;
	v59 =	vmul.f32 v37, v34;
	v6 =	vadd.f32 v50, v6  }
0x2a6: {  	v35 =	vld [tilespmem:s21+$0x10860];
	v42 =	vadd.f32 v36, v62;
	v47 =	vmul.f32 v11, v49;
	v51 =	vsub.f32 v44, v45  }
0x2a7: {  	v39 =	vld [tilespmem:s21+$0x440];
	v54 =	vmul.f32 v37, v21;
	v21 =	vmul.f32 v61, v21;
	v6 =	vadd.f32 v6, v56  }
0x2a8: {  	v30 =	vld [tilespmem:s21+$0x840];
	v7 =	vadd.f32 v7, v8;
	v32 =	vmul.f32 v52, v46;
	v50 =	vmul.f32 v42, v23  }
0x2a9: {  	v55 =	vld [tilespmem:s21+$0x10850];
	v56 =	vmul.f32 v17, v9;
	v57 =	vmul.f32 v51, v40;
	v6 =	vadd.f32 v12, v6  }
0x2aa: {  	v49 =	vld [tilespmem:s21+$0x8850];
	v9 =	vmul.f32 v63, v9;
	v7 =	vadd.f32 v19, v7;
	v19 =	vadd.f32 v54, v53  }
0x2ab: {  	v28 =	vld [tilespmem:$0x1EF20];
	v45 =	vmul.f32 v29, v60;
	v51 =	vmul.f32 v35, v60;
	v6 =	vadd.f32 v6, v38  }
0x2ac: {  	v58 =	vld [tilespmem:s21+$0x850];
	v63 =	vsub.f32 v59, v21;
	v53 =	vmul.f32 v4, v0;
	v4 =	vmul.f32 v4, v5  }
0x2ad: {  	v61 =	vld [tilespmem:s21+$0x8860];
	v0 =	vmul.f32 v3, v0;
	v11 =	vadd.f32 v56, v48;
	v6 =	vadd.f32 v50, v6  }
0x2ae: {  	v41 =	vld [tilespmem:s21+$0x8870];
	v9 =	vsub.f32 v13, v9;
	v48 =	vmul.f32 v3, v5;
	v7 =	vadd.f32 v7, v25  }
0x2af: {  	v44 =	vld [tilespmem:s21+$0x10470];
	v62 =	vmul.f32 v19, v39;
	v34 =	vmul.f32 v55, v49;
	v6 =	vadd.f32 v6, v57  }
0x2b0: {  	v37 =	vld [tilespmem:s21+$0x460];
	v36 =	vmul.f32 v63, v30;
	v39 =	vmul.f32 v55, v46;
	v7 =	vadd.f32 v27, v7  }
0x2b1: {  	v40 =	vld [tilespmem:s21+$0x8470];
	v20 =	vmul.f32 v52, v49;
	v38 =	vadd.f32 v34, v32;
	v6 =	vadd.f32 v62, v6  }
0x2b2: {  	v1 =	vmul.f32 v11, v1;
	v46 =	vmul.f32 v35, v61;
	v7 =	vadd.f32 v7, v47;
	v47 =	vld [tilespmem:s21+$0x10870]  }
0x2b3: {  	v43 =	vsub.f32 v39, v20;
	v50 =	vld [tilespmem:s21+$0x860];
	v42 =	vmul.f32 v38, v16;
	v6 =	vadd.f32 v6, v36  }
0x2b4: {  	v52 =	vld [tilespmem:s21+$0x3F0];
	v9 =	vmul.f32 v9, v26;
	v14 =	vmul.f32 v29, v61  }
0x2b5: {  	v27 =	vld [tilespmem:$0x1EF10];
	v8 =	vadd.f32 v46, v45;
	v49 =	vmul.f32 v43, v58;
	v6 =	vadd.f32 v42, v6  }
0x2b6: {  	v59 =	vadd.f32 v53, v48;
	v60 =	vmul.f32 v44, v40;
	v56 =	vsub.f32 v51, v14;
	v57 =	vld [tilespmem:s21+$0x470]  }
0x2b7: {  	v58 =	vld [tilespmem:s21+$0x7F0];
	v55 =	vmul.f32 v8, v37;
	v61 =	vmul.f32 v47, v41;
	v54 =	vadd.f32 v6, v49  }
0x2b8: {  	v11 =	vmul.f32 v44, v41;
	v20 =	vld [tilespmem:s21+$0x870];
	v1 =	vadd.f32 v1, v7;
	v63 =	vmul.f32 v56, v50  }
0x2b9: {  	v24 =	vmul.f32 v47, v40;
	v23 =	vadd.f32 v61, v60;
	v62 =	vadd.f32 v55, v54  }
0x2ba: {  	v5 =	vld [tilespmem:s21+$0x8880];
	v0 =	vsub.f32 v4, v0;
	v7 =	vmul.f32 v59, v52;
	v1 =	vadd.f32 v1, v9  }
0x2bb: {  	v39 =	vld [tilespmem:s21+$0x880];
	v26 =	vsub.f32 v24, v11;
	v25 =	vmul.f32 v23, v57;
	v3 =	vadd.f32 v62, v63  }
0x2bc: {  	v2 =	vadd.f32 v2, v33;
	v44 =	vld [tilespmem:s21+$0x4B0];
	(xrf2) =	vadd.scan.msk.f32 $0xffff, v27;
	v0 =	vmul.f32 v0, v58;
	v1 =	vadd.f32 v7, v1  }
0x2bd: {  	v29 =	vadd.f32 v10, v15;
	v38 =	vld [tilespmem:s21+$0x480];
	(xrf2) =	vadd.scan.msk.f32 $0xffff, v28;
	v30 =	vmul.f32 v26, v20;
	v3 =	vadd.f32 v25, v3  }
0x2be: {  	v43 =	vld [tilespmem:s21+$0x8A0];
	(xrf2) =	vadd.scan.msk.f32 $0xffff, v2;
	v0 =	vadd.f32 v1, v0  }
0x2bf: {  	v40 =	vld [tilespmem:s21+$0x490];
	(xrf2) =	vadd.scan.msk.f32 $0xffff, v29;
	v31 =	vadd.f32 v3, v30  }
0x2c0: {  	[tilespmem:$0x1EF40] =	vst v39;
	v41 =	vld [tilespmem:s21+$0x890];
	(xrf2) =	vadd.scan.msk.f32 $0xffff, v0  }
0x2c1: {  	[tilespmem:$0x1EF90] =	vst v44;
	v42 =	vld [tilespmem:s21+$0x4A0];
	(xrf2) =	vadd.scan.msk.f32 $0xffff, v31  }
0x2c2: {  	v12 =	vld [tilespmem:s21+$0x84A0];
	[tilespmem:$0x1EF30] =	vst v38  }
0x2c3: {  	v13 =	vld [tilespmem:s21+$0x88A0];
	[tilespmem:$0x1EF80] =	vst v43  }
0x2c4: {  	v4 =	vld [tilespmem:s21+$0x8480];
	[tilespmem:$0x1EF50] =	vst v40  }
0x2c5: {  	v10 =	vld [tilespmem:s21+$0x108A0];
	[tilespmem:$0x1EF60] =	vst v41  }
0x2c6: {  	v45 =	vld [tilespmem:s21+$0x8B0];
	[tilespmem:$0x1EF70] =	vst v42;
	v32, _, _ =	vpop (xrf2)  }
0x2c7: {  	v8 =	vld [tilespmem:s21+$0x8490];
	[tilespmem:$0x1FF70] =	vst v32;
	v33, _, _ =	vpop (xrf2)  }
0x2c8: {  	v9 =	vld [tilespmem:s21+$0x8890];
	[tilespmem:$0x1FF80] =	vst v33;
	v34, _, _ =	vpop (xrf2)  }
0x2c9: {  	v2 =	vld [tilespmem:s21+$0x10880];
	[tilespmem:$0x1FF90] =	vst v34;
	v35, _, _ =	vpop (xrf2)  }
0x2ca: {  	v7 =	vld [tilespmem:s21+$0x10490];
	[tilespmem:$0x1FFA0] =	vst v35;
	v36, _, _ =	vpop (xrf2)  }
0x2cb: {  	v11 =	vld [tilespmem:s21+$0x104A0];
	[tilespmem:$0x1FFB0] =	vst v36;
	v37, _, _ =	vpop (xrf2)  }
0x2cc: {  	v6 =	vld [tilespmem:s21+$0x10890];
	[tilespmem:$0x1FFC0] =	vst v37  }
0x2cd: {  	v3 =	vld [tilespmem:s21+$0x10480];
	[tilespmem:$0x1EFA0] =	vst v45  }
0x2ce: {  	v63 =	vld [tilespmem:s21+$0x940];
	_ =	sdelay $0x4  }
0x2cf: {  	[tilespmem:$0x1F0F0] =	vst v63;
	v63 =	vld [tilespmem:s21+$0x8960];
	_ =	sdelay $0x4  }
0x2d0: {  	[tilespmem:$0x1F1C0] =	vst v63;
	v63 =	vld [tilespmem:s21+$0x8970];
	_ =	sdelay $0x4  }
0x2d1: {  	[tilespmem:$0x1F220] =	vst v63;
	v63 =	vld [tilespmem:s21+$0xD90];
	_ =	sdelay $0x4  }
0x2d2: {  	[tilespmem:$0x1F1D0] =	vst v63;
	v63 =	vld [tilespmem:s21+$0x8D90];
	_ =	sdelay $0x4  }
0x2d3: {  	[tilespmem:$0x1F0E0] =	vst v63;
	v63 =	vld [tilespmem:s21+$0x9A0];
	_ =	sdelay $0x4  }
0x2d4: {  	[tilespmem:$0x1F1E0] =	vst v63;
	v63 =	vld [tilespmem:s21+$0xDA0];
	_ =	sdelay $0x4  }
0x2d5: {  	[tilespmem:$0x1F270] =	vst v63;
	v63 =	vld [tilespmem:s21+$0x89A0];
	_ =	sdelay $0x4  }
0x2d6: {  	[tilespmem:$0x1F180] =	vst v63;
	v63 =	vld [tilespmem:s21+$0x8DA0];
	_ =	sdelay $0x4  }
0x2d7: {  	[tilespmem:$0x1F1A0] =	vst v63;
	v63 =	vld [tilespmem:s21+$0x109A0];
	_ =	sdelay $0x4  }
0x2d8: {  	[tilespmem:$0x1F190] =	vst v63;
	v63 =	vld [tilespmem:s21+$0x10DA0];
	_ =	sdelay $0x4  }
0x2d9: {  	[tilespmem:$0x1F1B0] =	vst v63;
	v63 =	vld [tilespmem:s21+$0x9B0];
	_ =	sdelay $0x4  }
0x2da: {  	[tilespmem:$0x1F290] =	vst v63;
	v63 =	vld [tilespmem:s21+$0xDB0];
	_ =	sdelay $0x4  }
0x2db: {  	[tilespmem:$0x1F2D0] =	vst v63;
	v63 =	vld [tilespmem:s21+$0x89B0];
	_ =	sdelay $0x4  }
0x2dc: {  	[tilespmem:$0x1F230] =	vst v63;
	v63 =	vld [tilespmem:s21+$0x8DB0];
	_ =	sdelay $0x4  }
0x2dd: {  	[tilespmem:$0x1F250] =	vst v63;
	v63 =	vld [tilespmem:s21+$0x109B0];
	_ =	sdelay $0x4  }
0x2de: {  	[tilespmem:$0x1F240] =	vst v63;
	v63 =	vld [tilespmem:s21+$0x10DB0];
	_ =	sdelay $0x4  }
0x2df: {  	[tilespmem:$0x1F260] =	vst v63;
	v63 =	vld [tilespmem:s21+$0x9C0];
	_ =	sdelay $0x4  }
0x2e0: {  	[tilespmem:$0x1F3E0] =	vst v63;
	v63 =	vld [tilespmem:s21+$0xDC0];
	_ =	sdelay $0x4  }
0x2e1: {  	[tilespmem:$0x1F3F0] =	vst v63;
	v63 =	vld [tilespmem:s21+$0x89C0];
	_ =	sdelay $0x4  }
0x2e2: {  	[tilespmem:$0x1F2E0] =	vst v63;
	v63 =	vld [tilespmem:s21+$0x8DC0];
	_ =	sdelay $0x4  }
0x2e3: {  	[tilespmem:$0x1F300] =	vst v63;
	v63 =	vld [tilespmem:s21+$0x109C0];
	_ =	sdelay $0x4  }
0x2e4: {  	[tilespmem:$0x1F2F0] =	vst v63;
	v63 =	vld [tilespmem:s21+$0x10DC0];
	_ =	sdelay $0x4  }
0x2e5: {  	[tilespmem:$0x1F310] =	vst v63;
	v63 =	vld [tilespmem:s21+$0x9D0];
	_ =	sdelay $0x4  }
0x2e6: {  	[tilespmem:$0x1F400] =	vst v63;
	v63 =	vld [tilespmem:s21+$0xDD0];
	_ =	sdelay $0x4  }
0x2e7: {  	[tilespmem:$0x1F410] =	vst v63;
	v63 =	vld [tilespmem:s21+$0x89D0];
	_ =	sdelay $0x4  }
0x2e8: {  	[tilespmem:$0x1F320] =	vst v63;
	v63 =	vld [tilespmem:s21+$0x8DD0];
	_ =	sdelay $0x4  }
0x2e9: {  	[tilespmem:$0x1F340] =	vst v63;
	v63 =	vld [tilespmem:s21+$0x109D0];
	_ =	sdelay $0x4  }
0x2ea: {  	[tilespmem:$0x1F330] =	vst v63;
	v63 =	vld [tilespmem:s21+$0x10DD0];
	_ =	sdelay $0x4  }
0x2eb: {  	[tilespmem:$0x1F350] =	vst v63;
	v63 =	vld [tilespmem:s21+$0x9E0];
	_ =	sdelay $0x4  }
0x2ec: {  	[tilespmem:$0x1F420] =	vst v63;
	v63 =	vld [tilespmem:s21+$0xDE0];
	_ =	sdelay $0x4  }
0x2ed: {  	[tilespmem:$0x1F4C0] =	vst v63;
	v63 =	vld [tilespmem:s21+$0x89E0];
	_ =	sdelay $0x4  }
0x2ee: {  	[tilespmem:$0x1F370] =	vst v63;
	v63 =	vld [tilespmem:s21+$0x8DE0];
	_ =	sdelay $0x4  }
0x2ef: {  	[tilespmem:$0x1F380] =	vst v63;
	v63 =	vld [tilespmem:s21+$0x109E0];
	_ =	sdelay $0x4  }
0x2f0: {  	[tilespmem:$0x1F360] =	vst v63;
	v63 =	vld [tilespmem:s21+$0x10DE0];
	_ =	sdelay $0x4  }
0x2f1: {  	[tilespmem:$0x1F390] =	vst v63;
	v63 =	vld [tilespmem:s21+$0x9F0];
	_ =	sdelay $0x4  }
0x2f2: {  	[tilespmem:$0x1F4D0] =	vst v63;
	v63 =	vld [tilespmem:s21+$0xDF0];
	_ =	sdelay $0x4  }
0x2f3: {  	[tilespmem:$0x1F5D0] =	vst v63;
	v63 =	vld [tilespmem:s21+$0x89F0];
	_ =	sdelay $0x4  }
0x2f4: {  	[tilespmem:$0x1F440] =	vst v63;
	v63 =	vld [tilespmem:s21+$0x8DF0];
	_ =	sdelay $0x4  }
0x2f5: {  	[tilespmem:$0x1F460] =	vst v63;
	v63 =	vld [tilespmem:s21+$0x109F0];
	_ =	sdelay $0x4  }
0x2f6: {  	[tilespmem:$0x1F450] =	vst v63;
	v63 =	vld [tilespmem:s21+$0x10DF0];
	_ =	sdelay $0x4  }
0x2f7: {  	[tilespmem:$0x1F470] =	vst v63;
	v63 =	vld [tilespmem:s21+$0xA00];
	_ =	sdelay $0x4  }
0x2f8: {  	[tilespmem:$0x1F430] =	vst v63;
	v63 =	vld [tilespmem:s21+$0xE00];
	_ =	sdelay $0x4  }
0x2f9: {  	[tilespmem:$0x1F4E0] =	vst v63;
	v63 =	vld [tilespmem:s21+$0x8A00];
	_ =	sdelay $0x4  }
0x2fa: {  	[tilespmem:$0x1F3A0] =	vst v63;
	v63 =	vld [tilespmem:s21+$0x8E00];
	_ =	sdelay $0x4  }
0x2fb: {  	[tilespmem:$0x1F3C0] =	vst v63;
	v63 =	vld [tilespmem:s21+$0x10A00];
	_ =	sdelay $0x4  }
0x2fc: {  	[tilespmem:$0x1F3B0] =	vst v63;
	v63 =	vld [tilespmem:s21+$0x10E00];
	_ =	sdelay $0x4  }
0x2fd: {  	[tilespmem:$0x1F3D0] =	vst v63;
	v63 =	vld [tilespmem:s21+$0xA10];
	_ =	sdelay $0x4  }
0x2fe: {  	[tilespmem:$0x1F4F0] =	vst v63;
	v63 =	vld [tilespmem:s21+$0xE10];
	_ =	sdelay $0x4  }
0x2ff: {  	[tilespmem:$0x1F500] =	vst v63;
	v63 =	vld [tilespmem:s21+$0x8A10];
	_ =	sdelay $0x4  }
0x300: {  	[tilespmem:$0x1F480] =	vst v63;
	v63 =	vld [tilespmem:s21+$0x8E10];
	_ =	sdelay $0x4  }
0x301: {  	[tilespmem:$0x1F4A0] =	vst v63;
	v63 =	vld [tilespmem:s21+$0x10A10];
	_ =	sdelay $0x4  }
0x302: {  	[tilespmem:$0x1F490] =	vst v63;
	v63 =	vld [tilespmem:s21+$0x10E10];
	_ =	sdelay $0x4  }
0x303: {  	[tilespmem:$0x1F4B0] =	vst v63;
	v63 =	vld [tilespmem:s21+$0xA20];
	_ =	sdelay $0x4  }
0x304: {  	[tilespmem:$0x1F5E0] =	vst v63;
	v63 =	vld [tilespmem:s21+$0xE20];
	_ =	sdelay $0x4  }
0x305: {  	[tilespmem:$0x1F5F0] =	vst v63;
	v63 =	vld [tilespmem:s21+$0x8A20];
	_ =	sdelay $0x4  }
0x306: {  	[tilespmem:$0x1F520] =	vst v63;
	v63 =	vld [tilespmem:s21+$0x8E20];
	_ =	sdelay $0x4  }
0x307: {  	[tilespmem:$0x1F540] =	vst v63;
	v63 =	vld [tilespmem:s21+$0x10A20];
	_ =	sdelay $0x4  }
0x308: {  	[tilespmem:$0x1F510] =	vst v63;
	v63 =	vld [tilespmem:s21+$0x10E20];
	_ =	sdelay $0x4  }
0x309: {  	[tilespmem:$0x1F530] =	vst v63;
	v63 =	vld [tilespmem:s21+$0xA30];
	_ =	sdelay $0x4  }
0x30a: {  	[tilespmem:$0x1F600] =	vst v63;
	v63 =	vld [tilespmem:s21+$0xE30];
	_ =	sdelay $0x4  }
0x30b: {  	[tilespmem:$0x1F610] =	vst v63;
	v63 =	vld [tilespmem:s21+$0x8A30];
	_ =	sdelay $0x4  }
0x30c: {  	[tilespmem:$0x1F560] =	vst v63;
	v63 =	vld [tilespmem:s21+$0x8E30];
	_ =	sdelay $0x4  }
0x30d: {  	[tilespmem:$0x1F580] =	vst v63;
	v63 =	vld [tilespmem:s21+$0x10A30];
	_ =	sdelay $0x4  }
0x30e: {  	[tilespmem:$0x1F550] =	vst v63;
	v63 =	vld [tilespmem:s21+$0x10E30];
	_ =	sdelay $0x4  }
0x30f: {  	[tilespmem:$0x1F570] =	vst v63;
	v63 =	vld [tilespmem:s21+$0xA40];
	_ =	sdelay $0x4  }
0x310: {  	[tilespmem:$0x1F620] =	vst v63;
	v63 =	vld [tilespmem:s21+$0xE40];
	_ =	sdelay $0x4  }
0x311: {  	[tilespmem:$0x1F6F0] =	vst v63;
	v63 =	vld [tilespmem:s21+$0x8A40];
	_ =	sdelay $0x4  }
0x312: {  	[tilespmem:$0x1F590] =	vst v63;
	v63 =	vld [tilespmem:s21+$0x8E40];
	_ =	sdelay $0x4  }
0x313: {  	[tilespmem:$0x1F5B0] =	vst v63;
	v63 =	vld [tilespmem:s21+$0x10A40];
	_ =	sdelay $0x4  }
0x314: {  	[tilespmem:$0x1F5A0] =	vst v63;
	v63 =	vld [tilespmem:s21+$0x10E40];
	_ =	sdelay $0x4  }
0x315: {  	[tilespmem:$0x1F5C0] =	vst v63;
	v63 =	vld [tilespmem:s21+$0xA50];
	_ =	sdelay $0x4  }
0x316: {  	[tilespmem:$0x1F710] =	vst v63;
	v63 =	vld [tilespmem:s21+$0xE50];
	_ =	sdelay $0x4  }
0x317: {  	[tilespmem:$0x1F720] =	vst v63;
	v63 =	vld [tilespmem:s21+$0x8A50];
	_ =	sdelay $0x4  }
0x318: {  	[tilespmem:$0x1F640] =	vst v63;
	v63 =	vld [tilespmem:s21+$0x8E50];
	_ =	sdelay $0x4  }
0x319: {  	[tilespmem:$0x1F660] =	vst v63;
	v63 =	vld [tilespmem:s21+$0x10A50];
	_ =	sdelay $0x4  }
0x31a: {  	[tilespmem:$0x1F630] =	vst v63;
	v63 =	vld [tilespmem:s21+$0x10E50];
	_ =	sdelay $0x4  }
0x31b: {  	[tilespmem:$0x1F650] =	vst v63;
	v63 =	vld [tilespmem:s21+$0xA60];
	_ =	sdelay $0x4  }
0x31c: {  	[tilespmem:$0x1F830] =	vst v63;
	v63 =	vld [tilespmem:s21+$0xE60];
	_ =	sdelay $0x4  }
0x31d: {  	[tilespmem:$0x1F840] =	vst v63;
	v63 =	vld [tilespmem:s21+$0x8A60];
	_ =	sdelay $0x4  }
0x31e: {  	[tilespmem:$0x1F760] =	vst v63;
	v63 =	vld [tilespmem:s21+$0x8E60];
	_ =	sdelay $0x4  }
0x31f: {  	[tilespmem:$0x1F7C0] =	vst v63;
	v63 =	vld [tilespmem:s21+$0x10A60];
	_ =	sdelay $0x4  }
0x320: {  	[tilespmem:$0x1F750] =	vst v63;
	v63 =	vld [tilespmem:s21+$0x10E60];
	_ =	sdelay $0x4  }
0x321: {  	[tilespmem:$0x1F770] =	vst v63;
	v63 =	vld [tilespmem:s21+$0xA70];
	_ =	sdelay $0x4  }
0x322: {  	[tilespmem:$0x1F950] =	vst v63;
	v63 =	vld [tilespmem:s21+$0xE70];
	_ =	sdelay $0x4  }
0x323: {  	[tilespmem:$0x1F970] =	vst v63;
	v63 =	vld [tilespmem:s21+$0x8A70];
	_ =	sdelay $0x4  }
0x324: {  	[tilespmem:$0x1F880] =	vst v63;
	v63 =	vld [tilespmem:s21+$0x8E70];
	_ =	sdelay $0x4  }
0x325: {  	[tilespmem:$0x1F8E0] =	vst v63;
	v63 =	vld [tilespmem:s21+$0x10A70];
	_ =	sdelay $0x4  }
0x326: {  	[tilespmem:$0x1F870] =	vst v63;
	v63 =	vld [tilespmem:s21+$0x10E70];
	_ =	sdelay $0x4  }
0x327: {  	[tilespmem:$0x1F8D0] =	vst v63;
	v63 =	vld [tilespmem:s21+$0xA80];
	_ =	sdelay $0x4  }
0x328: {  	[tilespmem:$0x1F700] =	vst v63;
	v63 =	vld [tilespmem:s21+$0xE80];
	_ =	sdelay $0x4  }
0x329: {  	[tilespmem:$0x1F730] =	vst v63;
	v63 =	vld [tilespmem:s21+$0x8A80];
	_ =	sdelay $0x4  }
0x32a: {  	[tilespmem:$0x1F670] =	vst v63;
	v63 =	vld [tilespmem:s21+$0x8E80];
	_ =	sdelay $0x4  }
0x32b: {  	[tilespmem:$0x1F690] =	vst v63;
	v63 =	vld [tilespmem:s21+$0x10A80];
	_ =	sdelay $0x4  }
0x32c: {  	[tilespmem:$0x1F680] =	vst v63;
	v63 =	vld [tilespmem:s21+$0x10E80];
	_ =	sdelay $0x4  }
0x32d: {  	[tilespmem:$0x1F6A0] =	vst v63;
	v63 =	vld [tilespmem:s21+$0xA90];
	_ =	sdelay $0x1  }
0x32e: {  	v16 =	vld [tilespmem:s21+$0x84B0]  }
0x32f: {  	v17 =	vld [tilespmem:s21+$0x88B0]  }
0x330: {  	v15 =	vld [tilespmem:s21+$0x104B0]  }
0x331: {  	[tilespmem:$0x1F740] =	vst v63;
	v63 =	vld [tilespmem:s21+$0xE90]  }
0x332: {  	v14 =	vld [tilespmem:s21+$0x108B0]  }
0x333: {  	v0 =	vld [tilespmem:s21+$0x4C0]  }
0x334: {  	v46 =	vld [tilespmem:s21+$0x8C0]  }
0x335: {  	v21 =	vld [tilespmem:s21+$0x84C0]  }
0x336: {  	[tilespmem:$0x1F7D0] =	vst v63;
	v63 =	vld [tilespmem:s21+$0x8A90]  }
0x337: {  	v22 =	vld [tilespmem:s21+$0x88C0]  }
0x338: {  	v19 =	vld [tilespmem:s21+$0x104C0]  }
0x339: {  	v18 =	vld [tilespmem:s21+$0x108C0]  }
0x33a: {  	v47 =	vld [tilespmem:s21+$0x4D0]  }
0x33b: {  	[tilespmem:$0x1F6B0] =	vst v63;
	v63 =	vld [tilespmem:s21+$0x8E90]  }
0x33c: {  	v48 =	vld [tilespmem:s21+$0x8D0]  }
0x33d: {  	v28 =	vld [tilespmem:s21+$0x84D0]  }
0x33e: {  	v29 =	vld [tilespmem:s21+$0x88D0]  }
0x33f: {  	v27 =	vld [tilespmem:s21+$0x104D0]  }
0x340: {  	[tilespmem:$0x1F6D0] =	vst v63;
	v63 =	vld [tilespmem:s21+$0x10A90]  }
0x341: {  	v24 =	vld [tilespmem:s21+$0x108D0]  }
0x342: {  	v49 =	vld [tilespmem:s21+$0x4E0]  }
0x343: {  	v50 =	vld [tilespmem:s21+$0x8E0]  }
0x344: {  	v39 =	vld [tilespmem:s21+$0x84E0]  }
0x345: {  	[tilespmem:$0x1F6C0] =	vst v63;
	v63 =	vld [tilespmem:s21+$0x10E90]  }
0x346: {  	v41 =	vld [tilespmem:s21+$0x88E0]  }
0x347: {  	v40 =	vld [tilespmem:s21+$0x104E0]  }
0x348: {  	v38 =	vld [tilespmem:s21+$0x108E0]  }
0x349: {  	v51 =	vld [tilespmem:s21+$0x4F0]  }
0x34a: {  	[tilespmem:$0x1F6E0] =	vst v63;
	v63 =	vld [tilespmem:s21+$0xAA0]  }
0x34b: {  	v52 =	vld [tilespmem:s21+$0x8F0]  }
0x34c: {  	v54 =	vld [tilespmem:s21+$0x84F0]  }
0x34d: {  	v53 =	vld [tilespmem:s21+$0x500]  }
0x34e: {  	v55 =	vld [tilespmem:s21+$0x900]  }
0x34f: {  	[tilespmem:$0x1F7E0] =	vst v63;
	v63 =	vld [tilespmem:s21+$0xEA0]  }
0x350: {  	v26 =	vld [tilespmem:s21+$0x8500]  }
0x351: {  	v25 =	vld [tilespmem:s21+$0x8900]  }
0x352: {  	v23 =	vld [tilespmem:s21+$0x10500]  }
0x353: {  	v20 =	vld [tilespmem:s21+$0x10900]  }
0x354: {  	[tilespmem:$0x1F850] =	vst v63;
	v63 =	vld [tilespmem:s21+$0x8AA0]  }
0x355: {  	v56 =	vld [tilespmem:s21+$0x510]  }
0x356: {  	v57 =	vld [tilespmem:s21+$0x910]  }
0x357: {  	v32 =	vld [tilespmem:s21+$0x8510]  }
0x358: {  	v33 =	vld [tilespmem:s21+$0x8910]  }
0x359: {  	[tilespmem:$0x1F780] =	vst v63;
	v63 =	vld [tilespmem:s21+$0x8EA0]  }
0x35a: {  	v31 =	vld [tilespmem:s21+$0x10510]  }
0x35b: {  	v30 =	vld [tilespmem:s21+$0x10910]  }
0x35c: {  	v58 =	vld [tilespmem:s21+$0x520]  }
0x35d: {  	v59 =	vld [tilespmem:s21+$0x920]  }
0x35e: {  	[tilespmem:$0x1F7A0] =	vst v63;
	v63 =	vld [tilespmem:s21+$0x10AA0]  }
0x35f: {  	v36 =	vld [tilespmem:s21+$0x8520]  }
0x360: {  	v37 =	vld [tilespmem:s21+$0x8920]  }
0x361: {  	v35 =	vld [tilespmem:s21+$0x10520]  }
0x362: {  	v34 =	vld [tilespmem:s21+$0x10920]  }
0x363: {  	[tilespmem:$0x1F790] =	vst v63;
	v63 =	vld [tilespmem:s21+$0x10EA0]  }
0x364: {  	v60 =	vld [tilespmem:s21+$0x530]  }
0x365: {  	v61 =	vld [tilespmem:s21+$0x930]  }
0x366: {  	v44 =	vld [tilespmem:s21+$0x8530]  }
0x367: {  	v45 =	vld [tilespmem:s21+$0x8930]  }
0x368: {  	[tilespmem:$0x1F7B0] =	vst v63;
	v63 =	vld [tilespmem:s21+$0xAB0]  }
0x369: {  	v43 =	vld [tilespmem:s21+$0x10530]  }
0x36a: {  	v42 =	vld [tilespmem:s21+$0x10930]  }
0x36b: {  	v62 =	vld [tilespmem:s21+$0x540];
	[tilespmem:$0x1EFB0] =	vst v0  }
0x36c: {  	[tilespmem:$0x1F090] =	vst v52;
	v52 =	vld [tilespmem:s21+$0x88F0]  }
0x36d: {  	[tilespmem:$0x1F860] =	vst v63;
	v63 =	vld [tilespmem:s21+$0xEB0]  }
0x36e: {  	[tilespmem:$0x1F080] =	vst v51;
	v51 =	vld [tilespmem:s21+$0x104F0]  }
0x36f: {  	[tilespmem:$0x1EFE0] =	vst v48;
	v48 =	vld [tilespmem:s21+$0x108F0]  }
0x370: {  	[tilespmem:$0x1F050] =	vst v59;
	v59 =	vld [tilespmem:s21+$0x8540]  }
0x371: {  	[tilespmem:$0x1F040] =	vst v58;
	v58 =	vld [tilespmem:s21+$0x8940]  }
0x372: {  	[tilespmem:$0x1F8F0] =	vst v63;
	v63 =	vld [tilespmem:s21+$0x8AB0]  }
0x373: {  	[tilespmem:$0x1F030] =	vst v57;
	v57 =	vld [tilespmem:s21+$0x10540]  }
0x374: {  	[tilespmem:$0x1EFF0] =	vst v53;
	v53 =	vld [tilespmem:s21+$0x10940]  }
0x375: {  	[tilespmem:$0x1EFC0] =	vst v46;
	v46 =	vld [tilespmem:s21+$0x550]  }
0x376: {  	[tilespmem:$0x1EFD0] =	vst v47;
	v47 =	vld [tilespmem:s21+$0x950]  }
0x377: {  	[tilespmem:$0x1F7F0] =	vst v63;
	v63 =	vld [tilespmem:s21+$0x8EB0]  }
0x378: {  	[tilespmem:$0x1F010] =	vst v55;
	v55 =	vld [tilespmem:s21+$0x8550]  }
0x379: {  	[tilespmem:$0x1F0A0] =	vst v61;
	v61 =	vld [tilespmem:s21+$0x8950]  }
0x37a: {  	[tilespmem:$0x1F070] =	vst v60;
	v60 =	vld [tilespmem:s21+$0x10550]  }
0x37b: {  	[tilespmem:$0x1F020] =	vst v56;
	v56 =	vld [tilespmem:s21+$0x10950]  }
0x37c: {  	[tilespmem:$0x1F810] =	vst v63;
	v63 =	vld [tilespmem:s21+$0x10EB0]  }
0x37d: {  	[tilespmem:$0x1F000] =	vst v49;
	v49 =	vld [tilespmem:s21+$0x560]  }
0x37e: {  	v1 =	vmul.f32 v3, v4;
	[tilespmem:$0x1F060] =	vst v50;
	v50 =	vld [tilespmem:s21+$0x960];
	v0 =	vmul.f32 v2, v5  }
0x37f: {  	v3 =	vmul.f32 v3, v5;
	[tilespmem:$0x1F0B0] =	vst v62;
	v62 =	vld [tilespmem:s21+$0x8560];
	v2 =	vmul.f32 v2, v4  }
0x380: {  	v5 =	vld [tilespmem:s21+$0x10AB0];
	v0 =	vadd.f32 v0, v1  }
0x381: {  	v1 =	vsub.f32 v2, v3;
	v2 =	vmul.f32 v7, v8;
	v3 =	vmul.f32 v6, v9;
	[tilespmem:$0x1F820] =	vst v63;
	v63 =	vld [tilespmem:$0x1EF30]  }
0x382: {  	v4 =	vmul.f32 v7, v9;
	v9 =	vld [tilespmem:s21+$0x8AC0]  }
0x383: {  	v2 =	vadd.f32 v3, v2;
	v3 =	vmul.f32 v6, v8;
	v8 =	vld [tilespmem:$0x1EF50]  }
0x384: {  	[tilespmem:$0x1F110] =	vst v46;
	v46 =	vld [tilespmem:s21+$0x10560]  }
0x385: {  	[tilespmem:$0x1F120] =	vst v47;
	v47 =	vld [tilespmem:s21+$0x10960]  }
0x386: {  	v0 =	vmul.f32 v0, v63;
	v63 =	vld [tilespmem:s21+$0xAC0]  }
0x387: {  	[tilespmem:$0x1F280] =	vst v49;
	v49 =	vld [tilespmem:s21+$0x570]  }
0x388: {  	[tilespmem:$0x1F2A0] =	vst v50;
	v50 =	vld [tilespmem:s21+$0x970]  }
0x389: {  	[tilespmem:$0x1F160] =	vst v62;
	v62 =	vld [tilespmem:s21+$0x8570]  }
0x38a: {  	[tilespmem:$0x1F890] =	vst v9;
	v9 =	vld [tilespmem:s21+$0x10AC0]  }
0x38b: {  	[tilespmem:$0x1F900] =	vst v63;
	v63 =	vld [tilespmem:$0x1EF40]  }
0x38c: {  	[tilespmem:$0x1F150] =	vst v46;
	v46 =	vld [tilespmem:s21+$0x10570]  }
0x38d: {  	[tilespmem:$0x1F170] =	vst v47;
	v47 =	vld [tilespmem:s21+$0x10970]  }
0x38e: {  	[tilespmem:$0x1F2C0] =	vst v50;
	v50 =	vld [tilespmem:s21+$0xD80]  }
0x38f: {  	[tilespmem:$0x1F2B0] =	vst v49;
	v49 =	vld [tilespmem:s21+$0x980]  }
0x390: {  	v1 =	vmul.f32 v1, v63;
	v63 =	vld [tilespmem:s21+$0xEC0]  }
0x391: {  	[tilespmem:$0x1F200] =	vst v62;
	v62 =	vld [tilespmem:s21+$0x990]  }
0x392: {  	[tilespmem:$0x1F8A0] =	vst v9;
	v9 =	vld [tilespmem:s21+$0xAD0];
	v0 =	vadd.f32 $0.0e+00, v0  }
0x393: {  	[tilespmem:$0x1F130] =	vst v50;
	v50 =	vld [tilespmem:s21+$0x8980]  }
0x394: {  	v0 =	vadd.f32 v0, v1;
	v1 =	vmul.f32 v2, v8;
	v8 =	vld [tilespmem:$0x1EF60]  }
0x395: {  	[tilespmem:$0x1F960] =	vst v63;
	v63 =	vld [tilespmem:s21+$0x8EC0]  }
0x396: {  	[tilespmem:$0x1F100] =	vst v49;
	v49 =	vld [tilespmem:s21+$0x8D80]  }
0x397: {  	[tilespmem:$0x1F210] =	vst v47;
	v47 =	vld [tilespmem:s21+$0x10980];
	v2 =	vsub.f32 v3, v4  }
0x398: {  	[tilespmem:$0x1F140] =	vst v62;
	v62 =	vld [tilespmem:s21+$0x8990];
	v3 =	vmul.f32 v11, v12  }
0x399: {  	v0 =	vadd.f32 v1, v0;
	v1 =	vmul.f32 v2, v8;
	v8 =	vmul.f32 v11, v13;
	v11 =	vld [tilespmem:$0x1EF70]  }
0x39a: {  	[tilespmem:$0x1F8B0] =	vst v63;
	v63 =	vld [tilespmem:s21+$0x10EC0]  }
0x39b: {  	[tilespmem:$0x1F980] =	vst v9;
	v9 =	vld [tilespmem:s21+$0xED0];
	v4 =	vmul.f32 v10, v13  }
0x39c: {  	v13 =	vld [tilespmem:s21+$0x8ED0]  }
0x39d: {  	[tilespmem:$0x1F1F0] =	vst v46;
	v46 =	vld [tilespmem:s21+$0x10D80];
	v2 =	vadd.f32 v4, v3  }
0x39e: {  	[tilespmem:$0x1F0C0] =	vst v62;
	v62 =	vld [tilespmem:s21+$0x10990]  }
0x39f: {  	v0 =	vadd.f32 v0, v1;
	v1 =	vmul.f32 v2, v11;
	v11 =	vld [tilespmem:s21+$0x10ED0];
	[tilespmem:$0x1F8C0] =	vst v63;
	v63 =	vmul.f32 v10, v12  }
0x3a0: {  	[tilespmem:$0x1FA20] =	vst v9;
	v10 =	vld [tilespmem:s21+$0x8AD0]  }
0x3a1: {  	v9 =	vld [tilespmem:s21+$0x10AD0];
	[tilespmem:$0x1F930] =	vst v13;
	v13 =	vmul.f32 v14, v16;
	v12 =	vsub.f32 v63, v8;
	v63 =	vmul.f32 v15, v16  }
0x3a2: {  	v8 =	vmul.f32 v14, v17;
	v14 =	vmul.f32 v15, v17;
	v15 =	vld [tilespmem:s21+$0xAE0]  }
0x3a3: {  	[tilespmem:$0x1F0D0] =	vst v62;
	v16 =	vld [tilespmem:s21+$0xEE0]  }
0x3a4: {  	[tilespmem:$0x1F940] =	vst v11;
	v11 =	vld [tilespmem:s21+$0x8EE0]  }
0x3a5: {  	[tilespmem:$0x1F910] =	vst v10;
	v10 =	vld [tilespmem:$0x1EF80]  }
0x3a6: {  	v62 =	vld [tilespmem:s21+$0x10D90];
	[tilespmem:$0x1F920] =	vst v9  }
0x3a7: {  	v9 =	vmul.f32 v19, v21;
	v17 =	vld [tilespmem:$0x1EF90];
	[tilespmem:$0x1FA30] =	vst v15  }
0x3a8: {  	[tilespmem:$0x1FA70] =	vst v16;
	v15 =	vmul.f32 v18, v21;
	v16 =	vmul.f32 v19, v22;
	v21 =	vld [tilespmem:s21+$0xAF0]  }
0x3a9: {  	[tilespmem:$0x1F9D0] =	vst v11;
	v19 =	vmul.f32 v24, v29;
	v11 =	vmul.f32 v24, v28;
	v24 =	vld [tilespmem:s21+$0x10EF0]  }
0x3aa: {  	v0 =	vadd.f32 v1, v0;
	v1 =	vmul.f32 v12, v10;
	v12 =	vadd.f32 v8, v63;
	v8 =	vld [tilespmem:s21+$0x8AE0]  }
0x3ab: {  	v63 =	vsub.f32 v13, v14;
	v13 =	vld [tilespmem:s21+$0x10AE0]  }
0x3ac: {  	v10 =	vmul.f32 v18, v22;
	v22 =	vld [tilespmem:$0x1EFB0]  }
0x3ad: {  	v0 =	vadd.f32 v0, v1;
	v1 =	vmul.f32 v12, v17;
	v12 =	vld [tilespmem:$0x1EFA0]  }
0x3ae: {  	v18 =	vmul.f32 v27, v28;
	v17 =	vld [tilespmem:s21+$0x10EE0]  }
0x3af: {  	v14 =	vadd.f32 v10, v9;
	v9 =	vld [tilespmem:s21+$0xEF0]  }
0x3b0: {  	v10 =	vadd.f32 v19, v18;
	v18 =	vld [tilespmem:$0x1EFD0]  }
0x3b1: {  	v19 =	vld [tilespmem:s21+$0x10AF0]  }
0x3b2: {  	[tilespmem:$0x1FAC0] =	vst v24;
	v24 =	vld [tilespmem:$0x1F020]  }
0x3b3: {  	[tilespmem:$0x1F9C0] =	vst v13;
	v13 =	vld [tilespmem:s21+$0x8AF0]  }
0x3b4: {  	[tilespmem:$0x1F9B0] =	vst v8;
	v8 =	vld [tilespmem:s21+$0x10F30]  }
0x3b5: {  	v0 =	vadd.f32 v1, v0;
	v1 =	vmul.f32 v63, v12;
	v63 =	vsub.f32 v15, v16;
	v16 =	vld [tilespmem:s21+$0x8EF0]  }
0x3b6: {  	[tilespmem:$0x1F9E0] =	vst v17;
	v17 =	vld [tilespmem:$0x1EFC0]  }
0x3b7: {  	[tilespmem:$0x1FB00] =	vst v21;
	v12 =	vmul.f32 v27, v29;
	v29 =	vld [tilespmem:s21+$0xB00]  }
0x3b8: {  	v21 =	vmul.f32 v40, v39;
	[tilespmem:$0x1FA90] =	vst v19;
	v19 =	vld [tilespmem:s21+$0x8F00]  }
0x3b9: {  	v15 =	vmul.f32 v20, v25;
	v27 =	vmul.f32 v20, v26;
	v20 =	vld [tilespmem:$0x1F010]  }
0x3ba: {  	v3 =	vmul.f32 v10, v18;
	v18 =	vmul.f32 v38, v39;
	v39 =	vld [tilespmem:s21+$0x10B00]  }
0x3bb: {  	v28 =	vmul.f32 v23, v25;
	v25 =	vld [tilespmem:s21+$0xB10];
	v0 =	vadd.f32 v0, v1  }
0x3bc: {  	v1 =	vmul.f32 v14, v22;
	v14 =	vmul.f32 v23, v26;
	v4 =	vsub.f32 v11, v12;
	v12 =	vld [tilespmem:$0x1EFF0]  }
0x3bd: {  	v22 =	vmul.f32 v38, v41;
	v23 =	vmul.f32 v40, v41;
	v38 =	vld [tilespmem:s21+$0x8F10]  }
0x3be: {  	v40 =	vmul.f32 v51, v54;
	v41 =	vmul.f32 v48, v54;
	v54 =	vld [tilespmem:s21+$0x10B10]  }
0x3bf: {  	[tilespmem:$0x1FAA0] =	vst v13;
	v13 =	vld [tilespmem:s21+$0xF00];
	v0 =	vadd.f32 v1, v0;
	v1 =	vadd.f32 v15, v14  }
0x3c0: {  	[tilespmem:$0x1F800] =	vst v5;
	v5 =	vadd.f32 v22, v21;
	v15 =	vmul.f32 v30, v33;
	v21 =	vmul.f32 v30, v32;
	v30 =	vld [tilespmem:s21+$0x10F00]  }
0x3c1: {  	v14 =	vmul.f32 v31, v32;
	v32 =	vld [tilespmem:s21+$0x8B10]  }
0x3c2: {  	v22 =	vmul.f32 v31, v33;
	v31 =	vld [tilespmem:$0x1F070]  }
0x3c3: {  	v2 =	vmul.f32 v63, v17;
	v63 =	vld [tilespmem:$0x1EFE0]  }
0x3c4: {  	[tilespmem:$0x1FAB0] =	vst v16;
	v16 =	vld [tilespmem:s21+$0x8B00]  }
0x3c5: {  	v17 =	vld [tilespmem:$0x1F000]  }
0x3c6: {  	v26 =	vmul.f32 v35, v36;
	v48 =	vmul.f32 v48, v52;
	[tilespmem:$0x1FA40] =	vst v25;
	v25 =	vld [tilespmem:s21+$0x8B20]  }
0x3c7: {  	[tilespmem:$0x1FA00] =	vst v29;
	v29 =	vmul.f32 v34, v36;
	v36 =	vmul.f32 v35, v37;
	v35 =	vld [tilespmem:s21+$0x10B20]  }
0x3c8: {  	[tilespmem:$0x1F9A0] =	vst v19;
	v19 =	vadd.f32 v48, v40;
	v40 =	vld [tilespmem:$0x1F0B0]  }
0x3c9: {  	v0 =	vadd.f32 v0, v2;
	v2 =	vsub.f32 v27, v28;
	v28 =	vld [tilespmem:s21+$0xF10]  }
0x3ca: {  	v27 =	vmul.f32 v34, v37;
	v37 =	vld [tilespmem:$0x1F030]  }
0x3cb: {  	v34 =	vld [tilespmem:$0x1F080]  }
0x3cc: {  	[tilespmem:$0x1F9F0] =	vst v38;
	v38 =	vld [tilespmem:$0x1F0A0]  }
0x3cd: {  	v6 =	vadd.f32 v15, v14;
	v1 =	vmul.f32 v1, v12;
	[tilespmem:$0x1F990] =	vst v16;
	v16 =	vld [tilespmem:$0x1F040]  }
0x3ce: {  	v0 =	vadd.f32 v3, v0;
	v2 =	vmul.f32 v2, v20;
	v3 =	vmul.f32 v5, v17;
	v17 =	vld [tilespmem:$0x1F050]  }
0x3cf: {  	v1 =	vadd.f32 $0.0e+00, v1;
	v20 =	vmul.f32 v43, v44;
	v5 =	vsub.f32 v18, v23;
	v18 =	vld [tilespmem:s21+$0xB20]  }
0x3d0: {  	v4 =	vmul.f32 v4, v63;
	v63 =	vmul.f32 v51, v52;
	v52 =	vld [tilespmem:s21+$0x8F30]  }
0x3d1: {  	[tilespmem:$0x1FA50] =	vst v25;
	v25 =	vld [tilespmem:$0x1F0E0];
	v1 =	vadd.f32 v1, v2;
	v2 =	vmul.f32 v6, v24;
	v24 =	vmul.f32 v43, v45  }
0x3d2: {  	v6 =	vadd.f32 v27, v26;
	v26 =	vmul.f32 v57, v59;
	v43 =	vmul.f32 v53, v59;
	v59 =	vld [tilespmem:s21+$0x10B30]  }
0x3d3: {  	v23 =	vmul.f32 v42, v44;
	v44 =	vmul.f32 v57, v58;
	v57 =	vld [tilespmem:$0x1F1A0]  }
0x3d4: {  	v27 =	vmul.f32 v53, v58;
	v58 =	vld [tilespmem:$0x1F1B0]  }
0x3d5: {  	v0 =	vadd.f32 v0, v4;
	v4 =	vsub.f32 v21, v22;
	v22 =	vld [tilespmem:s21+$0xF20]  }
0x3d6: {  	[tilespmem:$0x1FA80] =	vst v28;
	v28 =	vld [tilespmem:s21+$0x8F20]  }
0x3d7: {  	v21 =	vmul.f32 v42, v45;
	v42 =	vld [tilespmem:s21+$0x10F20]  }
0x3d8: {  	[tilespmem:$0x1FB70] =	vst v9;
	v9 =	vsub.f32 v41, v63;
	v41 =	vld [tilespmem:s21+$0xF30]  }
0x3d9: {  	v45 =	vld [tilespmem:s21+$0x8B30]  }
0x3da: {  	v33 =	vadd.f32 v27, v26;
	v27 =	vld [tilespmem:s21+$0xF40]  }
0x3db: {  	v1 =	vadd.f32 v2, v1;
	v2 =	vmul.f32 v4, v37;
	v4 =	vld [tilespmem:s21+$0x10F10]  }
0x3dc: {  	v0 =	vadd.f32 v3, v0;
	v3 =	vsub.f32 v29, v36;
	v29 =	vld [tilespmem:$0x1F060]  }
0x3dd: {  	v36 =	vld [tilespmem:$0x1F090]  }
0x3de: {  	v48 =	vmul.f32 v60, v55;
	v37 =	vld [tilespmem:s21+$0xB30]  }
0x3df: {  	v51 =	vmul.f32 v56, v55;
	v55 =	vmul.f32 v60, v61;
	v7 =	vadd.f32 v21, v20;
	v21 =	vld [tilespmem:s21+$0xB40]  }
0x3e0: {  	v60 =	vmul.f32 v47, v50;
	v20 =	vmul.f32 v47, v49;
	v47 =	vld [tilespmem:s21+$0xB50]  }
0x3e1: {  	v53 =	vmul.f32 v56, v61;
	v61 =	vmul.f32 v46, v49;
	v49 =	vld [tilespmem:$0x1F160]  }
0x3e2: {  	[tilespmem:$0x1FAF0] =	vst v52;
	v52 =	vld [tilespmem:s21+$0xF50]  }
0x3e3: {  	[tilespmem:$0x1FB10] =	vst v22;
	v22 =	vld [tilespmem:$0x1F0C0]  }
0x3e4: {  	v1 =	vadd.f32 v1, v2;
	v2 =	vmul.f32 v6, v16;
	[tilespmem:$0x1FA60] =	vst v28;
	v28 =	vld [tilespmem:$0x1F0F0]  }
0x3e5: {  	[tilespmem:$0x1FB60] =	vst v41;
	v41 =	vld [tilespmem:s21+$0x10B40]  }
0x3e6: {  	v1 =	vadd.f32 v2, v1;
	v2 =	vsub.f32 v23, v24;
	v23 =	vld [tilespmem:$0x1F0D0]  }
0x3e7: {  	[tilespmem:$0x1FB20] =	vst v37;
	v37 =	vld [tilespmem:s21+$0x8F40]  }
0x3e8: {  	v5 =	vmul.f32 v5, v29;
	v29 =	vsub.f32 v51, v55;
	v51 =	vld [tilespmem:$0x1F170]  }
0x3e9: {  	v3 =	vmul.f32 v3, v17;
	v55 =	vld [tilespmem:$0x1F190]  }
0x3ea: {  	[tilespmem:$0x1FB80] =	vst v21;
	v21 =	vld [tilespmem:$0x1F1C0]  }
0x3eb: {  	v63 =	vmul.f32 v46, v50;
	v1 =	vadd.f32 v1, v3;
	v3 =	vmul.f32 v7, v31;
	v31 =	vld [tilespmem:s21+$0x8B40]  }
0x3ec: {  	v2 =	vmul.f32 v2, v38;
	v38 =	vld [tilespmem:$0x1F110]  }
0x3ed: {  	v0 =	vadd.f32 v0, v5;
	v5 =	vmul.f32 v19, v34;
	v34 =	vsub.f32 v63, v20;
	v63 =	vld [tilespmem:s21+$0x8B50]  }
0x3ee: {  	v1 =	vadd.f32 v3, v1;
	v3 =	vmul.f32 v33, v40;
	v33 =	vld [tilespmem:$0x1F100]  }
0x3ef: {  	v40 =	vld [tilespmem:$0x1F120]  }
0x3f0: {  	[tilespmem:$0x1FA10] =	vst v13;
	v0 =	vadd.f32 v5, v0;
	v5 =	vsub.f32 v43, v44;
	v43 =	vld [tilespmem:$0x1F130]  }
0x3f1: {  	[tilespmem:$0x1FAD0] =	vst v18;
	v26 =	vmul.f32 v62, v25;
	v44 =	vld [tilespmem:$0x1F140]  }
0x3f2: {  	[tilespmem:$0x1FAE0] =	vst v45;
	v24 =	vmul.f32 v23, v22;
	v46 =	vmul.f32 v23, v25;
	v23 =	vld [tilespmem:s21+$0x8F50]  }
0x3f3: {  	[tilespmem:$0x1FB50] =	vst v37;
	v37 =	vld [tilespmem:$0x1F200]  }
0x3f4: {  	[tilespmem:$0x1FB90] =	vst v27;
	v6 =	vmul.f32 v9, v36;
	v36 =	vadd.f32 v26, v24;
	v24 =	vld [tilespmem:$0x1F1D0]  }
0x3f5: {  	[tilespmem:$0x1FC10] =	vst v47;
	v26 =	vld [tilespmem:s21+$0x10B50]  }
0x3f6: {  	v1 =	vadd.f32 v1, v2;
	v0 =	vadd.f32 v0, v6;
	[tilespmem:$0x1FB30] =	vst v31;
	v31 =	vld [tilespmem:s21+$0x10F50]  }
0x3f7: {  	[tilespmem:$0x1FC30] =	vst v52;
	v2 =	vmul.f32 v29, v40;
	v40 =	vld [tilespmem:s21+$0xB60]  }
0x3f8: {  	v5 =	vmul.f32 v5, v28;
	v1 =	vadd.f32 v3, v1;
	[tilespmem:$0x1FF20] =	vst v0;
	v0 =	vadd.f32 v53, v48;
	v48 =	vld [tilespmem:$0x1F150]  }
0x3f9: {  	[tilespmem:$0x1FB40] =	vst v41;
	v53 =	vld [tilespmem:$0x1F180]  }
0x3fa: {  	v1 =	vadd.f32 v1, v5;
	v5 =	vld [tilespmem:s21+$0x10F40];
	[tilespmem:$0x1FBB0] =	vst v23  }
0x3fb: {  	v6 =	vmul.f32 v34, v43;
	v34 =	vld [tilespmem:$0x1F1E0];
	[tilespmem:$0x1FBA0] =	vst v26  }
0x3fc: {  	v7 =	vmul.f32 v36, v44;
	v36 =	vld [tilespmem:$0x1F1F0];
	[tilespmem:$0x1FC40] =	vst v40  }
0x3fd: {  	v11 =	vld [tilespmem:$0x1F210]  }
0x3fe: {  	v45 =	vmul.f32 v62, v22;
	v0 =	vmul.f32 v0, v38;
	v43 =	vld [tilespmem:$0x1F220]  }
0x3ff: {  	v44 =	vld [tilespmem:s21+$0xF60]  }
0x400: {  	v0 =	vadd.f32 v0, v1;
	v1 =	vsub.f32 v45, v46;
	v45 =	vld [tilespmem:$0x1F230]  }
0x401: {  	v46 =	vld [tilespmem:$0x1F240]  }
0x402: {  	v50 =	vmul.f32 v48, v49;
	v12 =	vmul.f32 v48, v21;
	v48 =	vld [tilespmem:$0x1F250]  }
0x403: {  	v10 =	vmul.f32 v51, v49;
	v49 =	vld [tilespmem:$0x1F260]  }
0x404: {  	v22 =	vmul.f32 v51, v21;
	v3 =	vadd.f32 v61, v60;
	v51 =	vld [tilespmem:s21+$0x8B60]  }
0x405: {  	v56 =	vmul.f32 v55, v53;
	v27 =	vmul.f32 v58, v53;
	v53 =	vld [tilespmem:$0x1F270]  }
0x406: {  	v3 =	vmul.f32 v3, v33;
	v33 =	vmul.f32 v55, v57;
	v55 =	vld [tilespmem:s21+$0x8F60]  }
0x407: {  	v60 =	vld [tilespmem:s21+$0x10B60]  }
0x408: {  	v61 =	vld [tilespmem:$0x1F280]  }
0x409: {  	v62 =	vld [tilespmem:s21+$0x10F60]  }
0x40a: {  	v13 =	vld [tilespmem:s21+$0xB70]  }
0x40b: {  	v14 =	vld [tilespmem:$0x1F2A0]  }
0x40c: {  	v15 =	vld [tilespmem:$0x1F2B0]  }
0x40d: {  	v16 =	vld [tilespmem:s21+$0xF70]  }
0x40e: {  	v17 =	vld [tilespmem:$0x1F2C0]  }
0x40f: {  	v18 =	vld [tilespmem:$0x1F2D0]  }
0x410: {  	v19 =	vld [tilespmem:s21+$0x8B70]  }
0x411: {  	v21 =	vld [tilespmem:$0x1F2F0]  }
0x412: {  	v3 =	vadd.f32 $0.0e+00, v3;
	v23 =	vld [tilespmem:$0x1F300]  }
0x413: {  	v1 =	vmul.f32 v1, v24;
	v24 =	vld [tilespmem:$0x1F310]  }
0x414: {  	v20 =	vmul.f32 v58, v57;
	v3 =	vadd.f32 v3, v6;
	v26 =	vld [tilespmem:s21+$0x8F70]  }
0x415: {  	v29 =	vld [tilespmem:s21+$0x10B70]  }
0x416: {  	v3 =	vadd.f32 v7, v3;
	v25 =	vadd.f32 v20, v56;
	v20 =	vld [tilespmem:$0x1F2E0]  }
0x417: {  	v6 =	vsub.f32 v27, v33;
	v33 =	vld [tilespmem:$0x1F320]  }
0x418: {  	v1 =	vadd.f32 v3, v1;
	v3 =	vmul.f32 v25, v34;
	v34 =	vld [tilespmem:$0x1F330]  }
0x419: {  	v38 =	vmul.f32 v36, v37;
	v41 =	vmul.f32 v11, v37;
	v37 =	vld [tilespmem:$0x1F340]  }
0x41a: {  	v47 =	vmul.f32 v46, v45;
	v57 =	vmul.f32 v49, v45;
	v45 =	vld [tilespmem:s21+$0xB80]  }
0x41b: {  	v58 =	vmul.f32 v46, v48;
	v46 =	vld [tilespmem:$0x1F360]  }
0x41c: {  	v0 =	vadd.f32 v0, v2;
	v2 =	vadd.f32 v22, v50;
	v50 =	vmul.f32 v49, v48;
	v49 =	vld [tilespmem:$0x1F380]  }
0x41d: {  	v1 =	vadd.f32 v3, v1;
	v3 =	vmul.f32 v6, v53;
	v53 =	vld [tilespmem:$0x1F3A0]  }
0x41e: {  	[tilespmem:$0x1FBF0] =	vst v55;
	v55 =	vld [tilespmem:$0x1F3B0]  }
0x41f: {  	v2 =	vmul.f32 v2, v61;
	v61 =	vld [tilespmem:$0x1F3E0]  }
0x420: {  	[tilespmem:$0x1FC00] =	vst v62;
	v62 =	vld [tilespmem:$0x1F3F0]  }
0x421: {  	[tilespmem:$0x1FC80] =	vst v19;
	v19 =	vld [tilespmem:$0x1F450]  }
0x422: {  	v25 =	vmul.f32 v24, v23;
	v28 =	vmul.f32 v21, v23;
	v23 =	vld [tilespmem:$0x1F520]  }
0x423: {  	v22 =	vmul.f32 v21, v20;
	v21 =	vld [tilespmem:$0x1F400]  }
0x424: {  	v11 =	vmul.f32 v11, v43;
	v27 =	vmul.f32 v24, v20;
	v24 =	vld [tilespmem:s21+$0x10B90]  }
0x425: {  	v20 =	vld [tilespmem:$0x1F710]  }
0x426: {  	v52 =	vmul.f32 v36, v43;
	v7 =	vadd.f32 v11, v38;
	v11 =	vld [tilespmem:$0x1F290]  }
0x427: {  	v38 =	vld [tilespmem:$0x1F350]  }
0x428: {  	v9 =	vsub.f32 v41, v52;
	v41 =	vld [tilespmem:s21+$0x10F70]  }
0x429: {  	v56 =	vadd.f32 v50, v47;
	v47 =	vld [tilespmem:$0x1F370]  }
0x42a: {  	v50 =	vld [tilespmem:$0x1F390]  }
0x42b: {  	v10 =	vsub.f32 v10, v12;
	v52 =	vld [tilespmem:s21+$0xF80]  }
0x42c: {  	v12 =	vsub.f32 v57, v58;
	v57 =	vld [tilespmem:$0x1F3C0]  }
0x42d: {  	v0 =	vadd.f32 v2, v0;
	v2 =	vmul.f32 v10, v14;
	v58 =	vld [tilespmem:$0x1F3D0]  }
0x42e: {  	v10 =	vld [tilespmem:$0x1F460]  }
0x42f: {  	v0 =	vadd.f32 v0, v2;
	v2 =	vadd.f32 v25, v22;
	v25 =	vld [tilespmem:$0x1F410]  }
0x430: {  	v22 =	vld [tilespmem:$0x1F510]  }
0x431: {  	[tilespmem:$0x1FCE0] =	vst v44;
	v36 =	vmul.f32 v34, v33;
	v44 =	vmul.f32 v34, v37;
	v34 =	vld [tilespmem:s21+$0x10B80]  }
0x432: {  	[tilespmem:$0x1FBC0] =	vst v45;
	v45 =	vld [tilespmem:s21+$0xF90]  }
0x433: {  	v40 =	vmul.f32 v38, v37;
	v43 =	vmul.f32 v38, v33;
	v38 =	vld [tilespmem:s21+$0x8B80]  }
0x434: {  	v6 =	vmul.f32 v56, v11;
	v33 =	vld [tilespmem:s21+$0x10F80]  }
0x435: {  	[tilespmem:$0x1FCB0] =	vst v41;
	v48 =	vmul.f32 v46, v47;
	v56 =	vmul.f32 v55, v53;
	v41 =	vld [tilespmem:s21+$0xB90]  }
0x436: {  	v37 =	vmul.f32 v46, v49;
	v46 =	vmul.f32 v58, v53;
	v53 =	vld [tilespmem:$0x1F480]  }
0x437: {  	[tilespmem:$0x1FC90] =	vst v29;
	v29 =	vmul.f32 v50, v47;
	v47 =	vmul.f32 v55, v57;
	v55 =	vld [tilespmem:$0x1F490]  }
0x438: {  	[tilespmem:$0x1FBE0] =	vst v60;
	v60 =	vmul.f32 v58, v57;
	v57 =	vld [tilespmem:$0x1F4A0]  }
0x439: {  	v58 =	vld [tilespmem:$0x1F4B0]  }
0x43a: {  	[tilespmem:$0x1FBD0] =	vst v51;
	v51 =	vmul.f32 v50, v49;
	v49 =	vld [tilespmem:s21+$0xFA0]  }
0x43b: {  	v50 =	vld [tilespmem:$0x1F4F0]  }
0x43c: {  	[tilespmem:$0x1FC20] =	vst v52;
	v52 =	vld [tilespmem:$0x1F500]  }
0x43d: {  	v1 =	vadd.f32 v1, v3;
	v3 =	vmul.f32 v9, v17;
	v9 =	vadd.f32 v40, v36;
	v36 =	vld [tilespmem:s21+$0x8F80]  }
0x43e: {  	v40 =	vld [tilespmem:$0x1F430]  }
0x43f: {  	v7 =	vmul.f32 v7, v15;
	v11 =	vadd.f32 v51, v48;
	v51 =	vld [tilespmem:s21+$0x8B90]  }
0x440: {  	v1 =	vadd.f32 v6, v1;
	v6 =	vmul.f32 v12, v18;
	v15 =	vsub.f32 v46, v47;
	v46 =	vld [tilespmem:$0x1F570]  }
0x441: {  	[tilespmem:$0x1FC60] =	vst v45;
	v45 =	vld [tilespmem:s21+$0x10BA0]  }
0x442: {  	v1 =	vadd.f32 v1, v6;
	v6 =	vsub.f32 v27, v28;
	v28 =	vld [tilespmem:$0x1F420]  }
0x443: {  	v9 =	vmul.f32 v9, v21;
	v21 =	vld [tilespmem:$0x1F470]  }
0x444: {  	v2 =	vmul.f32 v2, v61;
	[tilespmem:$0x1FC50] =	vst v41;
	v41 =	vld [tilespmem:s21+$0xBA0]  }
0x445: {  	[tilespmem:$0x1FCA0] =	vst v26;
	v26 =	vadd.f32 v60, v56;
	v60 =	vmul.f32 v58, v57;
	v61 =	vmul.f32 v58, v53;
	v58 =	vld [tilespmem:s21+$0x8BA0]  }
0x446: {  	v27 =	vadd.f32 v2, v1;
	v1 =	vld [tilespmem:$0x1F440]  }
0x447: {  	v2 =	vadd.f32 v7, v0;
	v0 =	vsub.f32 v29, v37;
	v37 =	vld [tilespmem:s21+$0x8F90]  }
0x448: {  	v56 =	vmul.f32 v55, v53;
	v29 =	vld [tilespmem:$0x1F4D0]  }
0x449: {  	v6 =	vmul.f32 v6, v62;
	v62 =	vmul.f32 v55, v57;
	v55 =	vld [tilespmem:$0x1F550]  }
0x44a: {  	v7 =	vmul.f32 v26, v40;
	v40 =	vld [tilespmem:$0x1F4E0]  }
0x44b: {  	v26 =	vld [tilespmem:$0x1F530]  }
0x44c: {  	v14 =	vadd.f32 v60, v56;
	v60 =	vld [tilespmem:s21+$0x8FA0]  }
0x44d: {  	v56 =	vld [tilespmem:$0x1F560]  }
0x44e: {  	v6 =	vadd.f32 v27, v6;
	v27 =	vld [tilespmem:$0x1F540]  }
0x44f: {  	[tilespmem:$0x1FDC0] =	vst v16;
	v12 =	vsub.f32 v43, v44;
	v16 =	vsub.f32 v61, v62;
	v61 =	vld [tilespmem:$0x1F5C0]  }
0x450: {  	v48 =	vmul.f32 v19, v10;
	v11 =	vmul.f32 v11, v28;
	v28 =	vld [tilespmem:$0x1F4C0]  }
0x451: {  	v12 =	vmul.f32 v12, v25;
	v44 =	vmul.f32 v21, v10;
	v10 =	vld [tilespmem:$0x1F590]  }
0x452: {  	v25 =	vmul.f32 v22, v23;
	v53 =	vmul.f32 v16, v52;
	v52 =	vld [tilespmem:s21+$0xBB0]  }
0x453: {  	v43 =	vmul.f32 v19, v1;
	v16 =	vmul.f32 v26, v23;
	v23 =	vld [tilespmem:$0x1F5B0]  }
0x454: {  	v57 =	vmul.f32 v55, v56;
	v47 =	vmul.f32 v46, v56;
	v56 =	vld [tilespmem:s21+$0x8BB0]  }
0x455: {  	v15 =	vmul.f32 v15, v40;
	v40 =	vld [tilespmem:$0x1F5E0]  }
0x456: {  	[tilespmem:$0x1FCF0] =	vst v13;
	v13 =	vadd.f32 v44, v43;
	v44 =	vld [tilespmem:s21+$0x10F90]  }
0x457: {  	v43 =	vmul.f32 v21, v1;
	v21 =	vld [tilespmem:$0x1F720]  }
0x458: {  	v1 =	vld [tilespmem:$0x1F7F0]  }
0x459: {  	v0 =	vmul.f32 v0, v28;
	v28 =	vmul.f32 v26, v27;
	v26 =	vld [tilespmem:$0x1F630]  }
0x45a: {  	v6 =	vadd.f32 v9, v6;
	v9 =	vsub.f32 v43, v48;
	v43 =	vld [tilespmem:s21+$0x10FA0]  }
0x45b: {  	v7 =	vadd.f32 $0.0e+00, v7;
	v48 =	vld [tilespmem:$0x1F580]  }
0x45c: {  	v12 =	vadd.f32 v6, v12;
	v13 =	vmul.f32 v13, v29;
	v29 =	vmul.f32 v22, v27;
	v27 =	vld [tilespmem:s21+$0xFB0]  }
0x45d: {  	v14 =	vmul.f32 v14, v50;
	v7 =	vadd.f32 v7, v15;
	[tilespmem:$0x1FCD0] =	vst v52;
	v52 =	vld [tilespmem:s21+$0x8FB0]  }
0x45e: {  	v11 =	vadd.f32 v11, v12;
	v22 =	vld [tilespmem:$0x1F730]  }
0x45f: {  	v7 =	vadd.f32 v14, v7;
	v14 =	vadd.f32 v28, v25;
	v25 =	vld [tilespmem:$0x1F5A0]  }
0x460: {  	v28 =	vld [tilespmem:$0x1F5D0]  }
0x461: {  	v0 =	vadd.f32 v11, v0;
	v11 =	vmul.f32 v61, v10;
	v62 =	vmul.f32 v61, v23;
	v61 =	vld [tilespmem:s21+$0x10FC0]  }
0x462: {  	v14 =	vmul.f32 v14, v40;
	v40 =	vld [tilespmem:$0x1F660]  }
0x463: {  	v13 =	vadd.f32 v13, v0;
	v0 =	vld [tilespmem:$0x1F8E0]  }
0x464: {  	[tilespmem:$0x1FCC0] =	vst v49;
	v49 =	vmul.f32 v46, v48;
	v50 =	vmul.f32 v55, v48;
	v48 =	vld [tilespmem:$0x1F600]  }
0x465: {  	v55 =	vld [tilespmem:$0x1F620]  }
0x466: {  	[tilespmem:$0x1FD00] =	vst v27;
	v27 =	vld [tilespmem:$0x1F640]  }
0x467: {  	v6 =	vmul.f32 v9, v28;
	v28 =	vld [tilespmem:$0x1F650]  }
0x468: {  	v7 =	vadd.f32 v7, v53;
	v53 =	vmul.f32 v25, v10;
	v10 =	vld [tilespmem:$0x1F810]  }
0x469: {  	[tilespmem:$0x1FC70] =	vst v41;
	v41 =	vsub.f32 v47, v50;
	v47 =	vld [tilespmem:$0x1F5F0]  }
0x46a: {  	v50 =	vld [tilespmem:$0x1F610]  }
0x46b: {  	v15 =	vadd.f32 v49, v57;
	v57 =	vmul.f32 v25, v23;
	v25 =	vld [tilespmem:s21+$0xBC0]  }
0x46c: {  	v23 =	vld [tilespmem:$0x1F6C0]  }
0x46d: {  	v46 =	vadd.f32 v62, v53;
	v53 =	vld [tilespmem:s21+$0x10BB0]  }
0x46e: {  	v62 =	vld [tilespmem:s21+$0x8BC0];
	v13 =	vadd.f32 v13, v6  }
0x46f: {  	v49 =	vmul.f32 v15, v48;
	v15 =	vmul.f32 v46, v55;
	v46 =	vld [tilespmem:s21+$0x10FB0]  }
0x470: {  	v29 =	vsub.f32 v16, v29;
	[tilespmem:$0x1FF40] =	vst v13;
	v13 =	vld [tilespmem:$0x1F9A0]  }
0x471: {  	v17 =	vmul.f32 v28, v27;
	v18 =	vmul.f32 v28, v40;
	v28 =	vld [tilespmem:s21+$0x8FC0]  }
0x472: {  	v9 =	vmul.f32 v29, v47;
	v29 =	vld [tilespmem:s21+$0xFC0]  }
0x473: {  	v7 =	vadd.f32 v14, v7;
	v14 =	vmul.f32 v41, v50;
	v41 =	vld [tilespmem:$0x1F670]  }
0x474: {  	v47 =	vld [tilespmem:$0x1F680]  }
0x475: {  	v19 =	vmul.f32 v26, v40;
	v50 =	vld [tilespmem:$0x1F6A0]  }
0x476: {  	[tilespmem:$0x1FD10] =	vst v25;
	v25 =	vld [tilespmem:$0x1F790]  }
0x477: {  	v17 =	vsub.f32 v17, v19;
	v19 =	vld [tilespmem:s21+$0xFD0];
	v7 =	vadd.f32 v7, v9  }
0x478: {  	v9 =	vmul.f32 v26, v27;
	v27 =	vld [tilespmem:s21+$0x10BC0]  }
0x479: {  	v7 =	vadd.f32 v49, v7;
	v49 =	vld [tilespmem:$0x1F690]  }
0x47a: {  	v26 =	vld [tilespmem:$0x1F740]  }
0x47b: {  	[tilespmem:$0x1FD20] =	vst v29;
	v29 =	vld [tilespmem:$0x1F6B0]  }
0x47c: {  	v48 =	vmul.f32 v47, v41;
	v16 =	vmul.f32 v50, v41;
	v41 =	vld [tilespmem:$0x1F6D0]  }
0x47d: {  	v7 =	vadd.f32 v7, v14;
	v14 =	vmul.f32 v17, v21;
	v21 =	vld [tilespmem:$0x1F7C0]  }
0x47e: {  	v11 =	vsub.f32 v11, v57;
	v55 =	vmul.f32 v50, v49;
	v57 =	vmul.f32 v47, v49;
	v49 =	vld [tilespmem:$0x1F6F0]  }
0x47f: {  	v47 =	vld [tilespmem:$0x1F6E0]  }
0x480: {  	v50 =	vld [tilespmem:s21+$0xBD0];
	v16 =	vsub.f32 v16, v57  }
0x481: {  	v12 =	vadd.f32 v55, v48;
	v55 =	vld [tilespmem:$0x1F700]  }
0x482: {  	v16 =	vmul.f32 v16, v22;
	v22 =	vld [tilespmem:$0x1F780]  }
0x483: {  	v40 =	vmul.f32 v23, v29;
	v11 =	vmul.f32 v11, v49;
	v49 =	vld [tilespmem:s21+$0x8BD0]  }
0x484: {  	v48 =	vmul.f32 v47, v41;
	v29 =	vmul.f32 v47, v29;
	v47 =	vld [tilespmem:$0x1F760]  }
0x485: {  	[tilespmem:$0x1FD30] =	vst v50;
	v50 =	vld [tilespmem:$0x1F770]  }
0x486: {  	v57 =	vadd.f32 v48, v40;
	v48 =	vld [tilespmem:s21+$0x8FD0]  }
0x487: {  	v12 =	vmul.f32 v12, v55;
	v55 =	vld [tilespmem:s21+$0x10BD0]  }
0x488: {  	v40 =	vmul.f32 v23, v41;
	v41 =	vld [tilespmem:$0x1F750]  }
0x489: {  	v23 =	vld [tilespmem:$0x1F7A0]  }
0x48a: {  	v9 =	vadd.f32 v18, v9;
	v17 =	vmul.f32 v57, v26;
	v26 =	vld [tilespmem:$0x1F7B0]  }
0x48b: {  	v7 =	vadd.f32 v15, v7;
	v12 =	vadd.f32 $0.0e+00, v12;
	v57 =	vld [tilespmem:s21+$0xBE0]  }
0x48c: {  	[tilespmem:$0x1FDA0] =	vst v19;
	v15 =	vsub.f32 v29, v40;
	v19 =	vmul.f32 v50, v47;
	v29 =	vmul.f32 v50, v21;
	v50 =	vld [tilespmem:$0x1F7D0]  }
0x48d: {  	v12 =	vadd.f32 v12, v16;
	v16 =	vmul.f32 v41, v47;
	v47 =	vld [tilespmem:s21+$0x10FD0]  }
0x48e: {  	v9 =	vmul.f32 v9, v20;
	v40 =	vmul.f32 v41, v21;
	v41 =	vld [tilespmem:s21+$0xFE0]  }
0x48f: {  	v18 =	vmul.f32 v25, v22;
	v21 =	vld [tilespmem:$0x1F820];
	v20 =	vmul.f32 v26, v23  }
0x490: {  	v22 =	vmul.f32 v26, v22;
	v26 =	vld [tilespmem:s21+$0x8FE0]  }
0x491: {  	v25 =	vmul.f32 v25, v23;
	[tilespmem:$0x1FDD0] =	vst v57;
	v57 =	vadd.f32 v20, v18;
	v20 =	vld [tilespmem:s21+$0x8BE0]  }
0x492: {  	v7 =	vadd.f32 v7, v11;
	v11 =	vadd.f32 v29, v16;
	v29 =	vld [tilespmem:$0x1F7E0]  }
0x493: {  	v16 =	vsub.f32 v22, v25;
	v25 =	vld [tilespmem:$0x1F830]  }
0x494: {  	v18 =	vld [tilespmem:s21+$0x1010]  }
0x495: {  	[tilespmem:$0x1FE70] =	vst v41;
	v41 =	vld [tilespmem:s21+$0x10BE0]  }
0x496: {  	v12 =	vadd.f32 v17, v12;
	v15 =	vmul.f32 v15, v50;
	[tilespmem:$0x1FD70] =	vst v20;
	v20 =	vld [tilespmem:$0x1F800]  }
0x497: {  	[tilespmem:$0x1FD90] =	vst v26;
	v26 =	vld [tilespmem:$0x1F840]  }
0x498: {  	v19 =	vsub.f32 v19, v40;
	v12 =	vadd.f32 v12, v15;
	v40 =	vmul.f32 v57, v29;
	v57 =	vld [tilespmem:s21+$0x10FE0]  }
0x499: {  	v29 =	vld [tilespmem:s21+$0xBF0]  }
0x49a: {  	v23 =	vmul.f32 v21, v10;
	v12 =	vadd.f32 v40, v12;
	v40 =	vld [tilespmem:$0x1F850]  }
0x49b: {  	v7 =	vadd.f32 v9, v7;
	v9 =	vmul.f32 v11, v25;
	v25 =	vld [tilespmem:$0x1F860];
	v50 =	vmul.f32 v20, v1  }
0x49c: {  	v11 =	vmul.f32 v19, v26;
	v19 =	vld [tilespmem:s21+$0xFF0]  }
0x49d: {  	v50 =	vadd.f32 v23, v50;
	v23 =	vld [tilespmem:s21+$0x8BF0]  }
0x49e: {  	v21 =	vmul.f32 v21, v1;
	[tilespmem:$0x1FE80] =	vst v29;
	v29 =	vld [tilespmem:s21+$0x8FF0];
	v22 =	vmul.f32 v20, v10  }
0x49f: {  	v20 =	vld [tilespmem:$0x1F890]  }
0x4a0: {  	v7 =	vadd.f32 v7, v14;
	v14 =	vsub.f32 v21, v22;
	v22 =	vld [tilespmem:$0x1F8A0]  }
0x4a1: {  	v21 =	vld [tilespmem:$0x1F8B0]  }
0x4a2: {  	[tilespmem:$0x1FE10] =	vst v23;
	v23 =	vld [tilespmem:$0x1F8C0]  }
0x4a3: {  	v26 =	vld [tilespmem:$0x1F880]  }
0x4a4: {  	[tilespmem:$0x1FD80] =	vst v41;
	v1 =	vld [tilespmem:$0x1F870]  }
0x4a5: {  	v41 =	vmul.f32 v16, v40;
	[tilespmem:$0x1FED0] =	vst v19;
	v19 =	vld [tilespmem:$0x1F8D0]  }
0x4a6: {  	[tilespmem:$0x1FE30] =	vst v29;
	v29 =	vld [tilespmem:$0x1F8F0];
	v15 =	vmul.f32 v50, v25  }
0x4a7: {  	v12 =	vadd.f32 v12, v41;
	v50 =	vld [tilespmem:s21+$0x10BF0];
	v40 =	vmul.f32 v22, v20;
	v41 =	vmul.f32 v23, v21  }
0x4a8: {  	v10 =	vld [tilespmem:$0x1F930]  }
0x4a9: {  	v40 =	vadd.f32 v41, v40;
	v41 =	vld [tilespmem:s21+$0xC00]  }
0x4aa: {  	v7 =	vadd.f32 v9, v7;
	v16 =	vmul.f32 v1, v26;
	v9 =	vmul.f32 v19, v26;
	v26 =	vld [tilespmem:s21+$0x10FF0]  }
0x4ab: {  	v14 =	vmul.f32 v14, v29;
	v29 =	vmul.f32 v1, v0;
	v1 =	vld [tilespmem:$0x1F910]  }
0x4ac: {  	[tilespmem:$0x1FE20] =	vst v50;
	v50 =	vmul.f32 v23, v20;
	v20 =	vld [tilespmem:$0x1F920]  }
0x4ad: {  	v23 =	vmul.f32 v22, v21;
	v22 =	vld [tilespmem:$0x1F940]  }
0x4ae: {  	[tilespmem:$0x1FD40] =	vst v41;
	v41 =	vld [tilespmem:$0x1F950]  }
0x4af: {  	v25 =	vmul.f32 v19, v0;
	[tilespmem:$0x1FE40] =	vst v26;
	v26 =	vld [tilespmem:s21+$0x1000]  }
0x4b0: {  	v7 =	vadd.f32 v7, v11;
	v11 =	vld [tilespmem:s21+$0xC10]  }
0x4b1: {  	v19 =	vld [tilespmem:s21+$0x11000];
	v16 =	vadd.f32 v25, v16  }
0x4b2: {  	v25 =	vld [tilespmem:$0x1F900]  }
0x4b3: {  	v12 =	vadd.f32 v15, v12;
	v15 =	vsub.f32 v50, v23;
	v50 =	vmul.f32 v16, v41;
	v16 =	vld [tilespmem:$0x1F980]  }
0x4b4: {  	v0 =	vld [tilespmem:$0x1F9B0];
	v17 =	vmul.f32 v20, v1;
	[tilespmem:$0x1FD50] =	vst v26;
	v26 =	vmul.f32 v22, v10  }
0x4b5: {  	v21 =	vld [tilespmem:$0x1F960]  }
0x4b6: {  	v9 =	vsub.f32 v9, v29;
	v29 =	vld [tilespmem:s21+$0x10C00];
	v26 =	vadd.f32 v26, v17  }
0x4b7: {  	v12 =	vadd.f32 v12, v14;
	v14 =	vmul.f32 v40, v25;
	v25 =	vld [tilespmem:s21+$0x8C00]  }
0x4b8: {  	v17 =	vmul.f32 v26, v16;
	v26 =	vld [tilespmem:$0x1F990]  }
0x4b9: {  	v50 =	vadd.f32 v50, v7;
	v7 =	vld [tilespmem:$0x1F970]  }
0x4ba: {  	v40 =	vld [tilespmem:s21+$0x9000];
	v23 =	vmul.f32 v15, v21;
	v12 =	vadd.f32 v14, v12  }
0x4bb: {  	v22 =	vmul.f32 v22, v1;
	v1 =	vld [tilespmem:$0x1F9D0]  }
0x4bc: {  	v14 =	vadd.f32 v12, v23;
	v23 =	vmul.f32 v20, v10;
	v10 =	vld [tilespmem:$0x1F9C0]  }
0x4bd: {  	v15 =	vmul.f32 v30, v13;
	v20 =	vld [tilespmem:s21+$0x11010];
	v12 =	vmul.f32 v39, v26  }
0x4be: {  	v41 =	vadd.f32 v2, v3;
	v2 =	vsub.f32 v22, v23;
	v22 =	vld [tilespmem:$0x1FA00];
	v9 =	vmul.f32 v9, v7  }
0x4bf: {  	v6 =	vadd.f32 v15, v12;
	v15 =	vld [tilespmem:$0x1F9F0]  }
0x4c0: {  	v7 =	vadd.f32 v17, v14;
	v14 =	vmovc v30;
	v21 =	vadd.f32 v50, v9;
	v50 =	vmov v39;
	v39 =	vld [tilespmem:$0x1F9E0]  }
0x4c1: {  	v23 =	vld [tilespmem:s21+$0x1020];
	v16 =	vmul.f32 v14, v26;
	v17 =	vmul.f32 v50, v13  }
0x4c2: {  	[tilespmem:$0x1FF30] =	vst v41;
	v41 =	vld [tilespmem:s21+$0x8C10]  }
0x4c3: {  	v3 =	vsub.f32 v16, v17;
	v17 =	vld [tilespmem:$0x1FA40]  }
0x4c4: {  	[tilespmem:$0x1FD60] =	vst v11;
	v11 =	vmul.f32 v54, v32;
	v30 =	vld [tilespmem:s21+$0x9010];
	v13 =	vmul.f32 v4, v15  }
0x4c5: {  	v9 =	vmul.f32 v10, v0;
	[tilespmem:$0x1FF50] =	vst v21;
	v21 =	vld [tilespmem:s21+$0xC20];
	v50 =	vmul.f32 v39, v1  }
0x4c6: {  	v14 =	vmul.f32 v39, v0;
	v39 =	vmul.f32 v10, v1;
	v10 =	vld [tilespmem:$0x1FA20];
	v11 =	vadd.f32 v13, v11  }
0x4c7: {  	v9 =	vadd.f32 v50, v9;
	v50 =	vld [tilespmem:$0x1FA10]  }
0x4c8: {  	v11 =	vmul.f32 v11, v17;
	v17 =	vld [tilespmem:$0x1FA50]  }
0x4c9: {  	v26 =	vld [tilespmem:s21+$0x10C10]  }
0x4ca: {  	v12 =	vld [tilespmem:s21+$0x8C20];
	v6 =	vmul.f32 v6, v22  }
0x4cb: {  	v16 =	vld [tilespmem:s21+$0x9020];
	v4 =	vmul.f32 v4, v32  }
0x4cc: {  	[tilespmem:$0x1FDB0] =	vst v18;
	v6 =	vadd.f32 $0.0e+00, v6;
	v2 =	vmul.f32 v2, v10;
	v10 =	vld [tilespmem:$0x1FA80];
	v3 =	vmul.f32 v3, v50  }
0x4cd: {  	[tilespmem:$0x1FDE0] =	vst v21;
	v21 =	vmov v35;
	v54 =	vmul.f32 v54, v15;
	v18 =	vmul.f32 v35, v17;
	v35 =	vld [tilespmem:$0x1FA60]  }
0x4ce: {  	v3 =	vadd.f32 v6, v3;
	v6 =	vld [tilespmem:$0x1FA70]  }
0x4cf: {  	v1 =	vld [tilespmem:$0x1FAB0];
	v4 =	vsub.f32 v4, v54  }
0x4d0: {  	v15 =	vld [tilespmem:$0x1FA30]  }
0x4d1: {  	v14 =	vsub.f32 v14, v39;
	v4 =	vmul.f32 v4, v10;
	v10 =	vld [tilespmem:$0x1FA90]  }
0x4d2: {  	v3 =	vadd.f32 v11, v3;
	v11 =	vld [tilespmem:s21+$0x1030];
	v50 =	vmul.f32 v42, v35  }
0x4d3: {  	v14 =	vmul.f32 v14, v6;
	v6 =	vld [tilespmem:$0x1FAA0]  }
0x4d4: {  	v2 =	vadd.f32 v7, v2;
	v7 =	vadd.f32 v50, v18;
	v18 =	vld [tilespmem:$0x1FAC0]  }
0x4d5: {  	v54 =	vld [tilespmem:s21+$0xC30]  }
0x4d6: {  	v22 =	vld [tilespmem:s21+$0x9030]  }
0x4d7: {  	v32 =	vld [tilespmem:s21+$0x10C30]  }
0x4d8: {  	[tilespmem:$0x1FDF0] =	vst v23;
	v23 =	vmul.f32 v9, v15;
	v15 =	vld [tilespmem:s21+$0x10C20]  }
0x4d9: {  	v9 =	vld [tilespmem:s21+$0x11020];
	[tilespmem:$0x1FE50] =	vst v11;
	v11 =	vmul.f32 v10, v6;
	v13 =	vmul.f32 v18, v1  }
0x4da: {  	v39 =	vmov v42;
	[tilespmem:$0x1FE00] =	vst v54;
	v54 =	vmul.f32 v21, v35;
	v21 =	vld [tilespmem:$0x1FB10]  }
0x4db: {  	v2 =	vadd.f32 v23, v2;
	v50 =	vmul.f32 v39, v17;
	v11 =	vadd.f32 v13, v11;
	v13 =	vld [tilespmem:$0x1FAD0]  }
0x4dc: {  	v42 =	vld [tilespmem:s21+$0x8C30]  }
0x4dd: {  	v2 =	vadd.f32 v2, v14;
	v14 =	vld [tilespmem:$0x1FB00];
	v23 =	vsub.f32 v50, v54  }
0x4de: {  	v54 =	vld [tilespmem:$0x1FAF0]  }
0x4df: {  	v35 =	vmul.f32 v23, v21;
	v21 =	vld [tilespmem:$0x1FB20]  }
0x4e0: {  	v3 =	vadd.f32 v3, v4;
	v4 =	vmul.f32 v7, v13;
	v7 =	vld [tilespmem:$0x1FAE0]  }
0x4e1: {  	v23 =	vmul.f32 v10, v1;
	v10 =	vld [tilespmem:$0x1FBB0]  }
0x4e2: {  	v11 =	vmul.f32 v11, v14;
	v14 =	vld [tilespmem:s21+$0x10C40];
	v3 =	vadd.f32 v4, v3  }
0x4e3: {  	v13 =	vld [tilespmem:s21+$0x11030]  }
0x4e4: {  	v50 =	vmul.f32 v8, v54;
	v3 =	vadd.f32 v3, v35;
	v35 =	vld [tilespmem:$0x1FB30]  }
0x4e5: {  	v17 =	vmov v59;
	v39 =	vmul.f32 v59, v7;
	v59 =	vmul.f32 v18, v6;
	v18 =	vld [tilespmem:s21+$0xC40]  }
0x4e6: {  	v6 =	vadd.f32 v11, v2;
	v11 =	vld [tilespmem:$0x1FB50]  }
0x4e7: {  	v54 =	vmul.f32 v17, v54;
	v8 =	vmul.f32 v8, v7;
	v7 =	vld [tilespmem:$0x1FC10];
	v39 =	vadd.f32 v50, v39  }
0x4e8: {  	v50 =	vld [tilespmem:s21+$0x1040]  }
0x4e9: {  	v4 =	vmul.f32 v39, v21;
	v39 =	vsub.f32 v8, v54;
	v54 =	vld [tilespmem:$0x1FB40]  }
0x4ea: {  	v21 =	vld [tilespmem:$0x1FB60]  }
0x4eb: {  	v8 =	vld [tilespmem:s21+$0x8C50]  }
0x4ec: {  	[tilespmem:$0x1FE60] =	vst v18;
	v18 =	vld [tilespmem:s21+$0x9040]  }
0x4ed: {  	v0 =	vmul.f32 v5, v11;
	[tilespmem:$0x1FE90] =	vst v50;
	v50 =	vld [tilespmem:s21+$0x8C40]  }
0x4ee: {  	v5 =	vmul.f32 v5, v35;
	v17 =	vmul.f32 v54, v11;
	v11 =	vld [tilespmem:s21+$0x11040]  }
0x4ef: {  	v1 =	vmul.f32 v54, v35;
	v35 =	vmul.f32 v39, v21;
	v39 =	vld [tilespmem:s21+$0xC50]  }
0x4f0: {  	v3 =	vadd.f32 v4, v3;
	v54 =	vld [tilespmem:$0x1FB90]  }
0x4f1: {  	v23 =	vsub.f32 v59, v23;
	v59 =	vmul.f32 v33, v36;
	v21 =	vld [tilespmem:$0x1FB70];
	v0 =	vadd.f32 v0, v1  }
0x4f2: {  	v1 =	vsub.f32 v5, v17;
	v5 =	vmul.f32 v34, v38;
	v3 =	vadd.f32 v3, v35;
	v35 =	vld [tilespmem:$0x1FB80]  }
0x4f3: {  	v17 =	vld [tilespmem:s21+$0x1050]  }
0x4f4: {  	[tilespmem:$0x1FEA0] =	vst v39;
	v39 =	vadd.f32 v59, v5;
	v59 =	vld [tilespmem:$0x1FBA0]  }
0x4f5: {  	v2 =	vmul.f32 v1, v54;
	v54 =	vld [tilespmem:$0x1FBC0]  }
0x4f6: {  	v5 =	vld [tilespmem:$0x1FBD0]  }
0x4f7: {  	v23 =	vmul.f32 v23, v21;
	v21 =	vld [tilespmem:$0x1FBE0];
	v0 =	vmul.f32 v0, v35  }
0x4f8: {  	v35 =	vld [tilespmem:s21+$0x9050]  }
0x4f9: {  	[tilespmem:$0x1FEB0] =	vst v17;
	v17 =	vmul.f32 v31, v10;
	v0 =	vadd.f32 v0, v3;
	v3 =	vld [tilespmem:$0x1FC80]  }
0x4fa: {  	v4 =	vmul.f32 v59, v63;
	v63 =	vmul.f32 v31, v63;
	v31 =	vld [tilespmem:s21+$0x10C50]  }
0x4fb: {  	v23 =	vadd.f32 v6, v23;
	v6 =	vmul.f32 v59, v10;
	v10 =	vld [tilespmem:s21+$0x11050]  }
0x4fc: {  	v59 =	vmul.f32 v34, v36;
	v36 =	vld [tilespmem:s21+$0xC60]  }
0x4fd: {  	[tilespmem:$0x1FF60] =	vst v23;
	v23 =	vmul.f32 v39, v54;
	v39 =	vld [tilespmem:$0x1FC00]  }
0x4fe: {  	v0 =	vadd.f32 v0, v2;
	v2 =	vmul.f32 v33, v38;
	v38 =	vld [tilespmem:s21+$0x1060]  }
0x4ff: {  	v1 =	vadd.f32 v17, v4;
	v17 =	vld [tilespmem:$0x1FBF0]  }
0x500: {  	v54 =	vmul.f32 v44, v37;
	v6 =	vsub.f32 v63, v6;
	v63 =	vld [tilespmem:s21+$0x8C60]  }
0x501: {  	v2 =	vsub.f32 v2, v59;
	v59 =	vmul.f32 v44, v51;
	[tilespmem:$0x1FEC0] =	vst v36;
	v36 =	vmul.f32 v24, v51;
	v51 =	vld [tilespmem:$0x1FC20]  }
0x502: {  	v44 =	vld [tilespmem:s21+$0x10C60];
	v24 =	vmul.f32 v24, v37  }
0x503: {  	[tilespmem:$0x1FEE0] =	vst v38;
	v38 =	vadd.f32 v54, v36;
	v54 =	vld [tilespmem:$0x1FC30]  }
0x504: {  	v33 =	vsub.f32 v59, v24;
	v59 =	vld [tilespmem:$0x1FC40]  }
0x505: {  	v4 =	vmul.f32 v21, v5;
	v37 =	vld [tilespmem:s21+$0x9060];
	v34 =	vmul.f32 v39, v17  }
0x506: {  	v23 =	vadd.f32 $0.0e+00, v23;
	v24 =	vld [tilespmem:s21+$0x11060];
	v2 =	vmul.f32 v2, v51  }
0x507: {  	v1 =	vmul.f32 v1, v7;
	v39 =	vmul.f32 v39, v5;
	v5 =	vld [tilespmem:$0x1FC90];
	v4 =	vadd.f32 v34, v4  }
0x508: {  	v2 =	vadd.f32 v23, v2;
	v23 =	vld [tilespmem:$0x1FC50]  }
0x509: {  	v0 =	vadd.f32 v1, v0;
	v51 =	vld [tilespmem:s21+$0x1070];
	v1 =	vmul.f32 v6, v54;
	v7 =	vmul.f32 v4, v59  }
0x50a: {  	v6 =	vld [tilespmem:s21+$0xC70];
	v54 =	vmul.f32 v45, v58;
	v59 =	vmul.f32 v43, v60  }
0x50b: {  	v4 =	vld [tilespmem:$0x1FCA0]  }
0x50c: {  	v1 =	vadd.f32 v0, v1;
	v0 =	vadd.f32 v59, v54;
	v59 =	vld [tilespmem:$0x1FCD0]  }
0x50d: {  	v36 =	vmul.f32 v38, v23;
	v38 =	vld [tilespmem:$0x1FC60]  }
0x50e: {  	v23 =	vld [tilespmem:s21+$0x8C70]  }
0x50f: {  	[tilespmem:$0x1FEF0] =	vst v6;
	v6 =	vmul.f32 v43, v58;
	v43 =	vld [tilespmem:s21+$0x10C70]  }
0x510: {  	v34 =	vmul.f32 v53, v56;
	[tilespmem:$0x1FF00] =	vst v51;
	v51 =	vmul.f32 v46, v52;
	v58 =	vld [tilespmem:s21+$0x11070]  }
0x511: {  	v2 =	vadd.f32 v36, v2;
	v36 =	vmul.f32 v45, v60;
	v60 =	vmul.f32 v21, v17;
	v17 =	vld [tilespmem:$0x1FC70]  }
0x512: {  	v21 =	vadd.f32 v51, v34;
	v34 =	vld [tilespmem:$0x1FCB0]  }
0x513: {  	v54 =	vsub.f32 v39, v60;
	v39 =	vld [tilespmem:$0x1FCC0]  }
0x514: {  	v45 =	vld [tilespmem:s21+$0x9070];
	v33 =	vmul.f32 v33, v38  }
0x515: {  	v51 =	vld [tilespmem:s21+$0xC80];
	v6 =	vsub.f32 v6, v36  }
0x516: {  	v36 =	vmul.f32 v5, v3;
	v60 =	vld [tilespmem:s21+$0x1080];
	v2 =	vadd.f32 v2, v33;
	v0 =	vmul.f32 v0, v17  }
0x517: {  	v17 =	vmul.f32 v34, v4;
	v33 =	vmul.f32 v21, v59;
	v21 =	vld [tilespmem:s21+$0x8C80]  }
0x518: {  	v59 =	vld [tilespmem:$0x1FD00];
	v0 =	vadd.f32 v0, v2;
	v6 =	vmul.f32 v6, v39  }
0x519: {  	v36 =	vadd.f32 v17, v36;
	v2 =	vmul.f32 v46, v56;
	v17 =	vmul.f32 v53, v52;
	v53 =	vld [tilespmem:s21+$0x9080]  }
0x51a: {  	v46 =	vmul.f32 v27, v62;
	v52 =	vmul.f32 v61, v62;
	v62 =	vld [tilespmem:s21+$0x10C80]  }
0x51b: {  	v39 =	vmul.f32 v61, v28;
	v27 =	vmul.f32 v27, v28;
	v28 =	vld [tilespmem:$0x1FCE0]  }
0x51c: {  	v56 =	vld [tilespmem:$0x1FCF0]  }
0x51d: {  	v38 =	vsub.f32 v2, v17;
	v17 =	vld [tilespmem:s21+$0x11080]  }
0x51e: {  	v6 =	vadd.f32 v0, v6;
	v2 =	vmul.f32 v34, v3;
	v3 =	vld [tilespmem:s21+$0x10C90]  }
0x51f: {  	v61 =	vmul.f32 v38, v59;
	v59 =	vld [tilespmem:s21+$0x1090]  }
0x520: {  	v6 =	vadd.f32 v33, v6;
	v28 =	vmul.f32 v54, v28;
	v54 =	vld [tilespmem:s21+$0xC90]  }
0x521: {  	v0 =	vmul.f32 v36, v56;
	v36 =	vadd.f32 v39, v46;
	v46 =	vsub.f32 v52, v27;
	v27 =	vld [tilespmem:s21+$0x8C90]  }
0x522: {  	v52 =	vld [tilespmem:$0x1FD20]  }
0x523: {  	v1 =	vadd.f32 v7, v1;
	v6 =	vadd.f32 v6, v61;
	v61 =	vld [tilespmem:$0x1FD10]  }
0x524: {  	v33 =	vmul.f32 v29, v25;
	v39 =	vmul.f32 v5, v4;
	v5 =	vld [tilespmem:s21+$0x8CA0]  }
0x525: {  	v28 =	vadd.f32 v1, v28;
	v1 =	vmul.f32 v19, v25;
	v25 =	vld [tilespmem:s21+$0x11090];
	v19 =	vmul.f32 v19, v40  }
0x526: {  	v4 =	vsub.f32 v2, v39;
	v39 =	vld [tilespmem:s21+$0xCB0]  }
0x527: {  	v56 =	vmul.f32 v55, v49;
	v19 =	vadd.f32 v19, v33;
	v33 =	vmul.f32 v47, v49;
	v49 =	vld [tilespmem:$0x1FD40]  }
0x528: {  	v7 =	vmul.f32 v36, v61;
	v61 =	vld [tilespmem:s21+$0x9090]  }
0x529: {  	v36 =	vmul.f32 v46, v52;
	v46 =	vld [tilespmem:s21+$0x10A0]  }
0x52a: {  	v52 =	vmul.f32 v47, v48;
	v47 =	vmul.f32 v55, v48;
	v48 =	vld [tilespmem:s21+$0x10CA0];
	v6 =	vadd.f32 v7, v6  }
0x52b: {  	v55 =	vld [tilespmem:$0x1FD50]  }
0x52c: {  	v29 =	vmul.f32 v29, v40;
	v6 =	vadd.f32 v6, v36;
	v36 =	vld [tilespmem:$0x1FD30]  }
0x52d: {  	v34 =	vadd.f32 v0, v28;
	v28 =	vmul.f32 v26, v41;
	v38 =	vadd.f32 v52, v56;
	v52 =	vld [tilespmem:s21+$0xCA0]  }
0x52e: {  	v26 =	vmul.f32 v26, v30;
	v56 =	vmul.f32 v20, v30;
	v7 =	vld [tilespmem:$0x1FD70]  }
0x52f: {  	v1 =	vsub.f32 v1, v29;
	v20 =	vmul.f32 v20, v41;
	v30 =	vmul.f32 v15, v12;
	v41 =	vld [tilespmem:$0x1FD80]  }
0x530: {  	v29 =	vsub.f32 v33, v47;
	v33 =	vmul.f32 v9, v12;
	v12 =	vld [tilespmem:s21+$0x8CB0];
	v9 =	vmul.f32 v9, v16  }
0x531: {  	v16 =	vmul.f32 v15, v16;
	v15 =	vld [tilespmem:s21+$0x90B0];
	v40 =	vmul.f32 v38, v36  }
0x532: {  	v0 =	vadd.f32 v56, v28;
	v56 =	vmul.f32 v1, v55;
	v55 =	vld [tilespmem:$0x1FDA0]  }
0x533: {  	v19 =	vmul.f32 v19, v49;
	v36 =	vadd.f32 v40, v6;
	v40 =	vld [tilespmem:$0x1FD60]  }
0x534: {  	v49 =	vld [tilespmem:s21+$0x110A0]  }
0x535: {  	v28 =	vld [tilespmem:s21+$0x90A0];
	v19 =	vadd.f32 $0.0e+00, v19  }
0x536: {  	v16 =	vsub.f32 v33, v16;
	v33 =	vld [tilespmem:$0x1FDC0]  }
0x537: {  	v6 =	vadd.f32 v19, v56;
	v56 =	vmul.f32 v29, v55;
	v29 =	vld [tilespmem:$0x1FDB0]  }
0x538: {  	v0 =	vmul.f32 v0, v40;
	v40 =	vld [tilespmem:$0x1FD90]  }
0x539: {  	v20 =	vsub.f32 v20, v26;
	v26 =	vld [tilespmem:s21+$0x8CC0]  }
0x53a: {  	v1 =	vld [tilespmem:s21+$0x10B0]  }
0x53b: {  	v38 =	vld [tilespmem:$0x1FDD0]  }
0x53c: {  	v19 =	vmul.f32 v41, v7;
	v36 =	vadd.f32 v36, v56;
	v56 =	vld [tilespmem:s21+$0xCC0]  }
0x53d: {  	v20 =	vmul.f32 v20, v29;
	v29 =	vadd.f32 v9, v30;
	v9 =	vld [tilespmem:s21+$0x110B0];
	v47 =	vmul.f32 v57, v40  }
0x53e: {  	v30 =	vmul.f32 v4, v33;
	v33 =	vld [tilespmem:s21+$0x10C0]  }
0x53f: {  	v19 =	vadd.f32 v47, v19;
	v47 =	vld [tilespmem:$0x1FDE0]  }
0x540: {  	v0 =	vadd.f32 v0, v6;
	v6 =	vld [tilespmem:s21+$0x10CB0]  }
0x541: {  	v7 =	vmul.f32 v57, v7;
	v2 =	vadd.f32 v34, v30;
	v30 =	vld [tilespmem:s21+$0x110F0]  }
0x542: {  	v0 =	vadd.f32 v0, v20;
	v20 =	vmul.f32 v32, v22;
	v57 =	vld [tilespmem:$0x1FE00];
	v19 =	vmul.f32 v19, v38  }
0x543: {  	[tilespmem:$0x1FF10] =	vst v33;
	v33 =	vld [tilespmem:s21+$0x8CD0];
	v38 =	vmul.f32 v13, v22;
	v13 =	vmul.f32 v13, v42  }
0x544: {  	v22 =	vmul.f32 v14, v50;
	v55 =	vmul.f32 v29, v47;
	v29 =	vld [tilespmem:$0x1FDF0]  }
0x545: {  	v4 =	vadd.f32 v19, v36;
	v36 =	vmul.f32 v32, v42;
	v13 =	vsub.f32 v13, v20;
	v20 =	vld [tilespmem:s21+$0x10D0]  }
0x546: {  	v42 =	vmul.f32 v11, v18;
	v11 =	vmul.f32 v11, v50;
	v50 =	vld [tilespmem:$0x1FE80]  }
0x547: {  	v47 =	vmul.f32 v41, v40;
	v41 =	vld [tilespmem:s21+$0xCD0]  }
0x548: {  	v40 =	vld [tilespmem:$0x1FE10];
	v19 =	vadd.f32 v38, v36  }
0x549: {  	v22 =	vadd.f32 v42, v22;
	v42 =	vld [tilespmem:$0x1FE30];
	v0 =	vadd.f32 v55, v0;
	v29 =	vmul.f32 v16, v29  }
0x54a: {  	v19 =	vmul.f32 v19, v57;
	v57 =	vld [tilespmem:$0x1FE40]  }
0x54b: {  	v0 =	vadd.f32 v0, v29;
	v29 =	vsub.f32 v7, v47;
	v47 =	vld [tilespmem:$0x1FE20]  }
0x54c: {  	v7 =	vld [tilespmem:$0x1FE50]  }
0x54d: {  	v0 =	vadd.f32 v19, v0;
	v19 =	vld [tilespmem:$0x1FE60]  }
0x54e: {  	v36 =	vld [tilespmem:s21+$0x110C0]  }
0x54f: {  	v14 =	vmul.f32 v14, v18;
	v55 =	vld [tilespmem:s21+$0x10CC0]  }
0x550: {  	v16 =	vld [tilespmem:s21+$0x90C0];
	v38 =	vmul.f32 v57, v42;
	v32 =	vmul.f32 v47, v40  }
0x551: {  	v11 =	vsub.f32 v11, v14;
	v14 =	vmul.f32 v57, v40;
	v13 =	vmul.f32 v13, v7;
	v40 =	vld [tilespmem:$0x1FEB0]  }
0x552: {  	v19 =	vmul.f32 v22, v19;
	v22 =	vadd.f32 v38, v32;
	v32 =	vld [tilespmem:s21+$0x90D0]  }
0x553: {  	v18 =	vmul.f32 v10, v8;
	v0 =	vadd.f32 v0, v13;
	v13 =	vmul.f32 v31, v8;
	v8 =	vld [tilespmem:s21+$0x10CD0]  }
0x554: {  	v7 =	vmul.f32 v10, v35;
	v10 =	vmul.f32 v31, v35;
	v31 =	vld [tilespmem:$0x1FE70]  }
0x555: {  	v38 =	vld [tilespmem:s21+$0x110D0]  }
0x556: {  	v10 =	vsub.f32 v18, v10;
	v18 =	vmul.f32 v47, v42;
	v0 =	vadd.f32 v19, v0;
	v19 =	vld [tilespmem:s21+$0x8CE0]  }
0x557: {  	v42 =	vmul.f32 v44, v63;
	v22 =	vmul.f32 v22, v50;
	v7 =	vadd.f32 v7, v13;
	v13 =	vld [tilespmem:s21+$0x10CE0]  }
0x558: {  	v50 =	vmul.f32 v24, v37;
	v37 =	vmul.f32 v44, v37;
	v44 =	vld [tilespmem:s21+$0x1100]  }
0x559: {  	v35 =	vmul.f32 v29, v31;
	v29 =	vld [tilespmem:$0x1FE90]  }
0x55a: {  	v57 =	vadd.f32 v50, v42;
	v50 =	vld [tilespmem:$0x1FEE0]  }
0x55b: {  	v31 =	vld [tilespmem:s21+$0xCE0];
	v4 =	vadd.f32 v4, v35  }
0x55c: {  	v35 =	vld [tilespmem:$0x1FEA0]  }
0x55d: {  	v10 =	vmul.f32 v10, v40;
	v40 =	vadd.f32 v22, v4;
	v22 =	vld [tilespmem:s21+$0x110E0]  }
0x55e: {  	v4 =	vld [tilespmem:s21+$0x8CF0];
	v11 =	vmul.f32 v11, v29  }
0x55f: {  	v29 =	vld [tilespmem:s21+$0x10E0]  }
0x560: {  	v47 =	vmul.f32 v62, v21;
	v42 =	vmul.f32 v17, v53;
	v0 =	vadd.f32 v0, v11;
	v11 =	vld [tilespmem:s21+$0x90E0]  }
0x561: {  	v7 =	vmul.f32 v7, v35;
	v35 =	vmul.f32 v17, v21;
	v17 =	vld [tilespmem:$0x1FED0]  }
0x562: {  	v21 =	vadd.f32 v42, v47;
	v47 =	vld [tilespmem:s21+$0x11100]  }
0x563: {  	v62 =	vmul.f32 v62, v53;
	v42 =	vld [tilespmem:s21+$0xD10]  }
0x564: {  	v0 =	vadd.f32 v7, v0;
	v7 =	vmul.f32 v24, v63;
	v24 =	vld [tilespmem:s21+$0xCF0]  }
0x565: {  	v14 =	vsub.f32 v14, v18;
	v63 =	vld [tilespmem:$0x1FEC0];
	v18 =	vsub.f32 v35, v62  }
0x566: {  	v62 =	vmul.f32 v21, v51;
	v21 =	vmul.f32 v48, v5;
	v35 =	vld [tilespmem:s21+$0x8D10]  }
0x567: {  	v51 =	vmul.f32 v43, v45;
	v37 =	vsub.f32 v7, v37;
	v7 =	vld [tilespmem:s21+$0x10CF0];
	v18 =	vmul.f32 v18, v60  }
0x568: {  	v60 =	vmul.f32 v49, v28;
	v28 =	vmul.f32 v48, v28;
	v48 =	vld [tilespmem:s21+$0x11120]  }
0x569: {  	v14 =	vmul.f32 v14, v17;
	v53 =	vmul.f32 v37, v50;
	v37 =	vld [tilespmem:s21+$0xD00]  }
0x56a: {  	v17 =	vmul.f32 v25, v61;
	v25 =	vmul.f32 v25, v27;
	v50 =	vld [tilespmem:s21+$0x9100]  }
0x56b: {  	v0 =	vadd.f32 v0, v10;
	v10 =	vmul.f32 v57, v63;
	v57 =	vld [tilespmem:s21+$0x90F0];
	v63 =	vmul.f32 v3, v27  }
0x56c: {  	v3 =	vmul.f32 v3, v61;
	v27 =	vld [tilespmem:s21+$0x8D00];
	v61 =	vmul.f32 v43, v23  }
0x56d: {  	v23 =	vmul.f32 v58, v23;
	v43 =	vld [tilespmem:s21+$0x9110];
	v10 =	vadd.f32 v10, v0;
	v0 =	vadd.f32 v40, v14  }
0x56e: {  	v14 =	vadd.f32 $0.0e+00, v62;
	v34 =	vadd.f32 v17, v63;
	v62 =	vmul.f32 v58, v45;
	v58 =	vld [tilespmem:$0x1FEF0]  }
0x56f: {  	v3 =	vsub.f32 v25, v3;
	v63 =	vadd.f32 v60, v21;
	v60 =	vld [tilespmem:s21+$0x11110]  }
0x570: {  	v23 =	vsub.f32 v23, v51;
	v40 =	vld [tilespmem:s21+$0x10D20];
	v51 =	vmul.f32 v55, v16;
	v34 =	vmul.f32 v34, v54  }
0x571: {  	v10 =	vadd.f32 v10, v53;
	v53 =	vld [tilespmem:s21+$0x10D00];
	v3 =	vmul.f32 v3, v59;
	v25 =	vmul.f32 v63, v52  }
0x572: {  	v14 =	vadd.f32 v14, v18;
	v52 =	vmul.f32 v49, v5;
	v54 =	vmul.f32 v6, v12;
	v59 =	vld [tilespmem:$0x1FF00]  }
0x573: {  	v18 =	vadd.f32 v62, v61;
	v12 =	vmul.f32 v9, v12;
	v61 =	vmul.f32 v55, v26;
	v55 =	vld [tilespmem:s21+$0x9130]  }
0x574: {  	v9 =	vmul.f32 v9, v15;
	v6 =	vmul.f32 v6, v15;
	v14 =	vadd.f32 v34, v14;
	v34 =	vld [tilespmem:s21+$0x1110]  }
0x575: {  	v62 =	vmul.f32 v36, v16;
	v45 =	vmul.f32 v47, v50;
	v21 =	vsub.f32 v52, v28;
	v28 =	vld [tilespmem:s21+$0x10D10]  }
0x576: {  	v26 =	vmul.f32 v36, v26;
	v9 =	vadd.f32 v9, v54;
	v6 =	vsub.f32 v12, v6;
	v12 =	vld [tilespmem:s21+$0xD20]  }
0x577: {  	v18 =	vmul.f32 v18, v58;
	v58 =	vld [tilespmem:s21+$0x10D30];
	v21 =	vmul.f32 v21, v46  }
0x578: {  	v9 =	vmul.f32 v9, v39;
	v1 =	vmul.f32 v6, v1;
	v6 =	vld [tilespmem:s21+$0x8D20]  }
0x579: {  	v39 =	vld [tilespmem:s21+$0x9120];
	v46 =	vmul.f32 v47, v27;
	v15 =	vmul.f32 v23, v59  }
0x57a: {  	v3 =	vadd.f32 v14, v3;
	v63 =	vmul.f32 v53, v27;
	v47 =	vmul.f32 v53, v50;
	v53 =	vld [tilespmem:s21+$0x8D30]  }
0x57b: {  	v50 =	vmul.f32 v60, v43;
	v23 =	vmul.f32 v60, v35;
	v60 =	vld [tilespmem:s21+$0x11130]  }
0x57c: {  	v54 =	vmul.f32 v8, v33;
	v14 =	vadd.f32 v18, v10;
	v3 =	vadd.f32 v25, v3;
	v25 =	vld [tilespmem:s21+$0x1120]  }
0x57d: {  	v8 =	vmul.f32 v8, v32;
	v10 =	vadd.f32 v62, v61;
	v18 =	vadd.f32 v45, v63;
	v45 =	vld [tilespmem:s21+$0xD30]  }
0x57e: {  	v49 =	vmul.f32 v28, v35;
	v28 =	vmul.f32 v28, v43;
	v43 =	vld [tilespmem:s21+$0x9140]  }
0x57f: {  	v10 =	vmul.f32 v10, v56;
	v56 =	vmul.f32 v38, v32;
	v32 =	vld [tilespmem:s21+$0x8D60]  }
0x580: {  	v33 =	vmul.f32 v38, v33;
	v52 =	vmul.f32 v18, v37;
	v18 =	vld [tilespmem:s21+$0x1130]  }
0x581: {  	v62 =	vmul.f32 v48, v39;
	v36 =	vmul.f32 v40, v39;
	v39 =	vld [tilespmem:s21+$0x8D40]  }
0x582: {  	v8 =	vsub.f32 v33, v8;
	v61 =	vmul.f32 v40, v6;
	v40 =	vld [tilespmem:$0x1FF10]  }
0x583: {  	v27 =	vadd.f32 v50, v49;
	v6 =	vmul.f32 v48, v6;
	v48 =	vld [tilespmem:s21+$0x11140]  }
0x584: {  	v8 =	vmul.f32 v8, v20;
	v3 =	vadd.f32 v3, v21;
	v23 =	vsub.f32 v23, v28;
	v49 =	vld [tilespmem:s21+$0xD50]  }
0x585: {  	v35 =	vmul.f32 v7, v4;
	v59 =	vmul.f32 v27, v42;
	v42 =	vld [tilespmem:s21+$0xD40]  }
0x586: {  	v3 =	vadd.f32 v9, v3;
	v9 =	vsub.f32 v46, v47;
	v63 =	vmul.f32 v23, v34;
	v23 =	vld [tilespmem:s21+$0x1140]  }
0x587: {  	v46 =	vmul.f32 v58, v53;
	v47 =	vmul.f32 v60, v55;
	v17 =	vadd.f32 $0.0e+00, v52;
	v52 =	vld [tilespmem:s21+$0x8D50]  }
0x588: {  	v50 =	vmul.f32 v60, v53;
	v53 =	vmul.f32 v13, v19;
	v28 =	vadd.f32 v62, v61;
	v61 =	vld [tilespmem:s21+$0x11150]  }
0x589: {  	v19 =	vmul.f32 v22, v19;
	v6 =	vsub.f32 v6, v36;
	v36 =	vld [tilespmem:s21+$0x9160];
	v9 =	vmul.f32 v9, v44  }
0x58a: {  	v62 =	vmul.f32 v22, v11;
	v1 =	vadd.f32 v3, v1;
	v3 =	vsub.f32 v26, v51;
	v44 =	vld [tilespmem:s21+$0x10D40]  }
0x58b: {  	v34 =	vmul.f32 v13, v11;
	v26 =	vadd.f32 v56, v54;
	v54 =	vld [tilespmem:s21+$0x9150];
	v9 =	vadd.f32 v17, v9  }
0x58c: {  	v51 =	vmul.f32 v58, v55;
	v58 =	vld [tilespmem:s21+$0x10D50];
	v12 =	vmul.f32 v28, v12;
	v1 =	vadd.f32 v10, v1  }
0x58d: {  	v6 =	vmul.f32 v6, v25;
	v10 =	vadd.f32 v47, v46;
	v46 =	vld [tilespmem:s21+$0x8D70];
	v9 =	vadd.f32 v59, v9  }
0x58e: {  	v3 =	vmul.f32 v3, v40;
	v41 =	vmul.f32 v26, v41;
	v47 =	vld [tilespmem:s21+$0x9170]  }
0x58f: {  	v28 =	vmul.f32 v48, v39;
	v59 =	vmul.f32 v44, v39;
	v39 =	vld [tilespmem:s21+$0x10D60];
	v9 =	vadd.f32 v9, v63  }
0x590: {  	v1 =	vadd.f32 v1, v3;
	v55 =	vmul.f32 v10, v45;
	v17 =	vmul.f32 v44, v43;
	v44 =	vld [tilespmem:s21+$0xD60]  }
0x591: {  	v45 =	vmul.f32 v61, v52;
	v40 =	vmul.f32 v58, v52;
	v52 =	vld [tilespmem:s21+$0x11170];
	v9 =	vadd.f32 v12, v9  }
0x592: {  	v56 =	vsub.f32 v50, v51;
	v60 =	vmul.f32 v48, v43;
	v20 =	vmul.f32 v58, v54;
	v63 =	vld [tilespmem:s21+$0x1150]  }
0x593: {  	v1 =	vadd.f32 v41, v1;
	v41 =	vmul.f32 v61, v54;
	v54 =	vld [tilespmem:s21+$0x1160];
	v6 =	vadd.f32 v9, v6  }
0x594: {  	v10 =	vmul.f32 v56, v18;
	v3 =	vadd.f32 v62, v53;
	v16 =	vadd.f32 v60, v59;
	v59 =	vld [tilespmem:s21+$0x10F0]  }
0x595: {  	v56 =	vmul.f32 v30, v4;
	v43 =	vmul.f32 v30, v57;
	v60 =	vld [tilespmem:$0x1FF20];
	v6 =	vadd.f32 v55, v6  }
0x596: {  	v58 =	vmul.f32 v7, v57;
	v38 =	vsub.f32 v28, v17;
	v37 =	vmul.f32 v16, v42;
	v42 =	vld [tilespmem:s21+$0x11160]  }
0x597: {  	v3 =	vmul.f32 v3, v31;
	v48 =	vsub.f32 v45, v20;
	v20 =	vld [tilespmem:$0x1FF30];
	v6 =	vadd.f32 v6, v10  }
0x598: {  	v28 =	vld [tilespmem:s21+$0x1170];
	v16 =	vmul.f32 v38, v23;
	v9 =	vsub.f32 v19, v34;
	v19 =	vadd.f32 v41, v40  }
0x599: {  	v38 =	vld [tilespmem:$0x1FF70];
	v50 =	vmul.f32 v39, v32;
	v10 =	vadd.f32 v43, v35;
	v6 =	vadd.f32 v37, v6  }
0x59a: {  	v1 =	vadd.f32 v1, v8;
	v13 =	vmul.f32 v39, v36;
	v12 =	vmul.f32 v19, v49;
	v49 =	vld [tilespmem:s21+$0x10D70]  }
0x59b: {  	v51 =	vmul.f32 v42, v36;
	v10 =	vmul.f32 v10, v24;
	v24 =	vld [tilespmem:$0x1FF40];
	v6 =	vadd.f32 v6, v16  }
0x59c: {  	v1 =	vadd.f32 v3, v1;
	v9 =	vmul.f32 v9, v29;
	v29 =	vld [tilespmem:$0x1FF50];
	v55 =	vmul.f32 v42, v32  }
0x59d: {  	v53 =	vmul.f32 v48, v63;
	v32 =	vld [tilespmem:$0x1FF60];
	v8 =	vadd.f32 v51, v50;
	v6 =	vadd.f32 v12, v6  }
0x59e: {  	v23 =	vmul.f32 v52, v47;
	v3 =	vsub.f32 v56, v58;
	v63 =	vld [tilespmem:s21+$0xD70];
	(xrf2) =	vadd.scan.msk.f32 $0xffff, v60;
	v62 =	vsub.f32 v55, v13  }
0x59f: {  	v39 =	vld [tilespmem:$0x1FF80];
	(xrf2) =	vadd.scan.msk.f32 $0xffff, v20;
	v22 =	vmul.f32 v49, v46;
	v61 =	vmul.f32 v8, v44;
	v6 =	vadd.f32 v6, v53  }
0x5a0: {  	v31 =	vmul.f32 v52, v46;
	v40 =	vld [tilespmem:$0x1FF90];
	v1 =	vadd.f32 v1, v9;
	v11 =	vmul.f32 v49, v47;
	(xrf2) =	vadd.scan.msk.f32 $0xffff, v24  }
0x5a1: {  	v41 =	vld [tilespmem:$0x1FFA0];
	v27 =	vmul.f32 v62, v54;
	v30 =	vadd.f32 v23, v22;
	(xrf2) =	vadd.scan.msk.f32 $0xffff, v29;
	v26 =	vadd.f32 v61, v6  }
0x5a2: {  	v33 =	vadd.f32 v14, v15;
	v3 =	vmul.f32 v3, v59;
	v43 =	vld [tilespmem:$0x1FFB0];
	v1 =	vadd.f32 v10, v1;
	(xrf2) =	vadd.scan.msk.f32 $0xffff, v32  }
0x5a3: {  	v45 =	vld [tilespmem:$0x1FFC0];
	v36 =	vsub.f32 v31, v11;
	v35 =	vmul.f32 v30, v63;
	(xrf2) =	vadd.scan.msk.f32 $0xffff, v2;
	v34 =	vadd.f32 v26, v27  }
0x5a4: {  	v37 =	vadd.f32 v1, v3;
	v1 =	vbroadcast v38, $0xF;
	v3 =	vbroadcast v39, $0xF;
	(xrf2) =	vadd.scan.msk.f32 $0xffff, v0  }
0x5a5: {  	v4 =	vbroadcast v40, $0xF;
	v5 =	vmul.f32 v36, v28;
	(xrf2) =	vadd.scan.msk.f32 $0xffff, v33;
	v2 =	vadd.f32 v35, v34  }
0x5a6: {  	v1 =	vsel vm1, v1, v3;
	v3 =	vbroadcast v41, $0xF;
	(xrf2) =	vadd.scan.msk.f32 $0xffff, v37  }
0x5a7: {  	v42 =	vsel vm2, v1, v4;
	v1 =	vbroadcast v43, $0xF;
	v2 =	vadd.f32 v2, v5  }
0x5a8: {  	v44, _, _ =	vpop (xrf2);
	v0 =	vsel vm3, v42, v3;
	v3 =	vbroadcast v45, $0xF  }
0x5a9: {  	v46 =	vbroadcast v44, $0xF;
	v47, _, _ =	vpop (xrf2);
	v0 =	vsel vm4, v0, v1;
	(xrf2) =	vadd.scan.msk.f32 $0xffff, v2  }
0x5aa: {  	v49 =	vbroadcast v47, $0xF;
	v0 =	vsel vm5, v0, v3;
	v48, _, _ =	vpop (xrf2)  }
0x5ab: {  	v0 =	vsel vm6, v0, v46;
	v50, _, _ =	vpop (xrf2);
	v51 =	vbroadcast v48, $0xF  }
0x5ac: {  	v0 =	vsel vm7, v0, v49;
	v52, _, _ =	vpop (xrf2);
	v53 =	vbroadcast v50, $0xF  }
0x5ad: {  	v54, _, _ =	vpop (xrf2);
	v0 =	vsel vm8, v0, v51;
	v55 =	vbroadcast v52, $0xF  }
0x5ae: {  	v56, _, _ =	vpop (xrf2);
	v0 =	vsel vm9, v0, v53;
	v57 =	vbroadcast v54, $0xF  }
0x5af: {  	v58, _, _ =	vpop (xrf2);
	v0 =	vsel vm10, v0, v55;
	v59 =	vbroadcast v56, $0xF  }
0x5b0: {  	p0 =	sne.s32 s20, $0x7;
	v60, _, _ =	vpop (xrf2);
	v0 =	vsel vm11, v0, v57;
	v61 =	vbroadcast v58, $0xF  }
.Ltmp0:
0x5b1: {  	v0 =	vsel vm12, v0, v59;
	v62 =	vbroadcast v60, $0xF;
	(pc) =	sbr.rel @p0 .LBB2_2-.Ltmp0, $4  }
0x5b2: {  	v0 =	vsel vm13, v0, v61  }
0x5b3: {  	s21 =	sshll.u32 s20, $0x4;
	v0 =	vsel vm14, v0, v62;
	v63, _, _ =	vpop (xrf2)  }
0x5b4: {  	s21 =	sand.u32 $0x3FFFFFF0, s21;
	v0 =	vsel vm15, v0, v63  }
0x5b5: {  	s20 =	sadd.s32 $0x1, s20;
	[tilespmem:s21+$0x18180] =	vst v0  }
0x5b6: {  	s19 =	sadd.s32 $0x1, s19  }
0x5b7: {  	p0 =	sne.s32 s19, s9  }
.Ltmp1:
0x5b8: {  	_ = 	snop;
	(pc) =	sbr.rel @p0 .LBB2_1-.Ltmp1, $4  }
0x5b9: {  	[hbm4b:s8+s4] =	stream.linear.scatter [tilespmem:s18], [sflag:$0x2], $0x80, $0x38;
	[tilespmem:$0x18200] =	vst v63  }
0x5ba: {  	_ =	swait.ge [sflag:s10], $0x80  }
0x5bb: {  	[sflag:s10] =	ssyncset.done $0x0  }
0x5bc: {  	[sflag:s10] =	ssyncadd.s32 $0xFFFFFF80  }
0x5bd: {  	_ =	sfence.sel $0x180000  }
0x5be: {  	[bflag:$0x0] =	sbarrier.arrive $0xFFFF  }
0x5bf: {  	_ =	strace $0x90000047  }
0x5c0: {  	s0 =	stileid.u32;
	[bflag:$0x2] =	sbarrier.arrive $0xFFFF  }
0x5c1: {  	p0 =	sne.s32 s0, $0x0;
	s0 =	rddreg [dreg:$0x6]  }
0x5c2: {  	s0 =	sadd.s32 @!p0 $0x100000, s0  }
0x5c3: {  	[sflag:s0] =	ssyncadd.tile.s32 @!p0 $0x1;
	_ =	shalt  }
.Lfunc_end2:
_tile_overlayer_lowered:
.L_overlay_start_2:
0x5c4: {  	(tag) =	ssettag $0x2  }
0x5c5: {  	s0 =	rddreg [dreg:$0x0];
	s2 =	stileid.u32  }
0x5c6: {  	s1 =	rddreg [dreg:$0x1];
	p0 =	sne.s32 s2, $0x0  }
0x5c7: {  	s3 =	rddreg [dreg:$0x2];
	[bflag:$0x3] =	sbarrier.arrive $0xFFFF;
	s2 =	simm.s32 @!p0 $0x1C02  }
0x5c8: {  	[timem:s3], [sflag:s2] =	dma.local @!p0 [hbm:s0], s1  }
0x5c9: {  	s0 =	simm.s32 @!p0 $0x2  }
0x5ca: {  	_ =	swait.ge @!p0 [sflag:s0], s1  }
0x5cb: {  	s1 =	ssub.s32 @!p0 $0x0, s1;
	[sflag:s0] =	ssyncset.done @!p0 $0x0  }
0x5cc: {  	[sflag:s0] =	ssyncadd.s32 @!p0 s1  }
0x5cd: {  	[bflag:$0x3] =	sbarrier.arrive $0xFFFF  }
0x5ce: {  	_ =	shalt  }

</sc_bundles>
